<compile_context>
chip_gen: v7x
topology: tpu7x:2x2x1
jax: 0.10.2.dev20260603
libtpu: 0.0.44.dev20260713+nightly
codegen_flags: <defaults>
</compile_context>

<pallas_src>
import functools

import jax
import jax.numpy as jnp
from jax import lax
from jax.experimental import pallas as pl
from jax.experimental.pallas import tpu as pltpu
from jax.experimental.pallas import tpu_sc as plsc

NN = 10000
EE = 640000
DD = 128
HH = 16
NC = 2
NS = 16
NW = NC * NS
EPT = EE // NW
CHUNK = 2000
NCHUNKS = EPT // CHUNK
NN_PAD = 10240
RPT = NN_PAD // NS

_sc_mesh = plsc.VectorSubcoreMesh(
    core_axis_name="c", subcore_axis_name="s", num_cores=NC, num_subcores=NS
)


@functools.partial(
    pl.kernel,
    out_type=jax.ShapeDtypeStruct((NC, NN_PAD), jnp.float32),
    mesh=_sc_mesh,
    scratch_types=[
        pltpu.VMEM((NCHUNKS, CHUNK), jnp.int32),
        pltpu.VMEM((CHUNK,), jnp.float32),
        pltpu.VMEM((RPT,), jnp.float32),
        pltpu.VMEM_SHARED((NN_PAD,), jnp.float32),
    ],
    compiler_params=pltpu.CompilerParams(use_tc_tiling_on_sc=False),
)
def _sc_degree(dst_hbm, deg_out, dst_v, ones_v, stage_v, acc):
    cid = lax.axis_index("c")
    sid = lax.axis_index("s")
    wid = cid * NS + sid

    def fill_zero(j, c):
        stage_v[pl.ds(j * 16, 16)] = jnp.zeros((16,), jnp.float32)
        return c

    lax.fori_loop(0, RPT // 16, fill_zero, 0)

    def fill_one(j, c):
        ones_v[pl.ds(j * 16, 16)] = jnp.ones((16,), jnp.float32)
        return c

    lax.fori_loop(0, CHUNK // 16, fill_one, 0)

    pltpu.sync_copy(stage_v, acc.at[pl.ds(sid * RPT, RPT)])
    pltpu.sync_copy(dst_hbm.at[wid], dst_v)
    plsc.subcore_barrier()

    def chunk_body(i, c):
        pltpu.sync_copy(ones_v, acc.at[dst_v.at[i]], add=True)
        return c

    lax.fori_loop(0, NCHUNKS, chunk_body, 0)
    plsc.subcore_barrier()

    pltpu.sync_copy(acc.at[pl.ds(sid * RPT, RPT)], stage_v)
    pltpu.sync_copy(stage_v, deg_out.at[cid].at[pl.ds(sid * RPT, RPT)])


@functools.partial(
    pl.kernel,
    out_type=jax.ShapeDtypeStruct((NC, NN_PAD, HH), jnp.float32),
    mesh=_sc_mesh,
    scratch_types=[
        pltpu.VMEM((NCHUNKS, CHUNK), jnp.int32),
        pltpu.VMEM((NCHUNKS, CHUNK), jnp.int32),
        pltpu.VMEM((2, CHUNK, HH), jnp.float32),
        pltpu.VMEM((RPT, HH), jnp.float32),
        pltpu.VMEM_SHARED((NN_PAD, HH), jnp.float32),
        pltpu.SemaphoreType.DMA,
        pltpu.SemaphoreType.DMA,
    ],
    compiler_params=pltpu.CompilerParams(use_tc_tiling_on_sc=False),
)
def _sc_layer(g_hbm, src_hbm, dst_hbm, agg_out, src_v, dst_v, rows_v, stage_v, acc, gsem, ssem):
    cid = lax.axis_index("c")
    sid = lax.axis_index("s")
    wid = cid * NS + sid

    idx_a = pltpu.async_copy(src_hbm.at[wid], src_v, gsem)
    idx_b = pltpu.async_copy(dst_hbm.at[wid], dst_v, gsem)

    def fill_zero(j, c):
        stage_v[j, :] = jnp.zeros((HH,), jnp.float32)
        return c

    lax.fori_loop(0, RPT, fill_zero, 0)

    pltpu.sync_copy(stage_v, acc.at[pl.ds(sid * RPT, RPT)])
    idx_a.wait()
    idx_b.wait()
    plsc.subcore_barrier()

    gat_cur = pltpu.async_copy(g_hbm.at[src_v.at[0]], rows_v.at[0], gsem)
    prev_scatter = None
    for i in range(NCHUNKS):
        cur, nxt = i % 2, (i + 1) % 2
        if prev_scatter is not None:
            prev_scatter.wait()
        if i + 1 < NCHUNKS:
            gat_next = pltpu.async_copy(
                g_hbm.at[src_v.at[i + 1]], rows_v.at[nxt], gsem
            )
        gat_cur.wait()
        prev_scatter = pltpu.async_copy(
            rows_v.at[cur], acc.at[dst_v.at[i]], ssem, add=True
        )
        if i + 1 < NCHUNKS:
            gat_cur = gat_next
    prev_scatter.wait()
    plsc.subcore_barrier()

    pltpu.sync_copy(acc.at[pl.ds(sid * RPT, RPT)], stage_v)
    pltpu.sync_copy(stage_v, agg_out.at[cid].at[pl.ds(sid * RPT, RPT)])


def _tc_first_body(deg_ref, x_ref, w_ref, dis_ref, g_ref):
    d = deg_ref[0] + deg_ref[1] + 1.0
    dis = lax.rsqrt(d)
    dis_ref[...] = dis
    h = jnp.dot(x_ref[...], w_ref[...], preferred_element_type=jnp.float32)
    g_ref[...] = h * dis


def _tc_mid_body(agg_ref, g_ref, dis_ref, b_ref, w_ref, gout_ref):
    dis = dis_ref[...]
    s = agg_ref[0, :NN, :] + agg_ref[1, :NN, :] + g_ref[...]
    xh = jnp.maximum(s * dis + b_ref[...], 0.0)
    gout_ref[...] = jnp.dot(xh, w_ref[...], preferred_element_type=jnp.float32) * dis


def _tc_final_body(agg_ref, g_ref, dis_ref, b_ref, fcw_ref, fcb_ref, out_ref):
    s = agg_ref[0, :NN, :] + agg_ref[1, :NN, :] + g_ref[...]
    h = s * dis_ref[...] + b_ref[...]
    z = jnp.dot(h, fcw_ref[...], preferred_element_type=jnp.float32) + fcb_ref[...]
    out_ref[...] = jax.nn.sigmoid(z)


_tc_first = pl.pallas_call(
    _tc_first_body,
    out_shape=(
        jax.ShapeDtypeStruct((NN, 1), jnp.float32),
        jax.ShapeDtypeStruct((NN, HH), jnp.float32),
    ),
)

_tc_mid = pl.pallas_call(
    _tc_mid_body,
    out_shape=jax.ShapeDtypeStruct((NN, HH), jnp.float32),
)

_tc_final = pl.pallas_call(
    _tc_final_body,
    out_shape=jax.ShapeDtypeStruct((NN, 1), jnp.float32),
)


def kernel(x, edge_index, W1, b1, W2, b2, W3, b3, W4, b4, fc_w, fc_b):
    src3 = edge_index[0].reshape(NW, NCHUNKS, CHUNK)
    dst3 = edge_index[1].reshape(NW, NCHUNKS, CHUNK)

    deg = _sc_degree(dst3)
    degp = deg[:, :NN, None]
    dis, g = _tc_first(degp, x, W1)

    b1r, b2r, b3r = b1.reshape(1, HH), b2.reshape(1, HH), b3.reshape(1, HH)
    b4r, fcbr = b4.reshape(1, HH), fc_b.reshape(1, 1)

    for b_l, w_next in ((b1r, W2), (b2r, W3), (b3r, W4)):
        agg = _sc_layer(g, src3, dst3)
        g = _tc_mid(agg, g, dis, b_l, w_next)

    agg = _sc_layer(g, src3, dst3)
    out = _tc_final(agg, g, dis, b4r, fc_w, fcbr)
    return out.reshape(-1)

# --- scband reference (transcript-rebuilt; emitter-appended) ---
"""Pipeline reference for scband-gcn-38113539785257 (READ-ONLY COPY).

The authoritative reference and input builder live on the scoring server;
editing this copy changes nothing except your own understanding.
"""

import jax, jax.numpy as jnp
import numpy as np

N = 10000
E = 640000
D = 128
H = 16


def gcn_conv(x, edge_index, W, b, num_nodes):
    # PyG GCNConv: x' = D^{-1/2} (A + I) D^{-1/2} (X W) + b
    h = x @ W
    src = edge_index[0]
    dst = edge_index[1]
    loop = jnp.arange(num_nodes, dtype=src.dtype)
    src = jnp.concatenate([src, loop])
    dst = jnp.concatenate([dst, loop])
    deg = jax.ops.segment_sum(jnp.ones_like(dst, dtype=h.dtype), dst, num_segments=num_nodes)
    dis = jnp.where(deg > 0, 1.0 / jnp.sqrt(deg), 0.0)
    norm = dis[src] * dis[dst]
    msg = h[src] * norm[:, None]
    out = jax.ops.segment_sum(msg, dst, num_segments=num_nodes)
    return out + b


def setup_inputs(seed: int = 0):
    key = jax.random.key(seed)
    ks = jax.random.split(key, 12)
    inp = {}
    inp["x"] = jax.random.normal(ks[0], (N, D), dtype=jnp.float32)
    inp["edge_index"] = jax.random.randint(ks[1], (2, E), 0, N)
    inp["W1"] = jax.random.normal(ks[2], (D, H), dtype=jnp.float32) * (1.0 / np.sqrt(D))
    inp["b1"] = jnp.zeros((H,), dtype=jnp.float32)
    inp["W2"] = jax.random.normal(ks[3], (H, H), dtype=jnp.float32) * (1.0 / np.sqrt(H))
    inp["b2"] = jnp.zeros((H,), dtype=jnp.float32)
    inp["W3"] = jax.random.normal(ks[4], (H, H), dtype=jnp.float32) * (1.0 / np.sqrt(H))
    inp["b3"] = jnp.zeros((H,), dtype=jnp.float32)
    inp["W4"] = jax.random.normal(ks[5], (H, H), dtype=jnp.float32) * (1.0 / np.sqrt(H))
    inp["b4"] = jnp.zeros((H,), dtype=jnp.float32)
    inp["fc_w"] = jax.random.normal(ks[6], (H, 1), dtype=jnp.float32) * (1.0 / np.sqrt(H))
    inp["fc_b"] = jnp.zeros((1,), dtype=jnp.float32)
    return inp


def reference(x, edge_index, W1, b1, W2, b2, W3, b3, W4, b4, fc_w, fc_b):
    h = gcn_conv(x, edge_index, W1, b1, N)
    h = jax.nn.relu(h)
    h = gcn_conv(h, edge_index, W2, b2, N)
    h = jax.nn.relu(h)
    h = gcn_conv(h, edge_index, W3, b3, N)
    h = jax.nn.relu(h)
    h = gcn_conv(h, edge_index, W4, b4, N)
    h = (h @ fc_w + fc_b).reshape(-1)
    return jax.nn.sigmoid(h)

if __name__ == "__main__":
    import jax
    _d = setup_inputs()
    print(jax.jit(kernel)(*tuple(_d.values())))

</pallas_src>

<mosaic_0001>
#map = affine_map<(d0, d1) -> (0, 0, 0)>
#map1 = affine_map<(d0, d1) -> (0, 0)>
module attributes {stable_mosaic.version = 14 : i64} {
  func.func @_sc_degree(%arg0: i32, %arg1: i32, %arg2: memref<32x10x2000xi32, #tpu.memory_space<hbm>>, %arg3: memref<2x10240xf32, #tpu.memory_space<hbm>>, %arg4: memref<10x2000xi32, #tpu.memory_space<vmem>>, %arg5: memref<2000xf32, #tpu.memory_space<vmem>>, %arg6: memref<640xf32, #tpu.memory_space<vmem>>, %arg7: memref<10240xf32, #tpu.memory_space<vmem_shared>>) attributes {dimension_semantics = [#tpu.dimension_semantics<core_parallel>, #tpu.dimension_semantics<subcore_parallel>], iteration_bounds = array<i64: 2, 16>, scalar_prefetch = 0 : i64, scratch_operands = 4 : i64, tpu.core_type = #tpu.core_type<sc_vector_subcore>, window_params = [{transform_indices = #map}, {transform_indices = #map1}]} {
    %mul3A = arith.constant 16 : i32
    %mul3A_0 = arith.muli %arg0, %mul3A : i32
    %add3A = arith.addi %mul3A_0, %arg1 : i32
    %scan3A = arith.constant 0 : i32
    %scan3A_1 = arith.constant 0 : i32
    %scan3A_2 = arith.constant 40 : i32
    %scan3A_3 = arith.addi %scan3A_1, %scan3A_2 : i32
    %scan3A_4 = arith.constant 1 : i32
    scf.for %scan3A_25 = %scan3A_1 to %scan3A_3 step %scan3A_4  : i32 {
      %broadcast_in_dim3A = arith.constant 0.000000e+00 : f32
      %broadcast_in_dim3A_26 = vector.broadcast %broadcast_in_dim3A : f32 to vector<16xf32>
      %mul3A_27 = arith.constant 16 : i32
      %mul3A_28 = arith.muli %scan3A_25, %mul3A_27 : i32
      %swap3A = arith.index_cast %mul3A_28 : i32 to index
      %swap3A_29 = tpu.vector_load %arg6[%swap3A] {strides = array<i32>} : memref<640xf32, #tpu.memory_space<vmem>>, vector<16xf32>,
      %swap3A_30 = vector.shape_cast %swap3A_29 : vector<16xf32> to vector<16xf32>
      %swap3A_31 = vector.shape_cast %broadcast_in_dim3A_26 : vector<16xf32> to vector<16xf32>
      tpu.vector_store %arg6[%swap3A], %swap3A_31 {strides = array<i32>} : memref<640xf32, #tpu.memory_space<vmem>>, vector<16xf32>,
    }
    %scan3A_5 = arith.constant 40 : i32
    %scan3A_6 = arith.constant 0 : i32
    %scan3A_7 = arith.constant 0 : i32
    %scan3A_8 = arith.constant 125 : i32
    %scan3A_9 = arith.addi %scan3A_7, %scan3A_8 : i32
    %scan3A_10 = arith.constant 1 : i32
    scf.for %scan3A_25 = %scan3A_7 to %scan3A_9 step %scan3A_10  : i32 {
      %broadcast_in_dim3A = arith.constant 1.000000e+00 : f32
      %broadcast_in_dim3A_26 = vector.broadcast %broadcast_in_dim3A : f32 to vector<16xf32>
      %mul3A_27 = arith.constant 16 : i32
      %mul3A_28 = arith.muli %scan3A_25, %mul3A_27 : i32
      %swap3A = arith.index_cast %mul3A_28 : i32 to index
      %swap3A_29 = tpu.vector_load %arg5[%swap3A] {strides = array<i32>} : memref<2000xf32, #tpu.memory_space<vmem>>, vector<16xf32>,
      %swap3A_30 = vector.shape_cast %swap3A_29 : vector<16xf32> to vector<16xf32>
      %swap3A_31 = vector.shape_cast %broadcast_in_dim3A_26 : vector<16xf32> to vector<16xf32>
      tpu.vector_store %arg5[%swap3A], %swap3A_31 {strides = array<i32>} : memref<2000xf32, #tpu.memory_space<vmem>>, vector<16xf32>,
    }
    %scan3A_11 = arith.constant 125 : i32
    %mul3A_12 = arith.constant 640 : i32
    %mul3A_13 = arith.muli %arg1, %mul3A_12 : i32
    "tpu.region"() ({
      %run_scoped3A = tpu.sem_alloc : memref<!tpu.dma_semaphore, #tpu.memory_space<semaphore_mem>>
      %dma_start3A = tpu.memref_slice %arg7[%mul3A_13] : memref<10240xf32, #tpu.memory_space<vmem_shared>> -> memref<640xf32, #tpu.memory_space<vmem_shared>>
      %dma_start3A_25 = tpu.memref_slice %arg7[%mul3A_13] : memref<10240xf32, #tpu.memory_space<vmem_shared>> -> memref<640xf32, #tpu.memory_space<vmem_shared>>
      tpu.enqueue_dma source(%arg6 : memref<640xf32, #tpu.memory_space<vmem>>) target(%dma_start3A_25 : memref<640xf32, #tpu.memory_space<vmem_shared>>) target_semaphore(%run_scoped3A : memref<!tpu.dma_semaphore, #tpu.memory_space<semaphore_mem>>)
      %dma_wait3A = tpu.memref_slice %arg7[%mul3A_13] : memref<10240xf32, #tpu.memory_space<vmem_shared>> -> memref<640xf32, #tpu.memory_space<vmem_shared>>
      %dma_wait3A_26 = tpu.memref_slice %arg7[%mul3A_13] : memref<10240xf32, #tpu.memory_space<vmem_shared>> -> memref<640xf32, #tpu.memory_space<vmem_shared>>
      tpu.wait_dma2 semaphore(%run_scoped3A : memref<!tpu.dma_semaphore, #tpu.memory_space<semaphore_mem>>) src(%arg6 : memref<640xf32, #tpu.memory_space<vmem>>) dst(%dma_wait3A_26 : memref<640xf32, #tpu.memory_space<vmem_shared>>)
      tpu.yield
    }) : () -> ()
    "tpu.region"() ({
      %run_scoped3A = tpu.sem_alloc : memref<!tpu.dma_semaphore, #tpu.memory_space<semaphore_mem>>
      %dma_start3A = arith.constant 0 : i32
      %dma_start3A_25 = arith.constant 0 : i32
      %dma_start3A_26 = tpu.memref_slice %arg2[%add3A, %dma_start3A, %dma_start3A_25] : memref<32x10x2000xi32, #tpu.memory_space<hbm>> -> memref<1x10x2000xi32, #tpu.memory_space<hbm>>
      %dma_start3A_27 = tpu.memref_squeeze %dma_start3A_26 : memref<1x10x2000xi32, #tpu.memory_space<hbm>> -> memref<10x2000xi32, #tpu.memory_space<hbm>>
      %dma_start3A_28 = arith.constant 0 : i32
      %dma_start3A_29 = arith.constant 0 : i32
      %dma_start3A_30 = tpu.memref_slice %arg2[%add3A, %dma_start3A_28, %dma_start3A_29] : memref<32x10x2000xi32, #tpu.memory_space<hbm>> -> memref<1x10x2000xi32, #tpu.memory_space<hbm>>
      %dma_start3A_31 = tpu.memref_squeeze %dma_start3A_30 : memref<1x10x2000xi32, #tpu.memory_space<hbm>> -> memref<10x2000xi32, #tpu.memory_space<hbm>>
      tpu.enqueue_dma source(%dma_start3A_31 : memref<10x2000xi32, #tpu.memory_space<hbm>>) target(%arg4 : memref<10x2000xi32, #tpu.memory_space<vmem>>) target_semaphore(%run_scoped3A : memref<!tpu.dma_semaphore, #tpu.memory_space<semaphore_mem>>)
      %dma_wait3A = arith.constant 0 : i32
      %dma_wait3A_32 = arith.constant 0 : i32
      %dma_wait3A_33 = tpu.memref_slice %arg2[%add3A, %dma_wait3A, %dma_wait3A_32] : memref<32x10x2000xi32, #tpu.memory_space<hbm>> -> memref<1x10x2000xi32, #tpu.memory_space<hbm>>
      %dma_wait3A_34 = tpu.memref_squeeze %dma_wait3A_33 : memref<1x10x2000xi32, #tpu.memory_space<hbm>> -> memref<10x2000xi32, #tpu.memory_space<hbm>>
      %dma_wait3A_35 = arith.constant 0 : i32
      %dma_wait3A_36 = arith.constant 0 : i32
      %dma_wait3A_37 = tpu.memref_slice %arg2[%add3A, %dma_wait3A_35, %dma_wait3A_36] : memref<32x10x2000xi32, #tpu.memory_space<hbm>> -> memref<1x10x2000xi32, #tpu.memory_space<hbm>>
      %dma_wait3A_38 = tpu.memref_squeeze %dma_wait3A_37 : memref<1x10x2000xi32, #tpu.memory_space<hbm>> -> memref<10x2000xi32, #tpu.memory_space<hbm>>
      tpu.wait_dma2 semaphore(%run_scoped3A : memref<!tpu.dma_semaphore, #tpu.memory_space<semaphore_mem>>) src(%dma_wait3A_38 : memref<10x2000xi32, #tpu.memory_space<hbm>>) dst(%arg4 : memref<10x2000xi32, #tpu.memory_space<vmem>>)
      tpu.yield
    }) : () -> ()
    %barrier3A = arith.constant 0 : index
    tpu.barrier barrier_id(%barrier3A)
    %scan3A_14 = arith.constant 0 : i32
    %scan3A_15 = arith.constant 0 : i32
    %scan3A_16 = arith.constant 10 : i32
    %scan3A_17 = arith.addi %scan3A_15, %scan3A_16 : i32
    %scan3A_18 = arith.constant 1 : i32
    scf.for %scan3A_25 = %scan3A_15 to %scan3A_17 step %scan3A_18  : i32 {
      "tpu.region"() ({
        %run_scoped3A = tpu.sem_alloc : memref<!tpu.dma_semaphore, #tpu.memory_space<semaphore_mem>>
        %dma_start3A = arith.constant 0 : i32
        %dma_start3A_26 = tpu.memref_slice %arg4[%scan3A_25, %dma_start3A] : memref<10x2000xi32, #tpu.memory_space<vmem>> -> memref<1x2000xi32, #tpu.memory_space<vmem>>
        %dma_start3A_27 = tpu.memref_squeeze %dma_start3A_26 : memref<1x2000xi32, #tpu.memory_space<vmem>> -> memref<2000xi32, #tpu.memory_space<vmem>>
        %dma_start3A_28 = arith.constant 0 : i32
        %dma_start3A_29 = tpu.memref_slice %arg7[%dma_start3A_28] : memref<10240xf32, #tpu.memory_space<vmem_shared>> -> memref<10240xf32, #tpu.memory_space<vmem_shared>>
        tpu.enqueue_indirect_dma source(%arg5 : memref<2000xf32, #tpu.memory_space<vmem>>) target(%dma_start3A_29 : memref<10240xf32, #tpu.memory_space<vmem_shared>>) offsets(%dma_start3A_27 : memref<2000xi32, #tpu.memory_space<vmem>>) semaphore(%run_scoped3A : memref<!tpu.dma_semaphore, #tpu.memory_space<semaphore_mem>>) {add = true}
        %dma_wait3A = arith.constant 0 : i32
        %dma_wait3A_30 = tpu.memref_slice %arg4[%scan3A_25, %dma_wait3A] : memref<10x2000xi32, #tpu.memory_space<vmem>> -> memref<1x2000xi32, #tpu.memory_space<vmem>>
        %dma_wait3A_31 = tpu.memref_squeeze %dma_wait3A_30 : memref<1x2000xi32, #tpu.memory_space<vmem>> -> memref<2000xi32, #tpu.memory_space<vmem>>
        %dma_wait3A_32 = arith.constant 0 : i32
        %dma_wait3A_33 = tpu.memref_slice %arg7[%dma_wait3A_32] : memref<10240xf32, #tpu.memory_space<vmem_shared>> -> memref<10240xf32, #tpu.memory_space<vmem_shared>>
        tpu.wait_indirect_dma semaphore(%run_scoped3A : memref<!tpu.dma_semaphore, #tpu.memory_space<semaphore_mem>>) src(%arg5 : memref<2000xf32, #tpu.memory_space<vmem>>) dst(%dma_wait3A_33 : memref<10240xf32, #tpu.memory_space<vmem_shared>>)
        tpu.yield
      }) : () -> ()
    }
    %scan3A_19 = arith.constant 10 : i32
    %barrier3A_20 = arith.constant 0 : index
    tpu.barrier barrier_id(%barrier3A_20)
    %mul3A_21 = arith.constant 640 : i32
    %mul3A_22 = arith.muli %arg1, %mul3A_21 : i32
    "tpu.region"() ({
      %run_scoped3A = tpu.sem_alloc : memref<!tpu.dma_semaphore, #tpu.memory_space<semaphore_mem>>
      %dma_start3A = tpu.memref_slice %arg7[%mul3A_22] : memref<10240xf32, #tpu.memory_space<vmem_shared>> -> memref<640xf32, #tpu.memory_space<vmem_shared>>
      %dma_start3A_25 = tpu.memref_slice %arg7[%mul3A_22] : memref<10240xf32, #tpu.memory_space<vmem_shared>> -> memref<640xf32, #tpu.memory_space<vmem_shared>>
      tpu.enqueue_dma source(%dma_start3A_25 : memref<640xf32, #tpu.memory_space<vmem_shared>>) target(%arg6 : memref<640xf32, #tpu.memory_space<vmem>>) target_semaphore(%run_scoped3A : memref<!tpu.dma_semaphore, #tpu.memory_space<semaphore_mem>>)
      %dma_wait3A = tpu.memref_slice %arg7[%mul3A_22] : memref<10240xf32, #tpu.memory_space<vmem_shared>> -> memref<640xf32, #tpu.memory_space<vmem_shared>>
      %dma_wait3A_26 = tpu.memref_slice %arg7[%mul3A_22] : memref<10240xf32, #tpu.memory_space<vmem_shared>> -> memref<640xf32, #tpu.memory_space<vmem_shared>>
      tpu.wait_dma2 semaphore(%run_scoped3A : memref<!tpu.dma_semaphore, #tpu.memory_space<semaphore_mem>>) src(%dma_wait3A_26 : memref<640xf32, #tpu.memory_space<vmem_shared>>) dst(%arg6 : memref<640xf32, #tpu.memory_space<vmem>>)
      tpu.yield
    }) : () -> ()
    %mul3A_23 = arith.constant 640 : i32
    %mul3A_24 = arith.muli %arg1, %mul3A_23 : i32
    "tpu.region"() ({
      %run_scoped3A = tpu.sem_alloc : memref<!tpu.dma_semaphore, #tpu.memory_space<semaphore_mem>>
      %dma_start3A = arith.constant 0 : i32
      %dma_start3A_25 = tpu.memref_slice %arg3[%arg0, %dma_start3A] : memref<2x10240xf32, #tpu.memory_space<hbm>> -> memref<1x10240xf32, #tpu.memory_space<hbm>>
      %dma_start3A_26 = tpu.memref_squeeze %dma_start3A_25 : memref<1x10240xf32, #tpu.memory_space<hbm>> -> memref<10240xf32, #tpu.memory_space<hbm>>
      %dma_start3A_27 = tpu.memref_slice %dma_start3A_26[%mul3A_24] : memref<10240xf32, #tpu.memory_space<hbm>> -> memref<640xf32, #tpu.memory_space<hbm>>
      %dma_start3A_28 = arith.constant 0 : i32
      %dma_start3A_29 = tpu.memref_slice %arg3[%arg0, %dma_start3A_28] : memref<2x10240xf32, #tpu.memory_space<hbm>> -> memref<1x10240xf32, #tpu.memory_space<hbm>>
      %dma_start3A_30 = tpu.memref_squeeze %dma_start3A_29 : memref<1x10240xf32, #tpu.memory_space<hbm>> -> memref<10240xf32, #tpu.memory_space<hbm>>
      %dma_start3A_31 = tpu.memref_slice %dma_start3A_30[%mul3A_24] : memref<10240xf32, #tpu.memory_space<hbm>> -> memref<640xf32, #tpu.memory_space<hbm>>
      tpu.enqueue_dma source(%arg6 : memref<640xf32, #tpu.memory_space<vmem>>) target(%dma_start3A_31 : memref<640xf32, #tpu.memory_space<hbm>>) target_semaphore(%run_scoped3A : memref<!tpu.dma_semaphore, #tpu.memory_space<semaphore_mem>>)
      %dma_wait3A = arith.constant 0 : i32
      %dma_wait3A_32 = tpu.memref_slice %arg3[%arg0, %dma_wait3A] : memref<2x10240xf32, #tpu.memory_space<hbm>> -> memref<1x10240xf32, #tpu.memory_space<hbm>>
      %dma_wait3A_33 = tpu.memref_squeeze %dma_wait3A_32 : memref<1x10240xf32, #tpu.memory_space<hbm>> -> memref<10240xf32, #tpu.memory_space<hbm>>
      %dma_wait3A_34 = tpu.memref_slice %dma_wait3A_33[%mul3A_24] : memref<10240xf32, #tpu.memory_space<hbm>> -> memref<640xf32, #tpu.memory_space<hbm>>
      %dma_wait3A_35 = arith.constant 0 : i32
      %dma_wait3A_36 = tpu.memref_slice %arg3[%arg0, %dma_wait3A_35] : memref<2x10240xf32, #tpu.memory_space<hbm>> -> memref<1x10240xf32, #tpu.memory_space<hbm>>
      %dma_wait3A_37 = tpu.memref_squeeze %dma_wait3A_36 : memref<1x10240xf32, #tpu.memory_space<hbm>> -> memref<10240xf32, #tpu.memory_space<hbm>>
      %dma_wait3A_38 = tpu.memref_slice %dma_wait3A_37[%mul3A_24] : memref<10240xf32, #tpu.memory_space<hbm>> -> memref<640xf32, #tpu.memory_space<hbm>>
      tpu.wait_dma2 semaphore(%run_scoped3A : memref<!tpu.dma_semaphore, #tpu.memory_space<semaphore_mem>>) src(%arg6 : memref<640xf32, #tpu.memory_space<vmem>>) dst(%dma_wait3A_38 : memref<640xf32, #tpu.memory_space<hbm>>)
      tpu.yield
    }) : () -> ()
    return
  }
}

#map = affine_map<(d0, d1) -> (0, 0)>
#map1 = affine_map<(d0, d1) -> (0, 0, 0)>
module attributes {stable_mosaic.version = 14 : i64} {
  func.func @_sc_layer(%arg0: i32, %arg1: i32, %arg2: memref<10000x16xf32, #tpu.memory_space<hbm>>, %arg3: memref<32x10x2000xi32, #tpu.memory_space<hbm>>, %arg4: memref<32x10x2000xi32, #tpu.memory_space<hbm>>, %arg5: memref<2x10240x16xf32, #tpu.memory_space<hbm>>, %arg6: memref<10x2000xi32, #tpu.memory_space<vmem>>, %arg7: memref<10x2000xi32, #tpu.memory_space<vmem>>, %arg8: memref<2x2000x16xf32, #tpu.memory_space<vmem>>, %arg9: memref<640x16xf32, #tpu.memory_space<vmem>>, %arg10: memref<10240x16xf32, #tpu.memory_space<vmem_shared>>, %arg11: memref<!tpu.dma_semaphore, #tpu.memory_space<semaphore_mem>>, %arg12: memref<!tpu.dma_semaphore, #tpu.memory_space<semaphore_mem>>) attributes {dimension_semantics = [#tpu.dimension_semantics<core_parallel>, #tpu.dimension_semantics<subcore_parallel>], iteration_bounds = array<i64: 2, 16>, scalar_prefetch = 0 : i64, scratch_operands = 7 : i64, tpu.core_type = #tpu.core_type<sc_vector_subcore>, window_params = [{transform_indices = #map}, {transform_indices = #map1}, {transform_indices = #map1}, {transform_indices = #map1}]} {
    %mul3A = arith.constant 16 : i32
    %mul3A_0 = arith.muli %arg0, %mul3A : i32
    %add3A = arith.addi %mul3A_0, %arg1 : i32
    %dma_start3A = arith.constant 0 : i32
    %dma_start3A_1 = arith.constant 0 : i32
    %dma_start3A_2 = tpu.memref_slice %arg3[%add3A, %dma_start3A, %dma_start3A_1] : memref<32x10x2000xi32, #tpu.memory_space<hbm>> -> memref<1x10x2000xi32, #tpu.memory_space<hbm>>
    %dma_start3A_3 = tpu.memref_squeeze %dma_start3A_2 : memref<1x10x2000xi32, #tpu.memory_space<hbm>> -> memref<10x2000xi32, #tpu.memory_space<hbm>>
    %dma_start3A_4 = arith.constant 0 : i32
    %dma_start3A_5 = arith.constant 0 : i32
    %dma_start3A_6 = tpu.memref_slice %arg3[%add3A, %dma_start3A_4, %dma_start3A_5] : memref<32x10x2000xi32, #tpu.memory_space<hbm>> -> memref<1x10x2000xi32, #tpu.memory_space<hbm>>
    %dma_start3A_7 = tpu.memref_squeeze %dma_start3A_6 : memref<1x10x2000xi32, #tpu.memory_space<hbm>> -> memref<10x2000xi32, #tpu.memory_space<hbm>>
    tpu.enqueue_dma source(%dma_start3A_7 : memref<10x2000xi32, #tpu.memory_space<hbm>>) target(%arg6 : memref<10x2000xi32, #tpu.memory_space<vmem>>) target_semaphore(%arg11 : memref<!tpu.dma_semaphore, #tpu.memory_space<semaphore_mem>>)
    %dma_start3A_8 = arith.constant 0 : i32
    %dma_start3A_9 = arith.constant 0 : i32
    %dma_start3A_10 = tpu.memref_slice %arg4[%add3A, %dma_start3A_8, %dma_start3A_9] : memref<32x10x2000xi32, #tpu.memory_space<hbm>> -> memref<1x10x2000xi32, #tpu.memory_space<hbm>>
    %dma_start3A_11 = tpu.memref_squeeze %dma_start3A_10 : memref<1x10x2000xi32, #tpu.memory_space<hbm>> -> memref<10x2000xi32, #tpu.memory_space<hbm>>
    %dma_start3A_12 = arith.constant 0 : i32
    %dma_start3A_13 = arith.constant 0 : i32
    %dma_start3A_14 = tpu.memref_slice %arg4[%add3A, %dma_start3A_12, %dma_start3A_13] : memref<32x10x2000xi32, #tpu.memory_space<hbm>> -> memref<1x10x2000xi32, #tpu.memory_space<hbm>>
    %dma_start3A_15 = tpu.memref_squeeze %dma_start3A_14 : memref<1x10x2000xi32, #tpu.memory_space<hbm>> -> memref<10x2000xi32, #tpu.memory_space<hbm>>
    tpu.enqueue_dma source(%dma_start3A_15 : memref<10x2000xi32, #tpu.memory_space<hbm>>) target(%arg7 : memref<10x2000xi32, #tpu.memory_space<vmem>>) target_semaphore(%arg11 : memref<!tpu.dma_semaphore, #tpu.memory_space<semaphore_mem>>)
    %scan3A = arith.constant 0 : i32
    %scan3A_16 = arith.constant 0 : i32
    %scan3A_17 = arith.constant 640 : i32
    %scan3A_18 = arith.addi %scan3A_16, %scan3A_17 : i32
    %scan3A_19 = arith.constant 1 : i32
    scf.for %scan3A_523 = %scan3A_16 to %scan3A_18 step %scan3A_19  : i32 {
      %broadcast_in_dim3A = arith.constant 0.000000e+00 : f32
      %broadcast_in_dim3A_524 = vector.broadcast %broadcast_in_dim3A : f32 to vector<16xf32>
      %swap3A = arith.index_cast %scan3A_523 : i32 to index
      %swap3A_525 = arith.constant 0 : index
      %swap3A_526 = tpu.vector_load %arg9[%swap3A, %swap3A_525] {strides = array<i32>} : memref<640x16xf32, #tpu.memory_space<vmem>>, vector<1x16xf32>,
      %swap3A_527 = vector.shape_cast %swap3A_526 : vector<1x16xf32> to vector<16xf32>
      %swap3A_528 = vector.shape_cast %broadcast_in_dim3A_524 : vector<16xf32> to vector<1x16xf32>
      tpu.vector_store %arg9[%swap3A, %swap3A_525], %swap3A_528 {strides = array<i32>} : memref<640x16xf32, #tpu.memory_space<vmem>>, vector<1x16xf32>,
    }
    %scan3A_20 = arith.constant 640 : i32
    %mul3A_21 = arith.constant 640 : i32
    %mul3A_22 = arith.muli %arg1, %mul3A_21 : i32
    "tpu.region"() ({
      %run_scoped3A = tpu.sem_alloc : memref<!tpu.dma_semaphore, #tpu.memory_space<semaphore_mem>>
      %dma_start3A_523 = arith.constant 0 : i32
      %dma_start3A_524 = tpu.memref_slice %arg10[%mul3A_22, %dma_start3A_523] : memref<10240x16xf32, #tpu.memory_space<vmem_shared>> -> memref<640x16xf32, #tpu.memory_space<vmem_shared>>
      %dma_start3A_525 = arith.constant 0 : i32
      %dma_start3A_526 = tpu.memref_slice %arg10[%mul3A_22, %dma_start3A_525] : memref<10240x16xf32, #tpu.memory_space<vmem_shared>> -> memref<640x16xf32, #tpu.memory_space<vmem_shared>>
      tpu.enqueue_dma source(%arg9 : memref<640x16xf32, #tpu.memory_space<vmem>>) target(%dma_start3A_526 : memref<640x16xf32, #tpu.memory_space<vmem_shared>>) target_semaphore(%run_scoped3A : memref<!tpu.dma_semaphore, #tpu.memory_space<semaphore_mem>>)
      %dma_wait3A_527 = arith.constant 0 : i32
      %dma_wait3A_528 = tpu.memref_slice %arg10[%mul3A_22, %dma_wait3A_527] : memref<10240x16xf32, #tpu.memory_space<vmem_shared>> -> memref<640x16xf32, #tpu.memory_space<vmem_shared>>
      %dma_wait3A_529 = arith.constant 0 : i32
      %dma_wait3A_530 = tpu.memref_slice %arg10[%mul3A_22, %dma_wait3A_529] : memref<10240x16xf32, #tpu.memory_space<vmem_shared>> -> memref<640x16xf32, #tpu.memory_space<vmem_shared>>
      tpu.wait_dma2 semaphore(%run_scoped3A : memref<!tpu.dma_semaphore, #tpu.memory_space<semaphore_mem>>) src(%arg9 : memref<640x16xf32, #tpu.memory_space<vmem>>) dst(%dma_wait3A_530 : memref<640x16xf32, #tpu.memory_space<vmem_shared>>)
      tpu.yield
    }) : () -> ()
    %dma_wait3A = arith.constant 0 : i32
    %dma_wait3A_23 = arith.constant 0 : i32
    %dma_wait3A_24 = tpu.memref_slice %arg3[%add3A, %dma_wait3A, %dma_wait3A_23] : memref<32x10x2000xi32, #tpu.memory_space<hbm>> -> memref<1x10x2000xi32, #tpu.memory_space<hbm>>
    %dma_wait3A_25 = tpu.memref_squeeze %dma_wait3A_24 : memref<1x10x2000xi32, #tpu.memory_space<hbm>> -> memref<10x2000xi32, #tpu.memory_space<hbm>>
    %dma_wait3A_26 = arith.constant 0 : i32
    %dma_wait3A_27 = arith.constant 0 : i32
    %dma_wait3A_28 = tpu.memref_slice %arg3[%add3A, %dma_wait3A_26, %dma_wait3A_27] : memref<32x10x2000xi32, #tpu.memory_space<hbm>> -> memref<1x10x2000xi32, #tpu.memory_space<hbm>>
    %dma_wait3A_29 = tpu.memref_squeeze %dma_wait3A_28 : memref<1x10x2000xi32, #tpu.memory_space<hbm>> -> memref<10x2000xi32, #tpu.memory_space<hbm>>
    tpu.wait_dma2 semaphore(%arg11 : memref<!tpu.dma_semaphore, #tpu.memory_space<semaphore_mem>>) src(%dma_wait3A_29 : memref<10x2000xi32, #tpu.memory_space<hbm>>) dst(%arg6 : memref<10x2000xi32, #tpu.memory_space<vmem>>)
    %dma_wait3A_30 = arith.constant 0 : i32
    %dma_wait3A_31 = arith.constant 0 : i32
    %dma_wait3A_32 = tpu.memref_slice %arg4[%add3A, %dma_wait3A_30, %dma_wait3A_31] : memref<32x10x2000xi32, #tpu.memory_space<hbm>> -> memref<1x10x2000xi32, #tpu.memory_space<hbm>>
    %dma_wait3A_33 = tpu.memref_squeeze %dma_wait3A_32 : memref<1x10x2000xi32, #tpu.memory_space<hbm>> -> memref<10x2000xi32, #tpu.memory_space<hbm>>
    %dma_wait3A_34 = arith.constant 0 : i32
    %dma_wait3A_35 = arith.constant 0 : i32
    %dma_wait3A_36 = tpu.memref_slice %arg4[%add3A, %dma_wait3A_34, %dma_wait3A_35] : memref<32x10x2000xi32, #tpu.memory_space<hbm>> -> memref<1x10x2000xi32, #tpu.memory_space<hbm>>
    %dma_wait3A_37 = tpu.memref_squeeze %dma_wait3A_36 : memref<1x10x2000xi32, #tpu.memory_space<hbm>> -> memref<10x2000xi32, #tpu.memory_space<hbm>>
    tpu.wait_dma2 semaphore(%arg11 : memref<!tpu.dma_semaphore, #tpu.memory_space<semaphore_mem>>) src(%dma_wait3A_37 : memref<10x2000xi32, #tpu.memory_space<hbm>>) dst(%arg7 : memref<10x2000xi32, #tpu.memory_space<vmem>>)
    %barrier3A = arith.constant 0 : index
    tpu.barrier barrier_id(%barrier3A)
    %dma_start3A_38 = arith.constant 0 : i32
    %dma_start3A_39 = arith.constant 0 : i32
    %dma_start3A_40 = arith.constant 0 : i32
    %dma_start3A_41 = arith.constant 0 : i32
    %dma_start3A_42 = tpu.memref_slice %arg8[%dma_start3A_39, %dma_start3A_40, %dma_start3A_41] : memref<2x2000x16xf32, #tpu.memory_space<vmem>> -> memref<1x2000x16xf32, #tpu.memory_space<vmem>>
    %dma_start3A_43 = tpu.memref_squeeze %dma_start3A_42 : memref<1x2000x16xf32, #tpu.memory_space<vmem>> -> memref<2000x16xf32, #tpu.memory_space<vmem>>
    %dma_start3A_44 = arith.constant 0 : i32
    %dma_start3A_45 = tpu.memref_slice %arg6[%dma_start3A_38, %dma_start3A_44] : memref<10x2000xi32, #tpu.memory_space<vmem>> -> memref<1x2000xi32, #tpu.memory_space<vmem>>
    %dma_start3A_46 = tpu.memref_squeeze %dma_start3A_45 : memref<1x2000xi32, #tpu.memory_space<vmem>> -> memref<2000xi32, #tpu.memory_space<vmem>>
    %dma_start3A_47 = arith.constant 0 : i32
    %dma_start3A_48 = arith.constant 0 : i32
    %dma_start3A_49 = tpu.memref_slice %arg2[%dma_start3A_47, %dma_start3A_48] : memref<10000x16xf32, #tpu.memory_space<hbm>> -> memref<10000x16xf32, #tpu.memory_space<hbm>>
    tpu.enqueue_indirect_dma source(%dma_start3A_49 : memref<10000x16xf32, #tpu.memory_space<hbm>>) target(%dma_start3A_43 : memref<2000x16xf32, #tpu.memory_space<vmem>>) offsets(%dma_start3A_46 : memref<2000xi32, #tpu.memory_space<vmem>>) semaphore(%arg11 : memref<!tpu.dma_semaphore, #tpu.memory_space<semaphore_mem>>)
    %dma_start3A_50 = arith.constant 1 : i32
    %dma_start3A_51 = arith.constant 1 : i32
    %dma_start3A_52 = arith.constant 0 : i32
    %dma_start3A_53 = arith.constant 0 : i32
    %dma_start3A_54 = tpu.memref_slice %arg8[%dma_start3A_51, %dma_start3A_52, %dma_start3A_53] : memref<2x2000x16xf32, #tpu.memory_space<vmem>> -> memref<1x2000x16xf32, #tpu.memory_space<vmem>>
    %dma_start3A_55 = tpu.memref_squeeze %dma_start3A_54 : memref<1x2000x16xf32, #tpu.memory_space<vmem>> -> memref<2000x16xf32, #tpu.memory_space<vmem>>
    %dma_start3A_56 = arith.constant 0 : i32
    %dma_start3A_57 = tpu.memref_slice %arg6[%dma_start3A_50, %dma_start3A_56] : memref<10x2000xi32, #tpu.memory_space<vmem>> -> memref<1x2000xi32, #tpu.memory_space<vmem>>
    %dma_start3A_58 = tpu.memref_squeeze %dma_start3A_57 : memref<1x2000xi32, #tpu.memory_space<vmem>> -> memref<2000xi32, #tpu.memory_space<vmem>>
    %dma_start3A_59 = arith.constant 0 : i32
    %dma_start3A_60 = arith.constant 0 : i32
    %dma_start3A_61 = tpu.memref_slice %arg2[%dma_start3A_59, %dma_start3A_60] : memref<10000x16xf32, #tpu.memory_space<hbm>> -> memref<10000x16xf32, #tpu.memory_space<hbm>>
    tpu.enqueue_indirect_dma source(%dma_start3A_61 : memref<10000x16xf32, #tpu.memory_space<hbm>>) target(%dma_start3A_55 : memref<2000x16xf32, #tpu.memory_space<vmem>>) offsets(%dma_start3A_58 : memref<2000xi32, #tpu.memory_space<vmem>>) semaphore(%arg11 : memref<!tpu.dma_semaphore, #tpu.memory_space<semaphore_mem>>)
    %dma_wait3A_62 = arith.constant 0 : i32
    %dma_wait3A_63 = arith.constant 0 : i32
    %dma_wait3A_64 = arith.constant 0 : i32
    %dma_wait3A_65 = arith.constant 0 : i32
    %dma_wait3A_66 = tpu.memref_slice %arg8[%dma_wait3A_63, %dma_wait3A_64, %dma_wait3A_65] : memref<2x2000x16xf32, #tpu.memory_space<vmem>> -> memref<1x2000x16xf32, #tpu.memory_space<vmem>>
    %dma_wait3A_67 = tpu.memref_squeeze %dma_wait3A_66 : memref<1x2000x16xf32, #tpu.memory_space<vmem>> -> memref<2000x16xf32, #tpu.memory_space<vmem>>
    %dma_wait3A_68 = arith.constant 0 : i32
    %dma_wait3A_69 = tpu.memref_slice %arg6[%dma_wait3A_62, %dma_wait3A_68] : memref<10x2000xi32, #tpu.memory_space<vmem>> -> memref<1x2000xi32, #tpu.memory_space<vmem>>
    %dma_wait3A_70 = tpu.memref_squeeze %dma_wait3A_69 : memref<1x2000xi32, #tpu.memory_space<vmem>> -> memref<2000xi32, #tpu.memory_space<vmem>>
    %dma_wait3A_71 = arith.constant 0 : i32
    %dma_wait3A_72 = arith.constant 0 : i32
    %dma_wait3A_73 = tpu.memref_slice %arg2[%dma_wait3A_71, %dma_wait3A_72] : memref<10000x16xf32, #tpu.memory_space<hbm>> -> memref<10000x16xf32, #tpu.memory_space<hbm>>
    tpu.wait_indirect_dma semaphore(%arg11 : memref<!tpu.dma_semaphore, #tpu.memory_space<semaphore_mem>>) src(%dma_wait3A_73 : memref<10000x16xf32, #tpu.memory_space<hbm>>) dst(%dma_wait3A_67 : memref<2000x16xf32, #tpu.memory_space<vmem>>)
    %dma_start3A_74 = arith.constant 0 : i32
    %dma_start3A_75 = arith.constant 0 : i32
    %dma_start3A_76 = arith.constant 0 : i32
    %dma_start3A_77 = arith.constant 0 : i32
    %dma_start3A_78 = tpu.memref_slice %arg8[%dma_start3A_74, %dma_start3A_76, %dma_start3A_77] : memref<2x2000x16xf32, #tpu.memory_space<vmem>> -> memref<1x2000x16xf32, #tpu.memory_space<vmem>>
    %dma_start3A_79 = tpu.memref_squeeze %dma_start3A_78 : memref<1x2000x16xf32, #tpu.memory_space<vmem>> -> memref<2000x16xf32, #tpu.memory_space<vmem>>
    %dma_start3A_80 = arith.constant 0 : i32
    %dma_start3A_81 = tpu.memref_slice %arg7[%dma_start3A_75, %dma_start3A_80] : memref<10x2000xi32, #tpu.memory_space<vmem>> -> memref<1x2000xi32, #tpu.memory_space<vmem>>
    %dma_start3A_82 = tpu.memref_squeeze %dma_start3A_81 : memref<1x2000xi32, #tpu.memory_space<vmem>> -> memref<2000xi32, #tpu.memory_space<vmem>>
    %dma_start3A_83 = arith.constant 0 : i32
    %dma_start3A_84 = arith.constant 0 : i32
    %dma_start3A_85 = tpu.memref_slice %arg10[%dma_start3A_83, %dma_start3A_84] : memref<10240x16xf32, #tpu.memory_space<vmem_shared>> -> memref<10240x16xf32, #tpu.memory_space<vmem_shared>>
    tpu.enqueue_indirect_dma source(%dma_start3A_79 : memref<2000x16xf32, #tpu.memory_space<vmem>>) target(%dma_start3A_85 : memref<10240x16xf32, #tpu.memory_space<vmem_shared>>) offsets(%dma_start3A_82 : memref<2000xi32, #tpu.memory_space<vmem>>) semaphore(%arg12 : memref<!tpu.dma_semaphore, #tpu.memory_space<semaphore_mem>>) {add = true}
    %dma_wait3A_86 = arith.constant 0 : i32
    %dma_wait3A_87 = arith.constant 0 : i32
    %dma_wait3A_88 = arith.constant 0 : i32
    %dma_wait3A_89 = arith.constant 0 : i32
    %dma_wait3A_90 = tpu.memref_slice %arg8[%dma_wait3A_86, %dma_wait3A_88, %dma_wait3A_89] : memref<2x2000x16xf32, #tpu.memory_space<vmem>> -> memref<1x2000x16xf32, #tpu.memory_space<vmem>>
    %dma_wait3A_91 = tpu.memref_squeeze %dma_wait3A_90 : memref<1x2000x16xf32, #tpu.memory_space<vmem>> -> memref<2000x16xf32, #tpu.memory_space<vmem>>
    %dma_wait3A_92 = arith.constant 0 : i32
    %dma_wait3A_93 = tpu.memref_slice %arg7[%dma_wait3A_87, %dma_wait3A_92] : memref<10x2000xi32, #tpu.memory_space<vmem>> -> memref<1x2000xi32, #tpu.memory_space<vmem>>
    %dma_wait3A_94 = tpu.memref_squeeze %dma_wait3A_93 : memref<1x2000xi32, #tpu.memory_space<vmem>> -> memref<2000xi32, #tpu.memory_space<vmem>>
    %dma_wait3A_95 = arith.constant 0 : i32
    %dma_wait3A_96 = arith.constant 0 : i32
    %dma_wait3A_97 = tpu.memref_slice %arg10[%dma_wait3A_95, %dma_wait3A_96] : memref<10240x16xf32, #tpu.memory_space<vmem_shared>> -> memref<10240x16xf32, #tpu.memory_space<vmem_shared>>
    tpu.wait_indirect_dma semaphore(%arg12 : memref<!tpu.dma_semaphore, #tpu.memory_space<semaphore_mem>>) src(%dma_wait3A_91 : memref<2000x16xf32, #tpu.memory_space<vmem>>) dst(%dma_wait3A_97 : memref<10240x16xf32, #tpu.memory_space<vmem_shared>>)
    %dma_start3A_98 = arith.constant 2 : i32
    %dma_start3A_99 = arith.constant 0 : i32
    %dma_start3A_100 = arith.constant 0 : i32
    %dma_start3A_101 = arith.constant 0 : i32
    %dma_start3A_102 = tpu.memref_slice %arg8[%dma_start3A_99, %dma_start3A_100, %dma_start3A_101] : memref<2x2000x16xf32, #tpu.memory_space<vmem>> -> memref<1x2000x16xf32, #tpu.memory_space<vmem>>
    %dma_start3A_103 = tpu.memref_squeeze %dma_start3A_102 : memref<1x2000x16xf32, #tpu.memory_space<vmem>> -> memref<2000x16xf32, #tpu.memory_space<vmem>>
    %dma_start3A_104 = arith.constant 0 : i32
    %dma_start3A_105 = tpu.memref_slice %arg6[%dma_start3A_98, %dma_start3A_104] : memref<10x2000xi32, #tpu.memory_space<vmem>> -> memref<1x2000xi32, #tpu.memory_space<vmem>>
    %dma_start3A_106 = tpu.memref_squeeze %dma_start3A_105 : memref<1x2000xi32, #tpu.memory_space<vmem>> -> memref<2000xi32, #tpu.memory_space<vmem>>
    %dma_start3A_107 = arith.constant 0 : i32
    %dma_start3A_108 = arith.constant 0 : i32
    %dma_start3A_109 = tpu.memref_slice %arg2[%dma_start3A_107, %dma_start3A_108] : memref<10000x16xf32, #tpu.memory_space<hbm>> -> memref<10000x16xf32, #tpu.memory_space<hbm>>
    tpu.enqueue_indirect_dma source(%dma_start3A_109 : memref<10000x16xf32, #tpu.memory_space<hbm>>) target(%dma_start3A_103 : memref<2000x16xf32, #tpu.memory_space<vmem>>) offsets(%dma_start3A_106 : memref<2000xi32, #tpu.memory_space<vmem>>) semaphore(%arg11 : memref<!tpu.dma_semaphore, #tpu.memory_space<semaphore_mem>>)
    %dma_wait3A_110 = arith.constant 1 : i32
    %dma_wait3A_111 = arith.constant 1 : i32
    %dma_wait3A_112 = arith.constant 0 : i32
    %dma_wait3A_113 = arith.constant 0 : i32
    %dma_wait3A_114 = tpu.memref_slice %arg8[%dma_wait3A_111, %dma_wait3A_112, %dma_wait3A_113] : memref<2x2000x16xf32, #tpu.memory_space<vmem>> -> memref<1x2000x16xf32, #tpu.memory_space<vmem>>
    %dma_wait3A_115 = tpu.memref_squeeze %dma_wait3A_114 : memref<1x2000x16xf32, #tpu.memory_space<vmem>> -> memref<2000x16xf32, #tpu.memory_space<vmem>>
    %dma_wait3A_116 = arith.constant 0 : i32
    %dma_wait3A_117 = tpu.memref_slice %arg6[%dma_wait3A_110, %dma_wait3A_116] : memref<10x2000xi32, #tpu.memory_space<vmem>> -> memref<1x2000xi32, #tpu.memory_space<vmem>>
    %dma_wait3A_118 = tpu.memref_squeeze %dma_wait3A_117 : memref<1x2000xi32, #tpu.memory_space<vmem>> -> memref<2000xi32, #tpu.memory_space<vmem>>
    %dma_wait3A_119 = arith.constant 0 : i32
    %dma_wait3A_120 = arith.constant 0 : i32
    %dma_wait3A_121 = tpu.memref_slice %arg2[%dma_wait3A_119, %dma_wait3A_120] : memref<10000x16xf32, #tpu.memory_space<hbm>> -> memref<10000x16xf32, #tpu.memory_space<hbm>>
    tpu.wait_indirect_dma semaphore(%arg11 : memref<!tpu.dma_semaphore, #tpu.memory_space<semaphore_mem>>) src(%dma_wait3A_121 : memref<10000x16xf32, #tpu.memory_space<hbm>>) dst(%dma_wait3A_115 : memref<2000x16xf32, #tpu.memory_space<vmem>>)
    %dma_start3A_122 = arith.constant 1 : i32
    %dma_start3A_123 = arith.constant 1 : i32
    %dma_start3A_124 = arith.constant 0 : i32
    %dma_start3A_125 = arith.constant 0 : i32
    %dma_start3A_126 = tpu.memref_slice %arg8[%dma_start3A_122, %dma_start3A_124, %dma_start3A_125] : memref<2x2000x16xf32, #tpu.memory_space<vmem>> -> memref<1x2000x16xf32, #tpu.memory_space<vmem>>
    %dma_start3A_127 = tpu.memref_squeeze %dma_start3A_126 : memref<1x2000x16xf32, #tpu.memory_space<vmem>> -> memref<2000x16xf32, #tpu.memory_space<vmem>>
    %dma_start3A_128 = arith.constant 0 : i32
    %dma_start3A_129 = tpu.memref_slice %arg7[%dma_start3A_123, %dma_start3A_128] : memref<10x2000xi32, #tpu.memory_space<vmem>> -> memref<1x2000xi32, #tpu.memory_space<vmem>>
    %dma_start3A_130 = tpu.memref_squeeze %dma_start3A_129 : memref<1x2000xi32, #tpu.memory_space<vmem>> -> memref<2000xi32, #tpu.memory_space<vmem>>
    %dma_start3A_131 = arith.constant 0 : i32
    %dma_start3A_132 = arith.constant 0 : i32
    %dma_start3A_133 = tpu.memref_slice %arg10[%dma_start3A_131, %dma_start3A_132] : memref<10240x16xf32, #tpu.memory_space<vmem_shared>> -> memref<10240x16xf32, #tpu.memory_space<vmem_shared>>
    tpu.enqueue_indirect_dma source(%dma_start3A_127 : memref<2000x16xf32, #tpu.memory_space<vmem>>) target(%dma_start3A_133 : memref<10240x16xf32, #tpu.memory_space<vmem_shared>>) offsets(%dma_start3A_130 : memref<2000xi32, #tpu.memory_space<vmem>>) semaphore(%arg12 : memref<!tpu.dma_semaphore, #tpu.memory_space<semaphore_mem>>) {add = true}
    %dma_wait3A_134 = arith.constant 1 : i32
    %dma_wait3A_135 = arith.constant 1 : i32
    %dma_wait3A_136 = arith.constant 0 : i32
    %dma_wait3A_137 = arith.constant 0 : i32
    %dma_wait3A_138 = tpu.memref_slice %arg8[%dma_wait3A_134, %dma_wait3A_136, %dma_wait3A_137] : memref<2x2000x16xf32, #tpu.memory_space<vmem>> -> memref<1x2000x16xf32, #tpu.memory_space<vmem>>
    %dma_wait3A_139 = tpu.memref_squeeze %dma_wait3A_138 : memref<1x2000x16xf32, #tpu.memory_space<vmem>> -> memref<2000x16xf32, #tpu.memory_space<vmem>>
    %dma_wait3A_140 = arith.constant 0 : i32
    %dma_wait3A_141 = tpu.memref_slice %arg7[%dma_wait3A_135, %dma_wait3A_140] : memref<10x2000xi32, #tpu.memory_space<vmem>> -> memref<1x2000xi32, #tpu.memory_space<vmem>>
    %dma_wait3A_142 = tpu.memref_squeeze %dma_wait3A_141 : memref<1x2000xi32, #tpu.memory_space<vmem>> -> memref<2000xi32, #tpu.memory_space<vmem>>
    %dma_wait3A_143 = arith.constant 0 : i32
    %dma_wait3A_144 = arith.constant 0 : i32
    %dma_wait3A_145 = tpu.memref_slice %arg10[%dma_wait3A_143, %dma_wait3A_144] : memref<10240x16xf32, #tpu.memory_space<vmem_shared>> -> memref<10240x16xf32, #tpu.memory_space<vmem_shared>>
    tpu.wait_indirect_dma semaphore(%arg12 : memref<!tpu.dma_semaphore, #tpu.memory_space<semaphore_mem>>) src(%dma_wait3A_139 : memref<2000x16xf32, #tpu.memory_space<vmem>>) dst(%dma_wait3A_145 : memref<10240x16xf32, #tpu.memory_space<vmem_shared>>)
    %dma_start3A_146 = arith.constant 3 : i32
    %dma_start3A_147 = arith.constant 1 : i32
    %dma_start3A_148 = arith.constant 0 : i32
    %dma_start3A_149 = arith.constant 0 : i32
    %dma_start3A_150 = tpu.memref_slice %arg8[%dma_start3A_147, %dma_start3A_148, %dma_start3A_149] : memref<2x2000x16xf32, #tpu.memory_space<vmem>> -> memref<1x2000x16xf32, #tpu.memory_space<vmem>>
    %dma_start3A_151 = tpu.memref_squeeze %dma_start3A_150 : memref<1x2000x16xf32, #tpu.memory_space<vmem>> -> memref<2000x16xf32, #tpu.memory_space<vmem>>
    %dma_start3A_152 = arith.constant 0 : i32
    %dma_start3A_153 = tpu.memref_slice %arg6[%dma_start3A_146, %dma_start3A_152] : memref<10x2000xi32, #tpu.memory_space<vmem>> -> memref<1x2000xi32, #tpu.memory_space<vmem>>
    %dma_start3A_154 = tpu.memref_squeeze %dma_start3A_153 : memref<1x2000xi32, #tpu.memory_space<vmem>> -> memref<2000xi32, #tpu.memory_space<vmem>>
    %dma_start3A_155 = arith.constant 0 : i32
    %dma_start3A_156 = arith.constant 0 : i32
    %dma_start3A_157 = tpu.memref_slice %arg2[%dma_start3A_155, %dma_start3A_156] : memref<10000x16xf32, #tpu.memory_space<hbm>> -> memref<10000x16xf32, #tpu.memory_space<hbm>>
    tpu.enqueue_indirect_dma source(%dma_start3A_157 : memref<10000x16xf32, #tpu.memory_space<hbm>>) target(%dma_start3A_151 : memref<2000x16xf32, #tpu.memory_space<vmem>>) offsets(%dma_start3A_154 : memref<2000xi32, #tpu.memory_space<vmem>>) semaphore(%arg11 : memref<!tpu.dma_semaphore, #tpu.memory_space<semaphore_mem>>)
    %dma_wait3A_158 = arith.constant 2 : i32
    %dma_wait3A_159 = arith.constant 0 : i32
    %dma_wait3A_160 = arith.constant 0 : i32
    %dma_wait3A_161 = arith.constant 0 : i32
    %dma_wait3A_162 = tpu.memref_slice %arg8[%dma_wait3A_159, %dma_wait3A_160, %dma_wait3A_161] : memref<2x2000x16xf32, #tpu.memory_space<vmem>> -> memref<1x2000x16xf32, #tpu.memory_space<vmem>>
    %dma_wait3A_163 = tpu.memref_squeeze %dma_wait3A_162 : memref<1x2000x16xf32, #tpu.memory_space<vmem>> -> memref<2000x16xf32, #tpu.memory_space<vmem>>
    %dma_wait3A_164 = arith.constant 0 : i32
    %dma_wait3A_165 = tpu.memref_slice %arg6[%dma_wait3A_158, %dma_wait3A_164] : memref<10x2000xi32, #tpu.memory_space<vmem>> -> memref<1x2000xi32, #tpu.memory_space<vmem>>
    %dma_wait3A_166 = tpu.memref_squeeze %dma_wait3A_165 : memref<1x2000xi32, #tpu.memory_space<vmem>> -> memref<2000xi32, #tpu.memory_space<vmem>>
    %dma_wait3A_167 = arith.constant 0 : i32
    %dma_wait3A_168 = arith.constant 0 : i32
    %dma_wait3A_169 = tpu.memref_slice %arg2[%dma_wait3A_167, %dma_wait3A_168] : memref<10000x16xf32, #tpu.memory_space<hbm>> -> memref<10000x16xf32, #tpu.memory_space<hbm>>
    tpu.wait_indirect_dma semaphore(%arg11 : memref<!tpu.dma_semaphore, #tpu.memory_space<semaphore_mem>>) src(%dma_wait3A_169 : memref<10000x16xf32, #tpu.memory_space<hbm>>) dst(%dma_wait3A_163 : memref<2000x16xf32, #tpu.memory_space<vmem>>)
    %dma_start3A_170 = arith.constant 0 : i32
    %dma_start3A_171 = arith.constant 2 : i32
    %dma_start3A_172 = arith.constant 0 : i32
    %dma_start3A_173 = arith.constant 0 : i32
    %dma_start3A_174 = tpu.memref_slice %arg8[%dma_start3A_170, %dma_start3A_172, %dma_start3A_173] : memref<2x2000x16xf32, #tpu.memory_space<vmem>> -> memref<1x2000x16xf32, #tpu.memory_space<vmem>>
    %dma_start3A_175 = tpu.memref_squeeze %dma_start3A_174 : memref<1x2000x16xf32, #tpu.memory_space<vmem>> -> memref<2000x16xf32, #tpu.memory_space<vmem>>
    %dma_start3A_176 = arith.constant 0 : i32
    %dma_start3A_177 = tpu.memref_slice %arg7[%dma_start3A_171, %dma_start3A_176] : memref<10x2000xi32, #tpu.memory_space<vmem>> -> memref<1x2000xi32, #tpu.memory_space<vmem>>
    %dma_start3A_178 = tpu.memref_squeeze %dma_start3A_177 : memref<1x2000xi32, #tpu.memory_space<vmem>> -> memref<2000xi32, #tpu.memory_space<vmem>>
    %dma_start3A_179 = arith.constant 0 : i32
    %dma_start3A_180 = arith.constant 0 : i32
    %dma_start3A_181 = tpu.memref_slice %arg10[%dma_start3A_179, %dma_start3A_180] : memref<10240x16xf32, #tpu.memory_space<vmem_shared>> -> memref<10240x16xf32, #tpu.memory_space<vmem_shared>>
    tpu.enqueue_indirect_dma source(%dma_start3A_175 : memref<2000x16xf32, #tpu.memory_space<vmem>>) target(%dma_start3A_181 : memref<10240x16xf32, #tpu.memory_space<vmem_shared>>) offsets(%dma_start3A_178 : memref<2000xi32, #tpu.memory_space<vmem>>) semaphore(%arg12 : memref<!tpu.dma_semaphore, #tpu.memory_space<semaphore_mem>>) {add = true}
    %dma_wait3A_182 = arith.constant 0 : i32
    %dma_wait3A_183 = arith.constant 2 : i32
    %dma_wait3A_184 = arith.constant 0 : i32
    %dma_wait3A_185 = arith.constant 0 : i32
    %dma_wait3A_186 = tpu.memref_slice %arg8[%dma_wait3A_182, %dma_wait3A_184, %dma_wait3A_185] : memref<2x2000x16xf32, #tpu.memory_space<vmem>> -> memref<1x2000x16xf32, #tpu.memory_space<vmem>>
    %dma_wait3A_187 = tpu.memref_squeeze %dma_wait3A_186 : memref<1x2000x16xf32, #tpu.memory_space<vmem>> -> memref<2000x16xf32, #tpu.memory_space<vmem>>
    %dma_wait3A_188 = arith.constant 0 : i32
    %dma_wait3A_189 = tpu.memref_slice %arg7[%dma_wait3A_183, %dma_wait3A_188] : memref<10x2000xi32, #tpu.memory_space<vmem>> -> memref<1x2000xi32, #tpu.memory_space<vmem>>
    %dma_wait3A_190 = tpu.memref_squeeze %dma_wait3A_189 : memref<1x2000xi32, #tpu.memory_space<vmem>> -> memref<2000xi32, #tpu.memory_space<vmem>>
    %dma_wait3A_191 = arith.constant 0 : i32
    %dma_wait3A_192 = arith.constant 0 : i32
    %dma_wait3A_193 = tpu.memref_slice %arg10[%dma_wait3A_191, %dma_wait3A_192] : memref<10240x16xf32, #tpu.memory_space<vmem_shared>> -> memref<10240x16xf32, #tpu.memory_space<vmem_shared>>
    tpu.wait_indirect_dma semaphore(%arg12 : memref<!tpu.dma_semaphore, #tpu.memory_space<semaphore_mem>>) src(%dma_wait3A_187 : memref<2000x16xf32, #tpu.memory_space<vmem>>) dst(%dma_wait3A_193 : memref<10240x16xf32, #tpu.memory_space<vmem_shared>>)
    %dma_start3A_194 = arith.constant 4 : i32
    %dma_start3A_195 = arith.constant 0 : i32
    %dma_start3A_196 = arith.constant 0 : i32
    %dma_start3A_197 = arith.constant 0 : i32
    %dma_start3A_198 = tpu.memref_slice %arg8[%dma_start3A_195, %dma_start3A_196, %dma_start3A_197] : memref<2x2000x16xf32, #tpu.memory_space<vmem>> -> memref<1x2000x16xf32, #tpu.memory_space<vmem>>
    %dma_start3A_199 = tpu.memref_squeeze %dma_start3A_198 : memref<1x2000x16xf32, #tpu.memory_space<vmem>> -> memref<2000x16xf32, #tpu.memory_space<vmem>>
    %dma_start3A_200 = arith.constant 0 : i32
    %dma_start3A_201 = tpu.memref_slice %arg6[%dma_start3A_194, %dma_start3A_200] : memref<10x2000xi32, #tpu.memory_space<vmem>> -> memref<1x2000xi32, #tpu.memory_space<vmem>>
    %dma_start3A_202 = tpu.memref_squeeze %dma_start3A_201 : memref<1x2000xi32, #tpu.memory_space<vmem>> -> memref<2000xi32, #tpu.memory_space<vmem>>
    %dma_start3A_203 = arith.constant 0 : i32
    %dma_start3A_204 = arith.constant 0 : i32
    %dma_start3A_205 = tpu.memref_slice %arg2[%dma_start3A_203, %dma_start3A_204] : memref<10000x16xf32, #tpu.memory_space<hbm>> -> memref<10000x16xf32, #tpu.memory_space<hbm>>
    tpu.enqueue_indirect_dma source(%dma_start3A_205 : memref<10000x16xf32, #tpu.memory_space<hbm>>) target(%dma_start3A_199 : memref<2000x16xf32, #tpu.memory_space<vmem>>) offsets(%dma_start3A_202 : memref<2000xi32, #tpu.memory_space<vmem>>) semaphore(%arg11 : memref<!tpu.dma_semaphore, #tpu.memory_space<semaphore_mem>>)
    %dma_wait3A_206 = arith.constant 3 : i32
    %dma_wait3A_207 = arith.constant 1 : i32
    %dma_wait3A_208 = arith.constant 0 : i32
    %dma_wait3A_209 = arith.constant 0 : i32
    %dma_wait3A_210 = tpu.memref_slice %arg8[%dma_wait3A_207, %dma_wait3A_208, %dma_wait3A_209] : memref<2x2000x16xf32, #tpu.memory_space<vmem>> -> memref<1x2000x16xf32, #tpu.memory_space<vmem>>
    %dma_wait3A_211 = tpu.memref_squeeze %dma_wait3A_210 : memref<1x2000x16xf32, #tpu.memory_space<vmem>> -> memref<2000x16xf32, #tpu.memory_space<vmem>>
    %dma_wait3A_212 = arith.constant 0 : i32
    %dma_wait3A_213 = tpu.memref_slice %arg6[%dma_wait3A_206, %dma_wait3A_212] : memref<10x2000xi32, #tpu.memory_space<vmem>> -> memref<1x2000xi32, #tpu.memory_space<vmem>>
    %dma_wait3A_214 = tpu.memref_squeeze %dma_wait3A_213 : memref<1x2000xi32, #tpu.memory_space<vmem>> -> memref<2000xi32, #tpu.memory_space<vmem>>
    %dma_wait3A_215 = arith.constant 0 : i32
    %dma_wait3A_216 = arith.constant 0 : i32
    %dma_wait3A_217 = tpu.memref_slice %arg2[%dma_wait3A_215, %dma_wait3A_216] : memref<10000x16xf32, #tpu.memory_space<hbm>> -> memref<10000x16xf32, #tpu.memory_space<hbm>>
    tpu.wait_indirect_dma semaphore(%arg11 : memref<!tpu.dma_semaphore, #tpu.memory_space<semaphore_mem>>) src(%dma_wait3A_217 : memref<10000x16xf32, #tpu.memory_space<hbm>>) dst(%dma_wait3A_211 : memref<2000x16xf32, #tpu.memory_space<vmem>>)
    %dma_start3A_218 = arith.constant 1 : i32
    %dma_start3A_219 = arith.constant 3 : i32
    %dma_start3A_220 = arith.constant 0 : i32
    %dma_start3A_221 = arith.constant 0 : i32
    %dma_start3A_222 = tpu.memref_slice %arg8[%dma_start3A_218, %dma_start3A_220, %dma_start3A_221] : memref<2x2000x16xf32, #tpu.memory_space<vmem>> -> memref<1x2000x16xf32, #tpu.memory_space<vmem>>
    %dma_start3A_223 = tpu.memref_squeeze %dma_start3A_222 : memref<1x2000x16xf32, #tpu.memory_space<vmem>> -> memref<2000x16xf32, #tpu.memory_space<vmem>>
    %dma_start3A_224 = arith.constant 0 : i32
    %dma_start3A_225 = tpu.memref_slice %arg7[%dma_start3A_219, %dma_start3A_224] : memref<10x2000xi32, #tpu.memory_space<vmem>> -> memref<1x2000xi32, #tpu.memory_space<vmem>>
    %dma_start3A_226 = tpu.memref_squeeze %dma_start3A_225 : memref<1x2000xi32, #tpu.memory_space<vmem>> -> memref<2000xi32, #tpu.memory_space<vmem>>
    %dma_start3A_227 = arith.constant 0 : i32
    %dma_start3A_228 = arith.constant 0 : i32
    %dma_start3A_229 = tpu.memref_slice %arg10[%dma_start3A_227, %dma_start3A_228] : memref<10240x16xf32, #tpu.memory_space<vmem_shared>> -> memref<10240x16xf32, #tpu.memory_space<vmem_shared>>
    tpu.enqueue_indirect_dma source(%dma_start3A_223 : memref<2000x16xf32, #tpu.memory_space<vmem>>) target(%dma_start3A_229 : memref<10240x16xf32, #tpu.memory_space<vmem_shared>>) offsets(%dma_start3A_226 : memref<2000xi32, #tpu.memory_space<vmem>>) semaphore(%arg12 : memref<!tpu.dma_semaphore, #tpu.memory_space<semaphore_mem>>) {add = true}
    %dma_wait3A_230 = arith.constant 1 : i32
    %dma_wait3A_231 = arith.constant 3 : i32
    %dma_wait3A_232 = arith.constant 0 : i32
    %dma_wait3A_233 = arith.constant 0 : i32
    %dma_wait3A_234 = tpu.memref_slice %arg8[%dma_wait3A_230, %dma_wait3A_232, %dma_wait3A_233] : memref<2x2000x16xf32, #tpu.memory_space<vmem>> -> memref<1x2000x16xf32, #tpu.memory_space<vmem>>
    %dma_wait3A_235 = tpu.memref_squeeze %dma_wait3A_234 : memref<1x2000x16xf32, #tpu.memory_space<vmem>> -> memref<2000x16xf32, #tpu.memory_space<vmem>>
    %dma_wait3A_236 = arith.constant 0 : i32
    %dma_wait3A_237 = tpu.memref_slice %arg7[%dma_wait3A_231, %dma_wait3A_236] : memref<10x2000xi32, #tpu.memory_space<vmem>> -> memref<1x2000xi32, #tpu.memory_space<vmem>>
    %dma_wait3A_238 = tpu.memref_squeeze %dma_wait3A_237 : memref<1x2000xi32, #tpu.memory_space<vmem>> -> memref<2000xi32, #tpu.memory_space<vmem>>
    %dma_wait3A_239 = arith.constant 0 : i32
    %dma_wait3A_240 = arith.constant 0 : i32
    %dma_wait3A_241 = tpu.memref_slice %arg10[%dma_wait3A_239, %dma_wait3A_240] : memref<10240x16xf32, #tpu.memory_space<vmem_shared>> -> memref<10240x16xf32, #tpu.memory_space<vmem_shared>>
    tpu.wait_indirect_dma semaphore(%arg12 : memref<!tpu.dma_semaphore, #tpu.memory_space<semaphore_mem>>) src(%dma_wait3A_235 : memref<2000x16xf32, #tpu.memory_space<vmem>>) dst(%dma_wait3A_241 : memref<10240x16xf32, #tpu.memory_space<vmem_shared>>)
    %dma_start3A_242 = arith.constant 5 : i32
    %dma_start3A_243 = arith.constant 1 : i32
    %dma_start3A_244 = arith.constant 0 : i32
    %dma_start3A_245 = arith.constant 0 : i32
    %dma_start3A_246 = tpu.memref_slice %arg8[%dma_start3A_243, %dma_start3A_244, %dma_start3A_245] : memref<2x2000x16xf32, #tpu.memory_space<vmem>> -> memref<1x2000x16xf32, #tpu.memory_space<vmem>>
    %dma_start3A_247 = tpu.memref_squeeze %dma_start3A_246 : memref<1x2000x16xf32, #tpu.memory_space<vmem>> -> memref<2000x16xf32, #tpu.memory_space<vmem>>
    %dma_start3A_248 = arith.constant 0 : i32
    %dma_start3A_249 = tpu.memref_slice %arg6[%dma_start3A_242, %dma_start3A_248] : memref<10x2000xi32, #tpu.memory_space<vmem>> -> memref<1x2000xi32, #tpu.memory_space<vmem>>
    %dma_start3A_250 = tpu.memref_squeeze %dma_start3A_249 : memref<1x2000xi32, #tpu.memory_space<vmem>> -> memref<2000xi32, #tpu.memory_space<vmem>>
    %dma_start3A_251 = arith.constant 0 : i32
    %dma_start3A_252 = arith.constant 0 : i32
    %dma_start3A_253 = tpu.memref_slice %arg2[%dma_start3A_251, %dma_start3A_252] : memref<10000x16xf32, #tpu.memory_space<hbm>> -> memref<10000x16xf32, #tpu.memory_space<hbm>>
    tpu.enqueue_indirect_dma source(%dma_start3A_253 : memref<10000x16xf32, #tpu.memory_space<hbm>>) target(%dma_start3A_247 : memref<2000x16xf32, #tpu.memory_space<vmem>>) offsets(%dma_start3A_250 : memref<2000xi32, #tpu.memory_space<vmem>>) semaphore(%arg11 : memref<!tpu.dma_semaphore, #tpu.memory_space<semaphore_mem>>)
    %dma_wait3A_254 = arith.constant 4 : i32
    %dma_wait3A_255 = arith.constant 0 : i32
    %dma_wait3A_256 = arith.constant 0 : i32
    %dma_wait3A_257 = arith.constant 0 : i32
    %dma_wait3A_258 = tpu.memref_slice %arg8[%dma_wait3A_255, %dma_wait3A_256, %dma_wait3A_257] : memref<2x2000x16xf32, #tpu.memory_space<vmem>> -> memref<1x2000x16xf32, #tpu.memory_space<vmem>>
    %dma_wait3A_259 = tpu.memref_squeeze %dma_wait3A_258 : memref<1x2000x16xf32, #tpu.memory_space<vmem>> -> memref<2000x16xf32, #tpu.memory_space<vmem>>
    %dma_wait3A_260 = arith.constant 0 : i32
    %dma_wait3A_261 = tpu.memref_slice %arg6[%dma_wait3A_254, %dma_wait3A_260] : memref<10x2000xi32, #tpu.memory_space<vmem>> -> memref<1x2000xi32, #tpu.memory_space<vmem>>
    %dma_wait3A_262 = tpu.memref_squeeze %dma_wait3A_261 : memref<1x2000xi32, #tpu.memory_space<vmem>> -> memref<2000xi32, #tpu.memory_space<vmem>>
    %dma_wait3A_263 = arith.constant 0 : i32
    %dma_wait3A_264 = arith.constant 0 : i32
    %dma_wait3A_265 = tpu.memref_slice %arg2[%dma_wait3A_263, %dma_wait3A_264] : memref<10000x16xf32, #tpu.memory_space<hbm>> -> memref<10000x16xf32, #tpu.memory_space<hbm>>
    tpu.wait_indirect_dma semaphore(%arg11 : memref<!tpu.dma_semaphore, #tpu.memory_space<semaphore_mem>>) src(%dma_wait3A_265 : memref<10000x16xf32, #tpu.memory_space<hbm>>) dst(%dma_wait3A_259 : memref<2000x16xf32, #tpu.memory_space<vmem>>)
    %dma_start3A_266 = arith.constant 0 : i32
    %dma_start3A_267 = arith.constant 4 : i32
    %dma_start3A_268 = arith.constant 0 : i32
    %dma_start3A_269 = arith.constant 0 : i32
    %dma_start3A_270 = tpu.memref_slice %arg8[%dma_start3A_266, %dma_start3A_268, %dma_start3A_269] : memref<2x2000x16xf32, #tpu.memory_space<vmem>> -> memref<1x2000x16xf32, #tpu.memory_space<vmem>>
    %dma_start3A_271 = tpu.memref_squeeze %dma_start3A_270 : memref<1x2000x16xf32, #tpu.memory_space<vmem>> -> memref<2000x16xf32, #tpu.memory_space<vmem>>
    %dma_start3A_272 = arith.constant 0 : i32
    %dma_start3A_273 = tpu.memref_slice %arg7[%dma_start3A_267, %dma_start3A_272] : memref<10x2000xi32, #tpu.memory_space<vmem>> -> memref<1x2000xi32, #tpu.memory_space<vmem>>
    %dma_start3A_274 = tpu.memref_squeeze %dma_start3A_273 : memref<1x2000xi32, #tpu.memory_space<vmem>> -> memref<2000xi32, #tpu.memory_space<vmem>>
    %dma_start3A_275 = arith.constant 0 : i32
    %dma_start3A_276 = arith.constant 0 : i32
    %dma_start3A_277 = tpu.memref_slice %arg10[%dma_start3A_275, %dma_start3A_276] : memref<10240x16xf32, #tpu.memory_space<vmem_shared>> -> memref<10240x16xf32, #tpu.memory_space<vmem_shared>>
    tpu.enqueue_indirect_dma source(%dma_start3A_271 : memref<2000x16xf32, #tpu.memory_space<vmem>>) target(%dma_start3A_277 : memref<10240x16xf32, #tpu.memory_space<vmem_shared>>) offsets(%dma_start3A_274 : memref<2000xi32, #tpu.memory_space<vmem>>) semaphore(%arg12 : memref<!tpu.dma_semaphore, #tpu.memory_space<semaphore_mem>>) {add = true}
    %dma_wait3A_278 = arith.constant 0 : i32
    %dma_wait3A_279 = arith.constant 4 : i32
    %dma_wait3A_280 = arith.constant 0 : i32
    %dma_wait3A_281 = arith.constant 0 : i32
    %dma_wait3A_282 = tpu.memref_slice %arg8[%dma_wait3A_278, %dma_wait3A_280, %dma_wait3A_281] : memref<2x2000x16xf32, #tpu.memory_space<vmem>> -> memref<1x2000x16xf32, #tpu.memory_space<vmem>>
    %dma_wait3A_283 = tpu.memref_squeeze %dma_wait3A_282 : memref<1x2000x16xf32, #tpu.memory_space<vmem>> -> memref<2000x16xf32, #tpu.memory_space<vmem>>
    %dma_wait3A_284 = arith.constant 0 : i32
    %dma_wait3A_285 = tpu.memref_slice %arg7[%dma_wait3A_279, %dma_wait3A_284] : memref<10x2000xi32, #tpu.memory_space<vmem>> -> memref<1x2000xi32, #tpu.memory_space<vmem>>
    %dma_wait3A_286 = tpu.memref_squeeze %dma_wait3A_285 : memref<1x2000xi32, #tpu.memory_space<vmem>> -> memref<2000xi32, #tpu.memory_space<vmem>>
    %dma_wait3A_287 = arith.constant 0 : i32
    %dma_wait3A_288 = arith.constant 0 : i32
    %dma_wait3A_289 = tpu.memref_slice %arg10[%dma_wait3A_287, %dma_wait3A_288] : memref<10240x16xf32, #tpu.memory_space<vmem_shared>> -> memref<10240x16xf32, #tpu.memory_space<vmem_shared>>
    tpu.wait_indirect_dma semaphore(%arg12 : memref<!tpu.dma_semaphore, #tpu.memory_space<semaphore_mem>>) src(%dma_wait3A_283 : memref<2000x16xf32, #tpu.memory_space<vmem>>) dst(%dma_wait3A_289 : memref<10240x16xf32, #tpu.memory_space<vmem_shared>>)
    %dma_start3A_290 = arith.constant 6 : i32
    %dma_start3A_291 = arith.constant 0 : i32
    %dma_start3A_292 = arith.constant 0 : i32
    %dma_start3A_293 = arith.constant 0 : i32
    %dma_start3A_294 = tpu.memref_slice %arg8[%dma_start3A_291, %dma_start3A_292, %dma_start3A_293] : memref<2x2000x16xf32, #tpu.memory_space<vmem>> -> memref<1x2000x16xf32, #tpu.memory_space<vmem>>
    %dma_start3A_295 = tpu.memref_squeeze %dma_start3A_294 : memref<1x2000x16xf32, #tpu.memory_space<vmem>> -> memref<2000x16xf32, #tpu.memory_space<vmem>>
    %dma_start3A_296 = arith.constant 0 : i32
    %dma_start3A_297 = tpu.memref_slice %arg6[%dma_start3A_290, %dma_start3A_296] : memref<10x2000xi32, #tpu.memory_space<vmem>> -> memref<1x2000xi32, #tpu.memory_space<vmem>>
    %dma_start3A_298 = tpu.memref_squeeze %dma_start3A_297 : memref<1x2000xi32, #tpu.memory_space<vmem>> -> memref<2000xi32, #tpu.memory_space<vmem>>
    %dma_start3A_299 = arith.constant 0 : i32
    %dma_start3A_300 = arith.constant 0 : i32
    %dma_start3A_301 = tpu.memref_slice %arg2[%dma_start3A_299, %dma_start3A_300] : memref<10000x16xf32, #tpu.memory_space<hbm>> -> memref<10000x16xf32, #tpu.memory_space<hbm>>
    tpu.enqueue_indirect_dma source(%dma_start3A_301 : memref<10000x16xf32, #tpu.memory_space<hbm>>) target(%dma_start3A_295 : memref<2000x16xf32, #tpu.memory_space<vmem>>) offsets(%dma_start3A_298 : memref<2000xi32, #tpu.memory_space<vmem>>) semaphore(%arg11 : memref<!tpu.dma_semaphore, #tpu.memory_space<semaphore_mem>>)
    %dma_wait3A_302 = arith.constant 5 : i32
    %dma_wait3A_303 = arith.constant 1 : i32
    %dma_wait3A_304 = arith.constant 0 : i32
    %dma_wait3A_305 = arith.constant 0 : i32
    %dma_wait3A_306 = tpu.memref_slice %arg8[%dma_wait3A_303, %dma_wait3A_304, %dma_wait3A_305] : memref<2x2000x16xf32, #tpu.memory_space<vmem>> -> memref<1x2000x16xf32, #tpu.memory_space<vmem>>
    %dma_wait3A_307 = tpu.memref_squeeze %dma_wait3A_306 : memref<1x2000x16xf32, #tpu.memory_space<vmem>> -> memref<2000x16xf32, #tpu.memory_space<vmem>>
    %dma_wait3A_308 = arith.constant 0 : i32
    %dma_wait3A_309 = tpu.memref_slice %arg6[%dma_wait3A_302, %dma_wait3A_308] : memref<10x2000xi32, #tpu.memory_space<vmem>> -> memref<1x2000xi32, #tpu.memory_space<vmem>>
    %dma_wait3A_310 = tpu.memref_squeeze %dma_wait3A_309 : memref<1x2000xi32, #tpu.memory_space<vmem>> -> memref<2000xi32, #tpu.memory_space<vmem>>
    %dma_wait3A_311 = arith.constant 0 : i32
    %dma_wait3A_312 = arith.constant 0 : i32
    %dma_wait3A_313 = tpu.memref_slice %arg2[%dma_wait3A_311, %dma_wait3A_312] : memref<10000x16xf32, #tpu.memory_space<hbm>> -> memref<10000x16xf32, #tpu.memory_space<hbm>>
    tpu.wait_indirect_dma semaphore(%arg11 : memref<!tpu.dma_semaphore, #tpu.memory_space<semaphore_mem>>) src(%dma_wait3A_313 : memref<10000x16xf32, #tpu.memory_space<hbm>>) dst(%dma_wait3A_307 : memref<2000x16xf32, #tpu.memory_space<vmem>>)
    %dma_start3A_314 = arith.constant 1 : i32
    %dma_start3A_315 = arith.constant 5 : i32
    %dma_start3A_316 = arith.constant 0 : i32
    %dma_start3A_317 = arith.constant 0 : i32
    %dma_start3A_318 = tpu.memref_slice %arg8[%dma_start3A_314, %dma_start3A_316, %dma_start3A_317] : memref<2x2000x16xf32, #tpu.memory_space<vmem>> -> memref<1x2000x16xf32, #tpu.memory_space<vmem>>
    %dma_start3A_319 = tpu.memref_squeeze %dma_start3A_318 : memref<1x2000x16xf32, #tpu.memory_space<vmem>> -> memref<2000x16xf32, #tpu.memory_space<vmem>>
    %dma_start3A_320 = arith.constant 0 : i32
    %dma_start3A_321 = tpu.memref_slice %arg7[%dma_start3A_315, %dma_start3A_320] : memref<10x2000xi32, #tpu.memory_space<vmem>> -> memref<1x2000xi32, #tpu.memory_space<vmem>>
    %dma_start3A_322 = tpu.memref_squeeze %dma_start3A_321 : memref<1x2000xi32, #tpu.memory_space<vmem>> -> memref<2000xi32, #tpu.memory_space<vmem>>
    %dma_start3A_323 = arith.constant 0 : i32
    %dma_start3A_324 = arith.constant 0 : i32
    %dma_start3A_325 = tpu.memref_slice %arg10[%dma_start3A_323, %dma_start3A_324] : memref<10240x16xf32, #tpu.memory_space<vmem_shared>> -> memref<10240x16xf32, #tpu.memory_space<vmem_shared>>
    tpu.enqueue_indirect_dma source(%dma_start3A_319 : memref<2000x16xf32, #tpu.memory_space<vmem>>) target(%dma_start3A_325 : memref<10240x16xf32, #tpu.memory_space<vmem_shared>>) offsets(%dma_start3A_322 : memref<2000xi32, #tpu.memory_space<vmem>>) semaphore(%arg12 : memref<!tpu.dma_semaphore, #tpu.memory_space<semaphore_mem>>) {add = true}
    %dma_wait3A_326 = arith.constant 1 : i32
    %dma_wait3A_327 = arith.constant 5 : i32
    %dma_wait3A_328 = arith.constant 0 : i32
    %dma_wait3A_329 = arith.constant 0 : i32
    %dma_wait3A_330 = tpu.memref_slice %arg8[%dma_wait3A_326, %dma_wait3A_328, %dma_wait3A_329] : memref<2x2000x16xf32, #tpu.memory_space<vmem>> -> memref<1x2000x16xf32, #tpu.memory_space<vmem>>
    %dma_wait3A_331 = tpu.memref_squeeze %dma_wait3A_330 : memref<1x2000x16xf32, #tpu.memory_space<vmem>> -> memref<2000x16xf32, #tpu.memory_space<vmem>>
    %dma_wait3A_332 = arith.constant 0 : i32
    %dma_wait3A_333 = tpu.memref_slice %arg7[%dma_wait3A_327, %dma_wait3A_332] : memref<10x2000xi32, #tpu.memory_space<vmem>> -> memref<1x2000xi32, #tpu.memory_space<vmem>>
    %dma_wait3A_334 = tpu.memref_squeeze %dma_wait3A_333 : memref<1x2000xi32, #tpu.memory_space<vmem>> -> memref<2000xi32, #tpu.memory_space<vmem>>
    %dma_wait3A_335 = arith.constant 0 : i32
    %dma_wait3A_336 = arith.constant 0 : i32
    %dma_wait3A_337 = tpu.memref_slice %arg10[%dma_wait3A_335, %dma_wait3A_336] : memref<10240x16xf32, #tpu.memory_space<vmem_shared>> -> memref<10240x16xf32, #tpu.memory_space<vmem_shared>>
    tpu.wait_indirect_dma semaphore(%arg12 : memref<!tpu.dma_semaphore, #tpu.memory_space<semaphore_mem>>) src(%dma_wait3A_331 : memref<2000x16xf32, #tpu.memory_space<vmem>>) dst(%dma_wait3A_337 : memref<10240x16xf32, #tpu.memory_space<vmem_shared>>)
    %dma_start3A_338 = arith.constant 7 : i32
    %dma_start3A_339 = arith.constant 1 : i32
    %dma_start3A_340 = arith.constant 0 : i32
    %dma_start3A_341 = arith.constant 0 : i32
    %dma_start3A_342 = tpu.memref_slice %arg8[%dma_start3A_339, %dma_start3A_340, %dma_start3A_341] : memref<2x2000x16xf32, #tpu.memory_space<vmem>> -> memref<1x2000x16xf32, #tpu.memory_space<vmem>>
    %dma_start3A_343 = tpu.memref_squeeze %dma_start3A_342 : memref<1x2000x16xf32, #tpu.memory_space<vmem>> -> memref<2000x16xf32, #tpu.memory_space<vmem>>
    %dma_start3A_344 = arith.constant 0 : i32
    %dma_start3A_345 = tpu.memref_slice %arg6[%dma_start3A_338, %dma_start3A_344] : memref<10x2000xi32, #tpu.memory_space<vmem>> -> memref<1x2000xi32, #tpu.memory_space<vmem>>
    %dma_start3A_346 = tpu.memref_squeeze %dma_start3A_345 : memref<1x2000xi32, #tpu.memory_space<vmem>> -> memref<2000xi32, #tpu.memory_space<vmem>>
    %dma_start3A_347 = arith.constant 0 : i32
    %dma_start3A_348 = arith.constant 0 : i32
    %dma_start3A_349 = tpu.memref_slice %arg2[%dma_start3A_347, %dma_start3A_348] : memref<10000x16xf32, #tpu.memory_space<hbm>> -> memref<10000x16xf32, #tpu.memory_space<hbm>>
    tpu.enqueue_indirect_dma source(%dma_start3A_349 : memref<10000x16xf32, #tpu.memory_space<hbm>>) target(%dma_start3A_343 : memref<2000x16xf32, #tpu.memory_space<vmem>>) offsets(%dma_start3A_346 : memref<2000xi32, #tpu.memory_space<vmem>>) semaphore(%arg11 : memref<!tpu.dma_semaphore, #tpu.memory_space<semaphore_mem>>)
    %dma_wait3A_350 = arith.constant 6 : i32
    %dma_wait3A_351 = arith.constant 0 : i32
    %dma_wait3A_352 = arith.constant 0 : i32
    %dma_wait3A_353 = arith.constant 0 : i32
    %dma_wait3A_354 = tpu.memref_slice %arg8[%dma_wait3A_351, %dma_wait3A_352, %dma_wait3A_353] : memref<2x2000x16xf32, #tpu.memory_space<vmem>> -> memref<1x2000x16xf32, #tpu.memory_space<vmem>>
    %dma_wait3A_355 = tpu.memref_squeeze %dma_wait3A_354 : memref<1x2000x16xf32, #tpu.memory_space<vmem>> -> memref<2000x16xf32, #tpu.memory_space<vmem>>
    %dma_wait3A_356 = arith.constant 0 : i32
    %dma_wait3A_357 = tpu.memref_slice %arg6[%dma_wait3A_350, %dma_wait3A_356] : memref<10x2000xi32, #tpu.memory_space<vmem>> -> memref<1x2000xi32, #tpu.memory_space<vmem>>
    %dma_wait3A_358 = tpu.memref_squeeze %dma_wait3A_357 : memref<1x2000xi32, #tpu.memory_space<vmem>> -> memref<2000xi32, #tpu.memory_space<vmem>>
    %dma_wait3A_359 = arith.constant 0 : i32
    %dma_wait3A_360 = arith.constant 0 : i32
    %dma_wait3A_361 = tpu.memref_slice %arg2[%dma_wait3A_359, %dma_wait3A_360] : memref<10000x16xf32, #tpu.memory_space<hbm>> -> memref<10000x16xf32, #tpu.memory_space<hbm>>
    tpu.wait_indirect_dma semaphore(%arg11 : memref<!tpu.dma_semaphore, #tpu.memory_space<semaphore_mem>>) src(%dma_wait3A_361 : memref<10000x16xf32, #tpu.memory_space<hbm>>) dst(%dma_wait3A_355 : memref<2000x16xf32, #tpu.memory_space<vmem>>)
    %dma_start3A_362 = arith.constant 0 : i32
    %dma_start3A_363 = arith.constant 6 : i32
    %dma_start3A_364 = arith.constant 0 : i32
    %dma_start3A_365 = arith.constant 0 : i32
    %dma_start3A_366 = tpu.memref_slice %arg8[%dma_start3A_362, %dma_start3A_364, %dma_start3A_365] : memref<2x2000x16xf32, #tpu.memory_space<vmem>> -> memref<1x2000x16xf32, #tpu.memory_space<vmem>>
    %dma_start3A_367 = tpu.memref_squeeze %dma_start3A_366 : memref<1x2000x16xf32, #tpu.memory_space<vmem>> -> memref<2000x16xf32, #tpu.memory_space<vmem>>
    %dma_start3A_368 = arith.constant 0 : i32
    %dma_start3A_369 = tpu.memref_slice %arg7[%dma_start3A_363, %dma_start3A_368] : memref<10x2000xi32, #tpu.memory_space<vmem>> -> memref<1x2000xi32, #tpu.memory_space<vmem>>
    %dma_start3A_370 = tpu.memref_squeeze %dma_start3A_369 : memref<1x2000xi32, #tpu.memory_space<vmem>> -> memref<2000xi32, #tpu.memory_space<vmem>>
    %dma_start3A_371 = arith.constant 0 : i32
    %dma_start3A_372 = arith.constant 0 : i32
    %dma_start3A_373 = tpu.memref_slice %arg10[%dma_start3A_371, %dma_start3A_372] : memref<10240x16xf32, #tpu.memory_space<vmem_shared>> -> memref<10240x16xf32, #tpu.memory_space<vmem_shared>>
    tpu.enqueue_indirect_dma source(%dma_start3A_367 : memref<2000x16xf32, #tpu.memory_space<vmem>>) target(%dma_start3A_373 : memref<10240x16xf32, #tpu.memory_space<vmem_shared>>) offsets(%dma_start3A_370 : memref<2000xi32, #tpu.memory_space<vmem>>) semaphore(%arg12 : memref<!tpu.dma_semaphore, #tpu.memory_space<semaphore_mem>>) {add = true}
    %dma_wait3A_374 = arith.constant 0 : i32
    %dma_wait3A_375 = arith.constant 6 : i32
    %dma_wait3A_376 = arith.constant 0 : i32
    %dma_wait3A_377 = arith.constant 0 : i32
    %dma_wait3A_378 = tpu.memref_slice %arg8[%dma_wait3A_374, %dma_wait3A_376, %dma_wait3A_377] : memref<2x2000x16xf32, #tpu.memory_space<vmem>> -> memref<1x2000x16xf32, #tpu.memory_space<vmem>>
    %dma_wait3A_379 = tpu.memref_squeeze %dma_wait3A_378 : memref<1x2000x16xf32, #tpu.memory_space<vmem>> -> memref<2000x16xf32, #tpu.memory_space<vmem>>
    %dma_wait3A_380 = arith.constant 0 : i32
    %dma_wait3A_381 = tpu.memref_slice %arg7[%dma_wait3A_375, %dma_wait3A_380] : memref<10x2000xi32, #tpu.memory_space<vmem>> -> memref<1x2000xi32, #tpu.memory_space<vmem>>
    %dma_wait3A_382 = tpu.memref_squeeze %dma_wait3A_381 : memref<1x2000xi32, #tpu.memory_space<vmem>> -> memref<2000xi32, #tpu.memory_space<vmem>>
    %dma_wait3A_383 = arith.constant 0 : i32
    %dma_wait3A_384 = arith.constant 0 : i32
    %dma_wait3A_385 = tpu.memref_slice %arg10[%dma_wait3A_383, %dma_wait3A_384] : memref<10240x16xf32, #tpu.memory_space<vmem_shared>> -> memref<10240x16xf32, #tpu.memory_space<vmem_shared>>
    tpu.wait_indirect_dma semaphore(%arg12 : memref<!tpu.dma_semaphore, #tpu.memory_space<semaphore_mem>>) src(%dma_wait3A_379 : memref<2000x16xf32, #tpu.memory_space<vmem>>) dst(%dma_wait3A_385 : memref<10240x16xf32, #tpu.memory_space<vmem_shared>>)
    %dma_start3A_386 = arith.constant 8 : i32
    %dma_start3A_387 = arith.constant 0 : i32
    %dma_start3A_388 = arith.constant 0 : i32
    %dma_start3A_389 = arith.constant 0 : i32
    %dma_start3A_390 = tpu.memref_slice %arg8[%dma_start3A_387, %dma_start3A_388, %dma_start3A_389] : memref<2x2000x16xf32, #tpu.memory_space<vmem>> -> memref<1x2000x16xf32, #tpu.memory_space<vmem>>
    %dma_start3A_391 = tpu.memref_squeeze %dma_start3A_390 : memref<1x2000x16xf32, #tpu.memory_space<vmem>> -> memref<2000x16xf32, #tpu.memory_space<vmem>>
    %dma_start3A_392 = arith.constant 0 : i32
    %dma_start3A_393 = tpu.memref_slice %arg6[%dma_start3A_386, %dma_start3A_392] : memref<10x2000xi32, #tpu.memory_space<vmem>> -> memref<1x2000xi32, #tpu.memory_space<vmem>>
    %dma_start3A_394 = tpu.memref_squeeze %dma_start3A_393 : memref<1x2000xi32, #tpu.memory_space<vmem>> -> memref<2000xi32, #tpu.memory_space<vmem>>
    %dma_start3A_395 = arith.constant 0 : i32
    %dma_start3A_396 = arith.constant 0 : i32
    %dma_start3A_397 = tpu.memref_slice %arg2[%dma_start3A_395, %dma_start3A_396] : memref<10000x16xf32, #tpu.memory_space<hbm>> -> memref<10000x16xf32, #tpu.memory_space<hbm>>
    tpu.enqueue_indirect_dma source(%dma_start3A_397 : memref<10000x16xf32, #tpu.memory_space<hbm>>) target(%dma_start3A_391 : memref<2000x16xf32, #tpu.memory_space<vmem>>) offsets(%dma_start3A_394 : memref<2000xi32, #tpu.memory_space<vmem>>) semaphore(%arg11 : memref<!tpu.dma_semaphore, #tpu.memory_space<semaphore_mem>>)
    %dma_wait3A_398 = arith.constant 7 : i32
    %dma_wait3A_399 = arith.constant 1 : i32
    %dma_wait3A_400 = arith.constant 0 : i32
    %dma_wait3A_401 = arith.constant 0 : i32
    %dma_wait3A_402 = tpu.memref_slice %arg8[%dma_wait3A_399, %dma_wait3A_400, %dma_wait3A_401] : memref<2x2000x16xf32, #tpu.memory_space<vmem>> -> memref<1x2000x16xf32, #tpu.memory_space<vmem>>
    %dma_wait3A_403 = tpu.memref_squeeze %dma_wait3A_402 : memref<1x2000x16xf32, #tpu.memory_space<vmem>> -> memref<2000x16xf32, #tpu.memory_space<vmem>>
    %dma_wait3A_404 = arith.constant 0 : i32
    %dma_wait3A_405 = tpu.memref_slice %arg6[%dma_wait3A_398, %dma_wait3A_404] : memref<10x2000xi32, #tpu.memory_space<vmem>> -> memref<1x2000xi32, #tpu.memory_space<vmem>>
    %dma_wait3A_406 = tpu.memref_squeeze %dma_wait3A_405 : memref<1x2000xi32, #tpu.memory_space<vmem>> -> memref<2000xi32, #tpu.memory_space<vmem>>
    %dma_wait3A_407 = arith.constant 0 : i32
    %dma_wait3A_408 = arith.constant 0 : i32
    %dma_wait3A_409 = tpu.memref_slice %arg2[%dma_wait3A_407, %dma_wait3A_408] : memref<10000x16xf32, #tpu.memory_space<hbm>> -> memref<10000x16xf32, #tpu.memory_space<hbm>>
    tpu.wait_indirect_dma semaphore(%arg11 : memref<!tpu.dma_semaphore, #tpu.memory_space<semaphore_mem>>) src(%dma_wait3A_409 : memref<10000x16xf32, #tpu.memory_space<hbm>>) dst(%dma_wait3A_403 : memref<2000x16xf32, #tpu.memory_space<vmem>>)
    %dma_start3A_410 = arith.constant 1 : i32
    %dma_start3A_411 = arith.constant 7 : i32
    %dma_start3A_412 = arith.constant 0 : i32
    %dma_start3A_413 = arith.constant 0 : i32
    %dma_start3A_414 = tpu.memref_slice %arg8[%dma_start3A_410, %dma_start3A_412, %dma_start3A_413] : memref<2x2000x16xf32, #tpu.memory_space<vmem>> -> memref<1x2000x16xf32, #tpu.memory_space<vmem>>
    %dma_start3A_415 = tpu.memref_squeeze %dma_start3A_414 : memref<1x2000x16xf32, #tpu.memory_space<vmem>> -> memref<2000x16xf32, #tpu.memory_space<vmem>>
    %dma_start3A_416 = arith.constant 0 : i32
    %dma_start3A_417 = tpu.memref_slice %arg7[%dma_start3A_411, %dma_start3A_416] : memref<10x2000xi32, #tpu.memory_space<vmem>> -> memref<1x2000xi32, #tpu.memory_space<vmem>>
    %dma_start3A_418 = tpu.memref_squeeze %dma_start3A_417 : memref<1x2000xi32, #tpu.memory_space<vmem>> -> memref<2000xi32, #tpu.memory_space<vmem>>
    %dma_start3A_419 = arith.constant 0 : i32
    %dma_start3A_420 = arith.constant 0 : i32
    %dma_start3A_421 = tpu.memref_slice %arg10[%dma_start3A_419, %dma_start3A_420] : memref<10240x16xf32, #tpu.memory_space<vmem_shared>> -> memref<10240x16xf32, #tpu.memory_space<vmem_shared>>
    tpu.enqueue_indirect_dma source(%dma_start3A_415 : memref<2000x16xf32, #tpu.memory_space<vmem>>) target(%dma_start3A_421 : memref<10240x16xf32, #tpu.memory_space<vmem_shared>>) offsets(%dma_start3A_418 : memref<2000xi32, #tpu.memory_space<vmem>>) semaphore(%arg12 : memref<!tpu.dma_semaphore, #tpu.memory_space<semaphore_mem>>) {add = true}
    %dma_wait3A_422 = arith.constant 1 : i32
    %dma_wait3A_423 = arith.constant 7 : i32
    %dma_wait3A_424 = arith.constant 0 : i32
    %dma_wait3A_425 = arith.constant 0 : i32
    %dma_wait3A_426 = tpu.memref_slice %arg8[%dma_wait3A_422, %dma_wait3A_424, %dma_wait3A_425] : memref<2x2000x16xf32, #tpu.memory_space<vmem>> -> memref<1x2000x16xf32, #tpu.memory_space<vmem>>
    %dma_wait3A_427 = tpu.memref_squeeze %dma_wait3A_426 : memref<1x2000x16xf32, #tpu.memory_space<vmem>> -> memref<2000x16xf32, #tpu.memory_space<vmem>>
    %dma_wait3A_428 = arith.constant 0 : i32
    %dma_wait3A_429 = tpu.memref_slice %arg7[%dma_wait3A_423, %dma_wait3A_428] : memref<10x2000xi32, #tpu.memory_space<vmem>> -> memref<1x2000xi32, #tpu.memory_space<vmem>>
    %dma_wait3A_430 = tpu.memref_squeeze %dma_wait3A_429 : memref<1x2000xi32, #tpu.memory_space<vmem>> -> memref<2000xi32, #tpu.memory_space<vmem>>
    %dma_wait3A_431 = arith.constant 0 : i32
    %dma_wait3A_432 = arith.constant 0 : i32
    %dma_wait3A_433 = tpu.memref_slice %arg10[%dma_wait3A_431, %dma_wait3A_432] : memref<10240x16xf32, #tpu.memory_space<vmem_shared>> -> memref<10240x16xf32, #tpu.memory_space<vmem_shared>>
    tpu.wait_indirect_dma semaphore(%arg12 : memref<!tpu.dma_semaphore, #tpu.memory_space<semaphore_mem>>) src(%dma_wait3A_427 : memref<2000x16xf32, #tpu.memory_space<vmem>>) dst(%dma_wait3A_433 : memref<10240x16xf32, #tpu.memory_space<vmem_shared>>)
    %dma_start3A_434 = arith.constant 9 : i32
    %dma_start3A_435 = arith.constant 1 : i32
    %dma_start3A_436 = arith.constant 0 : i32
    %dma_start3A_437 = arith.constant 0 : i32
    %dma_start3A_438 = tpu.memref_slice %arg8[%dma_start3A_435, %dma_start3A_436, %dma_start3A_437] : memref<2x2000x16xf32, #tpu.memory_space<vmem>> -> memref<1x2000x16xf32, #tpu.memory_space<vmem>>
    %dma_start3A_439 = tpu.memref_squeeze %dma_start3A_438 : memref<1x2000x16xf32, #tpu.memory_space<vmem>> -> memref<2000x16xf32, #tpu.memory_space<vmem>>
    %dma_start3A_440 = arith.constant 0 : i32
    %dma_start3A_441 = tpu.memref_slice %arg6[%dma_start3A_434, %dma_start3A_440] : memref<10x2000xi32, #tpu.memory_space<vmem>> -> memref<1x2000xi32, #tpu.memory_space<vmem>>
    %dma_start3A_442 = tpu.memref_squeeze %dma_start3A_441 : memref<1x2000xi32, #tpu.memory_space<vmem>> -> memref<2000xi32, #tpu.memory_space<vmem>>
    %dma_start3A_443 = arith.constant 0 : i32
    %dma_start3A_444 = arith.constant 0 : i32
    %dma_start3A_445 = tpu.memref_slice %arg2[%dma_start3A_443, %dma_start3A_444] : memref<10000x16xf32, #tpu.memory_space<hbm>> -> memref<10000x16xf32, #tpu.memory_space<hbm>>
    tpu.enqueue_indirect_dma source(%dma_start3A_445 : memref<10000x16xf32, #tpu.memory_space<hbm>>) target(%dma_start3A_439 : memref<2000x16xf32, #tpu.memory_space<vmem>>) offsets(%dma_start3A_442 : memref<2000xi32, #tpu.memory_space<vmem>>) semaphore(%arg11 : memref<!tpu.dma_semaphore, #tpu.memory_space<semaphore_mem>>)
    %dma_wait3A_446 = arith.constant 8 : i32
    %dma_wait3A_447 = arith.constant 0 : i32
    %dma_wait3A_448 = arith.constant 0 : i32
    %dma_wait3A_449 = arith.constant 0 : i32
    %dma_wait3A_450 = tpu.memref_slice %arg8[%dma_wait3A_447, %dma_wait3A_448, %dma_wait3A_449] : memref<2x2000x16xf32, #tpu.memory_space<vmem>> -> memref<1x2000x16xf32, #tpu.memory_space<vmem>>
    %dma_wait3A_451 = tpu.memref_squeeze %dma_wait3A_450 : memref<1x2000x16xf32, #tpu.memory_space<vmem>> -> memref<2000x16xf32, #tpu.memory_space<vmem>>
    %dma_wait3A_452 = arith.constant 0 : i32
    %dma_wait3A_453 = tpu.memref_slice %arg6[%dma_wait3A_446, %dma_wait3A_452] : memref<10x2000xi32, #tpu.memory_space<vmem>> -> memref<1x2000xi32, #tpu.memory_space<vmem>>
    %dma_wait3A_454 = tpu.memref_squeeze %dma_wait3A_453 : memref<1x2000xi32, #tpu.memory_space<vmem>> -> memref<2000xi32, #tpu.memory_space<vmem>>
    %dma_wait3A_455 = arith.constant 0 : i32
    %dma_wait3A_456 = arith.constant 0 : i32
    %dma_wait3A_457 = tpu.memref_slice %arg2[%dma_wait3A_455, %dma_wait3A_456] : memref<10000x16xf32, #tpu.memory_space<hbm>> -> memref<10000x16xf32, #tpu.memory_space<hbm>>
    tpu.wait_indirect_dma semaphore(%arg11 : memref<!tpu.dma_semaphore, #tpu.memory_space<semaphore_mem>>) src(%dma_wait3A_457 : memref<10000x16xf32, #tpu.memory_space<hbm>>) dst(%dma_wait3A_451 : memref<2000x16xf32, #tpu.memory_space<vmem>>)
    %dma_start3A_458 = arith.constant 0 : i32
    %dma_start3A_459 = arith.constant 8 : i32
    %dma_start3A_460 = arith.constant 0 : i32
    %dma_start3A_461 = arith.constant 0 : i32
    %dma_start3A_462 = tpu.memref_slice %arg8[%dma_start3A_458, %dma_start3A_460, %dma_start3A_461] : memref<2x2000x16xf32, #tpu.memory_space<vmem>> -> memref<1x2000x16xf32, #tpu.memory_space<vmem>>
    %dma_start3A_463 = tpu.memref_squeeze %dma_start3A_462 : memref<1x2000x16xf32, #tpu.memory_space<vmem>> -> memref<2000x16xf32, #tpu.memory_space<vmem>>
    %dma_start3A_464 = arith.constant 0 : i32
    %dma_start3A_465 = tpu.memref_slice %arg7[%dma_start3A_459, %dma_start3A_464] : memref<10x2000xi32, #tpu.memory_space<vmem>> -> memref<1x2000xi32, #tpu.memory_space<vmem>>
    %dma_start3A_466 = tpu.memref_squeeze %dma_start3A_465 : memref<1x2000xi32, #tpu.memory_space<vmem>> -> memref<2000xi32, #tpu.memory_space<vmem>>
    %dma_start3A_467 = arith.constant 0 : i32
    %dma_start3A_468 = arith.constant 0 : i32
    %dma_start3A_469 = tpu.memref_slice %arg10[%dma_start3A_467, %dma_start3A_468] : memref<10240x16xf32, #tpu.memory_space<vmem_shared>> -> memref<10240x16xf32, #tpu.memory_space<vmem_shared>>
    tpu.enqueue_indirect_dma source(%dma_start3A_463 : memref<2000x16xf32, #tpu.memory_space<vmem>>) target(%dma_start3A_469 : memref<10240x16xf32, #tpu.memory_space<vmem_shared>>) offsets(%dma_start3A_466 : memref<2000xi32, #tpu.memory_space<vmem>>) semaphore(%arg12 : memref<!tpu.dma_semaphore, #tpu.memory_space<semaphore_mem>>) {add = true}
    %dma_wait3A_470 = arith.constant 0 : i32
    %dma_wait3A_471 = arith.constant 8 : i32
    %dma_wait3A_472 = arith.constant 0 : i32
    %dma_wait3A_473 = arith.constant 0 : i32
    %dma_wait3A_474 = tpu.memref_slice %arg8[%dma_wait3A_470, %dma_wait3A_472, %dma_wait3A_473] : memref<2x2000x16xf32, #tpu.memory_space<vmem>> -> memref<1x2000x16xf32, #tpu.memory_space<vmem>>
    %dma_wait3A_475 = tpu.memref_squeeze %dma_wait3A_474 : memref<1x2000x16xf32, #tpu.memory_space<vmem>> -> memref<2000x16xf32, #tpu.memory_space<vmem>>
    %dma_wait3A_476 = arith.constant 0 : i32
    %dma_wait3A_477 = tpu.memref_slice %arg7[%dma_wait3A_471, %dma_wait3A_476] : memref<10x2000xi32, #tpu.memory_space<vmem>> -> memref<1x2000xi32, #tpu.memory_space<vmem>>
    %dma_wait3A_478 = tpu.memref_squeeze %dma_wait3A_477 : memref<1x2000xi32, #tpu.memory_space<vmem>> -> memref<2000xi32, #tpu.memory_space<vmem>>
    %dma_wait3A_479 = arith.constant 0 : i32
    %dma_wait3A_480 = arith.constant 0 : i32
    %dma_wait3A_481 = tpu.memref_slice %arg10[%dma_wait3A_479, %dma_wait3A_480] : memref<10240x16xf32, #tpu.memory_space<vmem_shared>> -> memref<10240x16xf32, #tpu.memory_space<vmem_shared>>
    tpu.wait_indirect_dma semaphore(%arg12 : memref<!tpu.dma_semaphore, #tpu.memory_space<semaphore_mem>>) src(%dma_wait3A_475 : memref<2000x16xf32, #tpu.memory_space<vmem>>) dst(%dma_wait3A_481 : memref<10240x16xf32, #tpu.memory_space<vmem_shared>>)
    %dma_wait3A_482 = arith.constant 9 : i32
    %dma_wait3A_483 = arith.constant 1 : i32
    %dma_wait3A_484 = arith.constant 0 : i32
    %dma_wait3A_485 = arith.constant 0 : i32
    %dma_wait3A_486 = tpu.memref_slice %arg8[%dma_wait3A_483, %dma_wait3A_484, %dma_wait3A_485] : memref<2x2000x16xf32, #tpu.memory_space<vmem>> -> memref<1x2000x16xf32, #tpu.memory_space<vmem>>
    %dma_wait3A_487 = tpu.memref_squeeze %dma_wait3A_486 : memref<1x2000x16xf32, #tpu.memory_space<vmem>> -> memref<2000x16xf32, #tpu.memory_space<vmem>>
    %dma_wait3A_488 = arith.constant 0 : i32
    %dma_wait3A_489 = tpu.memref_slice %arg6[%dma_wait3A_482, %dma_wait3A_488] : memref<10x2000xi32, #tpu.memory_space<vmem>> -> memref<1x2000xi32, #tpu.memory_space<vmem>>
    %dma_wait3A_490 = tpu.memref_squeeze %dma_wait3A_489 : memref<1x2000xi32, #tpu.memory_space<vmem>> -> memref<2000xi32, #tpu.memory_space<vmem>>
    %dma_wait3A_491 = arith.constant 0 : i32
    %dma_wait3A_492 = arith.constant 0 : i32
    %dma_wait3A_493 = tpu.memref_slice %arg2[%dma_wait3A_491, %dma_wait3A_492] : memref<10000x16xf32, #tpu.memory_space<hbm>> -> memref<10000x16xf32, #tpu.memory_space<hbm>>
    tpu.wait_indirect_dma semaphore(%arg11 : memref<!tpu.dma_semaphore, #tpu.memory_space<semaphore_mem>>) src(%dma_wait3A_493 : memref<10000x16xf32, #tpu.memory_space<hbm>>) dst(%dma_wait3A_487 : memref<2000x16xf32, #tpu.memory_space<vmem>>)
    %dma_start3A_494 = arith.constant 1 : i32
    %dma_start3A_495 = arith.constant 9 : i32
    %dma_start3A_496 = arith.constant 0 : i32
    %dma_start3A_497 = arith.constant 0 : i32
    %dma_start3A_498 = tpu.memref_slice %arg8[%dma_start3A_494, %dma_start3A_496, %dma_start3A_497] : memref<2x2000x16xf32, #tpu.memory_space<vmem>> -> memref<1x2000x16xf32, #tpu.memory_space<vmem>>
    %dma_start3A_499 = tpu.memref_squeeze %dma_start3A_498 : memref<1x2000x16xf32, #tpu.memory_space<vmem>> -> memref<2000x16xf32, #tpu.memory_space<vmem>>
    %dma_start3A_500 = arith.constant 0 : i32
    %dma_start3A_501 = tpu.memref_slice %arg7[%dma_start3A_495, %dma_start3A_500] : memref<10x2000xi32, #tpu.memory_space<vmem>> -> memref<1x2000xi32, #tpu.memory_space<vmem>>
    %dma_start3A_502 = tpu.memref_squeeze %dma_start3A_501 : memref<1x2000xi32, #tpu.memory_space<vmem>> -> memref<2000xi32, #tpu.memory_space<vmem>>
    %dma_start3A_503 = arith.constant 0 : i32
    %dma_start3A_504 = arith.constant 0 : i32
    %dma_start3A_505 = tpu.memref_slice %arg10[%dma_start3A_503, %dma_start3A_504] : memref<10240x16xf32, #tpu.memory_space<vmem_shared>> -> memref<10240x16xf32, #tpu.memory_space<vmem_shared>>
    tpu.enqueue_indirect_dma source(%dma_start3A_499 : memref<2000x16xf32, #tpu.memory_space<vmem>>) target(%dma_start3A_505 : memref<10240x16xf32, #tpu.memory_space<vmem_shared>>) offsets(%dma_start3A_502 : memref<2000xi32, #tpu.memory_space<vmem>>) semaphore(%arg12 : memref<!tpu.dma_semaphore, #tpu.memory_space<semaphore_mem>>) {add = true}
    %dma_wait3A_506 = arith.constant 1 : i32
    %dma_wait3A_507 = arith.constant 9 : i32
    %dma_wait3A_508 = arith.constant 0 : i32
    %dma_wait3A_509 = arith.constant 0 : i32
    %dma_wait3A_510 = tpu.memref_slice %arg8[%dma_wait3A_506, %dma_wait3A_508, %dma_wait3A_509] : memref<2x2000x16xf32, #tpu.memory_space<vmem>> -> memref<1x2000x16xf32, #tpu.memory_space<vmem>>
    %dma_wait3A_511 = tpu.memref_squeeze %dma_wait3A_510 : memref<1x2000x16xf32, #tpu.memory_space<vmem>> -> memref<2000x16xf32, #tpu.memory_space<vmem>>
    %dma_wait3A_512 = arith.constant 0 : i32
    %dma_wait3A_513 = tpu.memref_slice %arg7[%dma_wait3A_507, %dma_wait3A_512] : memref<10x2000xi32, #tpu.memory_space<vmem>> -> memref<1x2000xi32, #tpu.memory_space<vmem>>
    %dma_wait3A_514 = tpu.memref_squeeze %dma_wait3A_513 : memref<1x2000xi32, #tpu.memory_space<vmem>> -> memref<2000xi32, #tpu.memory_space<vmem>>
    %dma_wait3A_515 = arith.constant 0 : i32
    %dma_wait3A_516 = arith.constant 0 : i32
    %dma_wait3A_517 = tpu.memref_slice %arg10[%dma_wait3A_515, %dma_wait3A_516] : memref<10240x16xf32, #tpu.memory_space<vmem_shared>> -> memref<10240x16xf32, #tpu.memory_space<vmem_shared>>
    tpu.wait_indirect_dma semaphore(%arg12 : memref<!tpu.dma_semaphore, #tpu.memory_space<semaphore_mem>>) src(%dma_wait3A_511 : memref<2000x16xf32, #tpu.memory_space<vmem>>) dst(%dma_wait3A_517 : memref<10240x16xf32, #tpu.memory_space<vmem_shared>>)
    %barrier3A_518 = arith.constant 0 : index
    tpu.barrier barrier_id(%barrier3A_518)
    %mul3A_519 = arith.constant 640 : i32
    %mul3A_520 = arith.muli %arg1, %mul3A_519 : i32
    "tpu.region"() ({
      %run_scoped3A = tpu.sem_alloc : memref<!tpu.dma_semaphore, #tpu.memory_space<semaphore_mem>>
      %dma_start3A_523 = arith.constant 0 : i32
      %dma_start3A_524 = tpu.memref_slice %arg10[%mul3A_520, %dma_start3A_523] : memref<10240x16xf32, #tpu.memory_space<vmem_shared>> -> memref<640x16xf32, #tpu.memory_space<vmem_shared>>
      %dma_start3A_525 = arith.constant 0 : i32
      %dma_start3A_526 = tpu.memref_slice %arg10[%mul3A_520, %dma_start3A_525] : memref<10240x16xf32, #tpu.memory_space<vmem_shared>> -> memref<640x16xf32, #tpu.memory_space<vmem_shared>>
      tpu.enqueue_dma source(%dma_start3A_526 : memref<640x16xf32, #tpu.memory_space<vmem_shared>>) target(%arg9 : memref<640x16xf32, #tpu.memory_space<vmem>>) target_semaphore(%run_scoped3A : memref<!tpu.dma_semaphore, #tpu.memory_space<semaphore_mem>>)
      %dma_wait3A_527 = arith.constant 0 : i32
      %dma_wait3A_528 = tpu.memref_slice %arg10[%mul3A_520, %dma_wait3A_527] : memref<10240x16xf32, #tpu.memory_space<vmem_shared>> -> memref<640x16xf32, #tpu.memory_space<vmem_shared>>
      %dma_wait3A_529 = arith.constant 0 : i32
      %dma_wait3A_530 = tpu.memref_slice %arg10[%mul3A_520, %dma_wait3A_529] : memref<10240x16xf32, #tpu.memory_space<vmem_shared>> -> memref<640x16xf32, #tpu.memory_space<vmem_shared>>
      tpu.wait_dma2 semaphore(%run_scoped3A : memref<!tpu.dma_semaphore, #tpu.memory_space<semaphore_mem>>) src(%dma_wait3A_530 : memref<640x16xf32, #tpu.memory_space<vmem_shared>>) dst(%arg9 : memref<640x16xf32, #tpu.memory_space<vmem>>)
      tpu.yield
    }) : () -> ()
    %mul3A_521 = arith.constant 640 : i32
    %mul3A_522 = arith.muli %arg1, %mul3A_521 : i32
    "tpu.region"() ({
      %run_scoped3A = tpu.sem_alloc : memref<!tpu.dma_semaphore, #tpu.memory_space<semaphore_mem>>
      %dma_start3A_523 = arith.constant 0 : i32
      %dma_start3A_524 = arith.constant 0 : i32
      %dma_start3A_525 = tpu.memref_slice %arg5[%arg0, %dma_start3A_523, %dma_start3A_524] : memref<2x10240x16xf32, #tpu.memory_space<hbm>> -> memref<1x10240x16xf32, #tpu.memory_space<hbm>>
      %dma_start3A_526 = tpu.memref_squeeze %dma_start3A_525 : memref<1x10240x16xf32, #tpu.memory_space<hbm>> -> memref<10240x16xf32, #tpu.memory_space<hbm>>
      %dma_start3A_527 = arith.constant 0 : i32
      %dma_start3A_528 = tpu.memref_slice %dma_start3A_526[%mul3A_522, %dma_start3A_527] : memref<10240x16xf32, #tpu.memory_space<hbm>> -> memref<640x16xf32, #tpu.memory_space<hbm>>
      %dma_start3A_529 = arith.constant 0 : i32
      %dma_start3A_530 = arith.constant 0 : i32
      %dma_start3A_531 = tpu.memref_slice %arg5[%arg0, %dma_start3A_529, %dma_start3A_530] : memref<2x10240x16xf32, #tpu.memory_space<hbm>> -> memref<1x10240x16xf32, #tpu.memory_space<hbm>>
      %dma_start3A_532 = tpu.memref_squeeze %dma_start3A_531 : memref<1x10240x16xf32, #tpu.memory_space<hbm>> -> memref<10240x16xf32, #tpu.memory_space<hbm>>
      %dma_start3A_533 = arith.constant 0 : i32
      %dma_start3A_534 = tpu.memref_slice %dma_start3A_532[%mul3A_522, %dma_start3A_533] : memref<10240x16xf32, #tpu.memory_space<hbm>> -> memref<640x16xf32, #tpu.memory_space<hbm>>
      tpu.enqueue_dma source(%arg9 : memref<640x16xf32, #tpu.memory_space<vmem>>) target(%dma_start3A_534 : memref<640x16xf32, #tpu.memory_space<hbm>>) target_semaphore(%run_scoped3A : memref<!tpu.dma_semaphore, #tpu.memory_space<semaphore_mem>>)
      %dma_wait3A_535 = arith.constant 0 : i32
      %dma_wait3A_536 = arith.constant 0 : i32
      %dma_wait3A_537 = tpu.memref_slice %arg5[%arg0, %dma_wait3A_535, %dma_wait3A_536] : memref<2x10240x16xf32, #tpu.memory_space<hbm>> -> memref<1x10240x16xf32, #tpu.memory_space<hbm>>
      %dma_wait3A_538 = tpu.memref_squeeze %dma_wait3A_537 : memref<1x10240x16xf32, #tpu.memory_space<hbm>> -> memref<10240x16xf32, #tpu.memory_space<hbm>>
      %dma_wait3A_539 = arith.constant 0 : i32
      %dma_wait3A_540 = tpu.memref_slice %dma_wait3A_538[%mul3A_522, %dma_wait3A_539] : memref<10240x16xf32, #tpu.memory_space<hbm>> -> memref<640x16xf32, #tpu.memory_space<hbm>>
      %dma_wait3A_541 = arith.constant 0 : i32
      %dma_wait3A_542 = arith.constant 0 : i32
      %dma_wait3A_543 = tpu.memref_slice %arg5[%arg0, %dma_wait3A_541, %dma_wait3A_542] : memref<2x10240x16xf32, #tpu.memory_space<hbm>> -> memref<1x10240x16xf32, #tpu.memory_space<hbm>>
      %dma_wait3A_544 = tpu.memref_squeeze %dma_wait3A_543 : memref<1x10240x16xf32, #tpu.memory_space<hbm>> -> memref<10240x16xf32, #tpu.memory_space<hbm>>
      %dma_wait3A_545 = arith.constant 0 : i32
      %dma_wait3A_546 = tpu.memref_slice %dma_wait3A_544[%mul3A_522, %dma_wait3A_545] : memref<10240x16xf32, #tpu.memory_space<hbm>> -> memref<640x16xf32, #tpu.memory_space<hbm>>
      tpu.wait_dma2 semaphore(%run_scoped3A : memref<!tpu.dma_semaphore, #tpu.memory_space<semaphore_mem>>) src(%arg9 : memref<640x16xf32, #tpu.memory_space<vmem>>) dst(%dma_wait3A_546 : memref<640x16xf32, #tpu.memory_space<hbm>>)
      tpu.yield
    }) : () -> ()
    return
  }
}

#map = affine_map<(d0, d1) -> (0, 0)>
#map1 = affine_map<(d0, d1) -> (0, 0, 0)>
module attributes {stable_mosaic.version = 14 : i64} {
  func.func @_sc_layer(%arg0: i32, %arg1: i32, %arg2: memref<10000x16xf32, #tpu.memory_space<hbm>>, %arg3: memref<32x10x2000xi32, #tpu.memory_space<hbm>>, %arg4: memref<32x10x2000xi32, #tpu.memory_space<hbm>>, %arg5: memref<2x10240x16xf32, #tpu.memory_space<hbm>>, %arg6: memref<10x2000xi32, #tpu.memory_space<vmem>>, %arg7: memref<10x2000xi32, #tpu.memory_space<vmem>>, %arg8: memref<2x2000x16xf32, #tpu.memory_space<vmem>>, %arg9: memref<640x16xf32, #tpu.memory_space<vmem>>, %arg10: memref<10240x16xf32, #tpu.memory_space<vmem_shared>>, %arg11: memref<!tpu.dma_semaphore, #tpu.memory_space<semaphore_mem>>, %arg12: memref<!tpu.dma_semaphore, #tpu.memory_space<semaphore_mem>>) attributes {dimension_semantics = [#tpu.dimension_semantics<core_parallel>, #tpu.dimension_semantics<subcore_parallel>], iteration_bounds = array<i64: 2, 16>, scalar_prefetch = 0 : i64, scratch_operands = 7 : i64, tpu.core_type = #tpu.core_type<sc_vector_subcore>, window_params = [{transform_indices = #map}, {transform_indices = #map1}, {transform_indices = #map1}, {transform_indices = #map1}]} {
    %mul3A = arith.constant 16 : i32
    %mul3A_0 = arith.muli %arg0, %mul3A : i32
    %add3A = arith.addi %mul3A_0, %arg1 : i32
    %dma_start3A = arith.constant 0 : i32
    %dma_start3A_1 = arith.constant 0 : i32
    %dma_start3A_2 = tpu.memref_slice %arg3[%add3A, %dma_start3A, %dma_start3A_1] : memref<32x10x2000xi32, #tpu.memory_space<hbm>> -> memref<1x10x2000xi32, #tpu.memory_space<hbm>>
    %dma_start3A_3 = tpu.memref_squeeze %dma_start3A_2 : memref<1x10x2000xi32, #tpu.memory_space<hbm>> -> memref<10x2000xi32, #tpu.memory_space<hbm>>
    %dma_start3A_4 = arith.constant 0 : i32
    %dma_start3A_5 = arith.constant 0 : i32
    %dma_start3A_6 = tpu.memref_slice %arg3[%add3A, %dma_start3A_4, %dma_start3A_5] : memref<32x10x2000xi32, #tpu.memory_space<hbm>> -> memref<1x10x2000xi32, #tpu.memory_space<hbm>>
    %dma_start3A_7 = tpu.memref_squeeze %dma_start3A_6 : memref<1x10x2000xi32, #tpu.memory_space<hbm>> -> memref<10x2000xi32, #tpu.memory_space<hbm>>
    tpu.enqueue_dma source(%dma_start3A_7 : memref<10x2000xi32, #tpu.memory_space<hbm>>) target(%arg6 : memref<10x2000xi32, #tpu.memory_space<vmem>>) target_semaphore(%arg11 : memref<!tpu.dma_semaphore, #tpu.memory_space<semaphore_mem>>)
    %dma_start3A_8 = arith.constant 0 : i32
    %dma_start3A_9 = arith.constant 0 : i32
    %dma_start3A_10 = tpu.memref_slice %arg4[%add3A, %dma_start3A_8, %dma_start3A_9] : memref<32x10x2000xi32, #tpu.memory_space<hbm>> -> memref<1x10x2000xi32, #tpu.memory_space<hbm>>
    %dma_start3A_11 = tpu.memref_squeeze %dma_start3A_10 : memref<1x10x2000xi32, #tpu.memory_space<hbm>> -> memref<10x2000xi32, #tpu.memory_space<hbm>>
    %dma_start3A_12 = arith.constant 0 : i32
    %dma_start3A_13 = arith.constant 0 : i32
    %dma_start3A_14 = tpu.memref_slice %arg4[%add3A, %dma_start3A_12, %dma_start3A_13] : memref<32x10x2000xi32, #tpu.memory_space<hbm>> -> memref<1x10x2000xi32, #tpu.memory_space<hbm>>
    %dma_start3A_15 = tpu.memref_squeeze %dma_start3A_14 : memref<1x10x2000xi32, #tpu.memory_space<hbm>> -> memref<10x2000xi32, #tpu.memory_space<hbm>>
    tpu.enqueue_dma source(%dma_start3A_15 : memref<10x2000xi32, #tpu.memory_space<hbm>>) target(%arg7 : memref<10x2000xi32, #tpu.memory_space<vmem>>) target_semaphore(%arg11 : memref<!tpu.dma_semaphore, #tpu.memory_space<semaphore_mem>>)
    %scan3A = arith.constant 0 : i32
    %scan3A_16 = arith.constant 0 : i32
    %scan3A_17 = arith.constant 640 : i32
    %scan3A_18 = arith.addi %scan3A_16, %scan3A_17 : i32
    %scan3A_19 = arith.constant 1 : i32
    scf.for %scan3A_523 = %scan3A_16 to %scan3A_18 step %scan3A_19  : i32 {
      %broadcast_in_dim3A = arith.constant 0.000000e+00 : f32
      %broadcast_in_dim3A_524 = vector.broadcast %broadcast_in_dim3A : f32 to vector<16xf32>
      %swap3A = arith.index_cast %scan3A_523 : i32 to index
      %swap3A_525 = arith.constant 0 : index
      %swap3A_526 = tpu.vector_load %arg9[%swap3A, %swap3A_525] {strides = array<i32>} : memref<640x16xf32, #tpu.memory_space<vmem>>, vector<1x16xf32>,
      %swap3A_527 = vector.shape_cast %swap3A_526 : vector<1x16xf32> to vector<16xf32>
      %swap3A_528 = vector.shape_cast %broadcast_in_dim3A_524 : vector<16xf32> to vector<1x16xf32>
      tpu.vector_store %arg9[%swap3A, %swap3A_525], %swap3A_528 {strides = array<i32>} : memref<640x16xf32, #tpu.memory_space<vmem>>, vector<1x16xf32>,
    }
    %scan3A_20 = arith.constant 640 : i32
    %mul3A_21 = arith.constant 640 : i32
    %mul3A_22 = arith.muli %arg1, %mul3A_21 : i32
    "tpu.region"() ({
      %run_scoped3A = tpu.sem_alloc : memref<!tpu.dma_semaphore, #tpu.memory_space<semaphore_mem>>
      %dma_start3A_523 = arith.constant 0 : i32
      %dma_start3A_524 = tpu.memref_slice %arg10[%mul3A_22, %dma_start3A_523] : memref<10240x16xf32, #tpu.memory_space<vmem_shared>> -> memref<640x16xf32, #tpu.memory_space<vmem_shared>>
      %dma_start3A_525 = arith.constant 0 : i32
      %dma_start3A_526 = tpu.memref_slice %arg10[%mul3A_22, %dma_start3A_525] : memref<10240x16xf32, #tpu.memory_space<vmem_shared>> -> memref<640x16xf32, #tpu.memory_space<vmem_shared>>
      tpu.enqueue_dma source(%arg9 : memref<640x16xf32, #tpu.memory_space<vmem>>) target(%dma_start3A_526 : memref<640x16xf32, #tpu.memory_space<vmem_shared>>) target_semaphore(%run_scoped3A : memref<!tpu.dma_semaphore, #tpu.memory_space<semaphore_mem>>)
      %dma_wait3A_527 = arith.constant 0 : i32
      %dma_wait3A_528 = tpu.memref_slice %arg10[%mul3A_22, %dma_wait3A_527] : memref<10240x16xf32, #tpu.memory_space<vmem_shared>> -> memref<640x16xf32, #tpu.memory_space<vmem_shared>>
      %dma_wait3A_529 = arith.constant 0 : i32
      %dma_wait3A_530 = tpu.memref_slice %arg10[%mul3A_22, %dma_wait3A_529] : memref<10240x16xf32, #tpu.memory_space<vmem_shared>> -> memref<640x16xf32, #tpu.memory_space<vmem_shared>>
      tpu.wait_dma2 semaphore(%run_scoped3A : memref<!tpu.dma_semaphore, #tpu.memory_space<semaphore_mem>>) src(%arg9 : memref<640x16xf32, #tpu.memory_space<vmem>>) dst(%dma_wait3A_530 : memref<640x16xf32, #tpu.memory_space<vmem_shared>>)
      tpu.yield
    }) : () -> ()
    %dma_wait3A = arith.constant 0 : i32
    %dma_wait3A_23 = arith.constant 0 : i32
    %dma_wait3A_24 = tpu.memref_slice %arg3[%add3A, %dma_wait3A, %dma_wait3A_23] : memref<32x10x2000xi32, #tpu.memory_space<hbm>> -> memref<1x10x2000xi32, #tpu.memory_space<hbm>>
    %dma_wait3A_25 = tpu.memref_squeeze %dma_wait3A_24 : memref<1x10x2000xi32, #tpu.memory_space<hbm>> -> memref<10x2000xi32, #tpu.memory_space<hbm>>
    %dma_wait3A_26 = arith.constant 0 : i32
    %dma_wait3A_27 = arith.constant 0 : i32
    %dma_wait3A_28 = tpu.memref_slice %arg3[%add3A, %dma_wait3A_26, %dma_wait3A_27] : memref<32x10x2000xi32, #tpu.memory_space<hbm>> -> memref<1x10x2000xi32, #tpu.memory_space<hbm>>
    %dma_wait3A_29 = tpu.memref_squeeze %dma_wait3A_28 : memref<1x10x2000xi32, #tpu.memory_space<hbm>> -> memref<10x2000xi32, #tpu.memory_space<hbm>>
    tpu.wait_dma2 semaphore(%arg11 : memref<!tpu.dma_semaphore, #tpu.memory_space<semaphore_mem>>) src(%dma_wait3A_29 : memref<10x2000xi32, #tpu.memory_space<hbm>>) dst(%arg6 : memref<10x2000xi32, #tpu.memory_space<vmem>>)
    %dma_wait3A_30 = arith.constant 0 : i32
    %dma_wait3A_31 = arith.constant 0 : i32
    %dma_wait3A_32 = tpu.memref_slice %arg4[%add3A, %dma_wait3A_30, %dma_wait3A_31] : memref<32x10x2000xi32, #tpu.memory_space<hbm>> -> memref<1x10x2000xi32, #tpu.memory_space<hbm>>
    %dma_wait3A_33 = tpu.memref_squeeze %dma_wait3A_32 : memref<1x10x2000xi32, #tpu.memory_space<hbm>> -> memref<10x2000xi32, #tpu.memory_space<hbm>>
    %dma_wait3A_34 = arith.constant 0 : i32
    %dma_wait3A_35 = arith.constant 0 : i32
    %dma_wait3A_36 = tpu.memref_slice %arg4[%add3A, %dma_wait3A_34, %dma_wait3A_35] : memref<32x10x2000xi32, #tpu.memory_space<hbm>> -> memref<1x10x2000xi32, #tpu.memory_space<hbm>>
    %dma_wait3A_37 = tpu.memref_squeeze %dma_wait3A_36 : memref<1x10x2000xi32, #tpu.memory_space<hbm>> -> memref<10x2000xi32, #tpu.memory_space<hbm>>
    tpu.wait_dma2 semaphore(%arg11 : memref<!tpu.dma_semaphore, #tpu.memory_space<semaphore_mem>>) src(%dma_wait3A_37 : memref<10x2000xi32, #tpu.memory_space<hbm>>) dst(%arg7 : memref<10x2000xi32, #tpu.memory_space<vmem>>)
    %barrier3A = arith.constant 0 : index
    tpu.barrier barrier_id(%barrier3A)
    %dma_start3A_38 = arith.constant 0 : i32
    %dma_start3A_39 = arith.constant 0 : i32
    %dma_start3A_40 = arith.constant 0 : i32
    %dma_start3A_41 = arith.constant 0 : i32
    %dma_start3A_42 = tpu.memref_slice %arg8[%dma_start3A_39, %dma_start3A_40, %dma_start3A_41] : memref<2x2000x16xf32, #tpu.memory_space<vmem>> -> memref<1x2000x16xf32, #tpu.memory_space<vmem>>
    %dma_start3A_43 = tpu.memref_squeeze %dma_start3A_42 : memref<1x2000x16xf32, #tpu.memory_space<vmem>> -> memref<2000x16xf32, #tpu.memory_space<vmem>>
    %dma_start3A_44 = arith.constant 0 : i32
    %dma_start3A_45 = tpu.memref_slice %arg6[%dma_start3A_38, %dma_start3A_44] : memref<10x2000xi32, #tpu.memory_space<vmem>> -> memref<1x2000xi32, #tpu.memory_space<vmem>>
    %dma_start3A_46 = tpu.memref_squeeze %dma_start3A_45 : memref<1x2000xi32, #tpu.memory_space<vmem>> -> memref<2000xi32, #tpu.memory_space<vmem>>
    %dma_start3A_47 = arith.constant 0 : i32
    %dma_start3A_48 = arith.constant 0 : i32
    %dma_start3A_49 = tpu.memref_slice %arg2[%dma_start3A_47, %dma_start3A_48] : memref<10000x16xf32, #tpu.memory_space<hbm>> -> memref<10000x16xf32, #tpu.memory_space<hbm>>
    tpu.enqueue_indirect_dma source(%dma_start3A_49 : memref<10000x16xf32, #tpu.memory_space<hbm>>) target(%dma_start3A_43 : memref<2000x16xf32, #tpu.memory_space<vmem>>) offsets(%dma_start3A_46 : memref<2000xi32, #tpu.memory_space<vmem>>) semaphore(%arg11 : memref<!tpu.dma_semaphore, #tpu.memory_space<semaphore_mem>>)
    %dma_start3A_50 = arith.constant 1 : i32
    %dma_start3A_51 = arith.constant 1 : i32
    %dma_start3A_52 = arith.constant 0 : i32
    %dma_start3A_53 = arith.constant 0 : i32
    %dma_start3A_54 = tpu.memref_slice %arg8[%dma_start3A_51, %dma_start3A_52, %dma_start3A_53] : memref<2x2000x16xf32, #tpu.memory_space<vmem>> -> memref<1x2000x16xf32, #tpu.memory_space<vmem>>
    %dma_start3A_55 = tpu.memref_squeeze %dma_start3A_54 : memref<1x2000x16xf32, #tpu.memory_space<vmem>> -> memref<2000x16xf32, #tpu.memory_space<vmem>>
    %dma_start3A_56 = arith.constant 0 : i32
    %dma_start3A_57 = tpu.memref_slice %arg6[%dma_start3A_50, %dma_start3A_56] : memref<10x2000xi32, #tpu.memory_space<vmem>> -> memref<1x2000xi32, #tpu.memory_space<vmem>>
    %dma_start3A_58 = tpu.memref_squeeze %dma_start3A_57 : memref<1x2000xi32, #tpu.memory_space<vmem>> -> memref<2000xi32, #tpu.memory_space<vmem>>
    %dma_start3A_59 = arith.constant 0 : i32
    %dma_start3A_60 = arith.constant 0 : i32
    %dma_start3A_61 = tpu.memref_slice %arg2[%dma_start3A_59, %dma_start3A_60] : memref<10000x16xf32, #tpu.memory_space<hbm>> -> memref<10000x16xf32, #tpu.memory_space<hbm>>
    tpu.enqueue_indirect_dma source(%dma_start3A_61 : memref<10000x16xf32, #tpu.memory_space<hbm>>) target(%dma_start3A_55 : memref<2000x16xf32, #tpu.memory_space<vmem>>) offsets(%dma_start3A_58 : memref<2000xi32, #tpu.memory_space<vmem>>) semaphore(%arg11 : memref<!tpu.dma_semaphore, #tpu.memory_space<semaphore_mem>>)
    %dma_wait3A_62 = arith.constant 0 : i32
    %dma_wait3A_63 = arith.constant 0 : i32
    %dma_wait3A_64 = arith.constant 0 : i32
    %dma_wait3A_65 = arith.constant 0 : i32
    %dma_wait3A_66 = tpu.memref_slice %arg8[%dma_wait3A_63, %dma_wait3A_64, %dma_wait3A_65] : memref<2x2000x16xf32, #tpu.memory_space<vmem>> -> memref<1x2000x16xf32, #tpu.memory_space<vmem>>
    %dma_wait3A_67 = tpu.memref_squeeze %dma_wait3A_66 : memref<1x2000x16xf32, #tpu.memory_space<vmem>> -> memref<2000x16xf32, #tpu.memory_space<vmem>>
    %dma_wait3A_68 = arith.constant 0 : i32
    %dma_wait3A_69 = tpu.memref_slice %arg6[%dma_wait3A_62, %dma_wait3A_68] : memref<10x2000xi32, #tpu.memory_space<vmem>> -> memref<1x2000xi32, #tpu.memory_space<vmem>>
    %dma_wait3A_70 = tpu.memref_squeeze %dma_wait3A_69 : memref<1x2000xi32, #tpu.memory_space<vmem>> -> memref<2000xi32, #tpu.memory_space<vmem>>
    %dma_wait3A_71 = arith.constant 0 : i32
    %dma_wait3A_72 = arith.constant 0 : i32
    %dma_wait3A_73 = tpu.memref_slice %arg2[%dma_wait3A_71, %dma_wait3A_72] : memref<10000x16xf32, #tpu.memory_space<hbm>> -> memref<10000x16xf32, #tpu.memory_space<hbm>>
    tpu.wait_indirect_dma semaphore(%arg11 : memref<!tpu.dma_semaphore, #tpu.memory_space<semaphore_mem>>) src(%dma_wait3A_73 : memref<10000x16xf32, #tpu.memory_space<hbm>>) dst(%dma_wait3A_67 : memref<2000x16xf32, #tpu.memory_space<vmem>>)
    %dma_start3A_74 = arith.constant 0 : i32
    %dma_start3A_75 = arith.constant 0 : i32
    %dma_start3A_76 = arith.constant 0 : i32
    %dma_start3A_77 = arith.constant 0 : i32
    %dma_start3A_78 = tpu.memref_slice %arg8[%dma_start3A_74, %dma_start3A_76, %dma_start3A_77] : memref<2x2000x16xf32, #tpu.memory_space<vmem>> -> memref<1x2000x16xf32, #tpu.memory_space<vmem>>
    %dma_start3A_79 = tpu.memref_squeeze %dma_start3A_78 : memref<1x2000x16xf32, #tpu.memory_space<vmem>> -> memref<2000x16xf32, #tpu.memory_space<vmem>>
    %dma_start3A_80 = arith.constant 0 : i32
    %dma_start3A_81 = tpu.memref_slice %arg7[%dma_start3A_75, %dma_start3A_80] : memref<10x2000xi32, #tpu.memory_space<vmem>> -> memref<1x2000xi32, #tpu.memory_space<vmem>>
    %dma_start3A_82 = tpu.memref_squeeze %dma_start3A_81 : memref<1x2000xi32, #tpu.memory_space<vmem>> -> memref<2000xi32, #tpu.memory_space<vmem>>
    %dma_start3A_83 = arith.constant 0 : i32
    %dma_start3A_84 = arith.constant 0 : i32
    %dma_start3A_85 = tpu.memref_slice %arg10[%dma_start3A_83, %dma_start3A_84] : memref<10240x16xf32, #tpu.memory_space<vmem_shared>> -> memref<10240x16xf32, #tpu.memory_space<vmem_shared>>
    tpu.enqueue_indirect_dma source(%dma_start3A_79 : memref<2000x16xf32, #tpu.memory_space<vmem>>) target(%dma_start3A_85 : memref<10240x16xf32, #tpu.memory_space<vmem_shared>>) offsets(%dma_start3A_82 : memref<2000xi32, #tpu.memory_space<vmem>>) semaphore(%arg12 : memref<!tpu.dma_semaphore, #tpu.memory_space<semaphore_mem>>) {add = true}
    %dma_wait3A_86 = arith.constant 0 : i32
    %dma_wait3A_87 = arith.constant 0 : i32
    %dma_wait3A_88 = arith.constant 0 : i32
    %dma_wait3A_89 = arith.constant 0 : i32
    %dma_wait3A_90 = tpu.memref_slice %arg8[%dma_wait3A_86, %dma_wait3A_88, %dma_wait3A_89] : memref<2x2000x16xf32, #tpu.memory_space<vmem>> -> memref<1x2000x16xf32, #tpu.memory_space<vmem>>
    %dma_wait3A_91 = tpu.memref_squeeze %dma_wait3A_90 : memref<1x2000x16xf32, #tpu.memory_space<vmem>> -> memref<2000x16xf32, #tpu.memory_space<vmem>>
    %dma_wait3A_92 = arith.constant 0 : i32
    %dma_wait3A_93 = tpu.memref_slice %arg7[%dma_wait3A_87, %dma_wait3A_92] : memref<10x2000xi32, #tpu.memory_space<vmem>> -> memref<1x2000xi32, #tpu.memory_space<vmem>>
    %dma_wait3A_94 = tpu.memref_squeeze %dma_wait3A_93 : memref<1x2000xi32, #tpu.memory_space<vmem>> -> memref<2000xi32, #tpu.memory_space<vmem>>
    %dma_wait3A_95 = arith.constant 0 : i32
    %dma_wait3A_96 = arith.constant 0 : i32
    %dma_wait3A_97 = tpu.memref_slice %arg10[%dma_wait3A_95, %dma_wait3A_96] : memref<10240x16xf32, #tpu.memory_space<vmem_shared>> -> memref<10240x16xf32, #tpu.memory_space<vmem_shared>>
    tpu.wait_indirect_dma semaphore(%arg12 : memref<!tpu.dma_semaphore, #tpu.memory_space<semaphore_mem>>) src(%dma_wait3A_91 : memref<2000x16xf32, #tpu.memory_space<vmem>>) dst(%dma_wait3A_97 : memref<10240x16xf32, #tpu.memory_space<vmem_shared>>)
    %dma_start3A_98 = arith.constant 2 : i32
    %dma_start3A_99 = arith.constant 0 : i32
    %dma_start3A_100 = arith.constant 0 : i32
    %dma_start3A_101 = arith.constant 0 : i32
    %dma_start3A_102 = tpu.memref_slice %arg8[%dma_start3A_99, %dma_start3A_100, %dma_start3A_101] : memref<2x2000x16xf32, #tpu.memory_space<vmem>> -> memref<1x2000x16xf32, #tpu.memory_space<vmem>>
    %dma_start3A_103 = tpu.memref_squeeze %dma_start3A_102 : memref<1x2000x16xf32, #tpu.memory_space<vmem>> -> memref<2000x16xf32, #tpu.memory_space<vmem>>
    %dma_start3A_104 = arith.constant 0 : i32
    %dma_start3A_105 = tpu.memref_slice %arg6[%dma_start3A_98, %dma_start3A_104] : memref<10x2000xi32, #tpu.memory_space<vmem>> -> memref<1x2000xi32, #tpu.memory_space<vmem>>
    %dma_start3A_106 = tpu.memref_squeeze %dma_start3A_105 : memref<1x2000xi32, #tpu.memory_space<vmem>> -> memref<2000xi32, #tpu.memory_space<vmem>>
    %dma_start3A_107 = arith.constant 0 : i32
    %dma_start3A_108 = arith.constant 0 : i32
    %dma_start3A_109 = tpu.memref_slice %arg2[%dma_start3A_107, %dma_start3A_108] : memref<10000x16xf32, #tpu.memory_space<hbm>> -> memref<10000x16xf32, #tpu.memory_space<hbm>>
    tpu.enqueue_indirect_dma source(%dma_start3A_109 : memref<10000x16xf32, #tpu.memory_space<hbm>>) target(%dma_start3A_103 : memref<2000x16xf32, #tpu.memory_space<vmem>>) offsets(%dma_start3A_106 : memref<2000xi32, #tpu.memory_space<vmem>>) semaphore(%arg11 : memref<!tpu.dma_semaphore, #tpu.memory_space<semaphore_mem>>)
    %dma_wait3A_110 = arith.constant 1 : i32
    %dma_wait3A_111 = arith.constant 1 : i32
    %dma_wait3A_112 = arith.constant 0 : i32
    %dma_wait3A_113 = arith.constant 0 : i32
    %dma_wait3A_114 = tpu.memref_slice %arg8[%dma_wait3A_111, %dma_wait3A_112, %dma_wait3A_113] : memref<2x2000x16xf32, #tpu.memory_space<vmem>> -> memref<1x2000x16xf32, #tpu.memory_space<vmem>>
    %dma_wait3A_115 = tpu.memref_squeeze %dma_wait3A_114 : memref<1x2000x16xf32, #tpu.memory_space<vmem>> -> memref<2000x16xf32, #tpu.memory_space<vmem>>
    %dma_wait3A_116 = arith.constant 0 : i32
    %dma_wait3A_117 = tpu.memref_slice %arg6[%dma_wait3A_110, %dma_wait3A_116] : memref<10x2000xi32, #tpu.memory_space<vmem>> -> memref<1x2000xi32, #tpu.memory_space<vmem>>
    %dma_wait3A_118 = tpu.memref_squeeze %dma_wait3A_117 : memref<1x2000xi32, #tpu.memory_space<vmem>> -> memref<2000xi32, #tpu.memory_space<vmem>>
    %dma_wait3A_119 = arith.constant 0 : i32
    %dma_wait3A_120 = arith.constant 0 : i32
    %dma_wait3A_121 = tpu.memref_slice %arg2[%dma_wait3A_119, %dma_wait3A_120] : memref<10000x16xf32, #tpu.memory_space<hbm>> -> memref<10000x16xf32, #tpu.memory_space<hbm>>
    tpu.wait_indirect_dma semaphore(%arg11 : memref<!tpu.dma_semaphore, #tpu.memory_space<semaphore_mem>>) src(%dma_wait3A_121 : memref<10000x16xf32, #tpu.memory_space<hbm>>) dst(%dma_wait3A_115 : memref<2000x16xf32, #tpu.memory_space<vmem>>)
    %dma_start3A_122 = arith.constant 1 : i32
    %dma_start3A_123 = arith.constant 1 : i32
    %dma_start3A_124 = arith.constant 0 : i32
    %dma_start3A_125 = arith.constant 0 : i32
    %dma_start3A_126 = tpu.memref_slice %arg8[%dma_start3A_122, %dma_start3A_124, %dma_start3A_125] : memref<2x2000x16xf32, #tpu.memory_space<vmem>> -> memref<1x2000x16xf32, #tpu.memory_space<vmem>>
    %dma_start3A_127 = tpu.memref_squeeze %dma_start3A_126 : memref<1x2000x16xf32, #tpu.memory_space<vmem>> -> memref<2000x16xf32, #tpu.memory_space<vmem>>
    %dma_start3A_128 = arith.constant 0 : i32
    %dma_start3A_129 = tpu.memref_slice %arg7[%dma_start3A_123, %dma_start3A_128] : memref<10x2000xi32, #tpu.memory_space<vmem>> -> memref<1x2000xi32, #tpu.memory_space<vmem>>
    %dma_start3A_130 = tpu.memref_squeeze %dma_start3A_129 : memref<1x2000xi32, #tpu.memory_space<vmem>> -> memref<2000xi32, #tpu.memory_space<vmem>>
    %dma_start3A_131 = arith.constant 0 : i32
    %dma_start3A_132 = arith.constant 0 : i32
    %dma_start3A_133 = tpu.memref_slice %arg10[%dma_start3A_131, %dma_start3A_132] : memref<10240x16xf32, #tpu.memory_space<vmem_shared>> -> memref<10240x16xf32, #tpu.memory_space<vmem_shared>>
    tpu.enqueue_indirect_dma source(%dma_start3A_127 : memref<2000x16xf32, #tpu.memory_space<vmem>>) target(%dma_start3A_133 : memref<10240x16xf32, #tpu.memory_space<vmem_shared>>) offsets(%dma_start3A_130 : memref<2000xi32, #tpu.memory_space<vmem>>) semaphore(%arg12 : memref<!tpu.dma_semaphore, #tpu.memory_space<semaphore_mem>>) {add = true}
    %dma_wait3A_134 = arith.constant 1 : i32
    %dma_wait3A_135 = arith.constant 1 : i32
    %dma_wait3A_136 = arith.constant 0 : i32
    %dma_wait3A_137 = arith.constant 0 : i32
    %dma_wait3A_138 = tpu.memref_slice %arg8[%dma_wait3A_134, %dma_wait3A_136, %dma_wait3A_137] : memref<2x2000x16xf32, #tpu.memory_space<vmem>> -> memref<1x2000x16xf32, #tpu.memory_space<vmem>>
    %dma_wait3A_139 = tpu.memref_squeeze %dma_wait3A_138 : memref<1x2000x16xf32, #tpu.memory_space<vmem>> -> memref<2000x16xf32, #tpu.memory_space<vmem>>
    %dma_wait3A_140 = arith.constant 0 : i32
    %dma_wait3A_141 = tpu.memref_slice %arg7[%dma_wait3A_135, %dma_wait3A_140] : memref<10x2000xi32, #tpu.memory_space<vmem>> -> memref<1x2000xi32, #tpu.memory_space<vmem>>
    %dma_wait3A_142 = tpu.memref_squeeze %dma_wait3A_141 : memref<1x2000xi32, #tpu.memory_space<vmem>> -> memref<2000xi32, #tpu.memory_space<vmem>>
    %dma_wait3A_143 = arith.constant 0 : i32
    %dma_wait3A_144 = arith.constant 0 : i32
    %dma_wait3A_145 = tpu.memref_slice %arg10[%dma_wait3A_143, %dma_wait3A_144] : memref<10240x16xf32, #tpu.memory_space<vmem_shared>> -> memref<10240x16xf32, #tpu.memory_space<vmem_shared>>
    tpu.wait_indirect_dma semaphore(%arg12 : memref<!tpu.dma_semaphore, #tpu.memory_space<semaphore_mem>>) src(%dma_wait3A_139 : memref<2000x16xf32, #tpu.memory_space<vmem>>) dst(%dma_wait3A_145 : memref<10240x16xf32, #tpu.memory_space<vmem_shared>>)
    %dma_start3A_146 = arith.constant 3 : i32
    %dma_start3A_147 = arith.constant 1 : i32
    %dma_start3A_148 = arith.constant 0 : i32
    %dma_start3A_149 = arith.constant 0 : i32
    %dma_start3A_150 = tpu.memref_slice %arg8[%dma_start3A_147, %dma_start3A_148, %dma_start3A_149] : memref<2x2000x16xf32, #tpu.memory_space<vmem>> -> memref<1x2000x16xf32, #tpu.memory_space<vmem>>
    %dma_start3A_151 = tpu.memref_squeeze %dma_start3A_150 : memref<1x2000x16xf32, #tpu.memory_space<vmem>> -> memref<2000x16xf32, #tpu.memory_space<vmem>>
    %dma_start3A_152 = arith.constant 0 : i32
    %dma_start3A_153 = tpu.memref_slice %arg6[%dma_start3A_146, %dma_start3A_152] : memref<10x2000xi32, #tpu.memory_space<vmem>> -> memref<1x2000xi32, #tpu.memory_space<vmem>>
    %dma_start3A_154 = tpu.memref_squeeze %dma_start3A_153 : memref<1x2000xi32, #tpu.memory_space<vmem>> -> memref<2000xi32, #tpu.memory_space<vmem>>
    %dma_start3A_155 = arith.constant 0 : i32
    %dma_start3A_156 = arith.constant 0 : i32
    %dma_start3A_157 = tpu.memref_slice %arg2[%dma_start3A_155, %dma_start3A_156] : memref<10000x16xf32, #tpu.memory_space<hbm>> -> memref<10000x16xf32, #tpu.memory_space<hbm>>
    tpu.enqueue_indirect_dma source(%dma_start3A_157 : memref<10000x16xf32, #tpu.memory_space<hbm>>) target(%dma_start3A_151 : memref<2000x16xf32, #tpu.memory_space<vmem>>) offsets(%dma_start3A_154 : memref<2000xi32, #tpu.memory_space<vmem>>) semaphore(%arg11 : memref<!tpu.dma_semaphore, #tpu.memory_space<semaphore_mem>>)
    %dma_wait3A_158 = arith.constant 2 : i32
    %dma_wait3A_159 = arith.constant 0 : i32
    %dma_wait3A_160 = arith.constant 0 : i32
    %dma_wait3A_161 = arith.constant 0 : i32
    %dma_wait3A_162 = tpu.memref_slice %arg8[%dma_wait3A_159, %dma_wait3A_160, %dma_wait3A_161] : memref<2x2000x16xf32, #tpu.memory_space<vmem>> -> memref<1x2000x16xf32, #tpu.memory_space<vmem>>
    %dma_wait3A_163 = tpu.memref_squeeze %dma_wait3A_162 : memref<1x2000x16xf32, #tpu.memory_space<vmem>> -> memref<2000x16xf32, #tpu.memory_space<vmem>>
    %dma_wait3A_164 = arith.constant 0 : i32
    %dma_wait3A_165 = tpu.memref_slice %arg6[%dma_wait3A_158, %dma_wait3A_164] : memref<10x2000xi32, #tpu.memory_space<vmem>> -> memref<1x2000xi32, #tpu.memory_space<vmem>>
    %dma_wait3A_166 = tpu.memref_squeeze %dma_wait3A_165 : memref<1x2000xi32, #tpu.memory_space<vmem>> -> memref<2000xi32, #tpu.memory_space<vmem>>
    %dma_wait3A_167 = arith.constant 0 : i32
    %dma_wait3A_168 = arith.constant 0 : i32
    %dma_wait3A_169 = tpu.memref_slice %arg2[%dma_wait3A_167, %dma_wait3A_168] : memref<10000x16xf32, #tpu.memory_space<hbm>> -> memref<10000x16xf32, #tpu.memory_space<hbm>>
    tpu.wait_indirect_dma semaphore(%arg11 : memref<!tpu.dma_semaphore, #tpu.memory_space<semaphore_mem>>) src(%dma_wait3A_169 : memref<10000x16xf32, #tpu.memory_space<hbm>>) dst(%dma_wait3A_163 : memref<2000x16xf32, #tpu.memory_space<vmem>>)
    %dma_start3A_170 = arith.constant 0 : i32
    %dma_start3A_171 = arith.constant 2 : i32
    %dma_start3A_172 = arith.constant 0 : i32
    %dma_start3A_173 = arith.constant 0 : i32
    %dma_start3A_174 = tpu.memref_slice %arg8[%dma_start3A_170, %dma_start3A_172, %dma_start3A_173] : memref<2x2000x16xf32, #tpu.memory_space<vmem>> -> memref<1x2000x16xf32, #tpu.memory_space<vmem>>
    %dma_start3A_175 = tpu.memref_squeeze %dma_start3A_174 : memref<1x2000x16xf32, #tpu.memory_space<vmem>> -> memref<2000x16xf32, #tpu.memory_space<vmem>>
    %dma_start3A_176 = arith.constant 0 : i32
    %dma_start3A_177 = tpu.memref_slice %arg7[%dma_start3A_171, %dma_start3A_176] : memref<10x2000xi32, #tpu.memory_space<vmem>> -> memref<1x2000xi32, #tpu.memory_space<vmem>>
    %dma_start3A_178 = tpu.memref_squeeze %dma_start3A_177 : memref<1x2000xi32, #tpu.memory_space<vmem>> -> memref<2000xi32, #tpu.memory_space<vmem>>
    %dma_start3A_179 = arith.constant 0 : i32
    %dma_start3A_180 = arith.constant 0 : i32
    %dma_start3A_181 = tpu.memref_slice %arg10[%dma_start3A_179, %dma_start3A_180] : memref<10240x16xf32, #tpu.memory_space<vmem_shared>> -> memref<10240x16xf32, #tpu.memory_space<vmem_shared>>
    tpu.enqueue_indirect_dma source(%dma_start3A_175 : memref<2000x16xf32, #tpu.memory_space<vmem>>) target(%dma_start3A_181 : memref<10240x16xf32, #tpu.memory_space<vmem_shared>>) offsets(%dma_start3A_178 : memref<2000xi32, #tpu.memory_space<vmem>>) semaphore(%arg12 : memref<!tpu.dma_semaphore, #tpu.memory_space<semaphore_mem>>) {add = true}
    %dma_wait3A_182 = arith.constant 0 : i32
    %dma_wait3A_183 = arith.constant 2 : i32
    %dma_wait3A_184 = arith.constant 0 : i32
    %dma_wait3A_185 = arith.constant 0 : i32
    %dma_wait3A_186 = tpu.memref_slice %arg8[%dma_wait3A_182, %dma_wait3A_184, %dma_wait3A_185] : memref<2x2000x16xf32, #tpu.memory_space<vmem>> -> memref<1x2000x16xf32, #tpu.memory_space<vmem>>
    %dma_wait3A_187 = tpu.memref_squeeze %dma_wait3A_186 : memref<1x2000x16xf32, #tpu.memory_space<vmem>> -> memref<2000x16xf32, #tpu.memory_space<vmem>>
    %dma_wait3A_188 = arith.constant 0 : i32
    %dma_wait3A_189 = tpu.memref_slice %arg7[%dma_wait3A_183, %dma_wait3A_188] : memref<10x2000xi32, #tpu.memory_space<vmem>> -> memref<1x2000xi32, #tpu.memory_space<vmem>>
    %dma_wait3A_190 = tpu.memref_squeeze %dma_wait3A_189 : memref<1x2000xi32, #tpu.memory_space<vmem>> -> memref<2000xi32, #tpu.memory_space<vmem>>
    %dma_wait3A_191 = arith.constant 0 : i32
    %dma_wait3A_192 = arith.constant 0 : i32
    %dma_wait3A_193 = tpu.memref_slice %arg10[%dma_wait3A_191, %dma_wait3A_192] : memref<10240x16xf32, #tpu.memory_space<vmem_shared>> -> memref<10240x16xf32, #tpu.memory_space<vmem_shared>>
    tpu.wait_indirect_dma semaphore(%arg12 : memref<!tpu.dma_semaphore, #tpu.memory_space<semaphore_mem>>) src(%dma_wait3A_187 : memref<2000x16xf32, #tpu.memory_space<vmem>>) dst(%dma_wait3A_193 : memref<10240x16xf32, #tpu.memory_space<vmem_shared>>)
    %dma_start3A_194 = arith.constant 4 : i32
    %dma_start3A_195 = arith.constant 0 : i32
    %dma_start3A_196 = arith.constant 0 : i32
    %dma_start3A_197 = arith.constant 0 : i32
    %dma_start3A_198 = tpu.memref_slice %arg8[%dma_start3A_195, %dma_start3A_196, %dma_start3A_197] : memref<2x2000x16xf32, #tpu.memory_space<vmem>> -> memref<1x2000x16xf32, #tpu.memory_space<vmem>>
    %dma_start3A_199 = tpu.memref_squeeze %dma_start3A_198 : memref<1x2000x16xf32, #tpu.memory_space<vmem>> -> memref<2000x16xf32, #tpu.memory_space<vmem>>
    %dma_start3A_200 = arith.constant 0 : i32
    %dma_start3A_201 = tpu.memref_slice %arg6[%dma_start3A_194, %dma_start3A_200] : memref<10x2000xi32, #tpu.memory_space<vmem>> -> memref<1x2000xi32, #tpu.memory_space<vmem>>
    %dma_start3A_202 = tpu.memref_squeeze %dma_start3A_201 : memref<1x2000xi32, #tpu.memory_space<vmem>> -> memref<2000xi32, #tpu.memory_space<vmem>>
    %dma_start3A_203 = arith.constant 0 : i32
    %dma_start3A_204 = arith.constant 0 : i32
    %dma_start3A_205 = tpu.memref_slice %arg2[%dma_start3A_203, %dma_start3A_204] : memref<10000x16xf32, #tpu.memory_space<hbm>> -> memref<10000x16xf32, #tpu.memory_space<hbm>>
    tpu.enqueue_indirect_dma source(%dma_start3A_205 : memref<10000x16xf32, #tpu.memory_space<hbm>>) target(%dma_start3A_199 : memref<2000x16xf32, #tpu.memory_space<vmem>>) offsets(%dma_start3A_202 : memref<2000xi32, #tpu.memory_space<vmem>>) semaphore(%arg11 : memref<!tpu.dma_semaphore, #tpu.memory_space<semaphore_mem>>)
    %dma_wait3A_206 = arith.constant 3 : i32
    %dma_wait3A_207 = arith.constant 1 : i32
    %dma_wait3A_208 = arith.constant 0 : i32
    %dma_wait3A_209 = arith.constant 0 : i32
    %dma_wait3A_210 = tpu.memref_slice %arg8[%dma_wait3A_207, %dma_wait3A_208, %dma_wait3A_209] : memref<2x2000x16xf32, #tpu.memory_space<vmem>> -> memref<1x2000x16xf32, #tpu.memory_space<vmem>>
    %dma_wait3A_211 = tpu.memref_squeeze %dma_wait3A_210 : memref<1x2000x16xf32, #tpu.memory_space<vmem>> -> memref<2000x16xf32, #tpu.memory_space<vmem>>
    %dma_wait3A_212 = arith.constant 0 : i32
    %dma_wait3A_213 = tpu.memref_slice %arg6[%dma_wait3A_206, %dma_wait3A_212] : memref<10x2000xi32, #tpu.memory_space<vmem>> -> memref<1x2000xi32, #tpu.memory_space<vmem>>
    %dma_wait3A_214 = tpu.memref_squeeze %dma_wait3A_213 : memref<1x2000xi32, #tpu.memory_space<vmem>> -> memref<2000xi32, #tpu.memory_space<vmem>>
    %dma_wait3A_215 = arith.constant 0 : i32
    %dma_wait3A_216 = arith.constant 0 : i32
    %dma_wait3A_217 = tpu.memref_slice %arg2[%dma_wait3A_215, %dma_wait3A_216] : memref<10000x16xf32, #tpu.memory_space<hbm>> -> memref<10000x16xf32, #tpu.memory_space<hbm>>
    tpu.wait_indirect_dma semaphore(%arg11 : memref<!tpu.dma_semaphore, #tpu.memory_space<semaphore_mem>>) src(%dma_wait3A_217 : memref<10000x16xf32, #tpu.memory_space<hbm>>) dst(%dma_wait3A_211 : memref<2000x16xf32, #tpu.memory_space<vmem>>)
    %dma_start3A_218 = arith.constant 1 : i32
    %dma_start3A_219 = arith.constant 3 : i32
    %dma_start3A_220 = arith.constant 0 : i32
    %dma_start3A_221 = arith.constant 0 : i32
    %dma_start3A_222 = tpu.memref_slice %arg8[%dma_start3A_218, %dma_start3A_220, %dma_start3A_221] : memref<2x2000x16xf32, #tpu.memory_space<vmem>> -> memref<1x2000x16xf32, #tpu.memory_space<vmem>>
    %dma_start3A_223 = tpu.memref_squeeze %dma_start3A_222 : memref<1x2000x16xf32, #tpu.memory_space<vmem>> -> memref<2000x16xf32, #tpu.memory_space<vmem>>
    %dma_start3A_224 = arith.constant 0 : i32
    %dma_start3A_225 = tpu.memref_slice %arg7[%dma_start3A_219, %dma_start3A_224] : memref<10x2000xi32, #tpu.memory_space<vmem>> -> memref<1x2000xi32, #tpu.memory_space<vmem>>
    %dma_start3A_226 = tpu.memref_squeeze %dma_start3A_225 : memref<1x2000xi32, #tpu.memory_space<vmem>> -> memref<2000xi32, #tpu.memory_space<vmem>>
    %dma_start3A_227 = arith.constant 0 : i32
    %dma_start3A_228 = arith.constant 0 : i32
    %dma_start3A_229 = tpu.memref_slice %arg10[%dma_start3A_227, %dma_start3A_228] : memref<10240x16xf32, #tpu.memory_space<vmem_shared>> -> memref<10240x16xf32, #tpu.memory_space<vmem_shared>>
    tpu.enqueue_indirect_dma source(%dma_start3A_223 : memref<2000x16xf32, #tpu.memory_space<vmem>>) target(%dma_start3A_229 : memref<10240x16xf32, #tpu.memory_space<vmem_shared>>) offsets(%dma_start3A_226 : memref<2000xi32, #tpu.memory_space<vmem>>) semaphore(%arg12 : memref<!tpu.dma_semaphore, #tpu.memory_space<semaphore_mem>>) {add = true}
    %dma_wait3A_230 = arith.constant 1 : i32
    %dma_wait3A_231 = arith.constant 3 : i32
    %dma_wait3A_232 = arith.constant 0 : i32
    %dma_wait3A_233 = arith.constant 0 : i32
    %dma_wait3A_234 = tpu.memref_slice %arg8[%dma_wait3A_230, %dma_wait3A_232, %dma_wait3A_233] : memref<2x2000x16xf32, #tpu.memory_space<vmem>> -> memref<1x2000x16xf32, #tpu.memory_space<vmem>>
    %dma_wait3A_235 = tpu.memref_squeeze %dma_wait3A_234 : memref<1x2000x16xf32, #tpu.memory_space<vmem>> -> memref<2000x16xf32, #tpu.memory_space<vmem>>
    %dma_wait3A_236 = arith.constant 0 : i32
    %dma_wait3A_237 = tpu.memref_slice %arg7[%dma_wait3A_231, %dma_wait3A_236] : memref<10x2000xi32, #tpu.memory_space<vmem>> -> memref<1x2000xi32, #tpu.memory_space<vmem>>
    %dma_wait3A_238 = tpu.memref_squeeze %dma_wait3A_237 : memref<1x2000xi32, #tpu.memory_space<vmem>> -> memref<2000xi32, #tpu.memory_space<vmem>>
    %dma_wait3A_239 = arith.constant 0 : i32
    %dma_wait3A_240 = arith.constant 0 : i32
    %dma_wait3A_241 = tpu.memref_slice %arg10[%dma_wait3A_239, %dma_wait3A_240] : memref<10240x16xf32, #tpu.memory_space<vmem_shared>> -> memref<10240x16xf32, #tpu.memory_space<vmem_shared>>
    tpu.wait_indirect_dma semaphore(%arg12 : memref<!tpu.dma_semaphore, #tpu.memory_space<semaphore_mem>>) src(%dma_wait3A_235 : memref<2000x16xf32, #tpu.memory_space<vmem>>) dst(%dma_wait3A_241 : memref<10240x16xf32, #tpu.memory_space<vmem_shared>>)
    %dma_start3A_242 = arith.constant 5 : i32
    %dma_start3A_243 = arith.constant 1 : i32
    %dma_start3A_244 = arith.constant 0 : i32
    %dma_start3A_245 = arith.constant 0 : i32
    %dma_start3A_246 = tpu.memref_slice %arg8[%dma_start3A_243, %dma_start3A_244, %dma_start3A_245] : memref<2x2000x16xf32, #tpu.memory_space<vmem>> -> memref<1x2000x16xf32, #tpu.memory_space<vmem>>
    %dma_start3A_247 = tpu.memref_squeeze %dma_start3A_246 : memref<1x2000x16xf32, #tpu.memory_space<vmem>> -> memref<2000x16xf32, #tpu.memory_space<vmem>>
    %dma_start3A_248 = arith.constant 0 : i32
    %dma_start3A_249 = tpu.memref_slice %arg6[%dma_start3A_242, %dma_start3A_248] : memref<10x2000xi32, #tpu.memory_space<vmem>> -> memref<1x2000xi32, #tpu.memory_space<vmem>>
    %dma_start3A_250 = tpu.memref_squeeze %dma_start3A_249 : memref<1x2000xi32, #tpu.memory_space<vmem>> -> memref<2000xi32, #tpu.memory_space<vmem>>
    %dma_start3A_251 = arith.constant 0 : i32
    %dma_start3A_252 = arith.constant 0 : i32
    %dma_start3A_253 = tpu.memref_slice %arg2[%dma_start3A_251, %dma_start3A_252] : memref<10000x16xf32, #tpu.memory_space<hbm>> -> memref<10000x16xf32, #tpu.memory_space<hbm>>
    tpu.enqueue_indirect_dma source(%dma_start3A_253 : memref<10000x16xf32, #tpu.memory_space<hbm>>) target(%dma_start3A_247 : memref<2000x16xf32, #tpu.memory_space<vmem>>) offsets(%dma_start3A_250 : memref<2000xi32, #tpu.memory_space<vmem>>) semaphore(%arg11 : memref<!tpu.dma_semaphore, #tpu.memory_space<semaphore_mem>>)
    %dma_wait3A_254 = arith.constant 4 : i32
    %dma_wait3A_255 = arith.constant 0 : i32
    %dma_wait3A_256 = arith.constant 0 : i32
    %dma_wait3A_257 = arith.constant 0 : i32
    %dma_wait3A_258 = tpu.memref_slice %arg8[%dma_wait3A_255, %dma_wait3A_256, %dma_wait3A_257] : memref<2x2000x16xf32, #tpu.memory_space<vmem>> -> memref<1x2000x16xf32, #tpu.memory_space<vmem>>
    %dma_wait3A_259 = tpu.memref_squeeze %dma_wait3A_258 : memref<1x2000x16xf32, #tpu.memory_space<vmem>> -> memref<2000x16xf32, #tpu.memory_space<vmem>>
    %dma_wait3A_260 = arith.constant 0 : i32
    %dma_wait3A_261 = tpu.memref_slice %arg6[%dma_wait3A_254, %dma_wait3A_260] : memref<10x2000xi32, #tpu.memory_space<vmem>> -> memref<1x2000xi32, #tpu.memory_space<vmem>>
    %dma_wait3A_262 = tpu.memref_squeeze %dma_wait3A_261 : memref<1x2000xi32, #tpu.memory_space<vmem>> -> memref<2000xi32, #tpu.memory_space<vmem>>
    %dma_wait3A_263 = arith.constant 0 : i32
    %dma_wait3A_264 = arith.constant 0 : i32
    %dma_wait3A_265 = tpu.memref_slice %arg2[%dma_wait3A_263, %dma_wait3A_264] : memref<10000x16xf32, #tpu.memory_space<hbm>> -> memref<10000x16xf32, #tpu.memory_space<hbm>>
    tpu.wait_indirect_dma semaphore(%arg11 : memref<!tpu.dma_semaphore, #tpu.memory_space<semaphore_mem>>) src(%dma_wait3A_265 : memref<10000x16xf32, #tpu.memory_space<hbm>>) dst(%dma_wait3A_259 : memref<2000x16xf32, #tpu.memory_space<vmem>>)
    %dma_start3A_266 = arith.constant 0 : i32
    %dma_start3A_267 = arith.constant 4 : i32
    %dma_start3A_268 = arith.constant 0 : i32
    %dma_start3A_269 = arith.constant 0 : i32
    %dma_start3A_270 = tpu.memref_slice %arg8[%dma_start3A_266, %dma_start3A_268, %dma_start3A_269] : memref<2x2000x16xf32, #tpu.memory_space<vmem>> -> memref<1x2000x16xf32, #tpu.memory_space<vmem>>
    %dma_start3A_271 = tpu.memref_squeeze %dma_start3A_270 : memref<1x2000x16xf32, #tpu.memory_space<vmem>> -> memref<2000x16xf32, #tpu.memory_space<vmem>>
    %dma_start3A_272 = arith.constant 0 : i32
    %dma_start3A_273 = tpu.memref_slice %arg7[%dma_start3A_267, %dma_start3A_272] : memref<10x2000xi32, #tpu.memory_space<vmem>> -> memref<1x2000xi32, #tpu.memory_space<vmem>>
    %dma_start3A_274 = tpu.memref_squeeze %dma_start3A_273 : memref<1x2000xi32, #tpu.memory_space<vmem>> -> memref<2000xi32, #tpu.memory_space<vmem>>
    %dma_start3A_275 = arith.constant 0 : i32
    %dma_start3A_276 = arith.constant 0 : i32
    %dma_start3A_277 = tpu.memref_slice %arg10[%dma_start3A_275, %dma_start3A_276] : memref<10240x16xf32, #tpu.memory_space<vmem_shared>> -> memref<10240x16xf32, #tpu.memory_space<vmem_shared>>
    tpu.enqueue_indirect_dma source(%dma_start3A_271 : memref<2000x16xf32, #tpu.memory_space<vmem>>) target(%dma_start3A_277 : memref<10240x16xf32, #tpu.memory_space<vmem_shared>>) offsets(%dma_start3A_274 : memref<2000xi32, #tpu.memory_space<vmem>>) semaphore(%arg12 : memref<!tpu.dma_semaphore, #tpu.memory_space<semaphore_mem>>) {add = true}
    %dma_wait3A_278 = arith.constant 0 : i32
    %dma_wait3A_279 = arith.constant 4 : i32
    %dma_wait3A_280 = arith.constant 0 : i32
    %dma_wait3A_281 = arith.constant 0 : i32
    %dma_wait3A_282 = tpu.memref_slice %arg8[%dma_wait3A_278, %dma_wait3A_280, %dma_wait3A_281] : memref<2x2000x16xf32, #tpu.memory_space<vmem>> -> memref<1x2000x16xf32, #tpu.memory_space<vmem>>
    %dma_wait3A_283 = tpu.memref_squeeze %dma_wait3A_282 : memref<1x2000x16xf32, #tpu.memory_space<vmem>> -> memref<2000x16xf32, #tpu.memory_space<vmem>>
    %dma_wait3A_284 = arith.constant 0 : i32
    %dma_wait3A_285 = tpu.memref_slice %arg7[%dma_wait3A_279, %dma_wait3A_284] : memref<10x2000xi32, #tpu.memory_space<vmem>> -> memref<1x2000xi32, #tpu.memory_space<vmem>>
    %dma_wait3A_286 = tpu.memref_squeeze %dma_wait3A_285 : memref<1x2000xi32, #tpu.memory_space<vmem>> -> memref<2000xi32, #tpu.memory_space<vmem>>
    %dma_wait3A_287 = arith.constant 0 : i32
    %dma_wait3A_288 = arith.constant 0 : i32
    %dma_wait3A_289 = tpu.memref_slice %arg10[%dma_wait3A_287, %dma_wait3A_288] : memref<10240x16xf32, #tpu.memory_space<vmem_shared>> -> memref<10240x16xf32, #tpu.memory_space<vmem_shared>>
    tpu.wait_indirect_dma semaphore(%arg12 : memref<!tpu.dma_semaphore, #tpu.memory_space<semaphore_mem>>) src(%dma_wait3A_283 : memref<2000x16xf32, #tpu.memory_space<vmem>>) dst(%dma_wait3A_289 : memref<10240x16xf32, #tpu.memory_space<vmem_shared>>)
    %dma_start3A_290 = arith.constant 6 : i32
    %dma_start3A_291 = arith.constant 0 : i32
    %dma_start3A_292 = arith.constant 0 : i32
    %dma_start3A_293 = arith.constant 0 : i32
    %dma_start3A_294 = tpu.memref_slice %arg8[%dma_start3A_291, %dma_start3A_292, %dma_start3A_293] : memref<2x2000x16xf32, #tpu.memory_space<vmem>> -> memref<1x2000x16xf32, #tpu.memory_space<vmem>>
    %dma_start3A_295 = tpu.memref_squeeze %dma_start3A_294 : memref<1x2000x16xf32, #tpu.memory_space<vmem>> -> memref<2000x16xf32, #tpu.memory_space<vmem>>
    %dma_start3A_296 = arith.constant 0 : i32
    %dma_start3A_297 = tpu.memref_slice %arg6[%dma_start3A_290, %dma_start3A_296] : memref<10x2000xi32, #tpu.memory_space<vmem>> -> memref<1x2000xi32, #tpu.memory_space<vmem>>
    %dma_start3A_298 = tpu.memref_squeeze %dma_start3A_297 : memref<1x2000xi32, #tpu.memory_space<vmem>> -> memref<2000xi32, #tpu.memory_space<vmem>>
    %dma_start3A_299 = arith.constant 0 : i32
    %dma_start3A_300 = arith.constant 0 : i32
    %dma_start3A_301 = tpu.memref_slice %arg2[%dma_start3A_299, %dma_start3A_300] : memref<10000x16xf32, #tpu.memory_space<hbm>> -> memref<10000x16xf32, #tpu.memory_space<hbm>>
    tpu.enqueue_indirect_dma source(%dma_start3A_301 : memref<10000x16xf32, #tpu.memory_space<hbm>>) target(%dma_start3A_295 : memref<2000x16xf32, #tpu.memory_space<vmem>>) offsets(%dma_start3A_298 : memref<2000xi32, #tpu.memory_space<vmem>>) semaphore(%arg11 : memref<!tpu.dma_semaphore, #tpu.memory_space<semaphore_mem>>)
    %dma_wait3A_302 = arith.constant 5 : i32
    %dma_wait3A_303 = arith.constant 1 : i32
    %dma_wait3A_304 = arith.constant 0 : i32
    %dma_wait3A_305 = arith.constant 0 : i32
    %dma_wait3A_306 = tpu.memref_slice %arg8[%dma_wait3A_303, %dma_wait3A_304, %dma_wait3A_305] : memref<2x2000x16xf32, #tpu.memory_space<vmem>> -> memref<1x2000x16xf32, #tpu.memory_space<vmem>>
    %dma_wait3A_307 = tpu.memref_squeeze %dma_wait3A_306 : memref<1x2000x16xf32, #tpu.memory_space<vmem>> -> memref<2000x16xf32, #tpu.memory_space<vmem>>
    %dma_wait3A_308 = arith.constant 0 : i32
    %dma_wait3A_309 = tpu.memref_slice %arg6[%dma_wait3A_302, %dma_wait3A_308] : memref<10x2000xi32, #tpu.memory_space<vmem>> -> memref<1x2000xi32, #tpu.memory_space<vmem>>
    %dma_wait3A_310 = tpu.memref_squeeze %dma_wait3A_309 : memref<1x2000xi32, #tpu.memory_space<vmem>> -> memref<2000xi32, #tpu.memory_space<vmem>>
    %dma_wait3A_311 = arith.constant 0 : i32
    %dma_wait3A_312 = arith.constant 0 : i32
    %dma_wait3A_313 = tpu.memref_slice %arg2[%dma_wait3A_311, %dma_wait3A_312] : memref<10000x16xf32, #tpu.memory_space<hbm>> -> memref<10000x16xf32, #tpu.memory_space<hbm>>
    tpu.wait_indirect_dma semaphore(%arg11 : memref<!tpu.dma_semaphore, #tpu.memory_space<semaphore_mem>>) src(%dma_wait3A_313 : memref<10000x16xf32, #tpu.memory_space<hbm>>) dst(%dma_wait3A_307 : memref<2000x16xf32, #tpu.memory_space<vmem>>)
    %dma_start3A_314 = arith.constant 1 : i32
    %dma_start3A_315 = arith.constant 5 : i32
    %dma_start3A_316 = arith.constant 0 : i32
    %dma_start3A_317 = arith.constant 0 : i32
    %dma_start3A_318 = tpu.memref_slice %arg8[%dma_start3A_314, %dma_start3A_316, %dma_start3A_317] : memref<2x2000x16xf32, #tpu.memory_space<vmem>> -> memref<1x2000x16xf32, #tpu.memory_space<vmem>>
    %dma_start3A_319 = tpu.memref_squeeze %dma_start3A_318 : memref<1x2000x16xf32, #tpu.memory_space<vmem>> -> memref<2000x16xf32, #tpu.memory_space<vmem>>
    %dma_start3A_320 = arith.constant 0 : i32
    %dma_start3A_321 = tpu.memref_slice %arg7[%dma_start3A_315, %dma_start3A_320] : memref<10x2000xi32, #tpu.memory_space<vmem>> -> memref<1x2000xi32, #tpu.memory_space<vmem>>
    %dma_start3A_322 = tpu.memref_squeeze %dma_start3A_321 : memref<1x2000xi32, #tpu.memory_space<vmem>> -> memref<2000xi32, #tpu.memory_space<vmem>>
    %dma_start3A_323 = arith.constant 0 : i32
    %dma_start3A_324 = arith.constant 0 : i32
    %dma_start3A_325 = tpu.memref_slice %arg10[%dma_start3A_323, %dma_start3A_324] : memref<10240x16xf32, #tpu.memory_space<vmem_shared>> -> memref<10240x16xf32, #tpu.memory_space<vmem_shared>>
    tpu.enqueue_indirect_dma source(%dma_start3A_319 : memref<2000x16xf32, #tpu.memory_space<vmem>>) target(%dma_start3A_325 : memref<10240x16xf32, #tpu.memory_space<vmem_shared>>) offsets(%dma_start3A_322 : memref<2000xi32, #tpu.memory_space<vmem>>) semaphore(%arg12 : memref<!tpu.dma_semaphore, #tpu.memory_space<semaphore_mem>>) {add = true}
    %dma_wait3A_326 = arith.constant 1 : i32
    %dma_wait3A_327 = arith.constant 5 : i32
    %dma_wait3A_328 = arith.constant 0 : i32
    %dma_wait3A_329 = arith.constant 0 : i32
    %dma_wait3A_330 = tpu.memref_slice %arg8[%dma_wait3A_326, %dma_wait3A_328, %dma_wait3A_329] : memref<2x2000x16xf32, #tpu.memory_space<vmem>> -> memref<1x2000x16xf32, #tpu.memory_space<vmem>>
    %dma_wait3A_331 = tpu.memref_squeeze %dma_wait3A_330 : memref<1x2000x16xf32, #tpu.memory_space<vmem>> -> memref<2000x16xf32, #tpu.memory_space<vmem>>
    %dma_wait3A_332 = arith.constant 0 : i32
    %dma_wait3A_333 = tpu.memref_slice %arg7[%dma_wait3A_327, %dma_wait3A_332] : memref<10x2000xi32, #tpu.memory_space<vmem>> -> memref<1x2000xi32, #tpu.memory_space<vmem>>
    %dma_wait3A_334 = tpu.memref_squeeze %dma_wait3A_333 : memref<1x2000xi32, #tpu.memory_space<vmem>> -> memref<2000xi32, #tpu.memory_space<vmem>>
    %dma_wait3A_335 = arith.constant 0 : i32
    %dma_wait3A_336 = arith.constant 0 : i32
    %dma_wait3A_337 = tpu.memref_slice %arg10[%dma_wait3A_335, %dma_wait3A_336] : memref<10240x16xf32, #tpu.memory_space<vmem_shared>> -> memref<10240x16xf32, #tpu.memory_space<vmem_shared>>
    tpu.wait_indirect_dma semaphore(%arg12 : memref<!tpu.dma_semaphore, #tpu.memory_space<semaphore_mem>>) src(%dma_wait3A_331 : memref<2000x16xf32, #tpu.memory_space<vmem>>) dst(%dma_wait3A_337 : memref<10240x16xf32, #tpu.memory_space<vmem_shared>>)
    %dma_start3A_338 = arith.constant 7 : i32
    %dma_start3A_339 = arith.constant 1 : i32
    %dma_start3A_340 = arith.constant 0 : i32
    %dma_start3A_341 = arith.constant 0 : i32
    %dma_start3A_342 = tpu.memref_slice %arg8[%dma_start3A_339, %dma_start3A_340, %dma_start3A_341] : memref<2x2000x16xf32, #tpu.memory_space<vmem>> -> memref<1x2000x16xf32, #tpu.memory_space<vmem>>
    %dma_start3A_343 = tpu.memref_squeeze %dma_start3A_342 : memref<1x2000x16xf32, #tpu.memory_space<vmem>> -> memref<2000x16xf32, #tpu.memory_space<vmem>>
    %dma_start3A_344 = arith.constant 0 : i32
    %dma_start3A_345 = tpu.memref_slice %arg6[%dma_start3A_338, %dma_start3A_344] : memref<10x2000xi32, #tpu.memory_space<vmem>> -> memref<1x2000xi32, #tpu.memory_space<vmem>>
    %dma_start3A_346 = tpu.memref_squeeze %dma_start3A_345 : memref<1x2000xi32, #tpu.memory_space<vmem>> -> memref<2000xi32, #tpu.memory_space<vmem>>
    %dma_start3A_347 = arith.constant 0 : i32
    %dma_start3A_348 = arith.constant 0 : i32
    %dma_start3A_349 = tpu.memref_slice %arg2[%dma_start3A_347, %dma_start3A_348] : memref<10000x16xf32, #tpu.memory_space<hbm>> -> memref<10000x16xf32, #tpu.memory_space<hbm>>
    tpu.enqueue_indirect_dma source(%dma_start3A_349 : memref<10000x16xf32, #tpu.memory_space<hbm>>) target(%dma_start3A_343 : memref<2000x16xf32, #tpu.memory_space<vmem>>) offsets(%dma_start3A_346 : memref<2000xi32, #tpu.memory_space<vmem>>) semaphore(%arg11 : memref<!tpu.dma_semaphore, #tpu.memory_space<semaphore_mem>>)
    %dma_wait3A_350 = arith.constant 6 : i32
    %dma_wait3A_351 = arith.constant 0 : i32
    %dma_wait3A_352 = arith.constant 0 : i32
    %dma_wait3A_353 = arith.constant 0 : i32
    %dma_wait3A_354 = tpu.memref_slice %arg8[%dma_wait3A_351, %dma_wait3A_352, %dma_wait3A_353] : memref<2x2000x16xf32, #tpu.memory_space<vmem>> -> memref<1x2000x16xf32, #tpu.memory_space<vmem>>
    %dma_wait3A_355 = tpu.memref_squeeze %dma_wait3A_354 : memref<1x2000x16xf32, #tpu.memory_space<vmem>> -> memref<2000x16xf32, #tpu.memory_space<vmem>>
    %dma_wait3A_356 = arith.constant 0 : i32
    %dma_wait3A_357 = tpu.memref_slice %arg6[%dma_wait3A_350, %dma_wait3A_356] : memref<10x2000xi32, #tpu.memory_space<vmem>> -> memref<1x2000xi32, #tpu.memory_space<vmem>>
    %dma_wait3A_358 = tpu.memref_squeeze %dma_wait3A_357 : memref<1x2000xi32, #tpu.memory_space<vmem>> -> memref<2000xi32, #tpu.memory_space<vmem>>
    %dma_wait3A_359 = arith.constant 0 : i32
    %dma_wait3A_360 = arith.constant 0 : i32
    %dma_wait3A_361 = tpu.memref_slice %arg2[%dma_wait3A_359, %dma_wait3A_360] : memref<10000x16xf32, #tpu.memory_space<hbm>> -> memref<10000x16xf32, #tpu.memory_space<hbm>>
    tpu.wait_indirect_dma semaphore(%arg11 : memref<!tpu.dma_semaphore, #tpu.memory_space<semaphore_mem>>) src(%dma_wait3A_361 : memref<10000x16xf32, #tpu.memory_space<hbm>>) dst(%dma_wait3A_355 : memref<2000x16xf32, #tpu.memory_space<vmem>>)
    %dma_start3A_362 = arith.constant 0 : i32
    %dma_start3A_363 = arith.constant 6 : i32
    %dma_start3A_364 = arith.constant 0 : i32
    %dma_start3A_365 = arith.constant 0 : i32
    %dma_start3A_366 = tpu.memref_slice %arg8[%dma_start3A_362, %dma_start3A_364, %dma_start3A_365] : memref<2x2000x16xf32, #tpu.memory_space<vmem>> -> memref<1x2000x16xf32, #tpu.memory_space<vmem>>
    %dma_start3A_367 = tpu.memref_squeeze %dma_start3A_366 : memref<1x2000x16xf32, #tpu.memory_space<vmem>> -> memref<2000x16xf32, #tpu.memory_space<vmem>>
    %dma_start3A_368 = arith.constant 0 : i32
    %dma_start3A_369 = tpu.memref_slice %arg7[%dma_start3A_363, %dma_start3A_368] : memref<10x2000xi32, #tpu.memory_space<vmem>> -> memref<1x2000xi32, #tpu.memory_space<vmem>>
    %dma_start3A_370 = tpu.memref_squeeze %dma_start3A_369 : memref<1x2000xi32, #tpu.memory_space<vmem>> -> memref<2000xi32, #tpu.memory_space<vmem>>
    %dma_start3A_371 = arith.constant 0 : i32
    %dma_start3A_372 = arith.constant 0 : i32
    %dma_start3A_373 = tpu.memref_slice %arg10[%dma_start3A_371, %dma_start3A_372] : memref<10240x16xf32, #tpu.memory_space<vmem_shared>> -> memref<10240x16xf32, #tpu.memory_space<vmem_shared>>
    tpu.enqueue_indirect_dma source(%dma_start3A_367 : memref<2000x16xf32, #tpu.memory_space<vmem>>) target(%dma_start3A_373 : memref<10240x16xf32, #tpu.memory_space<vmem_shared>>) offsets(%dma_start3A_370 : memref<2000xi32, #tpu.memory_space<vmem>>) semaphore(%arg12 : memref<!tpu.dma_semaphore, #tpu.memory_space<semaphore_mem>>) {add = true}
    %dma_wait3A_374 = arith.constant 0 : i32
    %dma_wait3A_375 = arith.constant 6 : i32
    %dma_wait3A_376 = arith.constant 0 : i32
    %dma_wait3A_377 = arith.constant 0 : i32
    %dma_wait3A_378 = tpu.memref_slice %arg8[%dma_wait3A_374, %dma_wait3A_376, %dma_wait3A_377] : memref<2x2000x16xf32, #tpu.memory_space<vmem>> -> memref<1x2000x16xf32, #tpu.memory_space<vmem>>
    %dma_wait3A_379 = tpu.memref_squeeze %dma_wait3A_378 : memref<1x2000x16xf32, #tpu.memory_space<vmem>> -> memref<2000x16xf32, #tpu.memory_space<vmem>>
    %dma_wait3A_380 = arith.constant 0 : i32
    %dma_wait3A_381 = tpu.memref_slice %arg7[%dma_wait3A_375, %dma_wait3A_380] : memref<10x2000xi32, #tpu.memory_space<vmem>> -> memref<1x2000xi32, #tpu.memory_space<vmem>>
    %dma_wait3A_382 = tpu.memref_squeeze %dma_wait3A_381 : memref<1x2000xi32, #tpu.memory_space<vmem>> -> memref<2000xi32, #tpu.memory_space<vmem>>
    %dma_wait3A_383 = arith.constant 0 : i32
    %dma_wait3A_384 = arith.constant 0 : i32
    %dma_wait3A_385 = tpu.memref_slice %arg10[%dma_wait3A_383, %dma_wait3A_384] : memref<10240x16xf32, #tpu.memory_space<vmem_shared>> -> memref<10240x16xf32, #tpu.memory_space<vmem_shared>>
    tpu.wait_indirect_dma semaphore(%arg12 : memref<!tpu.dma_semaphore, #tpu.memory_space<semaphore_mem>>) src(%dma_wait3A_379 : memref<2000x16xf32, #tpu.memory_space<vmem>>) dst(%dma_wait3A_385 : memref<10240x16xf32, #tpu.memory_space<vmem_shared>>)
    %dma_start3A_386 = arith.constant 8 : i32
    %dma_start3A_387 = arith.constant 0 : i32
    %dma_start3A_388 = arith.constant 0 : i32
    %dma_start3A_389 = arith.constant 0 : i32
    %dma_start3A_390 = tpu.memref_slice %arg8[%dma_start3A_387, %dma_start3A_388, %dma_start3A_389] : memref<2x2000x16xf32, #tpu.memory_space<vmem>> -> memref<1x2000x16xf32, #tpu.memory_space<vmem>>
    %dma_start3A_391 = tpu.memref_squeeze %dma_start3A_390 : memref<1x2000x16xf32, #tpu.memory_space<vmem>> -> memref<2000x16xf32, #tpu.memory_space<vmem>>
    %dma_start3A_392 = arith.constant 0 : i32
    %dma_start3A_393 = tpu.memref_slice %arg6[%dma_start3A_386, %dma_start3A_392] : memref<10x2000xi32, #tpu.memory_space<vmem>> -> memref<1x2000xi32, #tpu.memory_space<vmem>>
    %dma_start3A_394 = tpu.memref_squeeze %dma_start3A_393 : memref<1x2000xi32, #tpu.memory_space<vmem>> -> memref<2000xi32, #tpu.memory_space<vmem>>
    %dma_start3A_395 = arith.constant 0 : i32
    %dma_start3A_396 = arith.constant 0 : i32
    %dma_start3A_397 = tpu.memref_slice %arg2[%dma_start3A_395, %dma_start3A_396] : memref<10000x16xf32, #tpu.memory_space<hbm>> -> memref<10000x16xf32, #tpu.memory_space<hbm>>
    tpu.enqueue_indirect_dma source(%dma_start3A_397 : memref<10000x16xf32, #tpu.memory_space<hbm>>) target(%dma_start3A_391 : memref<2000x16xf32, #tpu.memory_space<vmem>>) offsets(%dma_start3A_394 : memref<2000xi32, #tpu.memory_space<vmem>>) semaphore(%arg11 : memref<!tpu.dma_semaphore, #tpu.memory_space<semaphore_mem>>)
    %dma_wait3A_398 = arith.constant 7 : i32
    %dma_wait3A_399 = arith.constant 1 : i32
    %dma_wait3A_400 = arith.constant 0 : i32
    %dma_wait3A_401 = arith.constant 0 : i32
    %dma_wait3A_402 = tpu.memref_slice %arg8[%dma_wait3A_399, %dma_wait3A_400, %dma_wait3A_401] : memref<2x2000x16xf32, #tpu.memory_space<vmem>> -> memref<1x2000x16xf32, #tpu.memory_space<vmem>>
    %dma_wait3A_403 = tpu.memref_squeeze %dma_wait3A_402 : memref<1x2000x16xf32, #tpu.memory_space<vmem>> -> memref<2000x16xf32, #tpu.memory_space<vmem>>
    %dma_wait3A_404 = arith.constant 0 : i32
    %dma_wait3A_405 = tpu.memref_slice %arg6[%dma_wait3A_398, %dma_wait3A_404] : memref<10x2000xi32, #tpu.memory_space<vmem>> -> memref<1x2000xi32, #tpu.memory_space<vmem>>
    %dma_wait3A_406 = tpu.memref_squeeze %dma_wait3A_405 : memref<1x2000xi32, #tpu.memory_space<vmem>> -> memref<2000xi32, #tpu.memory_space<vmem>>
    %dma_wait3A_407 = arith.constant 0 : i32
    %dma_wait3A_408 = arith.constant 0 : i32
    %dma_wait3A_409 = tpu.memref_slice %arg2[%dma_wait3A_407, %dma_wait3A_408] : memref<10000x16xf32, #tpu.memory_space<hbm>> -> memref<10000x16xf32, #tpu.memory_space<hbm>>
    tpu.wait_indirect_dma semaphore(%arg11 : memref<!tpu.dma_semaphore, #tpu.memory_space<semaphore_mem>>) src(%dma_wait3A_409 : memref<10000x16xf32, #tpu.memory_space<hbm>>) dst(%dma_wait3A_403 : memref<2000x16xf32, #tpu.memory_space<vmem>>)
    %dma_start3A_410 = arith.constant 1 : i32
    %dma_start3A_411 = arith.constant 7 : i32
    %dma_start3A_412 = arith.constant 0 : i32
    %dma_start3A_413 = arith.constant 0 : i32
    %dma_start3A_414 = tpu.memref_slice %arg8[%dma_start3A_410, %dma_start3A_412, %dma_start3A_413] : memref<2x2000x16xf32, #tpu.memory_space<vmem>> -> memref<1x2000x16xf32, #tpu.memory_space<vmem>>
    %dma_start3A_415 = tpu.memref_squeeze %dma_start3A_414 : memref<1x2000x16xf32, #tpu.memory_space<vmem>> -> memref<2000x16xf32, #tpu.memory_space<vmem>>
    %dma_start3A_416 = arith.constant 0 : i32
    %dma_start3A_417 = tpu.memref_slice %arg7[%dma_start3A_411, %dma_start3A_416] : memref<10x2000xi32, #tpu.memory_space<vmem>> -> memref<1x2000xi32, #tpu.memory_space<vmem>>
    %dma_start3A_418 = tpu.memref_squeeze %dma_start3A_417 : memref<1x2000xi32, #tpu.memory_space<vmem>> -> memref<2000xi32, #tpu.memory_space<vmem>>
    %dma_start3A_419 = arith.constant 0 : i32
    %dma_start3A_420 = arith.constant 0 : i32
    %dma_start3A_421 = tpu.memref_slice %arg10[%dma_start3A_419, %dma_start3A_420] : memref<10240x16xf32, #tpu.memory_space<vmem_shared>> -> memref<10240x16xf32, #tpu.memory_space<vmem_shared>>
    tpu.enqueue_indirect_dma source(%dma_start3A_415 : memref<2000x16xf32, #tpu.memory_space<vmem>>) target(%dma_start3A_421 : memref<10240x16xf32, #tpu.memory_space<vmem_shared>>) offsets(%dma_start3A_418 : memref<2000xi32, #tpu.memory_space<vmem>>) semaphore(%arg12 : memref<!tpu.dma_semaphore, #tpu.memory_space<semaphore_mem>>) {add = true}
    %dma_wait3A_422 = arith.constant 1 : i32
    %dma_wait3A_423 = arith.constant 7 : i32
    %dma_wait3A_424 = arith.constant 0 : i32
    %dma_wait3A_425 = arith.constant 0 : i32
    %dma_wait3A_426 = tpu.memref_slice %arg8[%dma_wait3A_422, %dma_wait3A_424, %dma_wait3A_425] : memref<2x2000x16xf32, #tpu.memory_space<vmem>> -> memref<1x2000x16xf32, #tpu.memory_space<vmem>>
    %dma_wait3A_427 = tpu.memref_squeeze %dma_wait3A_426 : memref<1x2000x16xf32, #tpu.memory_space<vmem>> -> memref<2000x16xf32, #tpu.memory_space<vmem>>
    %dma_wait3A_428 = arith.constant 0 : i32
    %dma_wait3A_429 = tpu.memref_slice %arg7[%dma_wait3A_423, %dma_wait3A_428] : memref<10x2000xi32, #tpu.memory_space<vmem>> -> memref<1x2000xi32, #tpu.memory_space<vmem>>
    %dma_wait3A_430 = tpu.memref_squeeze %dma_wait3A_429 : memref<1x2000xi32, #tpu.memory_space<vmem>> -> memref<2000xi32, #tpu.memory_space<vmem>>
    %dma_wait3A_431 = arith.constant 0 : i32
    %dma_wait3A_432 = arith.constant 0 : i32
    %dma_wait3A_433 = tpu.memref_slice %arg10[%dma_wait3A_431, %dma_wait3A_432] : memref<10240x16xf32, #tpu.memory_space<vmem_shared>> -> memref<10240x16xf32, #tpu.memory_space<vmem_shared>>
    tpu.wait_indirect_dma semaphore(%arg12 : memref<!tpu.dma_semaphore, #tpu.memory_space<semaphore_mem>>) src(%dma_wait3A_427 : memref<2000x16xf32, #tpu.memory_space<vmem>>) dst(%dma_wait3A_433 : memref<10240x16xf32, #tpu.memory_space<vmem_shared>>)
    %dma_start3A_434 = arith.constant 9 : i32
    %dma_start3A_435 = arith.constant 1 : i32
    %dma_start3A_436 = arith.constant 0 : i32
    %dma_start3A_437 = arith.constant 0 : i32
    %dma_start3A_438 = tpu.memref_slice %arg8[%dma_start3A_435, %dma_start3A_436, %dma_start3A_437] : memref<2x2000x16xf32, #tpu.memory_space<vmem>> -> memref<1x2000x16xf32, #tpu.memory_space<vmem>>
    %dma_start3A_439 = tpu.memref_squeeze %dma_start3A_438 : memref<1x2000x16xf32, #tpu.memory_space<vmem>> -> memref<2000x16xf32, #tpu.memory_space<vmem>>
    %dma_start3A_440 = arith.constant 0 : i32
    %dma_start3A_441 = tpu.memref_slice %arg6[%dma_start3A_434, %dma_start3A_440] : memref<10x2000xi32, #tpu.memory_space<vmem>> -> memref<1x2000xi32, #tpu.memory_space<vmem>>
    %dma_start3A_442 = tpu.memref_squeeze %dma_start3A_441 : memref<1x2000xi32, #tpu.memory_space<vmem>> -> memref<2000xi32, #tpu.memory_space<vmem>>
    %dma_start3A_443 = arith.constant 0 : i32
    %dma_start3A_444 = arith.constant 0 : i32
    %dma_start3A_445 = tpu.memref_slice %arg2[%dma_start3A_443, %dma_start3A_444] : memref<10000x16xf32, #tpu.memory_space<hbm>> -> memref<10000x16xf32, #tpu.memory_space<hbm>>
    tpu.enqueue_indirect_dma source(%dma_start3A_445 : memref<10000x16xf32, #tpu.memory_space<hbm>>) target(%dma_start3A_439 : memref<2000x16xf32, #tpu.memory_space<vmem>>) offsets(%dma_start3A_442 : memref<2000xi32, #tpu.memory_space<vmem>>) semaphore(%arg11 : memref<!tpu.dma_semaphore, #tpu.memory_space<semaphore_mem>>)
    %dma_wait3A_446 = arith.constant 8 : i32
    %dma_wait3A_447 = arith.constant 0 : i32
    %dma_wait3A_448 = arith.constant 0 : i32
    %dma_wait3A_449 = arith.constant 0 : i32
    %dma_wait3A_450 = tpu.memref_slice %arg8[%dma_wait3A_447, %dma_wait3A_448, %dma_wait3A_449] : memref<2x2000x16xf32, #tpu.memory_space<vmem>> -> memref<1x2000x16xf32, #tpu.memory_space<vmem>>
    %dma_wait3A_451 = tpu.memref_squeeze %dma_wait3A_450 : memref<1x2000x16xf32, #tpu.memory_space<vmem>> -> memref<2000x16xf32, #tpu.memory_space<vmem>>
    %dma_wait3A_452 = arith.constant 0 : i32
    %dma_wait3A_453 = tpu.memref_slice %arg6[%dma_wait3A_446, %dma_wait3A_452] : memref<10x2000xi32, #tpu.memory_space<vmem>> -> memref<1x2000xi32, #tpu.memory_space<vmem>>
    %dma_wait3A_454 = tpu.memref_squeeze %dma_wait3A_453 : memref<1x2000xi32, #tpu.memory_space<vmem>> -> memref<2000xi32, #tpu.memory_space<vmem>>
    %dma_wait3A_455 = arith.constant 0 : i32
    %dma_wait3A_456 = arith.constant 0 : i32
    %dma_wait3A_457 = tpu.memref_slice %arg2[%dma_wait3A_455, %dma_wait3A_456] : memref<10000x16xf32, #tpu.memory_space<hbm>> -> memref<10000x16xf32, #tpu.memory_space<hbm>>
    tpu.wait_indirect_dma semaphore(%arg11 : memref<!tpu.dma_semaphore, #tpu.memory_space<semaphore_mem>>) src(%dma_wait3A_457 : memref<10000x16xf32, #tpu.memory_space<hbm>>) dst(%dma_wait3A_451 : memref<2000x16xf32, #tpu.memory_space<vmem>>)
    %dma_start3A_458 = arith.constant 0 : i32
    %dma_start3A_459 = arith.constant 8 : i32
    %dma_start3A_460 = arith.constant 0 : i32
    %dma_start3A_461 = arith.constant 0 : i32
    %dma_start3A_462 = tpu.memref_slice %arg8[%dma_start3A_458, %dma_start3A_460, %dma_start3A_461] : memref<2x2000x16xf32, #tpu.memory_space<vmem>> -> memref<1x2000x16xf32, #tpu.memory_space<vmem>>
    %dma_start3A_463 = tpu.memref_squeeze %dma_start3A_462 : memref<1x2000x16xf32, #tpu.memory_space<vmem>> -> memref<2000x16xf32, #tpu.memory_space<vmem>>
    %dma_start3A_464 = arith.constant 0 : i32
    %dma_start3A_465 = tpu.memref_slice %arg7[%dma_start3A_459, %dma_start3A_464] : memref<10x2000xi32, #tpu.memory_space<vmem>> -> memref<1x2000xi32, #tpu.memory_space<vmem>>
    %dma_start3A_466 = tpu.memref_squeeze %dma_start3A_465 : memref<1x2000xi32, #tpu.memory_space<vmem>> -> memref<2000xi32, #tpu.memory_space<vmem>>
    %dma_start3A_467 = arith.constant 0 : i32
    %dma_start3A_468 = arith.constant 0 : i32
    %dma_start3A_469 = tpu.memref_slice %arg10[%dma_start3A_467, %dma_start3A_468] : memref<10240x16xf32, #tpu.memory_space<vmem_shared>> -> memref<10240x16xf32, #tpu.memory_space<vmem_shared>>
    tpu.enqueue_indirect_dma source(%dma_start3A_463 : memref<2000x16xf32, #tpu.memory_space<vmem>>) target(%dma_start3A_469 : memref<10240x16xf32, #tpu.memory_space<vmem_shared>>) offsets(%dma_start3A_466 : memref<2000xi32, #tpu.memory_space<vmem>>) semaphore(%arg12 : memref<!tpu.dma_semaphore, #tpu.memory_space<semaphore_mem>>) {add = true}
    %dma_wait3A_470 = arith.constant 0 : i32
    %dma_wait3A_471 = arith.constant 8 : i32
    %dma_wait3A_472 = arith.constant 0 : i32
    %dma_wait3A_473 = arith.constant 0 : i32
    %dma_wait3A_474 = tpu.memref_slice %arg8[%dma_wait3A_470, %dma_wait3A_472, %dma_wait3A_473] : memref<2x2000x16xf32, #tpu.memory_space<vmem>> -> memref<1x2000x16xf32, #tpu.memory_space<vmem>>
    %dma_wait3A_475 = tpu.memref_squeeze %dma_wait3A_474 : memref<1x2000x16xf32, #tpu.memory_space<vmem>> -> memref<2000x16xf32, #tpu.memory_space<vmem>>
    %dma_wait3A_476 = arith.constant 0 : i32
    %dma_wait3A_477 = tpu.memref_slice %arg7[%dma_wait3A_471, %dma_wait3A_476] : memref<10x2000xi32, #tpu.memory_space<vmem>> -> memref<1x2000xi32, #tpu.memory_space<vmem>>
    %dma_wait3A_478 = tpu.memref_squeeze %dma_wait3A_477 : memref<1x2000xi32, #tpu.memory_space<vmem>> -> memref<2000xi32, #tpu.memory_space<vmem>>
    %dma_wait3A_479 = arith.constant 0 : i32
    %dma_wait3A_480 = arith.constant 0 : i32
    %dma_wait3A_481 = tpu.memref_slice %arg10[%dma_wait3A_479, %dma_wait3A_480] : memref<10240x16xf32, #tpu.memory_space<vmem_shared>> -> memref<10240x16xf32, #tpu.memory_space<vmem_shared>>
    tpu.wait_indirect_dma semaphore(%arg12 : memref<!tpu.dma_semaphore, #tpu.memory_space<semaphore_mem>>) src(%dma_wait3A_475 : memref<2000x16xf32, #tpu.memory_space<vmem>>) dst(%dma_wait3A_481 : memref<10240x16xf32, #tpu.memory_space<vmem_shared>>)
    %dma_wait3A_482 = arith.constant 9 : i32
    %dma_wait3A_483 = arith.constant 1 : i32
    %dma_wait3A_484 = arith.constant 0 : i32
    %dma_wait3A_485 = arith.constant 0 : i32
    %dma_wait3A_486 = tpu.memref_slice %arg8[%dma_wait3A_483, %dma_wait3A_484, %dma_wait3A_485] : memref<2x2000x16xf32, #tpu.memory_space<vmem>> -> memref<1x2000x16xf32, #tpu.memory_space<vmem>>
    %dma_wait3A_487 = tpu.memref_squeeze %dma_wait3A_486 : memref<1x2000x16xf32, #tpu.memory_space<vmem>> -> memref<2000x16xf32, #tpu.memory_space<vmem>>
    %dma_wait3A_488 = arith.constant 0 : i32
    %dma_wait3A_489 = tpu.memref_slice %arg6[%dma_wait3A_482, %dma_wait3A_488] : memref<10x2000xi32, #tpu.memory_space<vmem>> -> memref<1x2000xi32, #tpu.memory_space<vmem>>
    %dma_wait3A_490 = tpu.memref_squeeze %dma_wait3A_489 : memref<1x2000xi32, #tpu.memory_space<vmem>> -> memref<2000xi32, #tpu.memory_space<vmem>>
    %dma_wait3A_491 = arith.constant 0 : i32
    %dma_wait3A_492 = arith.constant 0 : i32
    %dma_wait3A_493 = tpu.memref_slice %arg2[%dma_wait3A_491, %dma_wait3A_492] : memref<10000x16xf32, #tpu.memory_space<hbm>> -> memref<10000x16xf32, #tpu.memory_space<hbm>>
    tpu.wait_indirect_dma semaphore(%arg11 : memref<!tpu.dma_semaphore, #tpu.memory_space<semaphore_mem>>) src(%dma_wait3A_493 : memref<10000x16xf32, #tpu.memory_space<hbm>>) dst(%dma_wait3A_487 : memref<2000x16xf32, #tpu.memory_space<vmem>>)
    %dma_start3A_494 = arith.constant 1 : i32
    %dma_start3A_495 = arith.constant 9 : i32
    %dma_start3A_496 = arith.constant 0 : i32
    %dma_start3A_497 = arith.constant 0 : i32
    %dma_start3A_498 = tpu.memref_slice %arg8[%dma_start3A_494, %dma_start3A_496, %dma_start3A_497] : memref<2x2000x16xf32, #tpu.memory_space<vmem>> -> memref<1x2000x16xf32, #tpu.memory_space<vmem>>
    %dma_start3A_499 = tpu.memref_squeeze %dma_start3A_498 : memref<1x2000x16xf32, #tpu.memory_space<vmem>> -> memref<2000x16xf32, #tpu.memory_space<vmem>>
    %dma_start3A_500 = arith.constant 0 : i32
    %dma_start3A_501 = tpu.memref_slice %arg7[%dma_start3A_495, %dma_start3A_500] : memref<10x2000xi32, #tpu.memory_space<vmem>> -> memref<1x2000xi32, #tpu.memory_space<vmem>>
    %dma_start3A_502 = tpu.memref_squeeze %dma_start3A_501 : memref<1x2000xi32, #tpu.memory_space<vmem>> -> memref<2000xi32, #tpu.memory_space<vmem>>
    %dma_start3A_503 = arith.constant 0 : i32
    %dma_start3A_504 = arith.constant 0 : i32
    %dma_start3A_505 = tpu.memref_slice %arg10[%dma_start3A_503, %dma_start3A_504] : memref<10240x16xf32, #tpu.memory_space<vmem_shared>> -> memref<10240x16xf32, #tpu.memory_space<vmem_shared>>
    tpu.enqueue_indirect_dma source(%dma_start3A_499 : memref<2000x16xf32, #tpu.memory_space<vmem>>) target(%dma_start3A_505 : memref<10240x16xf32, #tpu.memory_space<vmem_shared>>) offsets(%dma_start3A_502 : memref<2000xi32, #tpu.memory_space<vmem>>) semaphore(%arg12 : memref<!tpu.dma_semaphore, #tpu.memory_space<semaphore_mem>>) {add = true}
    %dma_wait3A_506 = arith.constant 1 : i32
    %dma_wait3A_507 = arith.constant 9 : i32
    %dma_wait3A_508 = arith.constant 0 : i32
    %dma_wait3A_509 = arith.constant 0 : i32
    %dma_wait3A_510 = tpu.memref_slice %arg8[%dma_wait3A_506, %dma_wait3A_508, %dma_wait3A_509] : memref<2x2000x16xf32, #tpu.memory_space<vmem>> -> memref<1x2000x16xf32, #tpu.memory_space<vmem>>
    %dma_wait3A_511 = tpu.memref_squeeze %dma_wait3A_510 : memref<1x2000x16xf32, #tpu.memory_space<vmem>> -> memref<2000x16xf32, #tpu.memory_space<vmem>>
    %dma_wait3A_512 = arith.constant 0 : i32
    %dma_wait3A_513 = tpu.memref_slice %arg7[%dma_wait3A_507, %dma_wait3A_512] : memref<10x2000xi32, #tpu.memory_space<vmem>> -> memref<1x2000xi32, #tpu.memory_space<vmem>>
    %dma_wait3A_514 = tpu.memref_squeeze %dma_wait3A_513 : memref<1x2000xi32, #tpu.memory_space<vmem>> -> memref<2000xi32, #tpu.memory_space<vmem>>
    %dma_wait3A_515 = arith.constant 0 : i32
    %dma_wait3A_516 = arith.constant 0 : i32
    %dma_wait3A_517 = tpu.memref_slice %arg10[%dma_wait3A_515, %dma_wait3A_516] : memref<10240x16xf32, #tpu.memory_space<vmem_shared>> -> memref<10240x16xf32, #tpu.memory_space<vmem_shared>>
    tpu.wait_indirect_dma semaphore(%arg12 : memref<!tpu.dma_semaphore, #tpu.memory_space<semaphore_mem>>) src(%dma_wait3A_511 : memref<2000x16xf32, #tpu.memory_space<vmem>>) dst(%dma_wait3A_517 : memref<10240x16xf32, #tpu.memory_space<vmem_shared>>)
    %barrier3A_518 = arith.constant 0 : index
    tpu.barrier barrier_id(%barrier3A_518)
    %mul3A_519 = arith.constant 640 : i32
    %mul3A_520 = arith.muli %arg1, %mul3A_519 : i32
    "tpu.region"() ({
      %run_scoped3A = tpu.sem_alloc : memref<!tpu.dma_semaphore, #tpu.memory_space<semaphore_mem>>
      %dma_start3A_523 = arith.constant 0 : i32
      %dma_start3A_524 = tpu.memref_slice %arg10[%mul3A_520, %dma_start3A_523] : memref<10240x16xf32, #tpu.memory_space<vmem_shared>> -> memref<640x16xf32, #tpu.memory_space<vmem_shared>>
      %dma_start3A_525 = arith.constant 0 : i32
      %dma_start3A_526 = tpu.memref_slice %arg10[%mul3A_520, %dma_start3A_525] : memref<10240x16xf32, #tpu.memory_space<vmem_shared>> -> memref<640x16xf32, #tpu.memory_space<vmem_shared>>
      tpu.enqueue_dma source(%dma_start3A_526 : memref<640x16xf32, #tpu.memory_space<vmem_shared>>) target(%arg9 : memref<640x16xf32, #tpu.memory_space<vmem>>) target_semaphore(%run_scoped3A : memref<!tpu.dma_semaphore, #tpu.memory_space<semaphore_mem>>)
      %dma_wait3A_527 = arith.constant 0 : i32
      %dma_wait3A_528 = tpu.memref_slice %arg10[%mul3A_520, %dma_wait3A_527] : memref<10240x16xf32, #tpu.memory_space<vmem_shared>> -> memref<640x16xf32, #tpu.memory_space<vmem_shared>>
      %dma_wait3A_529 = arith.constant 0 : i32
      %dma_wait3A_530 = tpu.memref_slice %arg10[%mul3A_520, %dma_wait3A_529] : memref<10240x16xf32, #tpu.memory_space<vmem_shared>> -> memref<640x16xf32, #tpu.memory_space<vmem_shared>>
      tpu.wait_dma2 semaphore(%run_scoped3A : memref<!tpu.dma_semaphore, #tpu.memory_space<semaphore_mem>>) src(%dma_wait3A_530 : memref<640x16xf32, #tpu.memory_space<vmem_shared>>) dst(%arg9 : memref<640x16xf32, #tpu.memory_space<vmem>>)
      tpu.yield
    }) : () -> ()
    %mul3A_521 = arith.constant 640 : i32
    %mul3A_522 = arith.muli %arg1, %mul3A_521 : i32
    "tpu.region"() ({
      %run_scoped3A = tpu.sem_alloc : memref<!tpu.dma_semaphore, #tpu.memory_space<semaphore_mem>>
      %dma_start3A_523 = arith.constant 0 : i32
      %dma_start3A_524 = arith.constant 0 : i32
      %dma_start3A_525 = tpu.memref_slice %arg5[%arg0, %dma_start3A_523, %dma_start3A_524] : memref<2x10240x16xf32, #tpu.memory_space<hbm>> -> memref<1x10240x16xf32, #tpu.memory_space<hbm>>
      %dma_start3A_526 = tpu.memref_squeeze %dma_start3A_525 : memref<1x10240x16xf32, #tpu.memory_space<hbm>> -> memref<10240x16xf32, #tpu.memory_space<hbm>>
      %dma_start3A_527 = arith.constant 0 : i32
      %dma_start3A_528 = tpu.memref_slice %dma_start3A_526[%mul3A_522, %dma_start3A_527] : memref<10240x16xf32, #tpu.memory_space<hbm>> -> memref<640x16xf32, #tpu.memory_space<hbm>>
      %dma_start3A_529 = arith.constant 0 : i32
      %dma_start3A_530 = arith.constant 0 : i32
      %dma_start3A_531 = tpu.memref_slice %arg5[%arg0, %dma_start3A_529, %dma_start3A_530] : memref<2x10240x16xf32, #tpu.memory_space<hbm>> -> memref<1x10240x16xf32, #tpu.memory_space<hbm>>
      %dma_start3A_532 = tpu.memref_squeeze %dma_start3A_531 : memref<1x10240x16xf32, #tpu.memory_space<hbm>> -> memref<10240x16xf32, #tpu.memory_space<hbm>>
      %dma_start3A_533 = arith.constant 0 : i32
      %dma_start3A_534 = tpu.memref_slice %dma_start3A_532[%mul3A_522, %dma_start3A_533] : memref<10240x16xf32, #tpu.memory_space<hbm>> -> memref<640x16xf32, #tpu.memory_space<hbm>>
      tpu.enqueue_dma source(%arg9 : memref<640x16xf32, #tpu.memory_space<vmem>>) target(%dma_start3A_534 : memref<640x16xf32, #tpu.memory_space<hbm>>) target_semaphore(%run_scoped3A : memref<!tpu.dma_semaphore, #tpu.memory_space<semaphore_mem>>)
      %dma_wait3A_535 = arith.constant 0 : i32
      %dma_wait3A_536 = arith.constant 0 : i32
      %dma_wait3A_537 = tpu.memref_slice %arg5[%arg0, %dma_wait3A_535, %dma_wait3A_536] : memref<2x10240x16xf32, #tpu.memory_space<hbm>> -> memref<1x10240x16xf32, #tpu.memory_space<hbm>>
      %dma_wait3A_538 = tpu.memref_squeeze %dma_wait3A_537 : memref<1x10240x16xf32, #tpu.memory_space<hbm>> -> memref<10240x16xf32, #tpu.memory_space<hbm>>
      %dma_wait3A_539 = arith.constant 0 : i32
      %dma_wait3A_540 = tpu.memref_slice %dma_wait3A_538[%mul3A_522, %dma_wait3A_539] : memref<10240x16xf32, #tpu.memory_space<hbm>> -> memref<640x16xf32, #tpu.memory_space<hbm>>
      %dma_wait3A_541 = arith.constant 0 : i32
      %dma_wait3A_542 = arith.constant 0 : i32
      %dma_wait3A_543 = tpu.memref_slice %arg5[%arg0, %dma_wait3A_541, %dma_wait3A_542] : memref<2x10240x16xf32, #tpu.memory_space<hbm>> -> memref<1x10240x16xf32, #tpu.memory_space<hbm>>
      %dma_wait3A_544 = tpu.memref_squeeze %dma_wait3A_543 : memref<1x10240x16xf32, #tpu.memory_space<hbm>> -> memref<10240x16xf32, #tpu.memory_space<hbm>>
      %dma_wait3A_545 = arith.constant 0 : i32
      %dma_wait3A_546 = tpu.memref_slice %dma_wait3A_544[%mul3A_522, %dma_wait3A_545] : memref<10240x16xf32, #tpu.memory_space<hbm>> -> memref<640x16xf32, #tpu.memory_space<hbm>>
      tpu.wait_dma2 semaphore(%run_scoped3A : memref<!tpu.dma_semaphore, #tpu.memory_space<semaphore_mem>>) src(%arg9 : memref<640x16xf32, #tpu.memory_space<vmem>>) dst(%dma_wait3A_546 : memref<640x16xf32, #tpu.memory_space<hbm>>)
      tpu.yield
    }) : () -> ()
    return
  }
}

#map = affine_map<(d0, d1) -> (0, 0)>
#map1 = affine_map<(d0, d1) -> (0, 0, 0)>
module attributes {stable_mosaic.version = 14 : i64} {
  func.func @_sc_layer(%arg0: i32, %arg1: i32, %arg2: memref<10000x16xf32, #tpu.memory_space<hbm>>, %arg3: memref<32x10x2000xi32, #tpu.memory_space<hbm>>, %arg4: memref<32x10x2000xi32, #tpu.memory_space<hbm>>, %arg5: memref<2x10240x16xf32, #tpu.memory_space<hbm>>, %arg6: memref<10x2000xi32, #tpu.memory_space<vmem>>, %arg7: memref<10x2000xi32, #tpu.memory_space<vmem>>, %arg8: memref<2x2000x16xf32, #tpu.memory_space<vmem>>, %arg9: memref<640x16xf32, #tpu.memory_space<vmem>>, %arg10: memref<10240x16xf32, #tpu.memory_space<vmem_shared>>, %arg11: memref<!tpu.dma_semaphore, #tpu.memory_space<semaphore_mem>>, %arg12: memref<!tpu.dma_semaphore, #tpu.memory_space<semaphore_mem>>) attributes {dimension_semantics = [#tpu.dimension_semantics<core_parallel>, #tpu.dimension_semantics<subcore_parallel>], iteration_bounds = array<i64: 2, 16>, scalar_prefetch = 0 : i64, scratch_operands = 7 : i64, tpu.core_type = #tpu.core_type<sc_vector_subcore>, window_params = [{transform_indices = #map}, {transform_indices = #map1}, {transform_indices = #map1}, {transform_indices = #map1}]} {
    %mul3A = arith.constant 16 : i32
    %mul3A_0 = arith.muli %arg0, %mul3A : i32
    %add3A = arith.addi %mul3A_0, %arg1 : i32
    %dma_start3A = arith.constant 0 : i32
    %dma_start3A_1 = arith.constant 0 : i32
    %dma_start3A_2 = tpu.memref_slice %arg3[%add3A, %dma_start3A, %dma_start3A_1] : memref<32x10x2000xi32, #tpu.memory_space<hbm>> -> memref<1x10x2000xi32, #tpu.memory_space<hbm>>
    %dma_start3A_3 = tpu.memref_squeeze %dma_start3A_2 : memref<1x10x2000xi32, #tpu.memory_space<hbm>> -> memref<10x2000xi32, #tpu.memory_space<hbm>>
    %dma_start3A_4 = arith.constant 0 : i32
    %dma_start3A_5 = arith.constant 0 : i32
    %dma_start3A_6 = tpu.memref_slice %arg3[%add3A, %dma_start3A_4, %dma_start3A_5] : memref<32x10x2000xi32, #tpu.memory_space<hbm>> -> memref<1x10x2000xi32, #tpu.memory_space<hbm>>
    %dma_start3A_7 = tpu.memref_squeeze %dma_start3A_6 : memref<1x10x2000xi32, #tpu.memory_space<hbm>> -> memref<10x2000xi32, #tpu.memory_space<hbm>>
    tpu.enqueue_dma source(%dma_start3A_7 : memref<10x2000xi32, #tpu.memory_space<hbm>>) target(%arg6 : memref<10x2000xi32, #tpu.memory_space<vmem>>) target_semaphore(%arg11 : memref<!tpu.dma_semaphore, #tpu.memory_space<semaphore_mem>>)
    %dma_start3A_8 = arith.constant 0 : i32
    %dma_start3A_9 = arith.constant 0 : i32
    %dma_start3A_10 = tpu.memref_slice %arg4[%add3A, %dma_start3A_8, %dma_start3A_9] : memref<32x10x2000xi32, #tpu.memory_space<hbm>> -> memref<1x10x2000xi32, #tpu.memory_space<hbm>>
    %dma_start3A_11 = tpu.memref_squeeze %dma_start3A_10 : memref<1x10x2000xi32, #tpu.memory_space<hbm>> -> memref<10x2000xi32, #tpu.memory_space<hbm>>
    %dma_start3A_12 = arith.constant 0 : i32
    %dma_start3A_13 = arith.constant 0 : i32
    %dma_start3A_14 = tpu.memref_slice %arg4[%add3A, %dma_start3A_12, %dma_start3A_13] : memref<32x10x2000xi32, #tpu.memory_space<hbm>> -> memref<1x10x2000xi32, #tpu.memory_space<hbm>>
    %dma_start3A_15 = tpu.memref_squeeze %dma_start3A_14 : memref<1x10x2000xi32, #tpu.memory_space<hbm>> -> memref<10x2000xi32, #tpu.memory_space<hbm>>
    tpu.enqueue_dma source(%dma_start3A_15 : memref<10x2000xi32, #tpu.memory_space<hbm>>) target(%arg7 : memref<10x2000xi32, #tpu.memory_space<vmem>>) target_semaphore(%arg11 : memref<!tpu.dma_semaphore, #tpu.memory_space<semaphore_mem>>)
    %scan3A = arith.constant 0 : i32
    %scan3A_16 = arith.constant 0 : i32
    %scan3A_17 = arith.constant 640 : i32
    %scan3A_18 = arith.addi %scan3A_16, %scan3A_17 : i32
    %scan3A_19 = arith.constant 1 : i32
    scf.for %scan3A_523 = %scan3A_16 to %scan3A_18 step %scan3A_19  : i32 {
      %broadcast_in_dim3A = arith.constant 0.000000e+00 : f32
      %broadcast_in_dim3A_524 = vector.broadcast %broadcast_in_dim3A : f32 to vector<16xf32>
      %swap3A = arith.index_cast %scan3A_523 : i32 to index
      %swap3A_525 = arith.constant 0 : index
      %swap3A_526 = tpu.vector_load %arg9[%swap3A, %swap3A_525] {strides = array<i32>} : memref<640x16xf32, #tpu.memory_space<vmem>>, vector<1x16xf32>,
      %swap3A_527 = vector.shape_cast %swap3A_526 : vector<1x16xf32> to vector<16xf32>
      %swap3A_528 = vector.shape_cast %broadcast_in_dim3A_524 : vector<16xf32> to vector<1x16xf32>
      tpu.vector_store %arg9[%swap3A, %swap3A_525], %swap3A_528 {strides = array<i32>} : memref<640x16xf32, #tpu.memory_space<vmem>>, vector<1x16xf32>,
    }
    %scan3A_20 = arith.constant 640 : i32
    %mul3A_21 = arith.constant 640 : i32
    %mul3A_22 = arith.muli %arg1, %mul3A_21 : i32
    "tpu.region"() ({
      %run_scoped3A = tpu.sem_alloc : memref<!tpu.dma_semaphore, #tpu.memory_space<semaphore_mem>>
      %dma_start3A_523 = arith.constant 0 : i32
      %dma_start3A_524 = tpu.memref_slice %arg10[%mul3A_22, %dma_start3A_523] : memref<10240x16xf32, #tpu.memory_space<vmem_shared>> -> memref<640x16xf32, #tpu.memory_space<vmem_shared>>
      %dma_start3A_525 = arith.constant 0 : i32
      %dma_start3A_526 = tpu.memref_slice %arg10[%mul3A_22, %dma_start3A_525] : memref<10240x16xf32, #tpu.memory_space<vmem_shared>> -> memref<640x16xf32, #tpu.memory_space<vmem_shared>>
      tpu.enqueue_dma source(%arg9 : memref<640x16xf32, #tpu.memory_space<vmem>>) target(%dma_start3A_526 : memref<640x16xf32, #tpu.memory_space<vmem_shared>>) target_semaphore(%run_scoped3A : memref<!tpu.dma_semaphore, #tpu.memory_space<semaphore_mem>>)
      %dma_wait3A_527 = arith.constant 0 : i32
      %dma_wait3A_528 = tpu.memref_slice %arg10[%mul3A_22, %dma_wait3A_527] : memref<10240x16xf32, #tpu.memory_space<vmem_shared>> -> memref<640x16xf32, #tpu.memory_space<vmem_shared>>
      %dma_wait3A_529 = arith.constant 0 : i32
      %dma_wait3A_530 = tpu.memref_slice %arg10[%mul3A_22, %dma_wait3A_529] : memref<10240x16xf32, #tpu.memory_space<vmem_shared>> -> memref<640x16xf32, #tpu.memory_space<vmem_shared>>
      tpu.wait_dma2 semaphore(%run_scoped3A : memref<!tpu.dma_semaphore, #tpu.memory_space<semaphore_mem>>) src(%arg9 : memref<640x16xf32, #tpu.memory_space<vmem>>) dst(%dma_wait3A_530 : memref<640x16xf32, #tpu.memory_space<vmem_shared>>)
      tpu.yield
    }) : () -> ()
    %dma_wait3A = arith.constant 0 : i32
    %dma_wait3A_23 = arith.constant 0 : i32
    %dma_wait3A_24 = tpu.memref_slice %arg3[%add3A, %dma_wait3A, %dma_wait3A_23] : memref<32x10x2000xi32, #tpu.memory_space<hbm>> -> memref<1x10x2000xi32, #tpu.memory_space<hbm>>
    %dma_wait3A_25 = tpu.memref_squeeze %dma_wait3A_24 : memref<1x10x2000xi32, #tpu.memory_space<hbm>> -> memref<10x2000xi32, #tpu.memory_space<hbm>>
    %dma_wait3A_26 = arith.constant 0 : i32
    %dma_wait3A_27 = arith.constant 0 : i32
    %dma_wait3A_28 = tpu.memref_slice %arg3[%add3A, %dma_wait3A_26, %dma_wait3A_27] : memref<32x10x2000xi32, #tpu.memory_space<hbm>> -> memref<1x10x2000xi32, #tpu.memory_space<hbm>>
    %dma_wait3A_29 = tpu.memref_squeeze %dma_wait3A_28 : memref<1x10x2000xi32, #tpu.memory_space<hbm>> -> memref<10x2000xi32, #tpu.memory_space<hbm>>
    tpu.wait_dma2 semaphore(%arg11 : memref<!tpu.dma_semaphore, #tpu.memory_space<semaphore_mem>>) src(%dma_wait3A_29 : memref<10x2000xi32, #tpu.memory_space<hbm>>) dst(%arg6 : memref<10x2000xi32, #tpu.memory_space<vmem>>)
    %dma_wait3A_30 = arith.constant 0 : i32
    %dma_wait3A_31 = arith.constant 0 : i32
    %dma_wait3A_32 = tpu.memref_slice %arg4[%add3A, %dma_wait3A_30, %dma_wait3A_31] : memref<32x10x2000xi32, #tpu.memory_space<hbm>> -> memref<1x10x2000xi32, #tpu.memory_space<hbm>>
    %dma_wait3A_33 = tpu.memref_squeeze %dma_wait3A_32 : memref<1x10x2000xi32, #tpu.memory_space<hbm>> -> memref<10x2000xi32, #tpu.memory_space<hbm>>
    %dma_wait3A_34 = arith.constant 0 : i32
    %dma_wait3A_35 = arith.constant 0 : i32
    %dma_wait3A_36 = tpu.memref_slice %arg4[%add3A, %dma_wait3A_34, %dma_wait3A_35] : memref<32x10x2000xi32, #tpu.memory_space<hbm>> -> memref<1x10x2000xi32, #tpu.memory_space<hbm>>
    %dma_wait3A_37 = tpu.memref_squeeze %dma_wait3A_36 : memref<1x10x2000xi32, #tpu.memory_space<hbm>> -> memref<10x2000xi32, #tpu.memory_space<hbm>>
    tpu.wait_dma2 semaphore(%arg11 : memref<!tpu.dma_semaphore, #tpu.memory_space<semaphore_mem>>) src(%dma_wait3A_37 : memref<10x2000xi32, #tpu.memory_space<hbm>>) dst(%arg7 : memref<10x2000xi32, #tpu.memory_space<vmem>>)
    %barrier3A = arith.constant 0 : index
    tpu.barrier barrier_id(%barrier3A)
    %dma_start3A_38 = arith.constant 0 : i32
    %dma_start3A_39 = arith.constant 0 : i32
    %dma_start3A_40 = arith.constant 0 : i32
    %dma_start3A_41 = arith.constant 0 : i32
    %dma_start3A_42 = tpu.memref_slice %arg8[%dma_start3A_39, %dma_start3A_40, %dma_start3A_41] : memref<2x2000x16xf32, #tpu.memory_space<vmem>> -> memref<1x2000x16xf32, #tpu.memory_space<vmem>>
    %dma_start3A_43 = tpu.memref_squeeze %dma_start3A_42 : memref<1x2000x16xf32, #tpu.memory_space<vmem>> -> memref<2000x16xf32, #tpu.memory_space<vmem>>
    %dma_start3A_44 = arith.constant 0 : i32
    %dma_start3A_45 = tpu.memref_slice %arg6[%dma_start3A_38, %dma_start3A_44] : memref<10x2000xi32, #tpu.memory_space<vmem>> -> memref<1x2000xi32, #tpu.memory_space<vmem>>
    %dma_start3A_46 = tpu.memref_squeeze %dma_start3A_45 : memref<1x2000xi32, #tpu.memory_space<vmem>> -> memref<2000xi32, #tpu.memory_space<vmem>>
    %dma_start3A_47 = arith.constant 0 : i32
    %dma_start3A_48 = arith.constant 0 : i32
    %dma_start3A_49 = tpu.memref_slice %arg2[%dma_start3A_47, %dma_start3A_48] : memref<10000x16xf32, #tpu.memory_space<hbm>> -> memref<10000x16xf32, #tpu.memory_space<hbm>>
    tpu.enqueue_indirect_dma source(%dma_start3A_49 : memref<10000x16xf32, #tpu.memory_space<hbm>>) target(%dma_start3A_43 : memref<2000x16xf32, #tpu.memory_space<vmem>>) offsets(%dma_start3A_46 : memref<2000xi32, #tpu.memory_space<vmem>>) semaphore(%arg11 : memref<!tpu.dma_semaphore, #tpu.memory_space<semaphore_mem>>)
    %dma_start3A_50 = arith.constant 1 : i32
    %dma_start3A_51 = arith.constant 1 : i32
    %dma_start3A_52 = arith.constant 0 : i32
    %dma_start3A_53 = arith.constant 0 : i32
    %dma_start3A_54 = tpu.memref_slice %arg8[%dma_start3A_51, %dma_start3A_52, %dma_start3A_53] : memref<2x2000x16xf32, #tpu.memory_space<vmem>> -> memref<1x2000x16xf32, #tpu.memory_space<vmem>>
    %dma_start3A_55 = tpu.memref_squeeze %dma_start3A_54 : memref<1x2000x16xf32, #tpu.memory_space<vmem>> -> memref<2000x16xf32, #tpu.memory_space<vmem>>
    %dma_start3A_56 = arith.constant 0 : i32
    %dma_start3A_57 = tpu.memref_slice %arg6[%dma_start3A_50, %dma_start3A_56] : memref<10x2000xi32, #tpu.memory_space<vmem>> -> memref<1x2000xi32, #tpu.memory_space<vmem>>
    %dma_start3A_58 = tpu.memref_squeeze %dma_start3A_57 : memref<1x2000xi32, #tpu.memory_space<vmem>> -> memref<2000xi32, #tpu.memory_space<vmem>>
    %dma_start3A_59 = arith.constant 0 : i32
    %dma_start3A_60 = arith.constant 0 : i32
    %dma_start3A_61 = tpu.memref_slice %arg2[%dma_start3A_59, %dma_start3A_60] : memref<10000x16xf32, #tpu.memory_space<hbm>> -> memref<10000x16xf32, #tpu.memory_space<hbm>>
    tpu.enqueue_indirect_dma source(%dma_start3A_61 : memref<10000x16xf32, #tpu.memory_space<hbm>>) target(%dma_start3A_55 : memref<2000x16xf32, #tpu.memory_space<vmem>>) offsets(%dma_start3A_58 : memref<2000xi32, #tpu.memory_space<vmem>>) semaphore(%arg11 : memref<!tpu.dma_semaphore, #tpu.memory_space<semaphore_mem>>)
    %dma_wait3A_62 = arith.constant 0 : i32
    %dma_wait3A_63 = arith.constant 0 : i32
    %dma_wait3A_64 = arith.constant 0 : i32
    %dma_wait3A_65 = arith.constant 0 : i32
    %dma_wait3A_66 = tpu.memref_slice %arg8[%dma_wait3A_63, %dma_wait3A_64, %dma_wait3A_65] : memref<2x2000x16xf32, #tpu.memory_space<vmem>> -> memref<1x2000x16xf32, #tpu.memory_space<vmem>>
    %dma_wait3A_67 = tpu.memref_squeeze %dma_wait3A_66 : memref<1x2000x16xf32, #tpu.memory_space<vmem>> -> memref<2000x16xf32, #tpu.memory_space<vmem>>
    %dma_wait3A_68 = arith.constant 0 : i32
    %dma_wait3A_69 = tpu.memref_slice %arg6[%dma_wait3A_62, %dma_wait3A_68] : memref<10x2000xi32, #tpu.memory_space<vmem>> -> memref<1x2000xi32, #tpu.memory_space<vmem>>
    %dma_wait3A_70 = tpu.memref_squeeze %dma_wait3A_69 : memref<1x2000xi32, #tpu.memory_space<vmem>> -> memref<2000xi32, #tpu.memory_space<vmem>>
    %dma_wait3A_71 = arith.constant 0 : i32
    %dma_wait3A_72 = arith.constant 0 : i32
    %dma_wait3A_73 = tpu.memref_slice %arg2[%dma_wait3A_71, %dma_wait3A_72] : memref<10000x16xf32, #tpu.memory_space<hbm>> -> memref<10000x16xf32, #tpu.memory_space<hbm>>
    tpu.wait_indirect_dma semaphore(%arg11 : memref<!tpu.dma_semaphore, #tpu.memory_space<semaphore_mem>>) src(%dma_wait3A_73 : memref<10000x16xf32, #tpu.memory_space<hbm>>) dst(%dma_wait3A_67 : memref<2000x16xf32, #tpu.memory_space<vmem>>)
    %dma_start3A_74 = arith.constant 0 : i32
    %dma_start3A_75 = arith.constant 0 : i32
    %dma_start3A_76 = arith.constant 0 : i32
    %dma_start3A_77 = arith.constant 0 : i32
    %dma_start3A_78 = tpu.memref_slice %arg8[%dma_start3A_74, %dma_start3A_76, %dma_start3A_77] : memref<2x2000x16xf32, #tpu.memory_space<vmem>> -> memref<1x2000x16xf32, #tpu.memory_space<vmem>>
    %dma_start3A_79 = tpu.memref_squeeze %dma_start3A_78 : memref<1x2000x16xf32, #tpu.memory_space<vmem>> -> memref<2000x16xf32, #tpu.memory_space<vmem>>
    %dma_start3A_80 = arith.constant 0 : i32
    %dma_start3A_81 = tpu.memref_slice %arg7[%dma_start3A_75, %dma_start3A_80] : memref<10x2000xi32, #tpu.memory_space<vmem>> -> memref<1x2000xi32, #tpu.memory_space<vmem>>
    %dma_start3A_82 = tpu.memref_squeeze %dma_start3A_81 : memref<1x2000xi32, #tpu.memory_space<vmem>> -> memref<2000xi32, #tpu.memory_space<vmem>>
    %dma_start3A_83 = arith.constant 0 : i32
    %dma_start3A_84 = arith.constant 0 : i32
    %dma_start3A_85 = tpu.memref_slice %arg10[%dma_start3A_83, %dma_start3A_84] : memref<10240x16xf32, #tpu.memory_space<vmem_shared>> -> memref<10240x16xf32, #tpu.memory_space<vmem_shared>>
    tpu.enqueue_indirect_dma source(%dma_start3A_79 : memref<2000x16xf32, #tpu.memory_space<vmem>>) target(%dma_start3A_85 : memref<10240x16xf32, #tpu.memory_space<vmem_shared>>) offsets(%dma_start3A_82 : memref<2000xi32, #tpu.memory_space<vmem>>) semaphore(%arg12 : memref<!tpu.dma_semaphore, #tpu.memory_space<semaphore_mem>>) {add = true}
    %dma_wait3A_86 = arith.constant 0 : i32
    %dma_wait3A_87 = arith.constant 0 : i32
    %dma_wait3A_88 = arith.constant 0 : i32
    %dma_wait3A_89 = arith.constant 0 : i32
    %dma_wait3A_90 = tpu.memref_slice %arg8[%dma_wait3A_86, %dma_wait3A_88, %dma_wait3A_89] : memref<2x2000x16xf32, #tpu.memory_space<vmem>> -> memref<1x2000x16xf32, #tpu.memory_space<vmem>>
    %dma_wait3A_91 = tpu.memref_squeeze %dma_wait3A_90 : memref<1x2000x16xf32, #tpu.memory_space<vmem>> -> memref<2000x16xf32, #tpu.memory_space<vmem>>
    %dma_wait3A_92 = arith.constant 0 : i32
    %dma_wait3A_93 = tpu.memref_slice %arg7[%dma_wait3A_87, %dma_wait3A_92] : memref<10x2000xi32, #tpu.memory_space<vmem>> -> memref<1x2000xi32, #tpu.memory_space<vmem>>
    %dma_wait3A_94 = tpu.memref_squeeze %dma_wait3A_93 : memref<1x2000xi32, #tpu.memory_space<vmem>> -> memref<2000xi32, #tpu.memory_space<vmem>>
    %dma_wait3A_95 = arith.constant 0 : i32
    %dma_wait3A_96 = arith.constant 0 : i32
    %dma_wait3A_97 = tpu.memref_slice %arg10[%dma_wait3A_95, %dma_wait3A_96] : memref<10240x16xf32, #tpu.memory_space<vmem_shared>> -> memref<10240x16xf32, #tpu.memory_space<vmem_shared>>
    tpu.wait_indirect_dma semaphore(%arg12 : memref<!tpu.dma_semaphore, #tpu.memory_space<semaphore_mem>>) src(%dma_wait3A_91 : memref<2000x16xf32, #tpu.memory_space<vmem>>) dst(%dma_wait3A_97 : memref<10240x16xf32, #tpu.memory_space<vmem_shared>>)
    %dma_start3A_98 = arith.constant 2 : i32
    %dma_start3A_99 = arith.constant 0 : i32
    %dma_start3A_100 = arith.constant 0 : i32
    %dma_start3A_101 = arith.constant 0 : i32
    %dma_start3A_102 = tpu.memref_slice %arg8[%dma_start3A_99, %dma_start3A_100, %dma_start3A_101] : memref<2x2000x16xf32, #tpu.memory_space<vmem>> -> memref<1x2000x16xf32, #tpu.memory_space<vmem>>
    %dma_start3A_103 = tpu.memref_squeeze %dma_start3A_102 : memref<1x2000x16xf32, #tpu.memory_space<vmem>> -> memref<2000x16xf32, #tpu.memory_space<vmem>>
    %dma_start3A_104 = arith.constant 0 : i32
    %dma_start3A_105 = tpu.memref_slice %arg6[%dma_start3A_98, %dma_start3A_104] : memref<10x2000xi32, #tpu.memory_space<vmem>> -> memref<1x2000xi32, #tpu.memory_space<vmem>>
    %dma_start3A_106 = tpu.memref_squeeze %dma_start3A_105 : memref<1x2000xi32, #tpu.memory_space<vmem>> -> memref<2000xi32, #tpu.memory_space<vmem>>
    %dma_start3A_107 = arith.constant 0 : i32
    %dma_start3A_108 = arith.constant 0 : i32
    %dma_start3A_109 = tpu.memref_slice %arg2[%dma_start3A_107, %dma_start3A_108] : memref<10000x16xf32, #tpu.memory_space<hbm>> -> memref<10000x16xf32, #tpu.memory_space<hbm>>
    tpu.enqueue_indirect_dma source(%dma_start3A_109 : memref<10000x16xf32, #tpu.memory_space<hbm>>) target(%dma_start3A_103 : memref<2000x16xf32, #tpu.memory_space<vmem>>) offsets(%dma_start3A_106 : memref<2000xi32, #tpu.memory_space<vmem>>) semaphore(%arg11 : memref<!tpu.dma_semaphore, #tpu.memory_space<semaphore_mem>>)
    %dma_wait3A_110 = arith.constant 1 : i32
    %dma_wait3A_111 = arith.constant 1 : i32
    %dma_wait3A_112 = arith.constant 0 : i32
    %dma_wait3A_113 = arith.constant 0 : i32
    %dma_wait3A_114 = tpu.memref_slice %arg8[%dma_wait3A_111, %dma_wait3A_112, %dma_wait3A_113] : memref<2x2000x16xf32, #tpu.memory_space<vmem>> -> memref<1x2000x16xf32, #tpu.memory_space<vmem>>
    %dma_wait3A_115 = tpu.memref_squeeze %dma_wait3A_114 : memref<1x2000x16xf32, #tpu.memory_space<vmem>> -> memref<2000x16xf32, #tpu.memory_space<vmem>>
    %dma_wait3A_116 = arith.constant 0 : i32
    %dma_wait3A_117 = tpu.memref_slice %arg6[%dma_wait3A_110, %dma_wait3A_116] : memref<10x2000xi32, #tpu.memory_space<vmem>> -> memref<1x2000xi32, #tpu.memory_space<vmem>>
    %dma_wait3A_118 = tpu.memref_squeeze %dma_wait3A_117 : memref<1x2000xi32, #tpu.memory_space<vmem>> -> memref<2000xi32, #tpu.memory_space<vmem>>
    %dma_wait3A_119 = arith.constant 0 : i32
    %dma_wait3A_120 = arith.constant 0 : i32
    %dma_wait3A_121 = tpu.memref_slice %arg2[%dma_wait3A_119, %dma_wait3A_120] : memref<10000x16xf32, #tpu.memory_space<hbm>> -> memref<10000x16xf32, #tpu.memory_space<hbm>>
    tpu.wait_indirect_dma semaphore(%arg11 : memref<!tpu.dma_semaphore, #tpu.memory_space<semaphore_mem>>) src(%dma_wait3A_121 : memref<10000x16xf32, #tpu.memory_space<hbm>>) dst(%dma_wait3A_115 : memref<2000x16xf32, #tpu.memory_space<vmem>>)
    %dma_start3A_122 = arith.constant 1 : i32
    %dma_start3A_123 = arith.constant 1 : i32
    %dma_start3A_124 = arith.constant 0 : i32
    %dma_start3A_125 = arith.constant 0 : i32
    %dma_start3A_126 = tpu.memref_slice %arg8[%dma_start3A_122, %dma_start3A_124, %dma_start3A_125] : memref<2x2000x16xf32, #tpu.memory_space<vmem>> -> memref<1x2000x16xf32, #tpu.memory_space<vmem>>
    %dma_start3A_127 = tpu.memref_squeeze %dma_start3A_126 : memref<1x2000x16xf32, #tpu.memory_space<vmem>> -> memref<2000x16xf32, #tpu.memory_space<vmem>>
    %dma_start3A_128 = arith.constant 0 : i32
    %dma_start3A_129 = tpu.memref_slice %arg7[%dma_start3A_123, %dma_start3A_128] : memref<10x2000xi32, #tpu.memory_space<vmem>> -> memref<1x2000xi32, #tpu.memory_space<vmem>>
    %dma_start3A_130 = tpu.memref_squeeze %dma_start3A_129 : memref<1x2000xi32, #tpu.memory_space<vmem>> -> memref<2000xi32, #tpu.memory_space<vmem>>
    %dma_start3A_131 = arith.constant 0 : i32
    %dma_start3A_132 = arith.constant 0 : i32
    %dma_start3A_133 = tpu.memref_slice %arg10[%dma_start3A_131, %dma_start3A_132] : memref<10240x16xf32, #tpu.memory_space<vmem_shared>> -> memref<10240x16xf32, #tpu.memory_space<vmem_shared>>
    tpu.enqueue_indirect_dma source(%dma_start3A_127 : memref<2000x16xf32, #tpu.memory_space<vmem>>) target(%dma_start3A_133 : memref<10240x16xf32, #tpu.memory_space<vmem_shared>>) offsets(%dma_start3A_130 : memref<2000xi32, #tpu.memory_space<vmem>>) semaphore(%arg12 : memref<!tpu.dma_semaphore, #tpu.memory_space<semaphore_mem>>) {add = true}
    %dma_wait3A_134 = arith.constant 1 : i32
    %dma_wait3A_135 = arith.constant 1 : i32
    %dma_wait3A_136 = arith.constant 0 : i32
    %dma_wait3A_137 = arith.constant 0 : i32
    %dma_wait3A_138 = tpu.memref_slice %arg8[%dma_wait3A_134, %dma_wait3A_136, %dma_wait3A_137] : memref<2x2000x16xf32, #tpu.memory_space<vmem>> -> memref<1x2000x16xf32, #tpu.memory_space<vmem>>
    %dma_wait3A_139 = tpu.memref_squeeze %dma_wait3A_138 : memref<1x2000x16xf32, #tpu.memory_space<vmem>> -> memref<2000x16xf32, #tpu.memory_space<vmem>>
    %dma_wait3A_140 = arith.constant 0 : i32
    %dma_wait3A_141 = tpu.memref_slice %arg7[%dma_wait3A_135, %dma_wait3A_140] : memref<10x2000xi32, #tpu.memory_space<vmem>> -> memref<1x2000xi32, #tpu.memory_space<vmem>>
    %dma_wait3A_142 = tpu.memref_squeeze %dma_wait3A_141 : memref<1x2000xi32, #tpu.memory_space<vmem>> -> memref<2000xi32, #tpu.memory_space<vmem>>
    %dma_wait3A_143 = arith.constant 0 : i32
    %dma_wait3A_144 = arith.constant 0 : i32
    %dma_wait3A_145 = tpu.memref_slice %arg10[%dma_wait3A_143, %dma_wait3A_144] : memref<10240x16xf32, #tpu.memory_space<vmem_shared>> -> memref<10240x16xf32, #tpu.memory_space<vmem_shared>>
    tpu.wait_indirect_dma semaphore(%arg12 : memref<!tpu.dma_semaphore, #tpu.memory_space<semaphore_mem>>) src(%dma_wait3A_139 : memref<2000x16xf32, #tpu.memory_space<vmem>>) dst(%dma_wait3A_145 : memref<10240x16xf32, #tpu.memory_space<vmem_shared>>)
    %dma_start3A_146 = arith.constant 3 : i32
    %dma_start3A_147 = arith.constant 1 : i32
    %dma_start3A_148 = arith.constant 0 : i32
    %dma_start3A_149 = arith.constant 0 : i32
    %dma_start3A_150 = tpu.memref_slice %arg8[%dma_start3A_147, %dma_start3A_148, %dma_start3A_149] : memref<2x2000x16xf32, #tpu.memory_space<vmem>> -> memref<1x2000x16xf32, #tpu.memory_space<vmem>>
    %dma_start3A_151 = tpu.memref_squeeze %dma_start3A_150 : memref<1x2000x16xf32, #tpu.memory_space<vmem>> -> memref<2000x16xf32, #tpu.memory_space<vmem>>
    %dma_start3A_152 = arith.constant 0 : i32
    %dma_start3A_153 = tpu.memref_slice %arg6[%dma_start3A_146, %dma_start3A_152] : memref<10x2000xi32, #tpu.memory_space<vmem>> -> memref<1x2000xi32, #tpu.memory_space<vmem>>
    %dma_start3A_154 = tpu.memref_squeeze %dma_start3A_153 : memref<1x2000xi32, #tpu.memory_space<vmem>> -> memref<2000xi32, #tpu.memory_space<vmem>>
    %dma_start3A_155 = arith.constant 0 : i32
    %dma_start3A_156 = arith.constant 0 : i32
    %dma_start3A_157 = tpu.memref_slice %arg2[%dma_start3A_155, %dma_start3A_156] : memref<10000x16xf32, #tpu.memory_space<hbm>> -> memref<10000x16xf32, #tpu.memory_space<hbm>>
    tpu.enqueue_indirect_dma source(%dma_start3A_157 : memref<10000x16xf32, #tpu.memory_space<hbm>>) target(%dma_start3A_151 : memref<2000x16xf32, #tpu.memory_space<vmem>>) offsets(%dma_start3A_154 : memref<2000xi32, #tpu.memory_space<vmem>>) semaphore(%arg11 : memref<!tpu.dma_semaphore, #tpu.memory_space<semaphore_mem>>)
    %dma_wait3A_158 = arith.constant 2 : i32
    %dma_wait3A_159 = arith.constant 0 : i32
    %dma_wait3A_160 = arith.constant 0 : i32
    %dma_wait3A_161 = arith.constant 0 : i32
    %dma_wait3A_162 = tpu.memref_slice %arg8[%dma_wait3A_159, %dma_wait3A_160, %dma_wait3A_161] : memref<2x2000x16xf32, #tpu.memory_space<vmem>> -> memref<1x2000x16xf32, #tpu.memory_space<vmem>>
    %dma_wait3A_163 = tpu.memref_squeeze %dma_wait3A_162 : memref<1x2000x16xf32, #tpu.memory_space<vmem>> -> memref<2000x16xf32, #tpu.memory_space<vmem>>
    %dma_wait3A_164 = arith.constant 0 : i32
    %dma_wait3A_165 = tpu.memref_slice %arg6[%dma_wait3A_158, %dma_wait3A_164] : memref<10x2000xi32, #tpu.memory_space<vmem>> -> memref<1x2000xi32, #tpu.memory_space<vmem>>
    %dma_wait3A_166 = tpu.memref_squeeze %dma_wait3A_165 : memref<1x2000xi32, #tpu.memory_space<vmem>> -> memref<2000xi32, #tpu.memory_space<vmem>>
    %dma_wait3A_167 = arith.constant 0 : i32
    %dma_wait3A_168 = arith.constant 0 : i32
    %dma_wait3A_169 = tpu.memref_slice %arg2[%dma_wait3A_167, %dma_wait3A_168] : memref<10000x16xf32, #tpu.memory_space<hbm>> -> memref<10000x16xf32, #tpu.memory_space<hbm>>
    tpu.wait_indirect_dma semaphore(%arg11 : memref<!tpu.dma_semaphore, #tpu.memory_space<semaphore_mem>>) src(%dma_wait3A_169 : memref<10000x16xf32, #tpu.memory_space<hbm>>) dst(%dma_wait3A_163 : memref<2000x16xf32, #tpu.memory_space<vmem>>)
    %dma_start3A_170 = arith.constant 0 : i32
    %dma_start3A_171 = arith.constant 2 : i32
    %dma_start3A_172 = arith.constant 0 : i32
    %dma_start3A_173 = arith.constant 0 : i32
    %dma_start3A_174 = tpu.memref_slice %arg8[%dma_start3A_170, %dma_start3A_172, %dma_start3A_173] : memref<2x2000x16xf32, #tpu.memory_space<vmem>> -> memref<1x2000x16xf32, #tpu.memory_space<vmem>>
    %dma_start3A_175 = tpu.memref_squeeze %dma_start3A_174 : memref<1x2000x16xf32, #tpu.memory_space<vmem>> -> memref<2000x16xf32, #tpu.memory_space<vmem>>
    %dma_start3A_176 = arith.constant 0 : i32
    %dma_start3A_177 = tpu.memref_slice %arg7[%dma_start3A_171, %dma_start3A_176] : memref<10x2000xi32, #tpu.memory_space<vmem>> -> memref<1x2000xi32, #tpu.memory_space<vmem>>
    %dma_start3A_178 = tpu.memref_squeeze %dma_start3A_177 : memref<1x2000xi32, #tpu.memory_space<vmem>> -> memref<2000xi32, #tpu.memory_space<vmem>>
    %dma_start3A_179 = arith.constant 0 : i32
    %dma_start3A_180 = arith.constant 0 : i32
    %dma_start3A_181 = tpu.memref_slice %arg10[%dma_start3A_179, %dma_start3A_180] : memref<10240x16xf32, #tpu.memory_space<vmem_shared>> -> memref<10240x16xf32, #tpu.memory_space<vmem_shared>>
    tpu.enqueue_indirect_dma source(%dma_start3A_175 : memref<2000x16xf32, #tpu.memory_space<vmem>>) target(%dma_start3A_181 : memref<10240x16xf32, #tpu.memory_space<vmem_shared>>) offsets(%dma_start3A_178 : memref<2000xi32, #tpu.memory_space<vmem>>) semaphore(%arg12 : memref<!tpu.dma_semaphore, #tpu.memory_space<semaphore_mem>>) {add = true}
    %dma_wait3A_182 = arith.constant 0 : i32
    %dma_wait3A_183 = arith.constant 2 : i32
    %dma_wait3A_184 = arith.constant 0 : i32
    %dma_wait3A_185 = arith.constant 0 : i32
    %dma_wait3A_186 = tpu.memref_slice %arg8[%dma_wait3A_182, %dma_wait3A_184, %dma_wait3A_185] : memref<2x2000x16xf32, #tpu.memory_space<vmem>> -> memref<1x2000x16xf32, #tpu.memory_space<vmem>>
    %dma_wait3A_187 = tpu.memref_squeeze %dma_wait3A_186 : memref<1x2000x16xf32, #tpu.memory_space<vmem>> -> memref<2000x16xf32, #tpu.memory_space<vmem>>
    %dma_wait3A_188 = arith.constant 0 : i32
    %dma_wait3A_189 = tpu.memref_slice %arg7[%dma_wait3A_183, %dma_wait3A_188] : memref<10x2000xi32, #tpu.memory_space<vmem>> -> memref<1x2000xi32, #tpu.memory_space<vmem>>
    %dma_wait3A_190 = tpu.memref_squeeze %dma_wait3A_189 : memref<1x2000xi32, #tpu.memory_space<vmem>> -> memref<2000xi32, #tpu.memory_space<vmem>>
    %dma_wait3A_191 = arith.constant 0 : i32
    %dma_wait3A_192 = arith.constant 0 : i32
    %dma_wait3A_193 = tpu.memref_slice %arg10[%dma_wait3A_191, %dma_wait3A_192] : memref<10240x16xf32, #tpu.memory_space<vmem_shared>> -> memref<10240x16xf32, #tpu.memory_space<vmem_shared>>
    tpu.wait_indirect_dma semaphore(%arg12 : memref<!tpu.dma_semaphore, #tpu.memory_space<semaphore_mem>>) src(%dma_wait3A_187 : memref<2000x16xf32, #tpu.memory_space<vmem>>) dst(%dma_wait3A_193 : memref<10240x16xf32, #tpu.memory_space<vmem_shared>>)
    %dma_start3A_194 = arith.constant 4 : i32
    %dma_start3A_195 = arith.constant 0 : i32
    %dma_start3A_196 = arith.constant 0 : i32
    %dma_start3A_197 = arith.constant 0 : i32
    %dma_start3A_198 = tpu.memref_slice %arg8[%dma_start3A_195, %dma_start3A_196, %dma_start3A_197] : memref<2x2000x16xf32, #tpu.memory_space<vmem>> -> memref<1x2000x16xf32, #tpu.memory_space<vmem>>
    %dma_start3A_199 = tpu.memref_squeeze %dma_start3A_198 : memref<1x2000x16xf32, #tpu.memory_space<vmem>> -> memref<2000x16xf32, #tpu.memory_space<vmem>>
    %dma_start3A_200 = arith.constant 0 : i32
    %dma_start3A_201 = tpu.memref_slice %arg6[%dma_start3A_194, %dma_start3A_200] : memref<10x2000xi32, #tpu.memory_space<vmem>> -> memref<1x2000xi32, #tpu.memory_space<vmem>>
    %dma_start3A_202 = tpu.memref_squeeze %dma_start3A_201 : memref<1x2000xi32, #tpu.memory_space<vmem>> -> memref<2000xi32, #tpu.memory_space<vmem>>
    %dma_start3A_203 = arith.constant 0 : i32
    %dma_start3A_204 = arith.constant 0 : i32
    %dma_start3A_205 = tpu.memref_slice %arg2[%dma_start3A_203, %dma_start3A_204] : memref<10000x16xf32, #tpu.memory_space<hbm>> -> memref<10000x16xf32, #tpu.memory_space<hbm>>
    tpu.enqueue_indirect_dma source(%dma_start3A_205 : memref<10000x16xf32, #tpu.memory_space<hbm>>) target(%dma_start3A_199 : memref<2000x16xf32, #tpu.memory_space<vmem>>) offsets(%dma_start3A_202 : memref<2000xi32, #tpu.memory_space<vmem>>) semaphore(%arg11 : memref<!tpu.dma_semaphore, #tpu.memory_space<semaphore_mem>>)
    %dma_wait3A_206 = arith.constant 3 : i32
    %dma_wait3A_207 = arith.constant 1 : i32
    %dma_wait3A_208 = arith.constant 0 : i32
    %dma_wait3A_209 = arith.constant 0 : i32
    %dma_wait3A_210 = tpu.memref_slice %arg8[%dma_wait3A_207, %dma_wait3A_208, %dma_wait3A_209] : memref<2x2000x16xf32, #tpu.memory_space<vmem>> -> memref<1x2000x16xf32, #tpu.memory_space<vmem>>
    %dma_wait3A_211 = tpu.memref_squeeze %dma_wait3A_210 : memref<1x2000x16xf32, #tpu.memory_space<vmem>> -> memref<2000x16xf32, #tpu.memory_space<vmem>>
    %dma_wait3A_212 = arith.constant 0 : i32
    %dma_wait3A_213 = tpu.memref_slice %arg6[%dma_wait3A_206, %dma_wait3A_212] : memref<10x2000xi32, #tpu.memory_space<vmem>> -> memref<1x2000xi32, #tpu.memory_space<vmem>>
    %dma_wait3A_214 = tpu.memref_squeeze %dma_wait3A_213 : memref<1x2000xi32, #tpu.memory_space<vmem>> -> memref<2000xi32, #tpu.memory_space<vmem>>
    %dma_wait3A_215 = arith.constant 0 : i32
    %dma_wait3A_216 = arith.constant 0 : i32
    %dma_wait3A_217 = tpu.memref_slice %arg2[%dma_wait3A_215, %dma_wait3A_216] : memref<10000x16xf32, #tpu.memory_space<hbm>> -> memref<10000x16xf32, #tpu.memory_space<hbm>>
    tpu.wait_indirect_dma semaphore(%arg11 : memref<!tpu.dma_semaphore, #tpu.memory_space<semaphore_mem>>) src(%dma_wait3A_217 : memref<10000x16xf32, #tpu.memory_space<hbm>>) dst(%dma_wait3A_211 : memref<2000x16xf32, #tpu.memory_space<vmem>>)
    %dma_start3A_218 = arith.constant 1 : i32
    %dma_start3A_219 = arith.constant 3 : i32
    %dma_start3A_220 = arith.constant 0 : i32
    %dma_start3A_221 = arith.constant 0 : i32
    %dma_start3A_222 = tpu.memref_slice %arg8[%dma_start3A_218, %dma_start3A_220, %dma_start3A_221] : memref<2x2000x16xf32, #tpu.memory_space<vmem>> -> memref<1x2000x16xf32, #tpu.memory_space<vmem>>
    %dma_start3A_223 = tpu.memref_squeeze %dma_start3A_222 : memref<1x2000x16xf32, #tpu.memory_space<vmem>> -> memref<2000x16xf32, #tpu.memory_space<vmem>>
    %dma_start3A_224 = arith.constant 0 : i32
    %dma_start3A_225 = tpu.memref_slice %arg7[%dma_start3A_219, %dma_start3A_224] : memref<10x2000xi32, #tpu.memory_space<vmem>> -> memref<1x2000xi32, #tpu.memory_space<vmem>>
    %dma_start3A_226 = tpu.memref_squeeze %dma_start3A_225 : memref<1x2000xi32, #tpu.memory_space<vmem>> -> memref<2000xi32, #tpu.memory_space<vmem>>
    %dma_start3A_227 = arith.constant 0 : i32
    %dma_start3A_228 = arith.constant 0 : i32
    %dma_start3A_229 = tpu.memref_slice %arg10[%dma_start3A_227, %dma_start3A_228] : memref<10240x16xf32, #tpu.memory_space<vmem_shared>> -> memref<10240x16xf32, #tpu.memory_space<vmem_shared>>
    tpu.enqueue_indirect_dma source(%dma_start3A_223 : memref<2000x16xf32, #tpu.memory_space<vmem>>) target(%dma_start3A_229 : memref<10240x16xf32, #tpu.memory_space<vmem_shared>>) offsets(%dma_start3A_226 : memref<2000xi32, #tpu.memory_space<vmem>>) semaphore(%arg12 : memref<!tpu.dma_semaphore, #tpu.memory_space<semaphore_mem>>) {add = true}
    %dma_wait3A_230 = arith.constant 1 : i32
    %dma_wait3A_231 = arith.constant 3 : i32
    %dma_wait3A_232 = arith.constant 0 : i32
    %dma_wait3A_233 = arith.constant 0 : i32
    %dma_wait3A_234 = tpu.memref_slice %arg8[%dma_wait3A_230, %dma_wait3A_232, %dma_wait3A_233] : memref<2x2000x16xf32, #tpu.memory_space<vmem>> -> memref<1x2000x16xf32, #tpu.memory_space<vmem>>
    %dma_wait3A_235 = tpu.memref_squeeze %dma_wait3A_234 : memref<1x2000x16xf32, #tpu.memory_space<vmem>> -> memref<2000x16xf32, #tpu.memory_space<vmem>>
    %dma_wait3A_236 = arith.constant 0 : i32
    %dma_wait3A_237 = tpu.memref_slice %arg7[%dma_wait3A_231, %dma_wait3A_236] : memref<10x2000xi32, #tpu.memory_space<vmem>> -> memref<1x2000xi32, #tpu.memory_space<vmem>>
    %dma_wait3A_238 = tpu.memref_squeeze %dma_wait3A_237 : memref<1x2000xi32, #tpu.memory_space<vmem>> -> memref<2000xi32, #tpu.memory_space<vmem>>
    %dma_wait3A_239 = arith.constant 0 : i32
    %dma_wait3A_240 = arith.constant 0 : i32
    %dma_wait3A_241 = tpu.memref_slice %arg10[%dma_wait3A_239, %dma_wait3A_240] : memref<10240x16xf32, #tpu.memory_space<vmem_shared>> -> memref<10240x16xf32, #tpu.memory_space<vmem_shared>>
    tpu.wait_indirect_dma semaphore(%arg12 : memref<!tpu.dma_semaphore, #tpu.memory_space<semaphore_mem>>) src(%dma_wait3A_235 : memref<2000x16xf32, #tpu.memory_space<vmem>>) dst(%dma_wait3A_241 : memref<10240x16xf32, #tpu.memory_space<vmem_shared>>)
    %dma_start3A_242 = arith.constant 5 : i32
    %dma_start3A_243 = arith.constant 1 : i32
    %dma_start3A_244 = arith.constant 0 : i32
    %dma_start3A_245 = arith.constant 0 : i32
    %dma_start3A_246 = tpu.memref_slice %arg8[%dma_start3A_243, %dma_start3A_244, %dma_start3A_245] : memref<2x2000x16xf32, #tpu.memory_space<vmem>> -> memref<1x2000x16xf32, #tpu.memory_space<vmem>>
    %dma_start3A_247 = tpu.memref_squeeze %dma_start3A_246 : memref<1x2000x16xf32, #tpu.memory_space<vmem>> -> memref<2000x16xf32, #tpu.memory_space<vmem>>
    %dma_start3A_248 = arith.constant 0 : i32
    %dma_start3A_249 = tpu.memref_slice %arg6[%dma_start3A_242, %dma_start3A_248] : memref<10x2000xi32, #tpu.memory_space<vmem>> -> memref<1x2000xi32, #tpu.memory_space<vmem>>
    %dma_start3A_250 = tpu.memref_squeeze %dma_start3A_249 : memref<1x2000xi32, #tpu.memory_space<vmem>> -> memref<2000xi32, #tpu.memory_space<vmem>>
    %dma_start3A_251 = arith.constant 0 : i32
    %dma_start3A_252 = arith.constant 0 : i32
    %dma_start3A_253 = tpu.memref_slice %arg2[%dma_start3A_251, %dma_start3A_252] : memref<10000x16xf32, #tpu.memory_space<hbm>> -> memref<10000x16xf32, #tpu.memory_space<hbm>>
    tpu.enqueue_indirect_dma source(%dma_start3A_253 : memref<10000x16xf32, #tpu.memory_space<hbm>>) target(%dma_start3A_247 : memref<2000x16xf32, #tpu.memory_space<vmem>>) offsets(%dma_start3A_250 : memref<2000xi32, #tpu.memory_space<vmem>>) semaphore(%arg11 : memref<!tpu.dma_semaphore, #tpu.memory_space<semaphore_mem>>)
    %dma_wait3A_254 = arith.constant 4 : i32
    %dma_wait3A_255 = arith.constant 0 : i32
    %dma_wait3A_256 = arith.constant 0 : i32
    %dma_wait3A_257 = arith.constant 0 : i32
    %dma_wait3A_258 = tpu.memref_slice %arg8[%dma_wait3A_255, %dma_wait3A_256, %dma_wait3A_257] : memref<2x2000x16xf32, #tpu.memory_space<vmem>> -> memref<1x2000x16xf32, #tpu.memory_space<vmem>>
    %dma_wait3A_259 = tpu.memref_squeeze %dma_wait3A_258 : memref<1x2000x16xf32, #tpu.memory_space<vmem>> -> memref<2000x16xf32, #tpu.memory_space<vmem>>
    %dma_wait3A_260 = arith.constant 0 : i32
    %dma_wait3A_261 = tpu.memref_slice %arg6[%dma_wait3A_254, %dma_wait3A_260] : memref<10x2000xi32, #tpu.memory_space<vmem>> -> memref<1x2000xi32, #tpu.memory_space<vmem>>
    %dma_wait3A_262 = tpu.memref_squeeze %dma_wait3A_261 : memref<1x2000xi32, #tpu.memory_space<vmem>> -> memref<2000xi32, #tpu.memory_space<vmem>>
    %dma_wait3A_263 = arith.constant 0 : i32
    %dma_wait3A_264 = arith.constant 0 : i32
    %dma_wait3A_265 = tpu.memref_slice %arg2[%dma_wait3A_263, %dma_wait3A_264] : memref<10000x16xf32, #tpu.memory_space<hbm>> -> memref<10000x16xf32, #tpu.memory_space<hbm>>
    tpu.wait_indirect_dma semaphore(%arg11 : memref<!tpu.dma_semaphore, #tpu.memory_space<semaphore_mem>>) src(%dma_wait3A_265 : memref<10000x16xf32, #tpu.memory_space<hbm>>) dst(%dma_wait3A_259 : memref<2000x16xf32, #tpu.memory_space<vmem>>)
    %dma_start3A_266 = arith.constant 0 : i32
    %dma_start3A_267 = arith.constant 4 : i32
    %dma_start3A_268 = arith.constant 0 : i32
    %dma_start3A_269 = arith.constant 0 : i32
    %dma_start3A_270 = tpu.memref_slice %arg8[%dma_start3A_266, %dma_start3A_268, %dma_start3A_269] : memref<2x2000x16xf32, #tpu.memory_space<vmem>> -> memref<1x2000x16xf32, #tpu.memory_space<vmem>>
    %dma_start3A_271 = tpu.memref_squeeze %dma_start3A_270 : memref<1x2000x16xf32, #tpu.memory_space<vmem>> -> memref<2000x16xf32, #tpu.memory_space<vmem>>
    %dma_start3A_272 = arith.constant 0 : i32
    %dma_start3A_273 = tpu.memref_slice %arg7[%dma_start3A_267, %dma_start3A_272] : memref<10x2000xi32, #tpu.memory_space<vmem>> -> memref<1x2000xi32, #tpu.memory_space<vmem>>
    %dma_start3A_274 = tpu.memref_squeeze %dma_start3A_273 : memref<1x2000xi32, #tpu.memory_space<vmem>> -> memref<2000xi32, #tpu.memory_space<vmem>>
    %dma_start3A_275 = arith.constant 0 : i32
    %dma_start3A_276 = arith.constant 0 : i32
    %dma_start3A_277 = tpu.memref_slice %arg10[%dma_start3A_275, %dma_start3A_276] : memref<10240x16xf32, #tpu.memory_space<vmem_shared>> -> memref<10240x16xf32, #tpu.memory_space<vmem_shared>>
    tpu.enqueue_indirect_dma source(%dma_start3A_271 : memref<2000x16xf32, #tpu.memory_space<vmem>>) target(%dma_start3A_277 : memref<10240x16xf32, #tpu.memory_space<vmem_shared>>) offsets(%dma_start3A_274 : memref<2000xi32, #tpu.memory_space<vmem>>) semaphore(%arg12 : memref<!tpu.dma_semaphore, #tpu.memory_space<semaphore_mem>>) {add = true}
    %dma_wait3A_278 = arith.constant 0 : i32
    %dma_wait3A_279 = arith.constant 4 : i32
    %dma_wait3A_280 = arith.constant 0 : i32
    %dma_wait3A_281 = arith.constant 0 : i32
    %dma_wait3A_282 = tpu.memref_slice %arg8[%dma_wait3A_278, %dma_wait3A_280, %dma_wait3A_281] : memref<2x2000x16xf32, #tpu.memory_space<vmem>> -> memref<1x2000x16xf32, #tpu.memory_space<vmem>>
    %dma_wait3A_283 = tpu.memref_squeeze %dma_wait3A_282 : memref<1x2000x16xf32, #tpu.memory_space<vmem>> -> memref<2000x16xf32, #tpu.memory_space<vmem>>
    %dma_wait3A_284 = arith.constant 0 : i32
    %dma_wait3A_285 = tpu.memref_slice %arg7[%dma_wait3A_279, %dma_wait3A_284] : memref<10x2000xi32, #tpu.memory_space<vmem>> -> memref<1x2000xi32, #tpu.memory_space<vmem>>
    %dma_wait3A_286 = tpu.memref_squeeze %dma_wait3A_285 : memref<1x2000xi32, #tpu.memory_space<vmem>> -> memref<2000xi32, #tpu.memory_space<vmem>>
    %dma_wait3A_287 = arith.constant 0 : i32
    %dma_wait3A_288 = arith.constant 0 : i32
    %dma_wait3A_289 = tpu.memref_slice %arg10[%dma_wait3A_287, %dma_wait3A_288] : memref<10240x16xf32, #tpu.memory_space<vmem_shared>> -> memref<10240x16xf32, #tpu.memory_space<vmem_shared>>
    tpu.wait_indirect_dma semaphore(%arg12 : memref<!tpu.dma_semaphore, #tpu.memory_space<semaphore_mem>>) src(%dma_wait3A_283 : memref<2000x16xf32, #tpu.memory_space<vmem>>) dst(%dma_wait3A_289 : memref<10240x16xf32, #tpu.memory_space<vmem_shared>>)
    %dma_start3A_290 = arith.constant 6 : i32
    %dma_start3A_291 = arith.constant 0 : i32
    %dma_start3A_292 = arith.constant 0 : i32
    %dma_start3A_293 = arith.constant 0 : i32
    %dma_start3A_294 = tpu.memref_slice %arg8[%dma_start3A_291, %dma_start3A_292, %dma_start3A_293] : memref<2x2000x16xf32, #tpu.memory_space<vmem>> -> memref<1x2000x16xf32, #tpu.memory_space<vmem>>
    %dma_start3A_295 = tpu.memref_squeeze %dma_start3A_294 : memref<1x2000x16xf32, #tpu.memory_space<vmem>> -> memref<2000x16xf32, #tpu.memory_space<vmem>>
    %dma_start3A_296 = arith.constant 0 : i32
    %dma_start3A_297 = tpu.memref_slice %arg6[%dma_start3A_290, %dma_start3A_296] : memref<10x2000xi32, #tpu.memory_space<vmem>> -> memref<1x2000xi32, #tpu.memory_space<vmem>>
    %dma_start3A_298 = tpu.memref_squeeze %dma_start3A_297 : memref<1x2000xi32, #tpu.memory_space<vmem>> -> memref<2000xi32, #tpu.memory_space<vmem>>
    %dma_start3A_299 = arith.constant 0 : i32
    %dma_start3A_300 = arith.constant 0 : i32
    %dma_start3A_301 = tpu.memref_slice %arg2[%dma_start3A_299, %dma_start3A_300] : memref<10000x16xf32, #tpu.memory_space<hbm>> -> memref<10000x16xf32, #tpu.memory_space<hbm>>
    tpu.enqueue_indirect_dma source(%dma_start3A_301 : memref<10000x16xf32, #tpu.memory_space<hbm>>) target(%dma_start3A_295 : memref<2000x16xf32, #tpu.memory_space<vmem>>) offsets(%dma_start3A_298 : memref<2000xi32, #tpu.memory_space<vmem>>) semaphore(%arg11 : memref<!tpu.dma_semaphore, #tpu.memory_space<semaphore_mem>>)
    %dma_wait3A_302 = arith.constant 5 : i32
    %dma_wait3A_303 = arith.constant 1 : i32
    %dma_wait3A_304 = arith.constant 0 : i32
    %dma_wait3A_305 = arith.constant 0 : i32
    %dma_wait3A_306 = tpu.memref_slice %arg8[%dma_wait3A_303, %dma_wait3A_304, %dma_wait3A_305] : memref<2x2000x16xf32, #tpu.memory_space<vmem>> -> memref<1x2000x16xf32, #tpu.memory_space<vmem>>
    %dma_wait3A_307 = tpu.memref_squeeze %dma_wait3A_306 : memref<1x2000x16xf32, #tpu.memory_space<vmem>> -> memref<2000x16xf32, #tpu.memory_space<vmem>>
    %dma_wait3A_308 = arith.constant 0 : i32
    %dma_wait3A_309 = tpu.memref_slice %arg6[%dma_wait3A_302, %dma_wait3A_308] : memref<10x2000xi32, #tpu.memory_space<vmem>> -> memref<1x2000xi32, #tpu.memory_space<vmem>>
    %dma_wait3A_310 = tpu.memref_squeeze %dma_wait3A_309 : memref<1x2000xi32, #tpu.memory_space<vmem>> -> memref<2000xi32, #tpu.memory_space<vmem>>
    %dma_wait3A_311 = arith.constant 0 : i32
    %dma_wait3A_312 = arith.constant 0 : i32
    %dma_wait3A_313 = tpu.memref_slice %arg2[%dma_wait3A_311, %dma_wait3A_312] : memref<10000x16xf32, #tpu.memory_space<hbm>> -> memref<10000x16xf32, #tpu.memory_space<hbm>>
    tpu.wait_indirect_dma semaphore(%arg11 : memref<!tpu.dma_semaphore, #tpu.memory_space<semaphore_mem>>) src(%dma_wait3A_313 : memref<10000x16xf32, #tpu.memory_space<hbm>>) dst(%dma_wait3A_307 : memref<2000x16xf32, #tpu.memory_space<vmem>>)
    %dma_start3A_314 = arith.constant 1 : i32
    %dma_start3A_315 = arith.constant 5 : i32
    %dma_start3A_316 = arith.constant 0 : i32
    %dma_start3A_317 = arith.constant 0 : i32
    %dma_start3A_318 = tpu.memref_slice %arg8[%dma_start3A_314, %dma_start3A_316, %dma_start3A_317] : memref<2x2000x16xf32, #tpu.memory_space<vmem>> -> memref<1x2000x16xf32, #tpu.memory_space<vmem>>
    %dma_start3A_319 = tpu.memref_squeeze %dma_start3A_318 : memref<1x2000x16xf32, #tpu.memory_space<vmem>> -> memref<2000x16xf32, #tpu.memory_space<vmem>>
    %dma_start3A_320 = arith.constant 0 : i32
    %dma_start3A_321 = tpu.memref_slice %arg7[%dma_start3A_315, %dma_start3A_320] : memref<10x2000xi32, #tpu.memory_space<vmem>> -> memref<1x2000xi32, #tpu.memory_space<vmem>>
    %dma_start3A_322 = tpu.memref_squeeze %dma_start3A_321 : memref<1x2000xi32, #tpu.memory_space<vmem>> -> memref<2000xi32, #tpu.memory_space<vmem>>
    %dma_start3A_323 = arith.constant 0 : i32
    %dma_start3A_324 = arith.constant 0 : i32
    %dma_start3A_325 = tpu.memref_slice %arg10[%dma_start3A_323, %dma_start3A_324] : memref<10240x16xf32, #tpu.memory_space<vmem_shared>> -> memref<10240x16xf32, #tpu.memory_space<vmem_shared>>
    tpu.enqueue_indirect_dma source(%dma_start3A_319 : memref<2000x16xf32, #tpu.memory_space<vmem>>) target(%dma_start3A_325 : memref<10240x16xf32, #tpu.memory_space<vmem_shared>>) offsets(%dma_start3A_322 : memref<2000xi32, #tpu.memory_space<vmem>>) semaphore(%arg12 : memref<!tpu.dma_semaphore, #tpu.memory_space<semaphore_mem>>) {add = true}
    %dma_wait3A_326 = arith.constant 1 : i32
    %dma_wait3A_327 = arith.constant 5 : i32
    %dma_wait3A_328 = arith.constant 0 : i32
    %dma_wait3A_329 = arith.constant 0 : i32
    %dma_wait3A_330 = tpu.memref_slice %arg8[%dma_wait3A_326, %dma_wait3A_328, %dma_wait3A_329] : memref<2x2000x16xf32, #tpu.memory_space<vmem>> -> memref<1x2000x16xf32, #tpu.memory_space<vmem>>
    %dma_wait3A_331 = tpu.memref_squeeze %dma_wait3A_330 : memref<1x2000x16xf32, #tpu.memory_space<vmem>> -> memref<2000x16xf32, #tpu.memory_space<vmem>>
    %dma_wait3A_332 = arith.constant 0 : i32
    %dma_wait3A_333 = tpu.memref_slice %arg7[%dma_wait3A_327, %dma_wait3A_332] : memref<10x2000xi32, #tpu.memory_space<vmem>> -> memref<1x2000xi32, #tpu.memory_space<vmem>>
    %dma_wait3A_334 = tpu.memref_squeeze %dma_wait3A_333 : memref<1x2000xi32, #tpu.memory_space<vmem>> -> memref<2000xi32, #tpu.memory_space<vmem>>
    %dma_wait3A_335 = arith.constant 0 : i32
    %dma_wait3A_336 = arith.constant 0 : i32
    %dma_wait3A_337 = tpu.memref_slice %arg10[%dma_wait3A_335, %dma_wait3A_336] : memref<10240x16xf32, #tpu.memory_space<vmem_shared>> -> memref<10240x16xf32, #tpu.memory_space<vmem_shared>>
    tpu.wait_indirect_dma semaphore(%arg12 : memref<!tpu.dma_semaphore, #tpu.memory_space<semaphore_mem>>) src(%dma_wait3A_331 : memref<2000x16xf32, #tpu.memory_space<vmem>>) dst(%dma_wait3A_337 : memref<10240x16xf32, #tpu.memory_space<vmem_shared>>)
    %dma_start3A_338 = arith.constant 7 : i32
    %dma_start3A_339 = arith.constant 1 : i32
    %dma_start3A_340 = arith.constant 0 : i32
    %dma_start3A_341 = arith.constant 0 : i32
    %dma_start3A_342 = tpu.memref_slice %arg8[%dma_start3A_339, %dma_start3A_340, %dma_start3A_341] : memref<2x2000x16xf32, #tpu.memory_space<vmem>> -> memref<1x2000x16xf32, #tpu.memory_space<vmem>>
    %dma_start3A_343 = tpu.memref_squeeze %dma_start3A_342 : memref<1x2000x16xf32, #tpu.memory_space<vmem>> -> memref<2000x16xf32, #tpu.memory_space<vmem>>
    %dma_start3A_344 = arith.constant 0 : i32
    %dma_start3A_345 = tpu.memref_slice %arg6[%dma_start3A_338, %dma_start3A_344] : memref<10x2000xi32, #tpu.memory_space<vmem>> -> memref<1x2000xi32, #tpu.memory_space<vmem>>
    %dma_start3A_346 = tpu.memref_squeeze %dma_start3A_345 : memref<1x2000xi32, #tpu.memory_space<vmem>> -> memref<2000xi32, #tpu.memory_space<vmem>>
    %dma_start3A_347 = arith.constant 0 : i32
    %dma_start3A_348 = arith.constant 0 : i32
    %dma_start3A_349 = tpu.memref_slice %arg2[%dma_start3A_347, %dma_start3A_348] : memref<10000x16xf32, #tpu.memory_space<hbm>> -> memref<10000x16xf32, #tpu.memory_space<hbm>>
    tpu.enqueue_indirect_dma source(%dma_start3A_349 : memref<10000x16xf32, #tpu.memory_space<hbm>>) target(%dma_start3A_343 : memref<2000x16xf32, #tpu.memory_space<vmem>>) offsets(%dma_start3A_346 : memref<2000xi32, #tpu.memory_space<vmem>>) semaphore(%arg11 : memref<!tpu.dma_semaphore, #tpu.memory_space<semaphore_mem>>)
    %dma_wait3A_350 = arith.constant 6 : i32
    %dma_wait3A_351 = arith.constant 0 : i32
    %dma_wait3A_352 = arith.constant 0 : i32
    %dma_wait3A_353 = arith.constant 0 : i32
    %dma_wait3A_354 = tpu.memref_slice %arg8[%dma_wait3A_351, %dma_wait3A_352, %dma_wait3A_353] : memref<2x2000x16xf32, #tpu.memory_space<vmem>> -> memref<1x2000x16xf32, #tpu.memory_space<vmem>>
    %dma_wait3A_355 = tpu.memref_squeeze %dma_wait3A_354 : memref<1x2000x16xf32, #tpu.memory_space<vmem>> -> memref<2000x16xf32, #tpu.memory_space<vmem>>
    %dma_wait3A_356 = arith.constant 0 : i32
    %dma_wait3A_357 = tpu.memref_slice %arg6[%dma_wait3A_350, %dma_wait3A_356] : memref<10x2000xi32, #tpu.memory_space<vmem>> -> memref<1x2000xi32, #tpu.memory_space<vmem>>
    %dma_wait3A_358 = tpu.memref_squeeze %dma_wait3A_357 : memref<1x2000xi32, #tpu.memory_space<vmem>> -> memref<2000xi32, #tpu.memory_space<vmem>>
    %dma_wait3A_359 = arith.constant 0 : i32
    %dma_wait3A_360 = arith.constant 0 : i32
    %dma_wait3A_361 = tpu.memref_slice %arg2[%dma_wait3A_359, %dma_wait3A_360] : memref<10000x16xf32, #tpu.memory_space<hbm>> -> memref<10000x16xf32, #tpu.memory_space<hbm>>
    tpu.wait_indirect_dma semaphore(%arg11 : memref<!tpu.dma_semaphore, #tpu.memory_space<semaphore_mem>>) src(%dma_wait3A_361 : memref<10000x16xf32, #tpu.memory_space<hbm>>) dst(%dma_wait3A_355 : memref<2000x16xf32, #tpu.memory_space<vmem>>)
    %dma_start3A_362 = arith.constant 0 : i32
    %dma_start3A_363 = arith.constant 6 : i32
    %dma_start3A_364 = arith.constant 0 : i32
    %dma_start3A_365 = arith.constant 0 : i32
    %dma_start3A_366 = tpu.memref_slice %arg8[%dma_start3A_362, %dma_start3A_364, %dma_start3A_365] : memref<2x2000x16xf32, #tpu.memory_space<vmem>> -> memref<1x2000x16xf32, #tpu.memory_space<vmem>>
    %dma_start3A_367 = tpu.memref_squeeze %dma_start3A_366 : memref<1x2000x16xf32, #tpu.memory_space<vmem>> -> memref<2000x16xf32, #tpu.memory_space<vmem>>
    %dma_start3A_368 = arith.constant 0 : i32
    %dma_start3A_369 = tpu.memref_slice %arg7[%dma_start3A_363, %dma_start3A_368] : memref<10x2000xi32, #tpu.memory_space<vmem>> -> memref<1x2000xi32, #tpu.memory_space<vmem>>
    %dma_start3A_370 = tpu.memref_squeeze %dma_start3A_369 : memref<1x2000xi32, #tpu.memory_space<vmem>> -> memref<2000xi32, #tpu.memory_space<vmem>>
    %dma_start3A_371 = arith.constant 0 : i32
    %dma_start3A_372 = arith.constant 0 : i32
    %dma_start3A_373 = tpu.memref_slice %arg10[%dma_start3A_371, %dma_start3A_372] : memref<10240x16xf32, #tpu.memory_space<vmem_shared>> -> memref<10240x16xf32, #tpu.memory_space<vmem_shared>>
    tpu.enqueue_indirect_dma source(%dma_start3A_367 : memref<2000x16xf32, #tpu.memory_space<vmem>>) target(%dma_start3A_373 : memref<10240x16xf32, #tpu.memory_space<vmem_shared>>) offsets(%dma_start3A_370 : memref<2000xi32, #tpu.memory_space<vmem>>) semaphore(%arg12 : memref<!tpu.dma_semaphore, #tpu.memory_space<semaphore_mem>>) {add = true}
    %dma_wait3A_374 = arith.constant 0 : i32
    %dma_wait3A_375 = arith.constant 6 : i32
    %dma_wait3A_376 = arith.constant 0 : i32
    %dma_wait3A_377 = arith.constant 0 : i32
    %dma_wait3A_378 = tpu.memref_slice %arg8[%dma_wait3A_374, %dma_wait3A_376, %dma_wait3A_377] : memref<2x2000x16xf32, #tpu.memory_space<vmem>> -> memref<1x2000x16xf32, #tpu.memory_space<vmem>>
    %dma_wait3A_379 = tpu.memref_squeeze %dma_wait3A_378 : memref<1x2000x16xf32, #tpu.memory_space<vmem>> -> memref<2000x16xf32, #tpu.memory_space<vmem>>
    %dma_wait3A_380 = arith.constant 0 : i32
    %dma_wait3A_381 = tpu.memref_slice %arg7[%dma_wait3A_375, %dma_wait3A_380] : memref<10x2000xi32, #tpu.memory_space<vmem>> -> memref<1x2000xi32, #tpu.memory_space<vmem>>
    %dma_wait3A_382 = tpu.memref_squeeze %dma_wait3A_381 : memref<1x2000xi32, #tpu.memory_space<vmem>> -> memref<2000xi32, #tpu.memory_space<vmem>>
    %dma_wait3A_383 = arith.constant 0 : i32
    %dma_wait3A_384 = arith.constant 0 : i32
    %dma_wait3A_385 = tpu.memref_slice %arg10[%dma_wait3A_383, %dma_wait3A_384] : memref<10240x16xf32, #tpu.memory_space<vmem_shared>> -> memref<10240x16xf32, #tpu.memory_space<vmem_shared>>
    tpu.wait_indirect_dma semaphore(%arg12 : memref<!tpu.dma_semaphore, #tpu.memory_space<semaphore_mem>>) src(%dma_wait3A_379 : memref<2000x16xf32, #tpu.memory_space<vmem>>) dst(%dma_wait3A_385 : memref<10240x16xf32, #tpu.memory_space<vmem_shared>>)
    %dma_start3A_386 = arith.constant 8 : i32
    %dma_start3A_387 = arith.constant 0 : i32
    %dma_start3A_388 = arith.constant 0 : i32
    %dma_start3A_389 = arith.constant 0 : i32
    %dma_start3A_390 = tpu.memref_slice %arg8[%dma_start3A_387, %dma_start3A_388, %dma_start3A_389] : memref<2x2000x16xf32, #tpu.memory_space<vmem>> -> memref<1x2000x16xf32, #tpu.memory_space<vmem>>
    %dma_start3A_391 = tpu.memref_squeeze %dma_start3A_390 : memref<1x2000x16xf32, #tpu.memory_space<vmem>> -> memref<2000x16xf32, #tpu.memory_space<vmem>>
    %dma_start3A_392 = arith.constant 0 : i32
    %dma_start3A_393 = tpu.memref_slice %arg6[%dma_start3A_386, %dma_start3A_392] : memref<10x2000xi32, #tpu.memory_space<vmem>> -> memref<1x2000xi32, #tpu.memory_space<vmem>>
    %dma_start3A_394 = tpu.memref_squeeze %dma_start3A_393 : memref<1x2000xi32, #tpu.memory_space<vmem>> -> memref<2000xi32, #tpu.memory_space<vmem>>
    %dma_start3A_395 = arith.constant 0 : i32
    %dma_start3A_396 = arith.constant 0 : i32
    %dma_start3A_397 = tpu.memref_slice %arg2[%dma_start3A_395, %dma_start3A_396] : memref<10000x16xf32, #tpu.memory_space<hbm>> -> memref<10000x16xf32, #tpu.memory_space<hbm>>
    tpu.enqueue_indirect_dma source(%dma_start3A_397 : memref<10000x16xf32, #tpu.memory_space<hbm>>) target(%dma_start3A_391 : memref<2000x16xf32, #tpu.memory_space<vmem>>) offsets(%dma_start3A_394 : memref<2000xi32, #tpu.memory_space<vmem>>) semaphore(%arg11 : memref<!tpu.dma_semaphore, #tpu.memory_space<semaphore_mem>>)
    %dma_wait3A_398 = arith.constant 7 : i32
    %dma_wait3A_399 = arith.constant 1 : i32
    %dma_wait3A_400 = arith.constant 0 : i32
    %dma_wait3A_401 = arith.constant 0 : i32
    %dma_wait3A_402 = tpu.memref_slice %arg8[%dma_wait3A_399, %dma_wait3A_400, %dma_wait3A_401] : memref<2x2000x16xf32, #tpu.memory_space<vmem>> -> memref<1x2000x16xf32, #tpu.memory_space<vmem>>
    %dma_wait3A_403 = tpu.memref_squeeze %dma_wait3A_402 : memref<1x2000x16xf32, #tpu.memory_space<vmem>> -> memref<2000x16xf32, #tpu.memory_space<vmem>>
    %dma_wait3A_404 = arith.constant 0 : i32
    %dma_wait3A_405 = tpu.memref_slice %arg6[%dma_wait3A_398, %dma_wait3A_404] : memref<10x2000xi32, #tpu.memory_space<vmem>> -> memref<1x2000xi32, #tpu.memory_space<vmem>>
    %dma_wait3A_406 = tpu.memref_squeeze %dma_wait3A_405 : memref<1x2000xi32, #tpu.memory_space<vmem>> -> memref<2000xi32, #tpu.memory_space<vmem>>
    %dma_wait3A_407 = arith.constant 0 : i32
    %dma_wait3A_408 = arith.constant 0 : i32
    %dma_wait3A_409 = tpu.memref_slice %arg2[%dma_wait3A_407, %dma_wait3A_408] : memref<10000x16xf32, #tpu.memory_space<hbm>> -> memref<10000x16xf32, #tpu.memory_space<hbm>>
    tpu.wait_indirect_dma semaphore(%arg11 : memref<!tpu.dma_semaphore, #tpu.memory_space<semaphore_mem>>) src(%dma_wait3A_409 : memref<10000x16xf32, #tpu.memory_space<hbm>>) dst(%dma_wait3A_403 : memref<2000x16xf32, #tpu.memory_space<vmem>>)
    %dma_start3A_410 = arith.constant 1 : i32
    %dma_start3A_411 = arith.constant 7 : i32
    %dma_start3A_412 = arith.constant 0 : i32
    %dma_start3A_413 = arith.constant 0 : i32
    %dma_start3A_414 = tpu.memref_slice %arg8[%dma_start3A_410, %dma_start3A_412, %dma_start3A_413] : memref<2x2000x16xf32, #tpu.memory_space<vmem>> -> memref<1x2000x16xf32, #tpu.memory_space<vmem>>
    %dma_start3A_415 = tpu.memref_squeeze %dma_start3A_414 : memref<1x2000x16xf32, #tpu.memory_space<vmem>> -> memref<2000x16xf32, #tpu.memory_space<vmem>>
    %dma_start3A_416 = arith.constant 0 : i32
    %dma_start3A_417 = tpu.memref_slice %arg7[%dma_start3A_411, %dma_start3A_416] : memref<10x2000xi32, #tpu.memory_space<vmem>> -> memref<1x2000xi32, #tpu.memory_space<vmem>>
    %dma_start3A_418 = tpu.memref_squeeze %dma_start3A_417 : memref<1x2000xi32, #tpu.memory_space<vmem>> -> memref<2000xi32, #tpu.memory_space<vmem>>
    %dma_start3A_419 = arith.constant 0 : i32
    %dma_start3A_420 = arith.constant 0 : i32
    %dma_start3A_421 = tpu.memref_slice %arg10[%dma_start3A_419, %dma_start3A_420] : memref<10240x16xf32, #tpu.memory_space<vmem_shared>> -> memref<10240x16xf32, #tpu.memory_space<vmem_shared>>
    tpu.enqueue_indirect_dma source(%dma_start3A_415 : memref<2000x16xf32, #tpu.memory_space<vmem>>) target(%dma_start3A_421 : memref<10240x16xf32, #tpu.memory_space<vmem_shared>>) offsets(%dma_start3A_418 : memref<2000xi32, #tpu.memory_space<vmem>>) semaphore(%arg12 : memref<!tpu.dma_semaphore, #tpu.memory_space<semaphore_mem>>) {add = true}
    %dma_wait3A_422 = arith.constant 1 : i32
    %dma_wait3A_423 = arith.constant 7 : i32
    %dma_wait3A_424 = arith.constant 0 : i32
    %dma_wait3A_425 = arith.constant 0 : i32
    %dma_wait3A_426 = tpu.memref_slice %arg8[%dma_wait3A_422, %dma_wait3A_424, %dma_wait3A_425] : memref<2x2000x16xf32, #tpu.memory_space<vmem>> -> memref<1x2000x16xf32, #tpu.memory_space<vmem>>
    %dma_wait3A_427 = tpu.memref_squeeze %dma_wait3A_426 : memref<1x2000x16xf32, #tpu.memory_space<vmem>> -> memref<2000x16xf32, #tpu.memory_space<vmem>>
    %dma_wait3A_428 = arith.constant 0 : i32
    %dma_wait3A_429 = tpu.memref_slice %arg7[%dma_wait3A_423, %dma_wait3A_428] : memref<10x2000xi32, #tpu.memory_space<vmem>> -> memref<1x2000xi32, #tpu.memory_space<vmem>>
    %dma_wait3A_430 = tpu.memref_squeeze %dma_wait3A_429 : memref<1x2000xi32, #tpu.memory_space<vmem>> -> memref<2000xi32, #tpu.memory_space<vmem>>
    %dma_wait3A_431 = arith.constant 0 : i32
    %dma_wait3A_432 = arith.constant 0 : i32
    %dma_wait3A_433 = tpu.memref_slice %arg10[%dma_wait3A_431, %dma_wait3A_432] : memref<10240x16xf32, #tpu.memory_space<vmem_shared>> -> memref<10240x16xf32, #tpu.memory_space<vmem_shared>>
    tpu.wait_indirect_dma semaphore(%arg12 : memref<!tpu.dma_semaphore, #tpu.memory_space<semaphore_mem>>) src(%dma_wait3A_427 : memref<2000x16xf32, #tpu.memory_space<vmem>>) dst(%dma_wait3A_433 : memref<10240x16xf32, #tpu.memory_space<vmem_shared>>)
    %dma_start3A_434 = arith.constant 9 : i32
    %dma_start3A_435 = arith.constant 1 : i32
    %dma_start3A_436 = arith.constant 0 : i32
    %dma_start3A_437 = arith.constant 0 : i32
    %dma_start3A_438 = tpu.memref_slice %arg8[%dma_start3A_435, %dma_start3A_436, %dma_start3A_437] : memref<2x2000x16xf32, #tpu.memory_space<vmem>> -> memref<1x2000x16xf32, #tpu.memory_space<vmem>>
    %dma_start3A_439 = tpu.memref_squeeze %dma_start3A_438 : memref<1x2000x16xf32, #tpu.memory_space<vmem>> -> memref<2000x16xf32, #tpu.memory_space<vmem>>
    %dma_start3A_440 = arith.constant 0 : i32
    %dma_start3A_441 = tpu.memref_slice %arg6[%dma_start3A_434, %dma_start3A_440] : memref<10x2000xi32, #tpu.memory_space<vmem>> -> memref<1x2000xi32, #tpu.memory_space<vmem>>
    %dma_start3A_442 = tpu.memref_squeeze %dma_start3A_441 : memref<1x2000xi32, #tpu.memory_space<vmem>> -> memref<2000xi32, #tpu.memory_space<vmem>>
    %dma_start3A_443 = arith.constant 0 : i32
    %dma_start3A_444 = arith.constant 0 : i32
    %dma_start3A_445 = tpu.memref_slice %arg2[%dma_start3A_443, %dma_start3A_444] : memref<10000x16xf32, #tpu.memory_space<hbm>> -> memref<10000x16xf32, #tpu.memory_space<hbm>>
    tpu.enqueue_indirect_dma source(%dma_start3A_445 : memref<10000x16xf32, #tpu.memory_space<hbm>>) target(%dma_start3A_439 : memref<2000x16xf32, #tpu.memory_space<vmem>>) offsets(%dma_start3A_442 : memref<2000xi32, #tpu.memory_space<vmem>>) semaphore(%arg11 : memref<!tpu.dma_semaphore, #tpu.memory_space<semaphore_mem>>)
    %dma_wait3A_446 = arith.constant 8 : i32
    %dma_wait3A_447 = arith.constant 0 : i32
    %dma_wait3A_448 = arith.constant 0 : i32
    %dma_wait3A_449 = arith.constant 0 : i32
    %dma_wait3A_450 = tpu.memref_slice %arg8[%dma_wait3A_447, %dma_wait3A_448, %dma_wait3A_449] : memref<2x2000x16xf32, #tpu.memory_space<vmem>> -> memref<1x2000x16xf32, #tpu.memory_space<vmem>>
    %dma_wait3A_451 = tpu.memref_squeeze %dma_wait3A_450 : memref<1x2000x16xf32, #tpu.memory_space<vmem>> -> memref<2000x16xf32, #tpu.memory_space<vmem>>
    %dma_wait3A_452 = arith.constant 0 : i32
    %dma_wait3A_453 = tpu.memref_slice %arg6[%dma_wait3A_446, %dma_wait3A_452] : memref<10x2000xi32, #tpu.memory_space<vmem>> -> memref<1x2000xi32, #tpu.memory_space<vmem>>
    %dma_wait3A_454 = tpu.memref_squeeze %dma_wait3A_453 : memref<1x2000xi32, #tpu.memory_space<vmem>> -> memref<2000xi32, #tpu.memory_space<vmem>>
    %dma_wait3A_455 = arith.constant 0 : i32
    %dma_wait3A_456 = arith.constant 0 : i32
    %dma_wait3A_457 = tpu.memref_slice %arg2[%dma_wait3A_455, %dma_wait3A_456] : memref<10000x16xf32, #tpu.memory_space<hbm>> -> memref<10000x16xf32, #tpu.memory_space<hbm>>
    tpu.wait_indirect_dma semaphore(%arg11 : memref<!tpu.dma_semaphore, #tpu.memory_space<semaphore_mem>>) src(%dma_wait3A_457 : memref<10000x16xf32, #tpu.memory_space<hbm>>) dst(%dma_wait3A_451 : memref<2000x16xf32, #tpu.memory_space<vmem>>)
    %dma_start3A_458 = arith.constant 0 : i32
    %dma_start3A_459 = arith.constant 8 : i32
    %dma_start3A_460 = arith.constant 0 : i32
    %dma_start3A_461 = arith.constant 0 : i32
    %dma_start3A_462 = tpu.memref_slice %arg8[%dma_start3A_458, %dma_start3A_460, %dma_start3A_461] : memref<2x2000x16xf32, #tpu.memory_space<vmem>> -> memref<1x2000x16xf32, #tpu.memory_space<vmem>>
    %dma_start3A_463 = tpu.memref_squeeze %dma_start3A_462 : memref<1x2000x16xf32, #tpu.memory_space<vmem>> -> memref<2000x16xf32, #tpu.memory_space<vmem>>
    %dma_start3A_464 = arith.constant 0 : i32
    %dma_start3A_465 = tpu.memref_slice %arg7[%dma_start3A_459, %dma_start3A_464] : memref<10x2000xi32, #tpu.memory_space<vmem>> -> memref<1x2000xi32, #tpu.memory_space<vmem>>
    %dma_start3A_466 = tpu.memref_squeeze %dma_start3A_465 : memref<1x2000xi32, #tpu.memory_space<vmem>> -> memref<2000xi32, #tpu.memory_space<vmem>>
    %dma_start3A_467 = arith.constant 0 : i32
    %dma_start3A_468 = arith.constant 0 : i32
    %dma_start3A_469 = tpu.memref_slice %arg10[%dma_start3A_467, %dma_start3A_468] : memref<10240x16xf32, #tpu.memory_space<vmem_shared>> -> memref<10240x16xf32, #tpu.memory_space<vmem_shared>>
    tpu.enqueue_indirect_dma source(%dma_start3A_463 : memref<2000x16xf32, #tpu.memory_space<vmem>>) target(%dma_start3A_469 : memref<10240x16xf32, #tpu.memory_space<vmem_shared>>) offsets(%dma_start3A_466 : memref<2000xi32, #tpu.memory_space<vmem>>) semaphore(%arg12 : memref<!tpu.dma_semaphore, #tpu.memory_space<semaphore_mem>>) {add = true}
    %dma_wait3A_470 = arith.constant 0 : i32
    %dma_wait3A_471 = arith.constant 8 : i32
    %dma_wait3A_472 = arith.constant 0 : i32
    %dma_wait3A_473 = arith.constant 0 : i32
    %dma_wait3A_474 = tpu.memref_slice %arg8[%dma_wait3A_470, %dma_wait3A_472, %dma_wait3A_473] : memref<2x2000x16xf32, #tpu.memory_space<vmem>> -> memref<1x2000x16xf32, #tpu.memory_space<vmem>>
    %dma_wait3A_475 = tpu.memref_squeeze %dma_wait3A_474 : memref<1x2000x16xf32, #tpu.memory_space<vmem>> -> memref<2000x16xf32, #tpu.memory_space<vmem>>
    %dma_wait3A_476 = arith.constant 0 : i32
    %dma_wait3A_477 = tpu.memref_slice %arg7[%dma_wait3A_471, %dma_wait3A_476] : memref<10x2000xi32, #tpu.memory_space<vmem>> -> memref<1x2000xi32, #tpu.memory_space<vmem>>
    %dma_wait3A_478 = tpu.memref_squeeze %dma_wait3A_477 : memref<1x2000xi32, #tpu.memory_space<vmem>> -> memref<2000xi32, #tpu.memory_space<vmem>>
    %dma_wait3A_479 = arith.constant 0 : i32
    %dma_wait3A_480 = arith.constant 0 : i32
    %dma_wait3A_481 = tpu.memref_slice %arg10[%dma_wait3A_479, %dma_wait3A_480] : memref<10240x16xf32, #tpu.memory_space<vmem_shared>> -> memref<10240x16xf32, #tpu.memory_space<vmem_shared>>
    tpu.wait_indirect_dma semaphore(%arg12 : memref<!tpu.dma_semaphore, #tpu.memory_space<semaphore_mem>>) src(%dma_wait3A_475 : memref<2000x16xf32, #tpu.memory_space<vmem>>) dst(%dma_wait3A_481 : memref<10240x16xf32, #tpu.memory_space<vmem_shared>>)
    %dma_wait3A_482 = arith.constant 9 : i32
    %dma_wait3A_483 = arith.constant 1 : i32
    %dma_wait3A_484 = arith.constant 0 : i32
    %dma_wait3A_485 = arith.constant 0 : i32
    %dma_wait3A_486 = tpu.memref_slice %arg8[%dma_wait3A_483, %dma_wait3A_484, %dma_wait3A_485] : memref<2x2000x16xf32, #tpu.memory_space<vmem>> -> memref<1x2000x16xf32, #tpu.memory_space<vmem>>
    %dma_wait3A_487 = tpu.memref_squeeze %dma_wait3A_486 : memref<1x2000x16xf32, #tpu.memory_space<vmem>> -> memref<2000x16xf32, #tpu.memory_space<vmem>>
    %dma_wait3A_488 = arith.constant 0 : i32
    %dma_wait3A_489 = tpu.memref_slice %arg6[%dma_wait3A_482, %dma_wait3A_488] : memref<10x2000xi32, #tpu.memory_space<vmem>> -> memref<1x2000xi32, #tpu.memory_space<vmem>>
    %dma_wait3A_490 = tpu.memref_squeeze %dma_wait3A_489 : memref<1x2000xi32, #tpu.memory_space<vmem>> -> memref<2000xi32, #tpu.memory_space<vmem>>
    %dma_wait3A_491 = arith.constant 0 : i32
    %dma_wait3A_492 = arith.constant 0 : i32
    %dma_wait3A_493 = tpu.memref_slice %arg2[%dma_wait3A_491, %dma_wait3A_492] : memref<10000x16xf32, #tpu.memory_space<hbm>> -> memref<10000x16xf32, #tpu.memory_space<hbm>>
    tpu.wait_indirect_dma semaphore(%arg11 : memref<!tpu.dma_semaphore, #tpu.memory_space<semaphore_mem>>) src(%dma_wait3A_493 : memref<10000x16xf32, #tpu.memory_space<hbm>>) dst(%dma_wait3A_487 : memref<2000x16xf32, #tpu.memory_space<vmem>>)
    %dma_start3A_494 = arith.constant 1 : i32
    %dma_start3A_495 = arith.constant 9 : i32
    %dma_start3A_496 = arith.constant 0 : i32
    %dma_start3A_497 = arith.constant 0 : i32
    %dma_start3A_498 = tpu.memref_slice %arg8[%dma_start3A_494, %dma_start3A_496, %dma_start3A_497] : memref<2x2000x16xf32, #tpu.memory_space<vmem>> -> memref<1x2000x16xf32, #tpu.memory_space<vmem>>
    %dma_start3A_499 = tpu.memref_squeeze %dma_start3A_498 : memref<1x2000x16xf32, #tpu.memory_space<vmem>> -> memref<2000x16xf32, #tpu.memory_space<vmem>>
    %dma_start3A_500 = arith.constant 0 : i32
    %dma_start3A_501 = tpu.memref_slice %arg7[%dma_start3A_495, %dma_start3A_500] : memref<10x2000xi32, #tpu.memory_space<vmem>> -> memref<1x2000xi32, #tpu.memory_space<vmem>>
    %dma_start3A_502 = tpu.memref_squeeze %dma_start3A_501 : memref<1x2000xi32, #tpu.memory_space<vmem>> -> memref<2000xi32, #tpu.memory_space<vmem>>
    %dma_start3A_503 = arith.constant 0 : i32
    %dma_start3A_504 = arith.constant 0 : i32
    %dma_start3A_505 = tpu.memref_slice %arg10[%dma_start3A_503, %dma_start3A_504] : memref<10240x16xf32, #tpu.memory_space<vmem_shared>> -> memref<10240x16xf32, #tpu.memory_space<vmem_shared>>
    tpu.enqueue_indirect_dma source(%dma_start3A_499 : memref<2000x16xf32, #tpu.memory_space<vmem>>) target(%dma_start3A_505 : memref<10240x16xf32, #tpu.memory_space<vmem_shared>>) offsets(%dma_start3A_502 : memref<2000xi32, #tpu.memory_space<vmem>>) semaphore(%arg12 : memref<!tpu.dma_semaphore, #tpu.memory_space<semaphore_mem>>) {add = true}
    %dma_wait3A_506 = arith.constant 1 : i32
    %dma_wait3A_507 = arith.constant 9 : i32
    %dma_wait3A_508 = arith.constant 0 : i32
    %dma_wait3A_509 = arith.constant 0 : i32
    %dma_wait3A_510 = tpu.memref_slice %arg8[%dma_wait3A_506, %dma_wait3A_508, %dma_wait3A_509] : memref<2x2000x16xf32, #tpu.memory_space<vmem>> -> memref<1x2000x16xf32, #tpu.memory_space<vmem>>
    %dma_wait3A_511 = tpu.memref_squeeze %dma_wait3A_510 : memref<1x2000x16xf32, #tpu.memory_space<vmem>> -> memref<2000x16xf32, #tpu.memory_space<vmem>>
    %dma_wait3A_512 = arith.constant 0 : i32
    %dma_wait3A_513 = tpu.memref_slice %arg7[%dma_wait3A_507, %dma_wait3A_512] : memref<10x2000xi32, #tpu.memory_space<vmem>> -> memref<1x2000xi32, #tpu.memory_space<vmem>>
    %dma_wait3A_514 = tpu.memref_squeeze %dma_wait3A_513 : memref<1x2000xi32, #tpu.memory_space<vmem>> -> memref<2000xi32, #tpu.memory_space<vmem>>
    %dma_wait3A_515 = arith.constant 0 : i32
    %dma_wait3A_516 = arith.constant 0 : i32
    %dma_wait3A_517 = tpu.memref_slice %arg10[%dma_wait3A_515, %dma_wait3A_516] : memref<10240x16xf32, #tpu.memory_space<vmem_shared>> -> memref<10240x16xf32, #tpu.memory_space<vmem_shared>>
    tpu.wait_indirect_dma semaphore(%arg12 : memref<!tpu.dma_semaphore, #tpu.memory_space<semaphore_mem>>) src(%dma_wait3A_511 : memref<2000x16xf32, #tpu.memory_space<vmem>>) dst(%dma_wait3A_517 : memref<10240x16xf32, #tpu.memory_space<vmem_shared>>)
    %barrier3A_518 = arith.constant 0 : index
    tpu.barrier barrier_id(%barrier3A_518)
    %mul3A_519 = arith.constant 640 : i32
    %mul3A_520 = arith.muli %arg1, %mul3A_519 : i32
    "tpu.region"() ({
      %run_scoped3A = tpu.sem_alloc : memref<!tpu.dma_semaphore, #tpu.memory_space<semaphore_mem>>
      %dma_start3A_523 = arith.constant 0 : i32
      %dma_start3A_524 = tpu.memref_slice %arg10[%mul3A_520, %dma_start3A_523] : memref<10240x16xf32, #tpu.memory_space<vmem_shared>> -> memref<640x16xf32, #tpu.memory_space<vmem_shared>>
      %dma_start3A_525 = arith.constant 0 : i32
      %dma_start3A_526 = tpu.memref_slice %arg10[%mul3A_520, %dma_start3A_525] : memref<10240x16xf32, #tpu.memory_space<vmem_shared>> -> memref<640x16xf32, #tpu.memory_space<vmem_shared>>
      tpu.enqueue_dma source(%dma_start3A_526 : memref<640x16xf32, #tpu.memory_space<vmem_shared>>) target(%arg9 : memref<640x16xf32, #tpu.memory_space<vmem>>) target_semaphore(%run_scoped3A : memref<!tpu.dma_semaphore, #tpu.memory_space<semaphore_mem>>)
      %dma_wait3A_527 = arith.constant 0 : i32
      %dma_wait3A_528 = tpu.memref_slice %arg10[%mul3A_520, %dma_wait3A_527] : memref<10240x16xf32, #tpu.memory_space<vmem_shared>> -> memref<640x16xf32, #tpu.memory_space<vmem_shared>>
      %dma_wait3A_529 = arith.constant 0 : i32
      %dma_wait3A_530 = tpu.memref_slice %arg10[%mul3A_520, %dma_wait3A_529] : memref<10240x16xf32, #tpu.memory_space<vmem_shared>> -> memref<640x16xf32, #tpu.memory_space<vmem_shared>>
      tpu.wait_dma2 semaphore(%run_scoped3A : memref<!tpu.dma_semaphore, #tpu.memory_space<semaphore_mem>>) src(%dma_wait3A_530 : memref<640x16xf32, #tpu.memory_space<vmem_shared>>) dst(%arg9 : memref<640x16xf32, #tpu.memory_space<vmem>>)
      tpu.yield
    }) : () -> ()
    %mul3A_521 = arith.constant 640 : i32
    %mul3A_522 = arith.muli %arg1, %mul3A_521 : i32
    "tpu.region"() ({
      %run_scoped3A = tpu.sem_alloc : memref<!tpu.dma_semaphore, #tpu.memory_space<semaphore_mem>>
      %dma_start3A_523 = arith.constant 0 : i32
      %dma_start3A_524 = arith.constant 0 : i32
      %dma_start3A_525 = tpu.memref_slice %arg5[%arg0, %dma_start3A_523, %dma_start3A_524] : memref<2x10240x16xf32, #tpu.memory_space<hbm>> -> memref<1x10240x16xf32, #tpu.memory_space<hbm>>
      %dma_start3A_526 = tpu.memref_squeeze %dma_start3A_525 : memref<1x10240x16xf32, #tpu.memory_space<hbm>> -> memref<10240x16xf32, #tpu.memory_space<hbm>>
      %dma_start3A_527 = arith.constant 0 : i32
      %dma_start3A_528 = tpu.memref_slice %dma_start3A_526[%mul3A_522, %dma_start3A_527] : memref<10240x16xf32, #tpu.memory_space<hbm>> -> memref<640x16xf32, #tpu.memory_space<hbm>>
      %dma_start3A_529 = arith.constant 0 : i32
      %dma_start3A_530 = arith.constant 0 : i32
      %dma_start3A_531 = tpu.memref_slice %arg5[%arg0, %dma_start3A_529, %dma_start3A_530] : memref<2x10240x16xf32, #tpu.memory_space<hbm>> -> memref<1x10240x16xf32, #tpu.memory_space<hbm>>
      %dma_start3A_532 = tpu.memref_squeeze %dma_start3A_531 : memref<1x10240x16xf32, #tpu.memory_space<hbm>> -> memref<10240x16xf32, #tpu.memory_space<hbm>>
      %dma_start3A_533 = arith.constant 0 : i32
      %dma_start3A_534 = tpu.memref_slice %dma_start3A_532[%mul3A_522, %dma_start3A_533] : memref<10240x16xf32, #tpu.memory_space<hbm>> -> memref<640x16xf32, #tpu.memory_space<hbm>>
      tpu.enqueue_dma source(%arg9 : memref<640x16xf32, #tpu.memory_space<vmem>>) target(%dma_start3A_534 : memref<640x16xf32, #tpu.memory_space<hbm>>) target_semaphore(%run_scoped3A : memref<!tpu.dma_semaphore, #tpu.memory_space<semaphore_mem>>)
      %dma_wait3A_535 = arith.constant 0 : i32
      %dma_wait3A_536 = arith.constant 0 : i32
      %dma_wait3A_537 = tpu.memref_slice %arg5[%arg0, %dma_wait3A_535, %dma_wait3A_536] : memref<2x10240x16xf32, #tpu.memory_space<hbm>> -> memref<1x10240x16xf32, #tpu.memory_space<hbm>>
      %dma_wait3A_538 = tpu.memref_squeeze %dma_wait3A_537 : memref<1x10240x16xf32, #tpu.memory_space<hbm>> -> memref<10240x16xf32, #tpu.memory_space<hbm>>
      %dma_wait3A_539 = arith.constant 0 : i32
      %dma_wait3A_540 = tpu.memref_slice %dma_wait3A_538[%mul3A_522, %dma_wait3A_539] : memref<10240x16xf32, #tpu.memory_space<hbm>> -> memref<640x16xf32, #tpu.memory_space<hbm>>
      %dma_wait3A_541 = arith.constant 0 : i32
      %dma_wait3A_542 = arith.constant 0 : i32
      %dma_wait3A_543 = tpu.memref_slice %arg5[%arg0, %dma_wait3A_541, %dma_wait3A_542] : memref<2x10240x16xf32, #tpu.memory_space<hbm>> -> memref<1x10240x16xf32, #tpu.memory_space<hbm>>
      %dma_wait3A_544 = tpu.memref_squeeze %dma_wait3A_543 : memref<1x10240x16xf32, #tpu.memory_space<hbm>> -> memref<10240x16xf32, #tpu.memory_space<hbm>>
      %dma_wait3A_545 = arith.constant 0 : i32
      %dma_wait3A_546 = tpu.memref_slice %dma_wait3A_544[%mul3A_522, %dma_wait3A_545] : memref<10240x16xf32, #tpu.memory_space<hbm>> -> memref<640x16xf32, #tpu.memory_space<hbm>>
      tpu.wait_dma2 semaphore(%run_scoped3A : memref<!tpu.dma_semaphore, #tpu.memory_space<semaphore_mem>>) src(%arg9 : memref<640x16xf32, #tpu.memory_space<vmem>>) dst(%dma_wait3A_546 : memref<640x16xf32, #tpu.memory_space<hbm>>)
      tpu.yield
    }) : () -> ()
    return
  }
}

#map = affine_map<(d0, d1) -> (0, 0)>
#map1 = affine_map<(d0, d1) -> (0, 0, 0)>
module attributes {stable_mosaic.version = 14 : i64} {
  func.func @_sc_layer(%arg0: i32, %arg1: i32, %arg2: memref<10000x16xf32, #tpu.memory_space<hbm>>, %arg3: memref<32x10x2000xi32, #tpu.memory_space<hbm>>, %arg4: memref<32x10x2000xi32, #tpu.memory_space<hbm>>, %arg5: memref<2x10240x16xf32, #tpu.memory_space<hbm>>, %arg6: memref<10x2000xi32, #tpu.memory_space<vmem>>, %arg7: memref<10x2000xi32, #tpu.memory_space<vmem>>, %arg8: memref<2x2000x16xf32, #tpu.memory_space<vmem>>, %arg9: memref<640x16xf32, #tpu.memory_space<vmem>>, %arg10: memref<10240x16xf32, #tpu.memory_space<vmem_shared>>, %arg11: memref<!tpu.dma_semaphore, #tpu.memory_space<semaphore_mem>>, %arg12: memref<!tpu.dma_semaphore, #tpu.memory_space<semaphore_mem>>) attributes {dimension_semantics = [#tpu.dimension_semantics<core_parallel>, #tpu.dimension_semantics<subcore_parallel>], iteration_bounds = array<i64: 2, 16>, scalar_prefetch = 0 : i64, scratch_operands = 7 : i64, tpu.core_type = #tpu.core_type<sc_vector_subcore>, window_params = [{transform_indices = #map}, {transform_indices = #map1}, {transform_indices = #map1}, {transform_indices = #map1}]} {
    %mul3A = arith.constant 16 : i32
    %mul3A_0 = arith.muli %arg0, %mul3A : i32
    %add3A = arith.addi %mul3A_0, %arg1 : i32
    %dma_start3A = arith.constant 0 : i32
    %dma_start3A_1 = arith.constant 0 : i32
    %dma_start3A_2 = tpu.memref_slice %arg3[%add3A, %dma_start3A, %dma_start3A_1] : memref<32x10x2000xi32, #tpu.memory_space<hbm>> -> memref<1x10x2000xi32, #tpu.memory_space<hbm>>
    %dma_start3A_3 = tpu.memref_squeeze %dma_start3A_2 : memref<1x10x2000xi32, #tpu.memory_space<hbm>> -> memref<10x2000xi32, #tpu.memory_space<hbm>>
    %dma_start3A_4 = arith.constant 0 : i32
    %dma_start3A_5 = arith.constant 0 : i32
    %dma_start3A_6 = tpu.memref_slice %arg3[%add3A, %dma_start3A_4, %dma_start3A_5] : memref<32x10x2000xi32, #tpu.memory_space<hbm>> -> memref<1x10x2000xi32, #tpu.memory_space<hbm>>
    %dma_start3A_7 = tpu.memref_squeeze %dma_start3A_6 : memref<1x10x2000xi32, #tpu.memory_space<hbm>> -> memref<10x2000xi32, #tpu.memory_space<hbm>>
    tpu.enqueue_dma source(%dma_start3A_7 : memref<10x2000xi32, #tpu.memory_space<hbm>>) target(%arg6 : memref<10x2000xi32, #tpu.memory_space<vmem>>) target_semaphore(%arg11 : memref<!tpu.dma_semaphore, #tpu.memory_space<semaphore_mem>>)
    %dma_start3A_8 = arith.constant 0 : i32
    %dma_start3A_9 = arith.constant 0 : i32
    %dma_start3A_10 = tpu.memref_slice %arg4[%add3A, %dma_start3A_8, %dma_start3A_9] : memref<32x10x2000xi32, #tpu.memory_space<hbm>> -> memref<1x10x2000xi32, #tpu.memory_space<hbm>>
    %dma_start3A_11 = tpu.memref_squeeze %dma_start3A_10 : memref<1x10x2000xi32, #tpu.memory_space<hbm>> -> memref<10x2000xi32, #tpu.memory_space<hbm>>
    %dma_start3A_12 = arith.constant 0 : i32
    %dma_start3A_13 = arith.constant 0 : i32
    %dma_start3A_14 = tpu.memref_slice %arg4[%add3A, %dma_start3A_12, %dma_start3A_13] : memref<32x10x2000xi32, #tpu.memory_space<hbm>> -> memref<1x10x2000xi32, #tpu.memory_space<hbm>>
    %dma_start3A_15 = tpu.memref_squeeze %dma_start3A_14 : memref<1x10x2000xi32, #tpu.memory_space<hbm>> -> memref<10x2000xi32, #tpu.memory_space<hbm>>
    tpu.enqueue_dma source(%dma_start3A_15 : memref<10x2000xi32, #tpu.memory_space<hbm>>) target(%arg7 : memref<10x2000xi32, #tpu.memory_space<vmem>>) target_semaphore(%arg11 : memref<!tpu.dma_semaphore, #tpu.memory_space<semaphore_mem>>)
    %scan3A = arith.constant 0 : i32
    %scan3A_16 = arith.constant 0 : i32
    %scan3A_17 = arith.constant 640 : i32
    %scan3A_18 = arith.addi %scan3A_16, %scan3A_17 : i32
    %scan3A_19 = arith.constant 1 : i32
    scf.for %scan3A_523 = %scan3A_16 to %scan3A_18 step %scan3A_19  : i32 {
      %broadcast_in_dim3A = arith.constant 0.000000e+00 : f32
      %broadcast_in_dim3A_524 = vector.broadcast %broadcast_in_dim3A : f32 to vector<16xf32>
      %swap3A = arith.index_cast %scan3A_523 : i32 to index
      %swap3A_525 = arith.constant 0 : index
      %swap3A_526 = tpu.vector_load %arg9[%swap3A, %swap3A_525] {strides = array<i32>} : memref<640x16xf32, #tpu.memory_space<vmem>>, vector<1x16xf32>,
      %swap3A_527 = vector.shape_cast %swap3A_526 : vector<1x16xf32> to vector<16xf32>
      %swap3A_528 = vector.shape_cast %broadcast_in_dim3A_524 : vector<16xf32> to vector<1x16xf32>
      tpu.vector_store %arg9[%swap3A, %swap3A_525], %swap3A_528 {strides = array<i32>} : memref<640x16xf32, #tpu.memory_space<vmem>>, vector<1x16xf32>,
    }
    %scan3A_20 = arith.constant 640 : i32
    %mul3A_21 = arith.constant 640 : i32
    %mul3A_22 = arith.muli %arg1, %mul3A_21 : i32
    "tpu.region"() ({
      %run_scoped3A = tpu.sem_alloc : memref<!tpu.dma_semaphore, #tpu.memory_space<semaphore_mem>>
      %dma_start3A_523 = arith.constant 0 : i32
      %dma_start3A_524 = tpu.memref_slice %arg10[%mul3A_22, %dma_start3A_523] : memref<10240x16xf32, #tpu.memory_space<vmem_shared>> -> memref<640x16xf32, #tpu.memory_space<vmem_shared>>
      %dma_start3A_525 = arith.constant 0 : i32
      %dma_start3A_526 = tpu.memref_slice %arg10[%mul3A_22, %dma_start3A_525] : memref<10240x16xf32, #tpu.memory_space<vmem_shared>> -> memref<640x16xf32, #tpu.memory_space<vmem_shared>>
      tpu.enqueue_dma source(%arg9 : memref<640x16xf32, #tpu.memory_space<vmem>>) target(%dma_start3A_526 : memref<640x16xf32, #tpu.memory_space<vmem_shared>>) target_semaphore(%run_scoped3A : memref<!tpu.dma_semaphore, #tpu.memory_space<semaphore_mem>>)
      %dma_wait3A_527 = arith.constant 0 : i32
      %dma_wait3A_528 = tpu.memref_slice %arg10[%mul3A_22, %dma_wait3A_527] : memref<10240x16xf32, #tpu.memory_space<vmem_shared>> -> memref<640x16xf32, #tpu.memory_space<vmem_shared>>
      %dma_wait3A_529 = arith.constant 0 : i32
      %dma_wait3A_530 = tpu.memref_slice %arg10[%mul3A_22, %dma_wait3A_529] : memref<10240x16xf32, #tpu.memory_space<vmem_shared>> -> memref<640x16xf32, #tpu.memory_space<vmem_shared>>
      tpu.wait_dma2 semaphore(%run_scoped3A : memref<!tpu.dma_semaphore, #tpu.memory_space<semaphore_mem>>) src(%arg9 : memref<640x16xf32, #tpu.memory_space<vmem>>) dst(%dma_wait3A_530 : memref<640x16xf32, #tpu.memory_space<vmem_shared>>)
      tpu.yield
    }) : () -> ()
    %dma_wait3A = arith.constant 0 : i32
    %dma_wait3A_23 = arith.constant 0 : i32
    %dma_wait3A_24 = tpu.memref_slice %arg3[%add3A, %dma_wait3A, %dma_wait3A_23] : memref<32x10x2000xi32, #tpu.memory_space<hbm>> -> memref<1x10x2000xi32, #tpu.memory_space<hbm>>
    %dma_wait3A_25 = tpu.memref_squeeze %dma_wait3A_24 : memref<1x10x2000xi32, #tpu.memory_space<hbm>> -> memref<10x2000xi32, #tpu.memory_space<hbm>>
    %dma_wait3A_26 = arith.constant 0 : i32
    %dma_wait3A_27 = arith.constant 0 : i32
    %dma_wait3A_28 = tpu.memref_slice %arg3[%add3A, %dma_wait3A_26, %dma_wait3A_27] : memref<32x10x2000xi32, #tpu.memory_space<hbm>> -> memref<1x10x2000xi32, #tpu.memory_space<hbm>>
    %dma_wait3A_29 = tpu.memref_squeeze %dma_wait3A_28 : memref<1x10x2000xi32, #tpu.memory_space<hbm>> -> memref<10x2000xi32, #tpu.memory_space<hbm>>
    tpu.wait_dma2 semaphore(%arg11 : memref<!tpu.dma_semaphore, #tpu.memory_space<semaphore_mem>>) src(%dma_wait3A_29 : memref<10x2000xi32, #tpu.memory_space<hbm>>) dst(%arg6 : memref<10x2000xi32, #tpu.memory_space<vmem>>)
    %dma_wait3A_30 = arith.constant 0 : i32
    %dma_wait3A_31 = arith.constant 0 : i32
    %dma_wait3A_32 = tpu.memref_slice %arg4[%add3A, %dma_wait3A_30, %dma_wait3A_31] : memref<32x10x2000xi32, #tpu.memory_space<hbm>> -> memref<1x10x2000xi32, #tpu.memory_space<hbm>>
    %dma_wait3A_33 = tpu.memref_squeeze %dma_wait3A_32 : memref<1x10x2000xi32, #tpu.memory_space<hbm>> -> memref<10x2000xi32, #tpu.memory_space<hbm>>
    %dma_wait3A_34 = arith.constant 0 : i32
    %dma_wait3A_35 = arith.constant 0 : i32
    %dma_wait3A_36 = tpu.memref_slice %arg4[%add3A, %dma_wait3A_34, %dma_wait3A_35] : memref<32x10x2000xi32, #tpu.memory_space<hbm>> -> memref<1x10x2000xi32, #tpu.memory_space<hbm>>
    %dma_wait3A_37 = tpu.memref_squeeze %dma_wait3A_36 : memref<1x10x2000xi32, #tpu.memory_space<hbm>> -> memref<10x2000xi32, #tpu.memory_space<hbm>>
    tpu.wait_dma2 semaphore(%arg11 : memref<!tpu.dma_semaphore, #tpu.memory_space<semaphore_mem>>) src(%dma_wait3A_37 : memref<10x2000xi32, #tpu.memory_space<hbm>>) dst(%arg7 : memref<10x2000xi32, #tpu.memory_space<vmem>>)
    %barrier3A = arith.constant 0 : index
    tpu.barrier barrier_id(%barrier3A)
    %dma_start3A_38 = arith.constant 0 : i32
    %dma_start3A_39 = arith.constant 0 : i32
    %dma_start3A_40 = arith.constant 0 : i32
    %dma_start3A_41 = arith.constant 0 : i32
    %dma_start3A_42 = tpu.memref_slice %arg8[%dma_start3A_39, %dma_start3A_40, %dma_start3A_41] : memref<2x2000x16xf32, #tpu.memory_space<vmem>> -> memref<1x2000x16xf32, #tpu.memory_space<vmem>>
    %dma_start3A_43 = tpu.memref_squeeze %dma_start3A_42 : memref<1x2000x16xf32, #tpu.memory_space<vmem>> -> memref<2000x16xf32, #tpu.memory_space<vmem>>
    %dma_start3A_44 = arith.constant 0 : i32
    %dma_start3A_45 = tpu.memref_slice %arg6[%dma_start3A_38, %dma_start3A_44] : memref<10x2000xi32, #tpu.memory_space<vmem>> -> memref<1x2000xi32, #tpu.memory_space<vmem>>
    %dma_start3A_46 = tpu.memref_squeeze %dma_start3A_45 : memref<1x2000xi32, #tpu.memory_space<vmem>> -> memref<2000xi32, #tpu.memory_space<vmem>>
    %dma_start3A_47 = arith.constant 0 : i32
    %dma_start3A_48 = arith.constant 0 : i32
    %dma_start3A_49 = tpu.memref_slice %arg2[%dma_start3A_47, %dma_start3A_48] : memref<10000x16xf32, #tpu.memory_space<hbm>> -> memref<10000x16xf32, #tpu.memory_space<hbm>>
    tpu.enqueue_indirect_dma source(%dma_start3A_49 : memref<10000x16xf32, #tpu.memory_space<hbm>>) target(%dma_start3A_43 : memref<2000x16xf32, #tpu.memory_space<vmem>>) offsets(%dma_start3A_46 : memref<2000xi32, #tpu.memory_space<vmem>>) semaphore(%arg11 : memref<!tpu.dma_semaphore, #tpu.memory_space<semaphore_mem>>)
    %dma_start3A_50 = arith.constant 1 : i32
    %dma_start3A_51 = arith.constant 1 : i32
    %dma_start3A_52 = arith.constant 0 : i32
    %dma_start3A_53 = arith.constant 0 : i32
    %dma_start3A_54 = tpu.memref_slice %arg8[%dma_start3A_51, %dma_start3A_52, %dma_start3A_53] : memref<2x2000x16xf32, #tpu.memory_space<vmem>> -> memref<1x2000x16xf32, #tpu.memory_space<vmem>>
    %dma_start3A_55 = tpu.memref_squeeze %dma_start3A_54 : memref<1x2000x16xf32, #tpu.memory_space<vmem>> -> memref<2000x16xf32, #tpu.memory_space<vmem>>
    %dma_start3A_56 = arith.constant 0 : i32
    %dma_start3A_57 = tpu.memref_slice %arg6[%dma_start3A_50, %dma_start3A_56] : memref<10x2000xi32, #tpu.memory_space<vmem>> -> memref<1x2000xi32, #tpu.memory_space<vmem>>
    %dma_start3A_58 = tpu.memref_squeeze %dma_start3A_57 : memref<1x2000xi32, #tpu.memory_space<vmem>> -> memref<2000xi32, #tpu.memory_space<vmem>>
    %dma_start3A_59 = arith.constant 0 : i32
    %dma_start3A_60 = arith.constant 0 : i32
    %dma_start3A_61 = tpu.memref_slice %arg2[%dma_start3A_59, %dma_start3A_60] : memref<10000x16xf32, #tpu.memory_space<hbm>> -> memref<10000x16xf32, #tpu.memory_space<hbm>>
    tpu.enqueue_indirect_dma source(%dma_start3A_61 : memref<10000x16xf32, #tpu.memory_space<hbm>>) target(%dma_start3A_55 : memref<2000x16xf32, #tpu.memory_space<vmem>>) offsets(%dma_start3A_58 : memref<2000xi32, #tpu.memory_space<vmem>>) semaphore(%arg11 : memref<!tpu.dma_semaphore, #tpu.memory_space<semaphore_mem>>)
    %dma_wait3A_62 = arith.constant 0 : i32
    %dma_wait3A_63 = arith.constant 0 : i32
    %dma_wait3A_64 = arith.constant 0 : i32
    %dma_wait3A_65 = arith.constant 0 : i32
    %dma_wait3A_66 = tpu.memref_slice %arg8[%dma_wait3A_63, %dma_wait3A_64, %dma_wait3A_65] : memref<2x2000x16xf32, #tpu.memory_space<vmem>> -> memref<1x2000x16xf32, #tpu.memory_space<vmem>>
    %dma_wait3A_67 = tpu.memref_squeeze %dma_wait3A_66 : memref<1x2000x16xf32, #tpu.memory_space<vmem>> -> memref<2000x16xf32, #tpu.memory_space<vmem>>
    %dma_wait3A_68 = arith.constant 0 : i32
    %dma_wait3A_69 = tpu.memref_slice %arg6[%dma_wait3A_62, %dma_wait3A_68] : memref<10x2000xi32, #tpu.memory_space<vmem>> -> memref<1x2000xi32, #tpu.memory_space<vmem>>
    %dma_wait3A_70 = tpu.memref_squeeze %dma_wait3A_69 : memref<1x2000xi32, #tpu.memory_space<vmem>> -> memref<2000xi32, #tpu.memory_space<vmem>>
    %dma_wait3A_71 = arith.constant 0 : i32
    %dma_wait3A_72 = arith.constant 0 : i32
    %dma_wait3A_73 = tpu.memref_slice %arg2[%dma_wait3A_71, %dma_wait3A_72] : memref<10000x16xf32, #tpu.memory_space<hbm>> -> memref<10000x16xf32, #tpu.memory_space<hbm>>
    tpu.wait_indirect_dma semaphore(%arg11 : memref<!tpu.dma_semaphore, #tpu.memory_space<semaphore_mem>>) src(%dma_wait3A_73 : memref<10000x16xf32, #tpu.memory_space<hbm>>) dst(%dma_wait3A_67 : memref<2000x16xf32, #tpu.memory_space<vmem>>)
    %dma_start3A_74 = arith.constant 0 : i32
    %dma_start3A_75 = arith.constant 0 : i32
    %dma_start3A_76 = arith.constant 0 : i32
    %dma_start3A_77 = arith.constant 0 : i32
    %dma_start3A_78 = tpu.memref_slice %arg8[%dma_start3A_74, %dma_start3A_76, %dma_start3A_77] : memref<2x2000x16xf32, #tpu.memory_space<vmem>> -> memref<1x2000x16xf32, #tpu.memory_space<vmem>>
    %dma_start3A_79 = tpu.memref_squeeze %dma_start3A_78 : memref<1x2000x16xf32, #tpu.memory_space<vmem>> -> memref<2000x16xf32, #tpu.memory_space<vmem>>
    %dma_start3A_80 = arith.constant 0 : i32
    %dma_start3A_81 = tpu.memref_slice %arg7[%dma_start3A_75, %dma_start3A_80] : memref<10x2000xi32, #tpu.memory_space<vmem>> -> memref<1x2000xi32, #tpu.memory_space<vmem>>
    %dma_start3A_82 = tpu.memref_squeeze %dma_start3A_81 : memref<1x2000xi32, #tpu.memory_space<vmem>> -> memref<2000xi32, #tpu.memory_space<vmem>>
    %dma_start3A_83 = arith.constant 0 : i32
    %dma_start3A_84 = arith.constant 0 : i32
    %dma_start3A_85 = tpu.memref_slice %arg10[%dma_start3A_83, %dma_start3A_84] : memref<10240x16xf32, #tpu.memory_space<vmem_shared>> -> memref<10240x16xf32, #tpu.memory_space<vmem_shared>>
    tpu.enqueue_indirect_dma source(%dma_start3A_79 : memref<2000x16xf32, #tpu.memory_space<vmem>>) target(%dma_start3A_85 : memref<10240x16xf32, #tpu.memory_space<vmem_shared>>) offsets(%dma_start3A_82 : memref<2000xi32, #tpu.memory_space<vmem>>) semaphore(%arg12 : memref<!tpu.dma_semaphore, #tpu.memory_space<semaphore_mem>>) {add = true}
    %dma_wait3A_86 = arith.constant 0 : i32
    %dma_wait3A_87 = arith.constant 0 : i32
    %dma_wait3A_88 = arith.constant 0 : i32
    %dma_wait3A_89 = arith.constant 0 : i32
    %dma_wait3A_90 = tpu.memref_slice %arg8[%dma_wait3A_86, %dma_wait3A_88, %dma_wait3A_89] : memref<2x2000x16xf32, #tpu.memory_space<vmem>> -> memref<1x2000x16xf32, #tpu.memory_space<vmem>>
    %dma_wait3A_91 = tpu.memref_squeeze %dma_wait3A_90 : memref<1x2000x16xf32, #tpu.memory_space<vmem>> -> memref<2000x16xf32, #tpu.memory_space<vmem>>
    %dma_wait3A_92 = arith.constant 0 : i32
    %dma_wait3A_93 = tpu.memref_slice %arg7[%dma_wait3A_87, %dma_wait3A_92] : memref<10x2000xi32, #tpu.memory_space<vmem>> -> memref<1x2000xi32, #tpu.memory_space<vmem>>
    %dma_wait3A_94 = tpu.memref_squeeze %dma_wait3A_93 : memref<1x2000xi32, #tpu.memory_space<vmem>> -> memref<2000xi32, #tpu.memory_space<vmem>>
    %dma_wait3A_95 = arith.constant 0 : i32
    %dma_wait3A_96 = arith.constant 0 : i32
    %dma_wait3A_97 = tpu.memref_slice %arg10[%dma_wait3A_95, %dma_wait3A_96] : memref<10240x16xf32, #tpu.memory_space<vmem_shared>> -> memref<10240x16xf32, #tpu.memory_space<vmem_shared>>
    tpu.wait_indirect_dma semaphore(%arg12 : memref<!tpu.dma_semaphore, #tpu.memory_space<semaphore_mem>>) src(%dma_wait3A_91 : memref<2000x16xf32, #tpu.memory_space<vmem>>) dst(%dma_wait3A_97 : memref<10240x16xf32, #tpu.memory_space<vmem_shared>>)
    %dma_start3A_98 = arith.constant 2 : i32
    %dma_start3A_99 = arith.constant 0 : i32
    %dma_start3A_100 = arith.constant 0 : i32
    %dma_start3A_101 = arith.constant 0 : i32
    %dma_start3A_102 = tpu.memref_slice %arg8[%dma_start3A_99, %dma_start3A_100, %dma_start3A_101] : memref<2x2000x16xf32, #tpu.memory_space<vmem>> -> memref<1x2000x16xf32, #tpu.memory_space<vmem>>
    %dma_start3A_103 = tpu.memref_squeeze %dma_start3A_102 : memref<1x2000x16xf32, #tpu.memory_space<vmem>> -> memref<2000x16xf32, #tpu.memory_space<vmem>>
    %dma_start3A_104 = arith.constant 0 : i32
    %dma_start3A_105 = tpu.memref_slice %arg6[%dma_start3A_98, %dma_start3A_104] : memref<10x2000xi32, #tpu.memory_space<vmem>> -> memref<1x2000xi32, #tpu.memory_space<vmem>>
    %dma_start3A_106 = tpu.memref_squeeze %dma_start3A_105 : memref<1x2000xi32, #tpu.memory_space<vmem>> -> memref<2000xi32, #tpu.memory_space<vmem>>
    %dma_start3A_107 = arith.constant 0 : i32
    %dma_start3A_108 = arith.constant 0 : i32
    %dma_start3A_109 = tpu.memref_slice %arg2[%dma_start3A_107, %dma_start3A_108] : memref<10000x16xf32, #tpu.memory_space<hbm>> -> memref<10000x16xf32, #tpu.memory_space<hbm>>
    tpu.enqueue_indirect_dma source(%dma_start3A_109 : memref<10000x16xf32, #tpu.memory_space<hbm>>) target(%dma_start3A_103 : memref<2000x16xf32, #tpu.memory_space<vmem>>) offsets(%dma_start3A_106 : memref<2000xi32, #tpu.memory_space<vmem>>) semaphore(%arg11 : memref<!tpu.dma_semaphore, #tpu.memory_space<semaphore_mem>>)
    %dma_wait3A_110 = arith.constant 1 : i32
    %dma_wait3A_111 = arith.constant 1 : i32
    %dma_wait3A_112 = arith.constant 0 : i32
    %dma_wait3A_113 = arith.constant 0 : i32
    %dma_wait3A_114 = tpu.memref_slice %arg8[%dma_wait3A_111, %dma_wait3A_112, %dma_wait3A_113] : memref<2x2000x16xf32, #tpu.memory_space<vmem>> -> memref<1x2000x16xf32, #tpu.memory_space<vmem>>
    %dma_wait3A_115 = tpu.memref_squeeze %dma_wait3A_114 : memref<1x2000x16xf32, #tpu.memory_space<vmem>> -> memref<2000x16xf32, #tpu.memory_space<vmem>>
    %dma_wait3A_116 = arith.constant 0 : i32
    %dma_wait3A_117 = tpu.memref_slice %arg6[%dma_wait3A_110, %dma_wait3A_116] : memref<10x2000xi32, #tpu.memory_space<vmem>> -> memref<1x2000xi32, #tpu.memory_space<vmem>>
    %dma_wait3A_118 = tpu.memref_squeeze %dma_wait3A_117 : memref<1x2000xi32, #tpu.memory_space<vmem>> -> memref<2000xi32, #tpu.memory_space<vmem>>
    %dma_wait3A_119 = arith.constant 0 : i32
    %dma_wait3A_120 = arith.constant 0 : i32
    %dma_wait3A_121 = tpu.memref_slice %arg2[%dma_wait3A_119, %dma_wait3A_120] : memref<10000x16xf32, #tpu.memory_space<hbm>> -> memref<10000x16xf32, #tpu.memory_space<hbm>>
    tpu.wait_indirect_dma semaphore(%arg11 : memref<!tpu.dma_semaphore, #tpu.memory_space<semaphore_mem>>) src(%dma_wait3A_121 : memref<10000x16xf32, #tpu.memory_space<hbm>>) dst(%dma_wait3A_115 : memref<2000x16xf32, #tpu.memory_space<vmem>>)
    %dma_start3A_122 = arith.constant 1 : i32
    %dma_start3A_123 = arith.constant 1 : i32
    %dma_start3A_124 = arith.constant 0 : i32
    %dma_start3A_125 = arith.constant 0 : i32
    %dma_start3A_126 = tpu.memref_slice %arg8[%dma_start3A_122, %dma_start3A_124, %dma_start3A_125] : memref<2x2000x16xf32, #tpu.memory_space<vmem>> -> memref<1x2000x16xf32, #tpu.memory_space<vmem>>
    %dma_start3A_127 = tpu.memref_squeeze %dma_start3A_126 : memref<1x2000x16xf32, #tpu.memory_space<vmem>> -> memref<2000x16xf32, #tpu.memory_space<vmem>>
    %dma_start3A_128 = arith.constant 0 : i32
    %dma_start3A_129 = tpu.memref_slice %arg7[%dma_start3A_123, %dma_start3A_128] : memref<10x2000xi32, #tpu.memory_space<vmem>> -> memref<1x2000xi32, #tpu.memory_space<vmem>>
    %dma_start3A_130 = tpu.memref_squeeze %dma_start3A_129 : memref<1x2000xi32, #tpu.memory_space<vmem>> -> memref<2000xi32, #tpu.memory_space<vmem>>
    %dma_start3A_131 = arith.constant 0 : i32
    %dma_start3A_132 = arith.constant 0 : i32
    %dma_start3A_133 = tpu.memref_slice %arg10[%dma_start3A_131, %dma_start3A_132] : memref<10240x16xf32, #tpu.memory_space<vmem_shared>> -> memref<10240x16xf32, #tpu.memory_space<vmem_shared>>
    tpu.enqueue_indirect_dma source(%dma_start3A_127 : memref<2000x16xf32, #tpu.memory_space<vmem>>) target(%dma_start3A_133 : memref<10240x16xf32, #tpu.memory_space<vmem_shared>>) offsets(%dma_start3A_130 : memref<2000xi32, #tpu.memory_space<vmem>>) semaphore(%arg12 : memref<!tpu.dma_semaphore, #tpu.memory_space<semaphore_mem>>) {add = true}
    %dma_wait3A_134 = arith.constant 1 : i32
    %dma_wait3A_135 = arith.constant 1 : i32
    %dma_wait3A_136 = arith.constant 0 : i32
    %dma_wait3A_137 = arith.constant 0 : i32
    %dma_wait3A_138 = tpu.memref_slice %arg8[%dma_wait3A_134, %dma_wait3A_136, %dma_wait3A_137] : memref<2x2000x16xf32, #tpu.memory_space<vmem>> -> memref<1x2000x16xf32, #tpu.memory_space<vmem>>
    %dma_wait3A_139 = tpu.memref_squeeze %dma_wait3A_138 : memref<1x2000x16xf32, #tpu.memory_space<vmem>> -> memref<2000x16xf32, #tpu.memory_space<vmem>>
    %dma_wait3A_140 = arith.constant 0 : i32
    %dma_wait3A_141 = tpu.memref_slice %arg7[%dma_wait3A_135, %dma_wait3A_140] : memref<10x2000xi32, #tpu.memory_space<vmem>> -> memref<1x2000xi32, #tpu.memory_space<vmem>>
    %dma_wait3A_142 = tpu.memref_squeeze %dma_wait3A_141 : memref<1x2000xi32, #tpu.memory_space<vmem>> -> memref<2000xi32, #tpu.memory_space<vmem>>
    %dma_wait3A_143 = arith.constant 0 : i32
    %dma_wait3A_144 = arith.constant 0 : i32
    %dma_wait3A_145 = tpu.memref_slice %arg10[%dma_wait3A_143, %dma_wait3A_144] : memref<10240x16xf32, #tpu.memory_space<vmem_shared>> -> memref<10240x16xf32, #tpu.memory_space<vmem_shared>>
    tpu.wait_indirect_dma semaphore(%arg12 : memref<!tpu.dma_semaphore, #tpu.memory_space<semaphore_mem>>) src(%dma_wait3A_139 : memref<2000x16xf32, #tpu.memory_space<vmem>>) dst(%dma_wait3A_145 : memref<10240x16xf32, #tpu.memory_space<vmem_shared>>)
    %dma_start3A_146 = arith.constant 3 : i32
    %dma_start3A_147 = arith.constant 1 : i32
    %dma_start3A_148 = arith.constant 0 : i32
    %dma_start3A_149 = arith.constant 0 : i32
    %dma_start3A_150 = tpu.memref_slice %arg8[%dma_start3A_147, %dma_start3A_148, %dma_start3A_149] : memref<2x2000x16xf32, #tpu.memory_space<vmem>> -> memref<1x2000x16xf32, #tpu.memory_space<vmem>>
    %dma_start3A_151 = tpu.memref_squeeze %dma_start3A_150 : memref<1x2000x16xf32, #tpu.memory_space<vmem>> -> memref<2000x16xf32, #tpu.memory_space<vmem>>
    %dma_start3A_152 = arith.constant 0 : i32
    %dma_start3A_153 = tpu.memref_slice %arg6[%dma_start3A_146, %dma_start3A_152] : memref<10x2000xi32, #tpu.memory_space<vmem>> -> memref<1x2000xi32, #tpu.memory_space<vmem>>
    %dma_start3A_154 = tpu.memref_squeeze %dma_start3A_153 : memref<1x2000xi32, #tpu.memory_space<vmem>> -> memref<2000xi32, #tpu.memory_space<vmem>>
    %dma_start3A_155 = arith.constant 0 : i32
    %dma_start3A_156 = arith.constant 0 : i32
    %dma_start3A_157 = tpu.memref_slice %arg2[%dma_start3A_155, %dma_start3A_156] : memref<10000x16xf32, #tpu.memory_space<hbm>> -> memref<10000x16xf32, #tpu.memory_space<hbm>>
    tpu.enqueue_indirect_dma source(%dma_start3A_157 : memref<10000x16xf32, #tpu.memory_space<hbm>>) target(%dma_start3A_151 : memref<2000x16xf32, #tpu.memory_space<vmem>>) offsets(%dma_start3A_154 : memref<2000xi32, #tpu.memory_space<vmem>>) semaphore(%arg11 : memref<!tpu.dma_semaphore, #tpu.memory_space<semaphore_mem>>)
    %dma_wait3A_158 = arith.constant 2 : i32
    %dma_wait3A_159 = arith.constant 0 : i32
    %dma_wait3A_160 = arith.constant 0 : i32
    %dma_wait3A_161 = arith.constant 0 : i32
    %dma_wait3A_162 = tpu.memref_slice %arg8[%dma_wait3A_159, %dma_wait3A_160, %dma_wait3A_161] : memref<2x2000x16xf32, #tpu.memory_space<vmem>> -> memref<1x2000x16xf32, #tpu.memory_space<vmem>>
    %dma_wait3A_163 = tpu.memref_squeeze %dma_wait3A_162 : memref<1x2000x16xf32, #tpu.memory_space<vmem>> -> memref<2000x16xf32, #tpu.memory_space<vmem>>
    %dma_wait3A_164 = arith.constant 0 : i32
    %dma_wait3A_165 = tpu.memref_slice %arg6[%dma_wait3A_158, %dma_wait3A_164] : memref<10x2000xi32, #tpu.memory_space<vmem>> -> memref<1x2000xi32, #tpu.memory_space<vmem>>
    %dma_wait3A_166 = tpu.memref_squeeze %dma_wait3A_165 : memref<1x2000xi32, #tpu.memory_space<vmem>> -> memref<2000xi32, #tpu.memory_space<vmem>>
    %dma_wait3A_167 = arith.constant 0 : i32
    %dma_wait3A_168 = arith.constant 0 : i32
    %dma_wait3A_169 = tpu.memref_slice %arg2[%dma_wait3A_167, %dma_wait3A_168] : memref<10000x16xf32, #tpu.memory_space<hbm>> -> memref<10000x16xf32, #tpu.memory_space<hbm>>
    tpu.wait_indirect_dma semaphore(%arg11 : memref<!tpu.dma_semaphore, #tpu.memory_space<semaphore_mem>>) src(%dma_wait3A_169 : memref<10000x16xf32, #tpu.memory_space<hbm>>) dst(%dma_wait3A_163 : memref<2000x16xf32, #tpu.memory_space<vmem>>)
    %dma_start3A_170 = arith.constant 0 : i32
    %dma_start3A_171 = arith.constant 2 : i32
    %dma_start3A_172 = arith.constant 0 : i32
    %dma_start3A_173 = arith.constant 0 : i32
    %dma_start3A_174 = tpu.memref_slice %arg8[%dma_start3A_170, %dma_start3A_172, %dma_start3A_173] : memref<2x2000x16xf32, #tpu.memory_space<vmem>> -> memref<1x2000x16xf32, #tpu.memory_space<vmem>>
    %dma_start3A_175 = tpu.memref_squeeze %dma_start3A_174 : memref<1x2000x16xf32, #tpu.memory_space<vmem>> -> memref<2000x16xf32, #tpu.memory_space<vmem>>
    %dma_start3A_176 = arith.constant 0 : i32
    %dma_start3A_177 = tpu.memref_slice %arg7[%dma_start3A_171, %dma_start3A_176] : memref<10x2000xi32, #tpu.memory_space<vmem>> -> memref<1x2000xi32, #tpu.memory_space<vmem>>
    %dma_start3A_178 = tpu.memref_squeeze %dma_start3A_177 : memref<1x2000xi32, #tpu.memory_space<vmem>> -> memref<2000xi32, #tpu.memory_space<vmem>>
    %dma_start3A_179 = arith.constant 0 : i32
    %dma_start3A_180 = arith.constant 0 : i32
    %dma_start3A_181 = tpu.memref_slice %arg10[%dma_start3A_179, %dma_start3A_180] : memref<10240x16xf32, #tpu.memory_space<vmem_shared>> -> memref<10240x16xf32, #tpu.memory_space<vmem_shared>>
    tpu.enqueue_indirect_dma source(%dma_start3A_175 : memref<2000x16xf32, #tpu.memory_space<vmem>>) target(%dma_start3A_181 : memref<10240x16xf32, #tpu.memory_space<vmem_shared>>) offsets(%dma_start3A_178 : memref<2000xi32, #tpu.memory_space<vmem>>) semaphore(%arg12 : memref<!tpu.dma_semaphore, #tpu.memory_space<semaphore_mem>>) {add = true}
    %dma_wait3A_182 = arith.constant 0 : i32
    %dma_wait3A_183 = arith.constant 2 : i32
    %dma_wait3A_184 = arith.constant 0 : i32
    %dma_wait3A_185 = arith.constant 0 : i32
    %dma_wait3A_186 = tpu.memref_slice %arg8[%dma_wait3A_182, %dma_wait3A_184, %dma_wait3A_185] : memref<2x2000x16xf32, #tpu.memory_space<vmem>> -> memref<1x2000x16xf32, #tpu.memory_space<vmem>>
    %dma_wait3A_187 = tpu.memref_squeeze %dma_wait3A_186 : memref<1x2000x16xf32, #tpu.memory_space<vmem>> -> memref<2000x16xf32, #tpu.memory_space<vmem>>
    %dma_wait3A_188 = arith.constant 0 : i32
    %dma_wait3A_189 = tpu.memref_slice %arg7[%dma_wait3A_183, %dma_wait3A_188] : memref<10x2000xi32, #tpu.memory_space<vmem>> -> memref<1x2000xi32, #tpu.memory_space<vmem>>
    %dma_wait3A_190 = tpu.memref_squeeze %dma_wait3A_189 : memref<1x2000xi32, #tpu.memory_space<vmem>> -> memref<2000xi32, #tpu.memory_space<vmem>>
    %dma_wait3A_191 = arith.constant 0 : i32
    %dma_wait3A_192 = arith.constant 0 : i32
    %dma_wait3A_193 = tpu.memref_slice %arg10[%dma_wait3A_191, %dma_wait3A_192] : memref<10240x16xf32, #tpu.memory_space<vmem_shared>> -> memref<10240x16xf32, #tpu.memory_space<vmem_shared>>
    tpu.wait_indirect_dma semaphore(%arg12 : memref<!tpu.dma_semaphore, #tpu.memory_space<semaphore_mem>>) src(%dma_wait3A_187 : memref<2000x16xf32, #tpu.memory_space<vmem>>) dst(%dma_wait3A_193 : memref<10240x16xf32, #tpu.memory_space<vmem_shared>>)
    %dma_start3A_194 = arith.constant 4 : i32
    %dma_start3A_195 = arith.constant 0 : i32
    %dma_start3A_196 = arith.constant 0 : i32
    %dma_start3A_197 = arith.constant 0 : i32
    %dma_start3A_198 = tpu.memref_slice %arg8[%dma_start3A_195, %dma_start3A_196, %dma_start3A_197] : memref<2x2000x16xf32, #tpu.memory_space<vmem>> -> memref<1x2000x16xf32, #tpu.memory_space<vmem>>
    %dma_start3A_199 = tpu.memref_squeeze %dma_start3A_198 : memref<1x2000x16xf32, #tpu.memory_space<vmem>> -> memref<2000x16xf32, #tpu.memory_space<vmem>>
    %dma_start3A_200 = arith.constant 0 : i32
    %dma_start3A_201 = tpu.memref_slice %arg6[%dma_start3A_194, %dma_start3A_200] : memref<10x2000xi32, #tpu.memory_space<vmem>> -> memref<1x2000xi32, #tpu.memory_space<vmem>>
    %dma_start3A_202 = tpu.memref_squeeze %dma_start3A_201 : memref<1x2000xi32, #tpu.memory_space<vmem>> -> memref<2000xi32, #tpu.memory_space<vmem>>
    %dma_start3A_203 = arith.constant 0 : i32
    %dma_start3A_204 = arith.constant 0 : i32
    %dma_start3A_205 = tpu.memref_slice %arg2[%dma_start3A_203, %dma_start3A_204] : memref<10000x16xf32, #tpu.memory_space<hbm>> -> memref<10000x16xf32, #tpu.memory_space<hbm>>
    tpu.enqueue_indirect_dma source(%dma_start3A_205 : memref<10000x16xf32, #tpu.memory_space<hbm>>) target(%dma_start3A_199 : memref<2000x16xf32, #tpu.memory_space<vmem>>) offsets(%dma_start3A_202 : memref<2000xi32, #tpu.memory_space<vmem>>) semaphore(%arg11 : memref<!tpu.dma_semaphore, #tpu.memory_space<semaphore_mem>>)
    %dma_wait3A_206 = arith.constant 3 : i32
    %dma_wait3A_207 = arith.constant 1 : i32
    %dma_wait3A_208 = arith.constant 0 : i32
    %dma_wait3A_209 = arith.constant 0 : i32
    %dma_wait3A_210 = tpu.memref_slice %arg8[%dma_wait3A_207, %dma_wait3A_208, %dma_wait3A_209] : memref<2x2000x16xf32, #tpu.memory_space<vmem>> -> memref<1x2000x16xf32, #tpu.memory_space<vmem>>
    %dma_wait3A_211 = tpu.memref_squeeze %dma_wait3A_210 : memref<1x2000x16xf32, #tpu.memory_space<vmem>> -> memref<2000x16xf32, #tpu.memory_space<vmem>>
    %dma_wait3A_212 = arith.constant 0 : i32
    %dma_wait3A_213 = tpu.memref_slice %arg6[%dma_wait3A_206, %dma_wait3A_212] : memref<10x2000xi32, #tpu.memory_space<vmem>> -> memref<1x2000xi32, #tpu.memory_space<vmem>>
    %dma_wait3A_214 = tpu.memref_squeeze %dma_wait3A_213 : memref<1x2000xi32, #tpu.memory_space<vmem>> -> memref<2000xi32, #tpu.memory_space<vmem>>
    %dma_wait3A_215 = arith.constant 0 : i32
    %dma_wait3A_216 = arith.constant 0 : i32
    %dma_wait3A_217 = tpu.memref_slice %arg2[%dma_wait3A_215, %dma_wait3A_216] : memref<10000x16xf32, #tpu.memory_space<hbm>> -> memref<10000x16xf32, #tpu.memory_space<hbm>>
    tpu.wait_indirect_dma semaphore(%arg11 : memref<!tpu.dma_semaphore, #tpu.memory_space<semaphore_mem>>) src(%dma_wait3A_217 : memref<10000x16xf32, #tpu.memory_space<hbm>>) dst(%dma_wait3A_211 : memref<2000x16xf32, #tpu.memory_space<vmem>>)
    %dma_start3A_218 = arith.constant 1 : i32
    %dma_start3A_219 = arith.constant 3 : i32
    %dma_start3A_220 = arith.constant 0 : i32
    %dma_start3A_221 = arith.constant 0 : i32
    %dma_start3A_222 = tpu.memref_slice %arg8[%dma_start3A_218, %dma_start3A_220, %dma_start3A_221] : memref<2x2000x16xf32, #tpu.memory_space<vmem>> -> memref<1x2000x16xf32, #tpu.memory_space<vmem>>
    %dma_start3A_223 = tpu.memref_squeeze %dma_start3A_222 : memref<1x2000x16xf32, #tpu.memory_space<vmem>> -> memref<2000x16xf32, #tpu.memory_space<vmem>>
    %dma_start3A_224 = arith.constant 0 : i32
    %dma_start3A_225 = tpu.memref_slice %arg7[%dma_start3A_219, %dma_start3A_224] : memref<10x2000xi32, #tpu.memory_space<vmem>> -> memref<1x2000xi32, #tpu.memory_space<vmem>>
    %dma_start3A_226 = tpu.memref_squeeze %dma_start3A_225 : memref<1x2000xi32, #tpu.memory_space<vmem>> -> memref<2000xi32, #tpu.memory_space<vmem>>
    %dma_start3A_227 = arith.constant 0 : i32
    %dma_start3A_228 = arith.constant 0 : i32
    %dma_start3A_229 = tpu.memref_slice %arg10[%dma_start3A_227, %dma_start3A_228] : memref<10240x16xf32, #tpu.memory_space<vmem_shared>> -> memref<10240x16xf32, #tpu.memory_space<vmem_shared>>
    tpu.enqueue_indirect_dma source(%dma_start3A_223 : memref<2000x16xf32, #tpu.memory_space<vmem>>) target(%dma_start3A_229 : memref<10240x16xf32, #tpu.memory_space<vmem_shared>>) offsets(%dma_start3A_226 : memref<2000xi32, #tpu.memory_space<vmem>>) semaphore(%arg12 : memref<!tpu.dma_semaphore, #tpu.memory_space<semaphore_mem>>) {add = true}
    %dma_wait3A_230 = arith.constant 1 : i32
    %dma_wait3A_231 = arith.constant 3 : i32
    %dma_wait3A_232 = arith.constant 0 : i32
    %dma_wait3A_233 = arith.constant 0 : i32
    %dma_wait3A_234 = tpu.memref_slice %arg8[%dma_wait3A_230, %dma_wait3A_232, %dma_wait3A_233] : memref<2x2000x16xf32, #tpu.memory_space<vmem>> -> memref<1x2000x16xf32, #tpu.memory_space<vmem>>
    %dma_wait3A_235 = tpu.memref_squeeze %dma_wait3A_234 : memref<1x2000x16xf32, #tpu.memory_space<vmem>> -> memref<2000x16xf32, #tpu.memory_space<vmem>>
    %dma_wait3A_236 = arith.constant 0 : i32
    %dma_wait3A_237 = tpu.memref_slice %arg7[%dma_wait3A_231, %dma_wait3A_236] : memref<10x2000xi32, #tpu.memory_space<vmem>> -> memref<1x2000xi32, #tpu.memory_space<vmem>>
    %dma_wait3A_238 = tpu.memref_squeeze %dma_wait3A_237 : memref<1x2000xi32, #tpu.memory_space<vmem>> -> memref<2000xi32, #tpu.memory_space<vmem>>
    %dma_wait3A_239 = arith.constant 0 : i32
    %dma_wait3A_240 = arith.constant 0 : i32
    %dma_wait3A_241 = tpu.memref_slice %arg10[%dma_wait3A_239, %dma_wait3A_240] : memref<10240x16xf32, #tpu.memory_space<vmem_shared>> -> memref<10240x16xf32, #tpu.memory_space<vmem_shared>>
    tpu.wait_indirect_dma semaphore(%arg12 : memref<!tpu.dma_semaphore, #tpu.memory_space<semaphore_mem>>) src(%dma_wait3A_235 : memref<2000x16xf32, #tpu.memory_space<vmem>>) dst(%dma_wait3A_241 : memref<10240x16xf32, #tpu.memory_space<vmem_shared>>)
    %dma_start3A_242 = arith.constant 5 : i32
    %dma_start3A_243 = arith.constant 1 : i32
    %dma_start3A_244 = arith.constant 0 : i32
    %dma_start3A_245 = arith.constant 0 : i32
    %dma_start3A_246 = tpu.memref_slice %arg8[%dma_start3A_243, %dma_start3A_244, %dma_start3A_245] : memref<2x2000x16xf32, #tpu.memory_space<vmem>> -> memref<1x2000x16xf32, #tpu.memory_space<vmem>>
    %dma_start3A_247 = tpu.memref_squeeze %dma_start3A_246 : memref<1x2000x16xf32, #tpu.memory_space<vmem>> -> memref<2000x16xf32, #tpu.memory_space<vmem>>
    %dma_start3A_248 = arith.constant 0 : i32
    %dma_start3A_249 = tpu.memref_slice %arg6[%dma_start3A_242, %dma_start3A_248] : memref<10x2000xi32, #tpu.memory_space<vmem>> -> memref<1x2000xi32, #tpu.memory_space<vmem>>
    %dma_start3A_250 = tpu.memref_squeeze %dma_start3A_249 : memref<1x2000xi32, #tpu.memory_space<vmem>> -> memref<2000xi32, #tpu.memory_space<vmem>>
    %dma_start3A_251 = arith.constant 0 : i32
    %dma_start3A_252 = arith.constant 0 : i32
    %dma_start3A_253 = tpu.memref_slice %arg2[%dma_start3A_251, %dma_start3A_252] : memref<10000x16xf32, #tpu.memory_space<hbm>> -> memref<10000x16xf32, #tpu.memory_space<hbm>>
    tpu.enqueue_indirect_dma source(%dma_start3A_253 : memref<10000x16xf32, #tpu.memory_space<hbm>>) target(%dma_start3A_247 : memref<2000x16xf32, #tpu.memory_space<vmem>>) offsets(%dma_start3A_250 : memref<2000xi32, #tpu.memory_space<vmem>>) semaphore(%arg11 : memref<!tpu.dma_semaphore, #tpu.memory_space<semaphore_mem>>)
    %dma_wait3A_254 = arith.constant 4 : i32
    %dma_wait3A_255 = arith.constant 0 : i32
    %dma_wait3A_256 = arith.constant 0 : i32
    %dma_wait3A_257 = arith.constant 0 : i32
    %dma_wait3A_258 = tpu.memref_slice %arg8[%dma_wait3A_255, %dma_wait3A_256, %dma_wait3A_257] : memref<2x2000x16xf32, #tpu.memory_space<vmem>> -> memref<1x2000x16xf32, #tpu.memory_space<vmem>>
    %dma_wait3A_259 = tpu.memref_squeeze %dma_wait3A_258 : memref<1x2000x16xf32, #tpu.memory_space<vmem>> -> memref<2000x16xf32, #tpu.memory_space<vmem>>
    %dma_wait3A_260 = arith.constant 0 : i32
    %dma_wait3A_261 = tpu.memref_slice %arg6[%dma_wait3A_254, %dma_wait3A_260] : memref<10x2000xi32, #tpu.memory_space<vmem>> -> memref<1x2000xi32, #tpu.memory_space<vmem>>
    %dma_wait3A_262 = tpu.memref_squeeze %dma_wait3A_261 : memref<1x2000xi32, #tpu.memory_space<vmem>> -> memref<2000xi32, #tpu.memory_space<vmem>>
    %dma_wait3A_263 = arith.constant 0 : i32
    %dma_wait3A_264 = arith.constant 0 : i32
    %dma_wait3A_265 = tpu.memref_slice %arg2[%dma_wait3A_263, %dma_wait3A_264] : memref<10000x16xf32, #tpu.memory_space<hbm>> -> memref<10000x16xf32, #tpu.memory_space<hbm>>
    tpu.wait_indirect_dma semaphore(%arg11 : memref<!tpu.dma_semaphore, #tpu.memory_space<semaphore_mem>>) src(%dma_wait3A_265 : memref<10000x16xf32, #tpu.memory_space<hbm>>) dst(%dma_wait3A_259 : memref<2000x16xf32, #tpu.memory_space<vmem>>)
    %dma_start3A_266 = arith.constant 0 : i32
    %dma_start3A_267 = arith.constant 4 : i32
    %dma_start3A_268 = arith.constant 0 : i32
    %dma_start3A_269 = arith.constant 0 : i32
    %dma_start3A_270 = tpu.memref_slice %arg8[%dma_start3A_266, %dma_start3A_268, %dma_start3A_269] : memref<2x2000x16xf32, #tpu.memory_space<vmem>> -> memref<1x2000x16xf32, #tpu.memory_space<vmem>>
    %dma_start3A_271 = tpu.memref_squeeze %dma_start3A_270 : memref<1x2000x16xf32, #tpu.memory_space<vmem>> -> memref<2000x16xf32, #tpu.memory_space<vmem>>
    %dma_start3A_272 = arith.constant 0 : i32
    %dma_start3A_273 = tpu.memref_slice %arg7[%dma_start3A_267, %dma_start3A_272] : memref<10x2000xi32, #tpu.memory_space<vmem>> -> memref<1x2000xi32, #tpu.memory_space<vmem>>
    %dma_start3A_274 = tpu.memref_squeeze %dma_start3A_273 : memref<1x2000xi32, #tpu.memory_space<vmem>> -> memref<2000xi32, #tpu.memory_space<vmem>>
    %dma_start3A_275 = arith.constant 0 : i32
    %dma_start3A_276 = arith.constant 0 : i32
    %dma_start3A_277 = tpu.memref_slice %arg10[%dma_start3A_275, %dma_start3A_276] : memref<10240x16xf32, #tpu.memory_space<vmem_shared>> -> memref<10240x16xf32, #tpu.memory_space<vmem_shared>>
    tpu.enqueue_indirect_dma source(%dma_start3A_271 : memref<2000x16xf32, #tpu.memory_space<vmem>>) target(%dma_start3A_277 : memref<10240x16xf32, #tpu.memory_space<vmem_shared>>) offsets(%dma_start3A_274 : memref<2000xi32, #tpu.memory_space<vmem>>) semaphore(%arg12 : memref<!tpu.dma_semaphore, #tpu.memory_space<semaphore_mem>>) {add = true}
    %dma_wait3A_278 = arith.constant 0 : i32
    %dma_wait3A_279 = arith.constant 4 : i32
    %dma_wait3A_280 = arith.constant 0 : i32
    %dma_wait3A_281 = arith.constant 0 : i32
    %dma_wait3A_282 = tpu.memref_slice %arg8[%dma_wait3A_278, %dma_wait3A_280, %dma_wait3A_281] : memref<2x2000x16xf32, #tpu.memory_space<vmem>> -> memref<1x2000x16xf32, #tpu.memory_space<vmem>>
    %dma_wait3A_283 = tpu.memref_squeeze %dma_wait3A_282 : memref<1x2000x16xf32, #tpu.memory_space<vmem>> -> memref<2000x16xf32, #tpu.memory_space<vmem>>
    %dma_wait3A_284 = arith.constant 0 : i32
    %dma_wait3A_285 = tpu.memref_slice %arg7[%dma_wait3A_279, %dma_wait3A_284] : memref<10x2000xi32, #tpu.memory_space<vmem>> -> memref<1x2000xi32, #tpu.memory_space<vmem>>
    %dma_wait3A_286 = tpu.memref_squeeze %dma_wait3A_285 : memref<1x2000xi32, #tpu.memory_space<vmem>> -> memref<2000xi32, #tpu.memory_space<vmem>>
    %dma_wait3A_287 = arith.constant 0 : i32
    %dma_wait3A_288 = arith.constant 0 : i32
    %dma_wait3A_289 = tpu.memref_slice %arg10[%dma_wait3A_287, %dma_wait3A_288] : memref<10240x16xf32, #tpu.memory_space<vmem_shared>> -> memref<10240x16xf32, #tpu.memory_space<vmem_shared>>
    tpu.wait_indirect_dma semaphore(%arg12 : memref<!tpu.dma_semaphore, #tpu.memory_space<semaphore_mem>>) src(%dma_wait3A_283 : memref<2000x16xf32, #tpu.memory_space<vmem>>) dst(%dma_wait3A_289 : memref<10240x16xf32, #tpu.memory_space<vmem_shared>>)
    %dma_start3A_290 = arith.constant 6 : i32
    %dma_start3A_291 = arith.constant 0 : i32
    %dma_start3A_292 = arith.constant 0 : i32
    %dma_start3A_293 = arith.constant 0 : i32
    %dma_start3A_294 = tpu.memref_slice %arg8[%dma_start3A_291, %dma_start3A_292, %dma_start3A_293] : memref<2x2000x16xf32, #tpu.memory_space<vmem>> -> memref<1x2000x16xf32, #tpu.memory_space<vmem>>
    %dma_start3A_295 = tpu.memref_squeeze %dma_start3A_294 : memref<1x2000x16xf32, #tpu.memory_space<vmem>> -> memref<2000x16xf32, #tpu.memory_space<vmem>>
    %dma_start3A_296 = arith.constant 0 : i32
    %dma_start3A_297 = tpu.memref_slice %arg6[%dma_start3A_290, %dma_start3A_296] : memref<10x2000xi32, #tpu.memory_space<vmem>> -> memref<1x2000xi32, #tpu.memory_space<vmem>>
    %dma_start3A_298 = tpu.memref_squeeze %dma_start3A_297 : memref<1x2000xi32, #tpu.memory_space<vmem>> -> memref<2000xi32, #tpu.memory_space<vmem>>
    %dma_start3A_299 = arith.constant 0 : i32
    %dma_start3A_300 = arith.constant 0 : i32
    %dma_start3A_301 = tpu.memref_slice %arg2[%dma_start3A_299, %dma_start3A_300] : memref<10000x16xf32, #tpu.memory_space<hbm>> -> memref<10000x16xf32, #tpu.memory_space<hbm>>
    tpu.enqueue_indirect_dma source(%dma_start3A_301 : memref<10000x16xf32, #tpu.memory_space<hbm>>) target(%dma_start3A_295 : memref<2000x16xf32, #tpu.memory_space<vmem>>) offsets(%dma_start3A_298 : memref<2000xi32, #tpu.memory_space<vmem>>) semaphore(%arg11 : memref<!tpu.dma_semaphore, #tpu.memory_space<semaphore_mem>>)
    %dma_wait3A_302 = arith.constant 5 : i32
    %dma_wait3A_303 = arith.constant 1 : i32
    %dma_wait3A_304 = arith.constant 0 : i32
    %dma_wait3A_305 = arith.constant 0 : i32
    %dma_wait3A_306 = tpu.memref_slice %arg8[%dma_wait3A_303, %dma_wait3A_304, %dma_wait3A_305] : memref<2x2000x16xf32, #tpu.memory_space<vmem>> -> memref<1x2000x16xf32, #tpu.memory_space<vmem>>
    %dma_wait3A_307 = tpu.memref_squeeze %dma_wait3A_306 : memref<1x2000x16xf32, #tpu.memory_space<vmem>> -> memref<2000x16xf32, #tpu.memory_space<vmem>>
    %dma_wait3A_308 = arith.constant 0 : i32
    %dma_wait3A_309 = tpu.memref_slice %arg6[%dma_wait3A_302, %dma_wait3A_308] : memref<10x2000xi32, #tpu.memory_space<vmem>> -> memref<1x2000xi32, #tpu.memory_space<vmem>>
    %dma_wait3A_310 = tpu.memref_squeeze %dma_wait3A_309 : memref<1x2000xi32, #tpu.memory_space<vmem>> -> memref<2000xi32, #tpu.memory_space<vmem>>
    %dma_wait3A_311 = arith.constant 0 : i32
    %dma_wait3A_312 = arith.constant 0 : i32
    %dma_wait3A_313 = tpu.memref_slice %arg2[%dma_wait3A_311, %dma_wait3A_312] : memref<10000x16xf32, #tpu.memory_space<hbm>> -> memref<10000x16xf32, #tpu.memory_space<hbm>>
    tpu.wait_indirect_dma semaphore(%arg11 : memref<!tpu.dma_semaphore, #tpu.memory_space<semaphore_mem>>) src(%dma_wait3A_313 : memref<10000x16xf32, #tpu.memory_space<hbm>>) dst(%dma_wait3A_307 : memref<2000x16xf32, #tpu.memory_space<vmem>>)
    %dma_start3A_314 = arith.constant 1 : i32
    %dma_start3A_315 = arith.constant 5 : i32
    %dma_start3A_316 = arith.constant 0 : i32
    %dma_start3A_317 = arith.constant 0 : i32
    %dma_start3A_318 = tpu.memref_slice %arg8[%dma_start3A_314, %dma_start3A_316, %dma_start3A_317] : memref<2x2000x16xf32, #tpu.memory_space<vmem>> -> memref<1x2000x16xf32, #tpu.memory_space<vmem>>
    %dma_start3A_319 = tpu.memref_squeeze %dma_start3A_318 : memref<1x2000x16xf32, #tpu.memory_space<vmem>> -> memref<2000x16xf32, #tpu.memory_space<vmem>>
    %dma_start3A_320 = arith.constant 0 : i32
    %dma_start3A_321 = tpu.memref_slice %arg7[%dma_start3A_315, %dma_start3A_320] : memref<10x2000xi32, #tpu.memory_space<vmem>> -> memref<1x2000xi32, #tpu.memory_space<vmem>>
    %dma_start3A_322 = tpu.memref_squeeze %dma_start3A_321 : memref<1x2000xi32, #tpu.memory_space<vmem>> -> memref<2000xi32, #tpu.memory_space<vmem>>
    %dma_start3A_323 = arith.constant 0 : i32
    %dma_start3A_324 = arith.constant 0 : i32
    %dma_start3A_325 = tpu.memref_slice %arg10[%dma_start3A_323, %dma_start3A_324] : memref<10240x16xf32, #tpu.memory_space<vmem_shared>> -> memref<10240x16xf32, #tpu.memory_space<vmem_shared>>
    tpu.enqueue_indirect_dma source(%dma_start3A_319 : memref<2000x16xf32, #tpu.memory_space<vmem>>) target(%dma_start3A_325 : memref<10240x16xf32, #tpu.memory_space<vmem_shared>>) offsets(%dma_start3A_322 : memref<2000xi32, #tpu.memory_space<vmem>>) semaphore(%arg12 : memref<!tpu.dma_semaphore, #tpu.memory_space<semaphore_mem>>) {add = true}
    %dma_wait3A_326 = arith.constant 1 : i32
    %dma_wait3A_327 = arith.constant 5 : i32
    %dma_wait3A_328 = arith.constant 0 : i32
    %dma_wait3A_329 = arith.constant 0 : i32
    %dma_wait3A_330 = tpu.memref_slice %arg8[%dma_wait3A_326, %dma_wait3A_328, %dma_wait3A_329] : memref<2x2000x16xf32, #tpu.memory_space<vmem>> -> memref<1x2000x16xf32, #tpu.memory_space<vmem>>
    %dma_wait3A_331 = tpu.memref_squeeze %dma_wait3A_330 : memref<1x2000x16xf32, #tpu.memory_space<vmem>> -> memref<2000x16xf32, #tpu.memory_space<vmem>>
    %dma_wait3A_332 = arith.constant 0 : i32
    %dma_wait3A_333 = tpu.memref_slice %arg7[%dma_wait3A_327, %dma_wait3A_332] : memref<10x2000xi32, #tpu.memory_space<vmem>> -> memref<1x2000xi32, #tpu.memory_space<vmem>>
    %dma_wait3A_334 = tpu.memref_squeeze %dma_wait3A_333 : memref<1x2000xi32, #tpu.memory_space<vmem>> -> memref<2000xi32, #tpu.memory_space<vmem>>
    %dma_wait3A_335 = arith.constant 0 : i32
    %dma_wait3A_336 = arith.constant 0 : i32
    %dma_wait3A_337 = tpu.memref_slice %arg10[%dma_wait3A_335, %dma_wait3A_336] : memref<10240x16xf32, #tpu.memory_space<vmem_shared>> -> memref<10240x16xf32, #tpu.memory_space<vmem_shared>>
    tpu.wait_indirect_dma semaphore(%arg12 : memref<!tpu.dma_semaphore, #tpu.memory_space<semaphore_mem>>) src(%dma_wait3A_331 : memref<2000x16xf32, #tpu.memory_space<vmem>>) dst(%dma_wait3A_337 : memref<10240x16xf32, #tpu.memory_space<vmem_shared>>)
    %dma_start3A_338 = arith.constant 7 : i32
    %dma_start3A_339 = arith.constant 1 : i32
    %dma_start3A_340 = arith.constant 0 : i32
    %dma_start3A_341 = arith.constant 0 : i32
    %dma_start3A_342 = tpu.memref_slice %arg8[%dma_start3A_339, %dma_start3A_340, %dma_start3A_341] : memref<2x2000x16xf32, #tpu.memory_space<vmem>> -> memref<1x2000x16xf32, #tpu.memory_space<vmem>>
    %dma_start3A_343 = tpu.memref_squeeze %dma_start3A_342 : memref<1x2000x16xf32, #tpu.memory_space<vmem>> -> memref<2000x16xf32, #tpu.memory_space<vmem>>
    %dma_start3A_344 = arith.constant 0 : i32
    %dma_start3A_345 = tpu.memref_slice %arg6[%dma_start3A_338, %dma_start3A_344] : memref<10x2000xi32, #tpu.memory_space<vmem>> -> memref<1x2000xi32, #tpu.memory_space<vmem>>
    %dma_start3A_346 = tpu.memref_squeeze %dma_start3A_345 : memref<1x2000xi32, #tpu.memory_space<vmem>> -> memref<2000xi32, #tpu.memory_space<vmem>>
    %dma_start3A_347 = arith.constant 0 : i32
    %dma_start3A_348 = arith.constant 0 : i32
    %dma_start3A_349 = tpu.memref_slice %arg2[%dma_start3A_347, %dma_start3A_348] : memref<10000x16xf32, #tpu.memory_space<hbm>> -> memref<10000x16xf32, #tpu.memory_space<hbm>>
    tpu.enqueue_indirect_dma source(%dma_start3A_349 : memref<10000x16xf32, #tpu.memory_space<hbm>>) target(%dma_start3A_343 : memref<2000x16xf32, #tpu.memory_space<vmem>>) offsets(%dma_start3A_346 : memref<2000xi32, #tpu.memory_space<vmem>>) semaphore(%arg11 : memref<!tpu.dma_semaphore, #tpu.memory_space<semaphore_mem>>)
    %dma_wait3A_350 = arith.constant 6 : i32
    %dma_wait3A_351 = arith.constant 0 : i32
    %dma_wait3A_352 = arith.constant 0 : i32
    %dma_wait3A_353 = arith.constant 0 : i32
    %dma_wait3A_354 = tpu.memref_slice %arg8[%dma_wait3A_351, %dma_wait3A_352, %dma_wait3A_353] : memref<2x2000x16xf32, #tpu.memory_space<vmem>> -> memref<1x2000x16xf32, #tpu.memory_space<vmem>>
    %dma_wait3A_355 = tpu.memref_squeeze %dma_wait3A_354 : memref<1x2000x16xf32, #tpu.memory_space<vmem>> -> memref<2000x16xf32, #tpu.memory_space<vmem>>
    %dma_wait3A_356 = arith.constant 0 : i32
    %dma_wait3A_357 = tpu.memref_slice %arg6[%dma_wait3A_350, %dma_wait3A_356] : memref<10x2000xi32, #tpu.memory_space<vmem>> -> memref<1x2000xi32, #tpu.memory_space<vmem>>
    %dma_wait3A_358 = tpu.memref_squeeze %dma_wait3A_357 : memref<1x2000xi32, #tpu.memory_space<vmem>> -> memref<2000xi32, #tpu.memory_space<vmem>>
    %dma_wait3A_359 = arith.constant 0 : i32
    %dma_wait3A_360 = arith.constant 0 : i32
    %dma_wait3A_361 = tpu.memref_slice %arg2[%dma_wait3A_359, %dma_wait3A_360] : memref<10000x16xf32, #tpu.memory_space<hbm>> -> memref<10000x16xf32, #tpu.memory_space<hbm>>
    tpu.wait_indirect_dma semaphore(%arg11 : memref<!tpu.dma_semaphore, #tpu.memory_space<semaphore_mem>>) src(%dma_wait3A_361 : memref<10000x16xf32, #tpu.memory_space<hbm>>) dst(%dma_wait3A_355 : memref<2000x16xf32, #tpu.memory_space<vmem>>)
    %dma_start3A_362 = arith.constant 0 : i32
    %dma_start3A_363 = arith.constant 6 : i32
    %dma_start3A_364 = arith.constant 0 : i32
    %dma_start3A_365 = arith.constant 0 : i32
    %dma_start3A_366 = tpu.memref_slice %arg8[%dma_start3A_362, %dma_start3A_364, %dma_start3A_365] : memref<2x2000x16xf32, #tpu.memory_space<vmem>> -> memref<1x2000x16xf32, #tpu.memory_space<vmem>>
    %dma_start3A_367 = tpu.memref_squeeze %dma_start3A_366 : memref<1x2000x16xf32, #tpu.memory_space<vmem>> -> memref<2000x16xf32, #tpu.memory_space<vmem>>
    %dma_start3A_368 = arith.constant 0 : i32
    %dma_start3A_369 = tpu.memref_slice %arg7[%dma_start3A_363, %dma_start3A_368] : memref<10x2000xi32, #tpu.memory_space<vmem>> -> memref<1x2000xi32, #tpu.memory_space<vmem>>
    %dma_start3A_370 = tpu.memref_squeeze %dma_start3A_369 : memref<1x2000xi32, #tpu.memory_space<vmem>> -> memref<2000xi32, #tpu.memory_space<vmem>>
    %dma_start3A_371 = arith.constant 0 : i32
    %dma_start3A_372 = arith.constant 0 : i32
    %dma_start3A_373 = tpu.memref_slice %arg10[%dma_start3A_371, %dma_start3A_372] : memref<10240x16xf32, #tpu.memory_space<vmem_shared>> -> memref<10240x16xf32, #tpu.memory_space<vmem_shared>>
    tpu.enqueue_indirect_dma source(%dma_start3A_367 : memref<2000x16xf32, #tpu.memory_space<vmem>>) target(%dma_start3A_373 : memref<10240x16xf32, #tpu.memory_space<vmem_shared>>) offsets(%dma_start3A_370 : memref<2000xi32, #tpu.memory_space<vmem>>) semaphore(%arg12 : memref<!tpu.dma_semaphore, #tpu.memory_space<semaphore_mem>>) {add = true}
    %dma_wait3A_374 = arith.constant 0 : i32
    %dma_wait3A_375 = arith.constant 6 : i32
    %dma_wait3A_376 = arith.constant 0 : i32
    %dma_wait3A_377 = arith.constant 0 : i32
    %dma_wait3A_378 = tpu.memref_slice %arg8[%dma_wait3A_374, %dma_wait3A_376, %dma_wait3A_377] : memref<2x2000x16xf32, #tpu.memory_space<vmem>> -> memref<1x2000x16xf32, #tpu.memory_space<vmem>>
    %dma_wait3A_379 = tpu.memref_squeeze %dma_wait3A_378 : memref<1x2000x16xf32, #tpu.memory_space<vmem>> -> memref<2000x16xf32, #tpu.memory_space<vmem>>
    %dma_wait3A_380 = arith.constant 0 : i32
    %dma_wait3A_381 = tpu.memref_slice %arg7[%dma_wait3A_375, %dma_wait3A_380] : memref<10x2000xi32, #tpu.memory_space<vmem>> -> memref<1x2000xi32, #tpu.memory_space<vmem>>
    %dma_wait3A_382 = tpu.memref_squeeze %dma_wait3A_381 : memref<1x2000xi32, #tpu.memory_space<vmem>> -> memref<2000xi32, #tpu.memory_space<vmem>>
    %dma_wait3A_383 = arith.constant 0 : i32
    %dma_wait3A_384 = arith.constant 0 : i32
    %dma_wait3A_385 = tpu.memref_slice %arg10[%dma_wait3A_383, %dma_wait3A_384] : memref<10240x16xf32, #tpu.memory_space<vmem_shared>> -> memref<10240x16xf32, #tpu.memory_space<vmem_shared>>
    tpu.wait_indirect_dma semaphore(%arg12 : memref<!tpu.dma_semaphore, #tpu.memory_space<semaphore_mem>>) src(%dma_wait3A_379 : memref<2000x16xf32, #tpu.memory_space<vmem>>) dst(%dma_wait3A_385 : memref<10240x16xf32, #tpu.memory_space<vmem_shared>>)
    %dma_start3A_386 = arith.constant 8 : i32
    %dma_start3A_387 = arith.constant 0 : i32
    %dma_start3A_388 = arith.constant 0 : i32
    %dma_start3A_389 = arith.constant 0 : i32
    %dma_start3A_390 = tpu.memref_slice %arg8[%dma_start3A_387, %dma_start3A_388, %dma_start3A_389] : memref<2x2000x16xf32, #tpu.memory_space<vmem>> -> memref<1x2000x16xf32, #tpu.memory_space<vmem>>
    %dma_start3A_391 = tpu.memref_squeeze %dma_start3A_390 : memref<1x2000x16xf32, #tpu.memory_space<vmem>> -> memref<2000x16xf32, #tpu.memory_space<vmem>>
    %dma_start3A_392 = arith.constant 0 : i32
    %dma_start3A_393 = tpu.memref_slice %arg6[%dma_start3A_386, %dma_start3A_392] : memref<10x2000xi32, #tpu.memory_space<vmem>> -> memref<1x2000xi32, #tpu.memory_space<vmem>>
    %dma_start3A_394 = tpu.memref_squeeze %dma_start3A_393 : memref<1x2000xi32, #tpu.memory_space<vmem>> -> memref<2000xi32, #tpu.memory_space<vmem>>
    %dma_start3A_395 = arith.constant 0 : i32
    %dma_start3A_396 = arith.constant 0 : i32
    %dma_start3A_397 = tpu.memref_slice %arg2[%dma_start3A_395, %dma_start3A_396] : memref<10000x16xf32, #tpu.memory_space<hbm>> -> memref<10000x16xf32, #tpu.memory_space<hbm>>
    tpu.enqueue_indirect_dma source(%dma_start3A_397 : memref<10000x16xf32, #tpu.memory_space<hbm>>) target(%dma_start3A_391 : memref<2000x16xf32, #tpu.memory_space<vmem>>) offsets(%dma_start3A_394 : memref<2000xi32, #tpu.memory_space<vmem>>) semaphore(%arg11 : memref<!tpu.dma_semaphore, #tpu.memory_space<semaphore_mem>>)
    %dma_wait3A_398 = arith.constant 7 : i32
    %dma_wait3A_399 = arith.constant 1 : i32
    %dma_wait3A_400 = arith.constant 0 : i32
    %dma_wait3A_401 = arith.constant 0 : i32
    %dma_wait3A_402 = tpu.memref_slice %arg8[%dma_wait3A_399, %dma_wait3A_400, %dma_wait3A_401] : memref<2x2000x16xf32, #tpu.memory_space<vmem>> -> memref<1x2000x16xf32, #tpu.memory_space<vmem>>
    %dma_wait3A_403 = tpu.memref_squeeze %dma_wait3A_402 : memref<1x2000x16xf32, #tpu.memory_space<vmem>> -> memref<2000x16xf32, #tpu.memory_space<vmem>>
    %dma_wait3A_404 = arith.constant 0 : i32
    %dma_wait3A_405 = tpu.memref_slice %arg6[%dma_wait3A_398, %dma_wait3A_404] : memref<10x2000xi32, #tpu.memory_space<vmem>> -> memref<1x2000xi32, #tpu.memory_space<vmem>>
    %dma_wait3A_406 = tpu.memref_squeeze %dma_wait3A_405 : memref<1x2000xi32, #tpu.memory_space<vmem>> -> memref<2000xi32, #tpu.memory_space<vmem>>
    %dma_wait3A_407 = arith.constant 0 : i32
    %dma_wait3A_408 = arith.constant 0 : i32
    %dma_wait3A_409 = tpu.memref_slice %arg2[%dma_wait3A_407, %dma_wait3A_408] : memref<10000x16xf32, #tpu.memory_space<hbm>> -> memref<10000x16xf32, #tpu.memory_space<hbm>>
    tpu.wait_indirect_dma semaphore(%arg11 : memref<!tpu.dma_semaphore, #tpu.memory_space<semaphore_mem>>) src(%dma_wait3A_409 : memref<10000x16xf32, #tpu.memory_space<hbm>>) dst(%dma_wait3A_403 : memref<2000x16xf32, #tpu.memory_space<vmem>>)
    %dma_start3A_410 = arith.constant 1 : i32
    %dma_start3A_411 = arith.constant 7 : i32
    %dma_start3A_412 = arith.constant 0 : i32
    %dma_start3A_413 = arith.constant 0 : i32
    %dma_start3A_414 = tpu.memref_slice %arg8[%dma_start3A_410, %dma_start3A_412, %dma_start3A_413] : memref<2x2000x16xf32, #tpu.memory_space<vmem>> -> memref<1x2000x16xf32, #tpu.memory_space<vmem>>
    %dma_start3A_415 = tpu.memref_squeeze %dma_start3A_414 : memref<1x2000x16xf32, #tpu.memory_space<vmem>> -> memref<2000x16xf32, #tpu.memory_space<vmem>>
    %dma_start3A_416 = arith.constant 0 : i32
    %dma_start3A_417 = tpu.memref_slice %arg7[%dma_start3A_411, %dma_start3A_416] : memref<10x2000xi32, #tpu.memory_space<vmem>> -> memref<1x2000xi32, #tpu.memory_space<vmem>>
    %dma_start3A_418 = tpu.memref_squeeze %dma_start3A_417 : memref<1x2000xi32, #tpu.memory_space<vmem>> -> memref<2000xi32, #tpu.memory_space<vmem>>
    %dma_start3A_419 = arith.constant 0 : i32
    %dma_start3A_420 = arith.constant 0 : i32
    %dma_start3A_421 = tpu.memref_slice %arg10[%dma_start3A_419, %dma_start3A_420] : memref<10240x16xf32, #tpu.memory_space<vmem_shared>> -> memref<10240x16xf32, #tpu.memory_space<vmem_shared>>
    tpu.enqueue_indirect_dma source(%dma_start3A_415 : memref<2000x16xf32, #tpu.memory_space<vmem>>) target(%dma_start3A_421 : memref<10240x16xf32, #tpu.memory_space<vmem_shared>>) offsets(%dma_start3A_418 : memref<2000xi32, #tpu.memory_space<vmem>>) semaphore(%arg12 : memref<!tpu.dma_semaphore, #tpu.memory_space<semaphore_mem>>) {add = true}
    %dma_wait3A_422 = arith.constant 1 : i32
    %dma_wait3A_423 = arith.constant 7 : i32
    %dma_wait3A_424 = arith.constant 0 : i32
    %dma_wait3A_425 = arith.constant 0 : i32
    %dma_wait3A_426 = tpu.memref_slice %arg8[%dma_wait3A_422, %dma_wait3A_424, %dma_wait3A_425] : memref<2x2000x16xf32, #tpu.memory_space<vmem>> -> memref<1x2000x16xf32, #tpu.memory_space<vmem>>
    %dma_wait3A_427 = tpu.memref_squeeze %dma_wait3A_426 : memref<1x2000x16xf32, #tpu.memory_space<vmem>> -> memref<2000x16xf32, #tpu.memory_space<vmem>>
    %dma_wait3A_428 = arith.constant 0 : i32
    %dma_wait3A_429 = tpu.memref_slice %arg7[%dma_wait3A_423, %dma_wait3A_428] : memref<10x2000xi32, #tpu.memory_space<vmem>> -> memref<1x2000xi32, #tpu.memory_space<vmem>>
    %dma_wait3A_430 = tpu.memref_squeeze %dma_wait3A_429 : memref<1x2000xi32, #tpu.memory_space<vmem>> -> memref<2000xi32, #tpu.memory_space<vmem>>
    %dma_wait3A_431 = arith.constant 0 : i32
    %dma_wait3A_432 = arith.constant 0 : i32
    %dma_wait3A_433 = tpu.memref_slice %arg10[%dma_wait3A_431, %dma_wait3A_432] : memref<10240x16xf32, #tpu.memory_space<vmem_shared>> -> memref<10240x16xf32, #tpu.memory_space<vmem_shared>>
    tpu.wait_indirect_dma semaphore(%arg12 : memref<!tpu.dma_semaphore, #tpu.memory_space<semaphore_mem>>) src(%dma_wait3A_427 : memref<2000x16xf32, #tpu.memory_space<vmem>>) dst(%dma_wait3A_433 : memref<10240x16xf32, #tpu.memory_space<vmem_shared>>)
    %dma_start3A_434 = arith.constant 9 : i32
    %dma_start3A_435 = arith.constant 1 : i32
    %dma_start3A_436 = arith.constant 0 : i32
    %dma_start3A_437 = arith.constant 0 : i32
    %dma_start3A_438 = tpu.memref_slice %arg8[%dma_start3A_435, %dma_start3A_436, %dma_start3A_437] : memref<2x2000x16xf32, #tpu.memory_space<vmem>> -> memref<1x2000x16xf32, #tpu.memory_space<vmem>>
    %dma_start3A_439 = tpu.memref_squeeze %dma_start3A_438 : memref<1x2000x16xf32, #tpu.memory_space<vmem>> -> memref<2000x16xf32, #tpu.memory_space<vmem>>
    %dma_start3A_440 = arith.constant 0 : i32
    %dma_start3A_441 = tpu.memref_slice %arg6[%dma_start3A_434, %dma_start3A_440] : memref<10x2000xi32, #tpu.memory_space<vmem>> -> memref<1x2000xi32, #tpu.memory_space<vmem>>
    %dma_start3A_442 = tpu.memref_squeeze %dma_start3A_441 : memref<1x2000xi32, #tpu.memory_space<vmem>> -> memref<2000xi32, #tpu.memory_space<vmem>>
    %dma_start3A_443 = arith.constant 0 : i32
    %dma_start3A_444 = arith.constant 0 : i32
    %dma_start3A_445 = tpu.memref_slice %arg2[%dma_start3A_443, %dma_start3A_444] : memref<10000x16xf32, #tpu.memory_space<hbm>> -> memref<10000x16xf32, #tpu.memory_space<hbm>>
    tpu.enqueue_indirect_dma source(%dma_start3A_445 : memref<10000x16xf32, #tpu.memory_space<hbm>>) target(%dma_start3A_439 : memref<2000x16xf32, #tpu.memory_space<vmem>>) offsets(%dma_start3A_442 : memref<2000xi32, #tpu.memory_space<vmem>>) semaphore(%arg11 : memref<!tpu.dma_semaphore, #tpu.memory_space<semaphore_mem>>)
    %dma_wait3A_446 = arith.constant 8 : i32
    %dma_wait3A_447 = arith.constant 0 : i32
    %dma_wait3A_448 = arith.constant 0 : i32
    %dma_wait3A_449 = arith.constant 0 : i32
    %dma_wait3A_450 = tpu.memref_slice %arg8[%dma_wait3A_447, %dma_wait3A_448, %dma_wait3A_449] : memref<2x2000x16xf32, #tpu.memory_space<vmem>> -> memref<1x2000x16xf32, #tpu.memory_space<vmem>>
    %dma_wait3A_451 = tpu.memref_squeeze %dma_wait3A_450 : memref<1x2000x16xf32, #tpu.memory_space<vmem>> -> memref<2000x16xf32, #tpu.memory_space<vmem>>
    %dma_wait3A_452 = arith.constant 0 : i32
    %dma_wait3A_453 = tpu.memref_slice %arg6[%dma_wait3A_446, %dma_wait3A_452] : memref<10x2000xi32, #tpu.memory_space<vmem>> -> memref<1x2000xi32, #tpu.memory_space<vmem>>
    %dma_wait3A_454 = tpu.memref_squeeze %dma_wait3A_453 : memref<1x2000xi32, #tpu.memory_space<vmem>> -> memref<2000xi32, #tpu.memory_space<vmem>>
    %dma_wait3A_455 = arith.constant 0 : i32
    %dma_wait3A_456 = arith.constant 0 : i32
    %dma_wait3A_457 = tpu.memref_slice %arg2[%dma_wait3A_455, %dma_wait3A_456] : memref<10000x16xf32, #tpu.memory_space<hbm>> -> memref<10000x16xf32, #tpu.memory_space<hbm>>
    tpu.wait_indirect_dma semaphore(%arg11 : memref<!tpu.dma_semaphore, #tpu.memory_space<semaphore_mem>>) src(%dma_wait3A_457 : memref<10000x16xf32, #tpu.memory_space<hbm>>) dst(%dma_wait3A_451 : memref<2000x16xf32, #tpu.memory_space<vmem>>)
    %dma_start3A_458 = arith.constant 0 : i32
    %dma_start3A_459 = arith.constant 8 : i32
    %dma_start3A_460 = arith.constant 0 : i32
    %dma_start3A_461 = arith.constant 0 : i32
    %dma_start3A_462 = tpu.memref_slice %arg8[%dma_start3A_458, %dma_start3A_460, %dma_start3A_461] : memref<2x2000x16xf32, #tpu.memory_space<vmem>> -> memref<1x2000x16xf32, #tpu.memory_space<vmem>>
    %dma_start3A_463 = tpu.memref_squeeze %dma_start3A_462 : memref<1x2000x16xf32, #tpu.memory_space<vmem>> -> memref<2000x16xf32, #tpu.memory_space<vmem>>
    %dma_start3A_464 = arith.constant 0 : i32
    %dma_start3A_465 = tpu.memref_slice %arg7[%dma_start3A_459, %dma_start3A_464] : memref<10x2000xi32, #tpu.memory_space<vmem>> -> memref<1x2000xi32, #tpu.memory_space<vmem>>
    %dma_start3A_466 = tpu.memref_squeeze %dma_start3A_465 : memref<1x2000xi32, #tpu.memory_space<vmem>> -> memref<2000xi32, #tpu.memory_space<vmem>>
    %dma_start3A_467 = arith.constant 0 : i32
    %dma_start3A_468 = arith.constant 0 : i32
    %dma_start3A_469 = tpu.memref_slice %arg10[%dma_start3A_467, %dma_start3A_468] : memref<10240x16xf32, #tpu.memory_space<vmem_shared>> -> memref<10240x16xf32, #tpu.memory_space<vmem_shared>>
    tpu.enqueue_indirect_dma source(%dma_start3A_463 : memref<2000x16xf32, #tpu.memory_space<vmem>>) target(%dma_start3A_469 : memref<10240x16xf32, #tpu.memory_space<vmem_shared>>) offsets(%dma_start3A_466 : memref<2000xi32, #tpu.memory_space<vmem>>) semaphore(%arg12 : memref<!tpu.dma_semaphore, #tpu.memory_space<semaphore_mem>>) {add = true}
    %dma_wait3A_470 = arith.constant 0 : i32
    %dma_wait3A_471 = arith.constant 8 : i32
    %dma_wait3A_472 = arith.constant 0 : i32
    %dma_wait3A_473 = arith.constant 0 : i32
    %dma_wait3A_474 = tpu.memref_slice %arg8[%dma_wait3A_470, %dma_wait3A_472, %dma_wait3A_473] : memref<2x2000x16xf32, #tpu.memory_space<vmem>> -> memref<1x2000x16xf32, #tpu.memory_space<vmem>>
    %dma_wait3A_475 = tpu.memref_squeeze %dma_wait3A_474 : memref<1x2000x16xf32, #tpu.memory_space<vmem>> -> memref<2000x16xf32, #tpu.memory_space<vmem>>
    %dma_wait3A_476 = arith.constant 0 : i32
    %dma_wait3A_477 = tpu.memref_slice %arg7[%dma_wait3A_471, %dma_wait3A_476] : memref<10x2000xi32, #tpu.memory_space<vmem>> -> memref<1x2000xi32, #tpu.memory_space<vmem>>
    %dma_wait3A_478 = tpu.memref_squeeze %dma_wait3A_477 : memref<1x2000xi32, #tpu.memory_space<vmem>> -> memref<2000xi32, #tpu.memory_space<vmem>>
    %dma_wait3A_479 = arith.constant 0 : i32
    %dma_wait3A_480 = arith.constant 0 : i32
    %dma_wait3A_481 = tpu.memref_slice %arg10[%dma_wait3A_479, %dma_wait3A_480] : memref<10240x16xf32, #tpu.memory_space<vmem_shared>> -> memref<10240x16xf32, #tpu.memory_space<vmem_shared>>
    tpu.wait_indirect_dma semaphore(%arg12 : memref<!tpu.dma_semaphore, #tpu.memory_space<semaphore_mem>>) src(%dma_wait3A_475 : memref<2000x16xf32, #tpu.memory_space<vmem>>) dst(%dma_wait3A_481 : memref<10240x16xf32, #tpu.memory_space<vmem_shared>>)
    %dma_wait3A_482 = arith.constant 9 : i32
    %dma_wait3A_483 = arith.constant 1 : i32
    %dma_wait3A_484 = arith.constant 0 : i32
    %dma_wait3A_485 = arith.constant 0 : i32
    %dma_wait3A_486 = tpu.memref_slice %arg8[%dma_wait3A_483, %dma_wait3A_484, %dma_wait3A_485] : memref<2x2000x16xf32, #tpu.memory_space<vmem>> -> memref<1x2000x16xf32, #tpu.memory_space<vmem>>
    %dma_wait3A_487 = tpu.memref_squeeze %dma_wait3A_486 : memref<1x2000x16xf32, #tpu.memory_space<vmem>> -> memref<2000x16xf32, #tpu.memory_space<vmem>>
    %dma_wait3A_488 = arith.constant 0 : i32
    %dma_wait3A_489 = tpu.memref_slice %arg6[%dma_wait3A_482, %dma_wait3A_488] : memref<10x2000xi32, #tpu.memory_space<vmem>> -> memref<1x2000xi32, #tpu.memory_space<vmem>>
    %dma_wait3A_490 = tpu.memref_squeeze %dma_wait3A_489 : memref<1x2000xi32, #tpu.memory_space<vmem>> -> memref<2000xi32, #tpu.memory_space<vmem>>
    %dma_wait3A_491 = arith.constant 0 : i32
    %dma_wait3A_492 = arith.constant 0 : i32
    %dma_wait3A_493 = tpu.memref_slice %arg2[%dma_wait3A_491, %dma_wait3A_492] : memref<10000x16xf32, #tpu.memory_space<hbm>> -> memref<10000x16xf32, #tpu.memory_space<hbm>>
    tpu.wait_indirect_dma semaphore(%arg11 : memref<!tpu.dma_semaphore, #tpu.memory_space<semaphore_mem>>) src(%dma_wait3A_493 : memref<10000x16xf32, #tpu.memory_space<hbm>>) dst(%dma_wait3A_487 : memref<2000x16xf32, #tpu.memory_space<vmem>>)
    %dma_start3A_494 = arith.constant 1 : i32
    %dma_start3A_495 = arith.constant 9 : i32
    %dma_start3A_496 = arith.constant 0 : i32
    %dma_start3A_497 = arith.constant 0 : i32
    %dma_start3A_498 = tpu.memref_slice %arg8[%dma_start3A_494, %dma_start3A_496, %dma_start3A_497] : memref<2x2000x16xf32, #tpu.memory_space<vmem>> -> memref<1x2000x16xf32, #tpu.memory_space<vmem>>
    %dma_start3A_499 = tpu.memref_squeeze %dma_start3A_498 : memref<1x2000x16xf32, #tpu.memory_space<vmem>> -> memref<2000x16xf32, #tpu.memory_space<vmem>>
    %dma_start3A_500 = arith.constant 0 : i32
    %dma_start3A_501 = tpu.memref_slice %arg7[%dma_start3A_495, %dma_start3A_500] : memref<10x2000xi32, #tpu.memory_space<vmem>> -> memref<1x2000xi32, #tpu.memory_space<vmem>>
    %dma_start3A_502 = tpu.memref_squeeze %dma_start3A_501 : memref<1x2000xi32, #tpu.memory_space<vmem>> -> memref<2000xi32, #tpu.memory_space<vmem>>
    %dma_start3A_503 = arith.constant 0 : i32
    %dma_start3A_504 = arith.constant 0 : i32
    %dma_start3A_505 = tpu.memref_slice %arg10[%dma_start3A_503, %dma_start3A_504] : memref<10240x16xf32, #tpu.memory_space<vmem_shared>> -> memref<10240x16xf32, #tpu.memory_space<vmem_shared>>
    tpu.enqueue_indirect_dma source(%dma_start3A_499 : memref<2000x16xf32, #tpu.memory_space<vmem>>) target(%dma_start3A_505 : memref<10240x16xf32, #tpu.memory_space<vmem_shared>>) offsets(%dma_start3A_502 : memref<2000xi32, #tpu.memory_space<vmem>>) semaphore(%arg12 : memref<!tpu.dma_semaphore, #tpu.memory_space<semaphore_mem>>) {add = true}
    %dma_wait3A_506 = arith.constant 1 : i32
    %dma_wait3A_507 = arith.constant 9 : i32
    %dma_wait3A_508 = arith.constant 0 : i32
    %dma_wait3A_509 = arith.constant 0 : i32
    %dma_wait3A_510 = tpu.memref_slice %arg8[%dma_wait3A_506, %dma_wait3A_508, %dma_wait3A_509] : memref<2x2000x16xf32, #tpu.memory_space<vmem>> -> memref<1x2000x16xf32, #tpu.memory_space<vmem>>
    %dma_wait3A_511 = tpu.memref_squeeze %dma_wait3A_510 : memref<1x2000x16xf32, #tpu.memory_space<vmem>> -> memref<2000x16xf32, #tpu.memory_space<vmem>>
    %dma_wait3A_512 = arith.constant 0 : i32
    %dma_wait3A_513 = tpu.memref_slice %arg7[%dma_wait3A_507, %dma_wait3A_512] : memref<10x2000xi32, #tpu.memory_space<vmem>> -> memref<1x2000xi32, #tpu.memory_space<vmem>>
    %dma_wait3A_514 = tpu.memref_squeeze %dma_wait3A_513 : memref<1x2000xi32, #tpu.memory_space<vmem>> -> memref<2000xi32, #tpu.memory_space<vmem>>
    %dma_wait3A_515 = arith.constant 0 : i32
    %dma_wait3A_516 = arith.constant 0 : i32
    %dma_wait3A_517 = tpu.memref_slice %arg10[%dma_wait3A_515, %dma_wait3A_516] : memref<10240x16xf32, #tpu.memory_space<vmem_shared>> -> memref<10240x16xf32, #tpu.memory_space<vmem_shared>>
    tpu.wait_indirect_dma semaphore(%arg12 : memref<!tpu.dma_semaphore, #tpu.memory_space<semaphore_mem>>) src(%dma_wait3A_511 : memref<2000x16xf32, #tpu.memory_space<vmem>>) dst(%dma_wait3A_517 : memref<10240x16xf32, #tpu.memory_space<vmem_shared>>)
    %barrier3A_518 = arith.constant 0 : index
    tpu.barrier barrier_id(%barrier3A_518)
    %mul3A_519 = arith.constant 640 : i32
    %mul3A_520 = arith.muli %arg1, %mul3A_519 : i32
    "tpu.region"() ({
      %run_scoped3A = tpu.sem_alloc : memref<!tpu.dma_semaphore, #tpu.memory_space<semaphore_mem>>
      %dma_start3A_523 = arith.constant 0 : i32
      %dma_start3A_524 = tpu.memref_slice %arg10[%mul3A_520, %dma_start3A_523] : memref<10240x16xf32, #tpu.memory_space<vmem_shared>> -> memref<640x16xf32, #tpu.memory_space<vmem_shared>>
      %dma_start3A_525 = arith.constant 0 : i32
      %dma_start3A_526 = tpu.memref_slice %arg10[%mul3A_520, %dma_start3A_525] : memref<10240x16xf32, #tpu.memory_space<vmem_shared>> -> memref<640x16xf32, #tpu.memory_space<vmem_shared>>
      tpu.enqueue_dma source(%dma_start3A_526 : memref<640x16xf32, #tpu.memory_space<vmem_shared>>) target(%arg9 : memref<640x16xf32, #tpu.memory_space<vmem>>) target_semaphore(%run_scoped3A : memref<!tpu.dma_semaphore, #tpu.memory_space<semaphore_mem>>)
      %dma_wait3A_527 = arith.constant 0 : i32
      %dma_wait3A_528 = tpu.memref_slice %arg10[%mul3A_520, %dma_wait3A_527] : memref<10240x16xf32, #tpu.memory_space<vmem_shared>> -> memref<640x16xf32, #tpu.memory_space<vmem_shared>>
      %dma_wait3A_529 = arith.constant 0 : i32
      %dma_wait3A_530 = tpu.memref_slice %arg10[%mul3A_520, %dma_wait3A_529] : memref<10240x16xf32, #tpu.memory_space<vmem_shared>> -> memref<640x16xf32, #tpu.memory_space<vmem_shared>>
      tpu.wait_dma2 semaphore(%run_scoped3A : memref<!tpu.dma_semaphore, #tpu.memory_space<semaphore_mem>>) src(%dma_wait3A_530 : memref<640x16xf32, #tpu.memory_space<vmem_shared>>) dst(%arg9 : memref<640x16xf32, #tpu.memory_space<vmem>>)
      tpu.yield
    }) : () -> ()
    %mul3A_521 = arith.constant 640 : i32
    %mul3A_522 = arith.muli %arg1, %mul3A_521 : i32
    "tpu.region"() ({
      %run_scoped3A = tpu.sem_alloc : memref<!tpu.dma_semaphore, #tpu.memory_space<semaphore_mem>>
      %dma_start3A_523 = arith.constant 0 : i32
      %dma_start3A_524 = arith.constant 0 : i32
      %dma_start3A_525 = tpu.memref_slice %arg5[%arg0, %dma_start3A_523, %dma_start3A_524] : memref<2x10240x16xf32, #tpu.memory_space<hbm>> -> memref<1x10240x16xf32, #tpu.memory_space<hbm>>
      %dma_start3A_526 = tpu.memref_squeeze %dma_start3A_525 : memref<1x10240x16xf32, #tpu.memory_space<hbm>> -> memref<10240x16xf32, #tpu.memory_space<hbm>>
      %dma_start3A_527 = arith.constant 0 : i32
      %dma_start3A_528 = tpu.memref_slice %dma_start3A_526[%mul3A_522, %dma_start3A_527] : memref<10240x16xf32, #tpu.memory_space<hbm>> -> memref<640x16xf32, #tpu.memory_space<hbm>>
      %dma_start3A_529 = arith.constant 0 : i32
      %dma_start3A_530 = arith.constant 0 : i32
      %dma_start3A_531 = tpu.memref_slice %arg5[%arg0, %dma_start3A_529, %dma_start3A_530] : memref<2x10240x16xf32, #tpu.memory_space<hbm>> -> memref<1x10240x16xf32, #tpu.memory_space<hbm>>
      %dma_start3A_532 = tpu.memref_squeeze %dma_start3A_531 : memref<1x10240x16xf32, #tpu.memory_space<hbm>> -> memref<10240x16xf32, #tpu.memory_space<hbm>>
      %dma_start3A_533 = arith.constant 0 : i32
      %dma_start3A_534 = tpu.memref_slice %dma_start3A_532[%mul3A_522, %dma_start3A_533] : memref<10240x16xf32, #tpu.memory_space<hbm>> -> memref<640x16xf32, #tpu.memory_space<hbm>>
      tpu.enqueue_dma source(%arg9 : memref<640x16xf32, #tpu.memory_space<vmem>>) target(%dma_start3A_534 : memref<640x16xf32, #tpu.memory_space<hbm>>) target_semaphore(%run_scoped3A : memref<!tpu.dma_semaphore, #tpu.memory_space<semaphore_mem>>)
      %dma_wait3A_535 = arith.constant 0 : i32
      %dma_wait3A_536 = arith.constant 0 : i32
      %dma_wait3A_537 = tpu.memref_slice %arg5[%arg0, %dma_wait3A_535, %dma_wait3A_536] : memref<2x10240x16xf32, #tpu.memory_space<hbm>> -> memref<1x10240x16xf32, #tpu.memory_space<hbm>>
      %dma_wait3A_538 = tpu.memref_squeeze %dma_wait3A_537 : memref<1x10240x16xf32, #tpu.memory_space<hbm>> -> memref<10240x16xf32, #tpu.memory_space<hbm>>
      %dma_wait3A_539 = arith.constant 0 : i32
      %dma_wait3A_540 = tpu.memref_slice %dma_wait3A_538[%mul3A_522, %dma_wait3A_539] : memref<10240x16xf32, #tpu.memory_space<hbm>> -> memref<640x16xf32, #tpu.memory_space<hbm>>
      %dma_wait3A_541 = arith.constant 0 : i32
      %dma_wait3A_542 = arith.constant 0 : i32
      %dma_wait3A_543 = tpu.memref_slice %arg5[%arg0, %dma_wait3A_541, %dma_wait3A_542] : memref<2x10240x16xf32, #tpu.memory_space<hbm>> -> memref<1x10240x16xf32, #tpu.memory_space<hbm>>
      %dma_wait3A_544 = tpu.memref_squeeze %dma_wait3A_543 : memref<1x10240x16xf32, #tpu.memory_space<hbm>> -> memref<10240x16xf32, #tpu.memory_space<hbm>>
      %dma_wait3A_545 = arith.constant 0 : i32
      %dma_wait3A_546 = tpu.memref_slice %dma_wait3A_544[%mul3A_522, %dma_wait3A_545] : memref<10240x16xf32, #tpu.memory_space<hbm>> -> memref<640x16xf32, #tpu.memory_space<hbm>>
      tpu.wait_dma2 semaphore(%run_scoped3A : memref<!tpu.dma_semaphore, #tpu.memory_space<semaphore_mem>>) src(%arg9 : memref<640x16xf32, #tpu.memory_space<vmem>>) dst(%dma_wait3A_546 : memref<640x16xf32, #tpu.memory_space<hbm>>)
      tpu.yield
    }) : () -> ()
    return
  }
}

module attributes {stable_mosaic.version = 14 : i64} {
  func.func @_tc_first_body(%arg0: memref<2x10000x1xf32, #tpu.memory_space<vmem>>, %arg1: memref<10000x128xf32, #tpu.memory_space<vmem>>, %arg2: memref<128x16xf32, #tpu.memory_space<vmem>>, %arg3: memref<10000x1xf32, #tpu.memory_space<vmem>>, %arg4: memref<10000x16xf32, #tpu.memory_space<vmem>>) attributes {dimension_semantics = [], scalar_prefetch = 0 : i64, scratch_operands = 0 : i64, tpu.core_type = #tpu.core_type<tc>} {
    %get3A = arith.constant 0 : index
    %get3A_0 = arith.constant 0 : index
    %get3A_1 = arith.constant 0 : index
    %get3A_2 = vector.load %arg0[%get3A, %get3A_0, %get3A_1] : memref<2x10000x1xf32, #tpu.memory_space<vmem>>, vector<1x10000x1xf32>
    %get3A_3 = vector.shape_cast %get3A_2 : vector<1x10000x1xf32> to vector<10000x1xf32>
    %get3A_4 = arith.constant 1 : index
    %get3A_5 = arith.constant 0 : index
    %get3A_6 = arith.constant 0 : index
    %get3A_7 = vector.load %arg0[%get3A_4, %get3A_5, %get3A_6] : memref<2x10000x1xf32, #tpu.memory_space<vmem>>, vector<1x10000x1xf32>
    %get3A_8 = vector.shape_cast %get3A_7 : vector<1x10000x1xf32> to vector<10000x1xf32>
    %add3A = arith.addf %get3A_3, %get3A_8 : vector<10000x1xf32>
    %add3A_9 = arith.constant 1.000000e+00 : f32
    %add3A_10 = vector.broadcast %add3A_9 : f32 to vector<10000x1xf32>
    %add3A_11 = arith.addf %add3A, %add3A_10 : vector<10000x1xf32>
    %rsqrt3A = math.rsqrt %add3A_11 : vector<10000x1xf32>
    %swap3A = arith.constant 0 : index
    %swap3A_12 = arith.constant 0 : index
    %swap3A_13 = vector.load %arg3[%swap3A, %swap3A_12] : memref<10000x1xf32, #tpu.memory_space<vmem>>, vector<10000x1xf32>
    tpu.vector_store %arg3[%swap3A, %swap3A_12], %rsqrt3A {strides = array<i32>} : memref<10000x1xf32, #tpu.memory_space<vmem>>, vector<10000x1xf32>,
    %get3A_14 = arith.constant 0 : index
    %get3A_15 = arith.constant 0 : index
    %get3A_16 = vector.load %arg1[%get3A_14, %get3A_15] : memref<10000x128xf32, #tpu.memory_space<vmem>>, vector<10000x128xf32>
    %get3A_17 = arith.constant 0 : index
    %get3A_18 = arith.constant 0 : index
    %get3A_19 = vector.load %arg2[%get3A_17, %get3A_18] : memref<128x16xf32, #tpu.memory_space<vmem>>, vector<128x16xf32>
    %dot_general3A = arith.constant dense<0.000000e+00> : vector<10000x16xf32>
    %dot_general3A_20 = tpu.matmul %get3A_16, %get3A_19, %dot_general3A {dimension_numbers = #tpu.dot_dimension_numbers<[1], [0], [0], [1], [0, 0, 1, 1], [], []>, transpose_lhs_hint = false} : vector<10000x128xf32>, vector<128x16xf32>, vector<10000x16xf32> -> vector<10000x16xf32>
    %mul3A = vector.broadcast %rsqrt3A : vector<10000x1xf32> to vector<10000x16xf32>
    %mul3A_21 = arith.mulf %dot_general3A_20, %mul3A : vector<10000x16xf32>
    %swap3A_22 = arith.constant 0 : index
    %swap3A_23 = arith.constant 0 : index
    %swap3A_24 = vector.load %arg4[%swap3A_22, %swap3A_23] : memref<10000x16xf32, #tpu.memory_space<vmem>>, vector<10000x16xf32>
    tpu.vector_store %arg4[%swap3A_22, %swap3A_23], %mul3A_21 {strides = array<i32>} : memref<10000x16xf32, #tpu.memory_space<vmem>>, vector<10000x16xf32>,
    return
  }
}

module attributes {stable_mosaic.version = 14 : i64} {
  func.func @_tc_mid_body(%arg0: memref<2x10240x16xf32, #tpu.memory_space<vmem>>, %arg1: memref<10000x16xf32, #tpu.memory_space<vmem>>, %arg2: memref<10000x1xf32, #tpu.memory_space<vmem>>, %arg3: memref<1x16xf32, #tpu.memory_space<vmem>>, %arg4: memref<16x16xf32, #tpu.memory_space<vmem>>, %arg5: memref<10000x16xf32, #tpu.memory_space<vmem>>) attributes {dimension_semantics = [], scalar_prefetch = 0 : i64, scratch_operands = 0 : i64, tpu.core_type = #tpu.core_type<tc>} {
    %get3A = arith.constant 0 : index
    %get3A_0 = arith.constant 0 : index
    %get3A_1 = vector.load %arg2[%get3A, %get3A_0] : memref<10000x1xf32, #tpu.memory_space<vmem>>, vector<10000x1xf32>
    %get3A_2 = arith.constant 0 : index
    %get3A_3 = arith.constant 0 : index
    %get3A_4 = arith.constant 0 : index
    %get3A_5 = vector.load %arg0[%get3A_2, %get3A_3, %get3A_4] : memref<2x10240x16xf32, #tpu.memory_space<vmem>>, vector<1x10000x16xf32>
    %get3A_6 = vector.shape_cast %get3A_5 : vector<1x10000x16xf32> to vector<10000x16xf32>
    %get3A_7 = arith.constant 1 : index
    %get3A_8 = arith.constant 0 : index
    %get3A_9 = arith.constant 0 : index
    %get3A_10 = vector.load %arg0[%get3A_7, %get3A_8, %get3A_9] : memref<2x10240x16xf32, #tpu.memory_space<vmem>>, vector<1x10000x16xf32>
    %get3A_11 = vector.shape_cast %get3A_10 : vector<1x10000x16xf32> to vector<10000x16xf32>
    %add3A = arith.addf %get3A_6, %get3A_11 : vector<10000x16xf32>
    %get3A_12 = arith.constant 0 : index
    %get3A_13 = arith.constant 0 : index
    %get3A_14 = vector.load %arg1[%get3A_12, %get3A_13] : memref<10000x16xf32, #tpu.memory_space<vmem>>, vector<10000x16xf32>
    %add3A_15 = arith.addf %add3A, %get3A_14 : vector<10000x16xf32>
    %mul3A = vector.broadcast %get3A_1 : vector<10000x1xf32> to vector<10000x16xf32>
    %mul3A_16 = arith.mulf %add3A_15, %mul3A : vector<10000x16xf32>
    %get3A_17 = arith.constant 0 : index
    %get3A_18 = arith.constant 0 : index
    %get3A_19 = vector.load %arg3[%get3A_17, %get3A_18] : memref<1x16xf32, #tpu.memory_space<vmem>>, vector<1x16xf32>
    %add3A_20 = vector.broadcast %get3A_19 : vector<1x16xf32> to vector<10000x16xf32>
    %add3A_21 = arith.addf %mul3A_16, %add3A_20 : vector<10000x16xf32>
    %max3A = arith.constant 0.000000e+00 : f32
    %max3A_22 = vector.broadcast %max3A : f32 to vector<10000x16xf32>
    %max3A_23 = arith.maximumf %add3A_21, %max3A_22 : vector<10000x16xf32>
    %get3A_24 = arith.constant 0 : index
    %get3A_25 = arith.constant 0 : index
    %get3A_26 = vector.load %arg4[%get3A_24, %get3A_25] : memref<16x16xf32, #tpu.memory_space<vmem>>, vector<16x16xf32>
    %dot_general3A = arith.constant dense<0.000000e+00> : vector<10000x16xf32>
    %dot_general3A_27 = tpu.matmul %max3A_23, %get3A_26, %dot_general3A {dimension_numbers = #tpu.dot_dimension_numbers<[1], [0], [0], [1], [0, 0, 1, 1], [], []>, transpose_lhs_hint = false} : vector<10000x16xf32>, vector<16x16xf32>, vector<10000x16xf32> -> vector<10000x16xf32>
    %mul3A_28 = vector.broadcast %get3A_1 : vector<10000x1xf32> to vector<10000x16xf32>
    %mul3A_29 = arith.mulf %dot_general3A_27, %mul3A_28 : vector<10000x16xf32>
    %swap3A = arith.constant 0 : index
    %swap3A_30 = arith.constant 0 : index
    %swap3A_31 = vector.load %arg5[%swap3A, %swap3A_30] : memref<10000x16xf32, #tpu.memory_space<vmem>>, vector<10000x16xf32>
    tpu.vector_store %arg5[%swap3A, %swap3A_30], %mul3A_29 {strides = array<i32>} : memref<10000x16xf32, #tpu.memory_space<vmem>>, vector<10000x16xf32>,
    return
  }
}

module attributes {stable_mosaic.version = 14 : i64} {
  func.func @_tc_final_body(%arg0: memref<2x10240x16xf32, #tpu.memory_space<vmem>>, %arg1: memref<10000x16xf32, #tpu.memory_space<vmem>>, %arg2: memref<10000x1xf32, #tpu.memory_space<vmem>>, %arg3: memref<1x16xf32, #tpu.memory_space<vmem>>, %arg4: memref<16x1xf32, #tpu.memory_space<vmem>>, %arg5: memref<1x1xf32, #tpu.memory_space<vmem>>, %arg6: memref<10000x1xf32, #tpu.memory_space<vmem>>) attributes {dimension_semantics = [], scalar_prefetch = 0 : i64, scratch_operands = 0 : i64, tpu.core_type = #tpu.core_type<tc>} {
    %get3A = arith.constant 0 : index
    %get3A_0 = arith.constant 0 : index
    %get3A_1 = arith.constant 0 : index
    %get3A_2 = vector.load %arg0[%get3A, %get3A_0, %get3A_1] : memref<2x10240x16xf32, #tpu.memory_space<vmem>>, vector<1x10000x16xf32>
    %get3A_3 = vector.shape_cast %get3A_2 : vector<1x10000x16xf32> to vector<10000x16xf32>
    %get3A_4 = arith.constant 1 : index
    %get3A_5 = arith.constant 0 : index
    %get3A_6 = arith.constant 0 : index
    %get3A_7 = vector.load %arg0[%get3A_4, %get3A_5, %get3A_6] : memref<2x10240x16xf32, #tpu.memory_space<vmem>>, vector<1x10000x16xf32>
    %get3A_8 = vector.shape_cast %get3A_7 : vector<1x10000x16xf32> to vector<10000x16xf32>
    %add3A = arith.addf %get3A_3, %get3A_8 : vector<10000x16xf32>
    %get3A_9 = arith.constant 0 : index
    %get3A_10 = arith.constant 0 : index
    %get3A_11 = vector.load %arg1[%get3A_9, %get3A_10] : memref<10000x16xf32, #tpu.memory_space<vmem>>, vector<10000x16xf32>
    %add3A_12 = arith.addf %add3A, %get3A_11 : vector<10000x16xf32>
    %get3A_13 = arith.constant 0 : index
    %get3A_14 = arith.constant 0 : index
    %get3A_15 = vector.load %arg2[%get3A_13, %get3A_14] : memref<10000x1xf32, #tpu.memory_space<vmem>>, vector<10000x1xf32>
    %mul3A = vector.broadcast %get3A_15 : vector<10000x1xf32> to vector<10000x16xf32>
    %mul3A_16 = arith.mulf %add3A_12, %mul3A : vector<10000x16xf32>
    %get3A_17 = arith.constant 0 : index
    %get3A_18 = arith.constant 0 : index
    %get3A_19 = vector.load %arg3[%get3A_17, %get3A_18] : memref<1x16xf32, #tpu.memory_space<vmem>>, vector<1x16xf32>
    %add3A_20 = vector.broadcast %get3A_19 : vector<1x16xf32> to vector<10000x16xf32>
    %add3A_21 = arith.addf %mul3A_16, %add3A_20 : vector<10000x16xf32>
    %get3A_22 = arith.constant 0 : index
    %get3A_23 = arith.constant 0 : index
    %get3A_24 = vector.load %arg4[%get3A_22, %get3A_23] : memref<16x1xf32, #tpu.memory_space<vmem>>, vector<16x1xf32>
    %dot_general3A = arith.constant dense<0.000000e+00> : vector<10000x1xf32>
    %dot_general3A_25 = tpu.matmul %add3A_21, %get3A_24, %dot_general3A {dimension_numbers = #tpu.dot_dimension_numbers<[1], [0], [0], [1], [0, 0, 1, 1], [], []>, transpose_lhs_hint = false} : vector<10000x16xf32>, vector<16x1xf32>, vector<10000x1xf32> -> vector<10000x1xf32>
    %get3A_26 = arith.constant 0 : index
    %get3A_27 = arith.constant 0 : index
    %get3A_28 = vector.load %arg5[%get3A_26, %get3A_27] : memref<1x1xf32, #tpu.memory_space<vmem>>, vector<1x1xf32>
    %add3A_29 = vector.broadcast %get3A_28 : vector<1x1xf32> to vector<10000x1xf32>
    %add3A_30 = arith.addf %dot_general3A_25, %add3A_29 : vector<10000x1xf32>
    %logistic3A = arith.negf %add3A_30 : vector<10000x1xf32>
    %logistic3A_31 = math.exp %logistic3A : vector<10000x1xf32>
    %logistic3A_32 = arith.constant 1.000000e+00 : f32
    %logistic3A_33 = vector.broadcast %logistic3A_32 : f32 to vector<10000x1xf32>
    %logistic3A_34 = arith.addf %logistic3A_33, %logistic3A_31 : vector<10000x1xf32>
    %logistic3A_35 = arith.divf %logistic3A_33, %logistic3A_34 : vector<10000x1xf32>
    %swap3A = arith.constant 0 : index
    %swap3A_36 = arith.constant 0 : index
    %swap3A_37 = vector.load %arg6[%swap3A, %swap3A_36] : memref<10000x1xf32, #tpu.memory_space<vmem>>, vector<10000x1xf32>
    tpu.vector_store %arg6[%swap3A, %swap3A_36], %logistic3A_35 {strides = array<i32>} : memref<10000x1xf32, #tpu.memory_space<vmem>>, vector<10000x1xf32>,
    return
  }
}

</mosaic_0001>

<sc_bundles>
// kernel: kernel.12.cloned.1.call-start
scs
__scs_entry_jumppad:
0x0: {  	(pc) =	sbr.rel $0x88, $3  }
0x1: {  	(tag) =	ssettag $0x0;
	lr =	simm.s32 $0x1  }
0x2: {  	[smem:$0x3F95] =	sst lr;
	_ =	strace $0xD0000000  }
0x3: {  	_ = 	snop  }
0x4: {  	_ = 	snop  }
0x5: {  	_ = 	snop  }
0x6: {  	_ = 	snop  }
0x7: {  	_ = 	snop  }
__scs_overlays_trampoline_lowered:
0x8: {  	[smem:$0x3FA4] =	sst s0  }
0x9: {  	[smem:$0x3FA5] =	sst s1  }
0xa: {  	[smem:$0x3FA6] =	sst s2  }
0xb: {  	[smem:$0x3FA7] =	sst s3  }
0xc: {  	[smem:$0x3FA8] =	sst s4  }
0xd: {  	[smem:$0x3FA9] =	sst s5  }
0xe: {  	[smem:$0x3FAA] =	sst s6  }
0xf: {  	[smem:$0x3FAB] =	sst s7  }
0x10: {  	[smem:$0x3FAC] =	sst s8  }
0x11: {  	[smem:$0x3FAD] =	sst s9;
	s0 =	simm.s32 @!p0 $0x0  }
0x12: {  	s1 =	sld [smem:$0x3F93];
	s0 =	simm.s32 @p0 $0x1  }
0x13: {  	[smem:$0x3FAE] =	sst s0;
	s0 =	simm.s32 @!p1 $0x0  }
0x14: {  	s2 =	sld [smem:$0x3F92];
	s0 =	simm.s32 @p1 $0x1  }
0x15: {  	[smem:$0x3FAF] =	sst s0;
	s0 =	simm.s32 @!p2 $0x0  }
0x16: {  	s3 =	sld [smem:$0x3FDB];
	s0 =	simm.s32 @p2 $0x1  }
0x17: {  	s4 =	simm.s32 $0x1BF5;
	[smem:$0x3FB1] =	sst s0  }
0x18: {  	s0 =	sld [smem:$0x3F94];
	_ =	swait.ge [sflag:s4], $0x0  }
0x19: {  	s7 =	sld [smem:$0x3F95]  }
0x1a: {  	s8 =	sadd.s32 $0xFFFFE003, lr  }
0x1b: {  	s9 =	sadd.s32 $0xFFFFFEF7, lr;
	s5 =	simm.s32 $0xFFFFFFFF;
	p2 =	slt.u32 s8, $0xFFFFF086  }
0x1c: {  	p1 =	slt.u32 s9, $0xF7A;
	s5 =	simm.s32 @!p2 $0x0  }
0x1d: {  	s5 =	simm.s32 @p1 $0x1;
	p0 =	seq.s32 s7, s2  }
0x1e: {  	s7 =	smul.u32 @!p0 $0xF7A, s2;
	p2 =	seq.s32 @!p0 s5, $0x0  }
0x1f: {  	s9 =	smul.u32 $0xF7A, s1;
	s8 =	simm.s32 @!p0 $0x1BF5;
	p2 =	por !p2, p0  }
0x20: {  	[sflag:s8] =	ssyncset.s32 @!p0 $0xFFFFF086;
	s6 =	sadd.s32 @!p0 s3, s7;
	s7 =	simm.s32 @!p0 $0x108  }
0x21: {  	s3 =	sadd.s32 s3, s9;
	s6 =	sadd.s32 @!p0 $0x88, s6;
	s7 =	simm.s32 @p2 $0x1082  }
0x22: {  	[simem:s7], [sflag:s8] =	dma.local @!p0 [hbm:s6], $0xF7A  }
0x23: {  	s9 =	sor.u32 $0xD0000000, s2;
	s6 =	simm.s32 $0x108;
	_ =	swait.ge @!p0 [sflag:s8], $0x0  }
0x24: {  	s3 =	sadd.s32 $0x88, s3;
	s6 =	simm.s32 @!p1 $0x1082;
	[sflag:s4] =	ssyncset.s32 $0xFFFFF086  }
0x25: {  	[simem:s6], [sflag:s4] =	dma.local [hbm:s3], $0xF7A  }
0x26: {  	[smem:$0x3F95] =	sst s1;
	(tag) =	ssettag s2;
	_ =	strace s9  }
0x27: {  	s1 =	sld [smem:$0x3FA5]  }
0x28: {  	s2 =	sld [smem:$0x3FA6]  }
0x29: {  	s4 =	sld [smem:$0x3FA8]  }
0x2a: {  	p0 =	seq.s32 s5, $0x0;
	s5 =	sld [smem:$0x3FA9]  }
0x2b: {  	s6 =	sld [smem:$0x3FAA]  }
0x2c: {  	s7 =	sld [smem:$0x3FAB]  }
0x2d: {  	s3 =	simm.s32 $0x108;
	s8 =	sld [smem:$0x3FAC]  }
0x2e: {  	s3 =	simm.s32 @!p0 $0x1082;
	s9 =	sld [smem:$0x3FAD]  }
0x2f: {  	lr =	sadd.s32 s0, s3;
	s0 =	sld [smem:$0x3FA4]  }
0x30: {  	s3 =	sld [smem:$0x3FA7]  }
0x31: {  	[smem:$0x3FB0] =	sst s10  }
0x32: {  	s10 =	sld [smem:$0x3FAE];
	_ =	sdelay $0x3  }
0x33: {  	p0 =	seq.s32 s10, $0x1;
	s10 =	sld [smem:$0x3FB0];
	_ =	sdelay $0x3  }
0x34: {  	[smem:$0x3FB0] =	sst s10  }
0x35: {  	s10 =	sld [smem:$0x3FAF];
	_ =	sdelay $0x3  }
0x36: {  	p1 =	seq.s32 s10, $0x1;
	s10 =	sld [smem:$0x3FB0];
	_ =	sdelay $0x3  }
0x37: {  	[smem:$0x3FB0] =	sst s10  }
0x38: {  	s10 =	sld [smem:$0x3FB1]  }
0x39: {  	_ = 	snop;
	(pc) =	sbr.ind lr, $3  }
0x3a: {  	_ = 	snop  }
0x3b: {  	_ = 	snop  }
0x3c: {  	p2 =	seq.s32 s10, $0x1;
	s10 =	sld [smem:$0x3FB0]  }
0x3d: {  	_ =	shalt  }
0x3e: {  	_ =	shalt  }
0x3f: {  	_ =	shalt  }
0x40: {  	_ =	shalt  }
0x41: {  	_ =	shalt  }
0x42: {  	_ =	shalt  }
0x43: {  	_ =	shalt  }
0x44: {  	_ =	shalt  }
0x45: {  	_ =	shalt  }
0x46: {  	_ =	shalt  }
0x47: {  	_ =	shalt  }
0x48: {  	_ =	shalt  }
0x49: {  	_ =	shalt  }
0x4a: {  	_ =	shalt  }
0x4b: {  	_ =	shalt  }
0x4c: {  	_ =	shalt  }
0x4d: {  	_ =	shalt  }
0x4e: {  	_ =	shalt  }
0x4f: {  	_ =	shalt  }
0x50: {  	_ =	shalt  }
0x51: {  	_ =	shalt  }
0x52: {  	_ =	shalt  }
0x53: {  	_ =	shalt  }
0x54: {  	_ =	shalt  }
0x55: {  	_ =	shalt  }
0x56: {  	_ =	shalt  }
0x57: {  	_ =	shalt  }
0x58: {  	_ =	shalt  }
0x59: {  	_ =	shalt  }
0x5a: {  	_ =	shalt  }
0x5b: {  	_ =	shalt  }
0x5c: {  	_ =	shalt  }
0x5d: {  	_ =	shalt  }
0x5e: {  	_ =	shalt  }
0x5f: {  	_ =	shalt  }
0x60: {  	_ =	shalt  }
0x61: {  	_ =	shalt  }
0x62: {  	_ =	shalt  }
0x63: {  	_ =	shalt  }
0x64: {  	_ =	shalt  }
0x65: {  	_ =	shalt  }
0x66: {  	_ =	shalt  }
0x67: {  	_ =	shalt  }
0x68: {  	_ =	shalt  }
0x69: {  	_ =	shalt  }
0x6a: {  	_ =	shalt  }
0x6b: {  	_ =	shalt  }
0x6c: {  	_ =	shalt  }
0x6d: {  	_ =	shalt  }
0x6e: {  	_ =	shalt  }
0x6f: {  	_ =	shalt  }
0x70: {  	_ =	shalt  }
0x71: {  	_ =	shalt  }
0x72: {  	_ =	shalt  }
0x73: {  	_ =	shalt  }
0x74: {  	_ =	shalt  }
0x75: {  	_ =	shalt  }
0x76: {  	_ =	shalt  }
0x77: {  	_ =	shalt  }
0x78: {  	_ =	shalt  }
0x79: {  	_ =	shalt  }
0x7a: {  	_ =	shalt  }
0x7b: {  	_ =	shalt  }
0x7c: {  	_ =	shalt  }
0x7d: {  	_ =	shalt  }
0x7e: {  	_ =	shalt  }
0x7f: {  	_ =	shalt  }
0x80: {  	_ =	shalt  }
0x81: {  	_ =	shalt  }
0x82: {  	_ =	shalt  }
0x83: {  	_ =	shalt  }
0x84: {  	_ =	shalt  }
0x85: {  	_ =	shalt  }
0x86: {  	_ =	shalt  }
0x87: {  	_ =	shalt  }
.Lfunc_end0:
.L_simem_size_0:
called_computation_lowered:
.L_overlay_start_0:
0x88: {  	s2 =	sld [smem:$0x3FD9]  }
0x89: {  	s3 =	sld [smem:$0x3FFE];
	_ =	sdelay $0x1  }
0x8a: {  	s1 =	srdreg.scid  }
0x8b: {  	s0 =	sand.u32 $0x1, s1  }
0x8c: {  	s16 =	sshll.u32 s0, $0xA;
	s2 =	sadd.s32 s3, s2  }
0x8d: {  	s2 =	sadd.s32 s2, s16  }
0x8e: {  	[smem:$0x3FBC] =	sst s2  }
0x8f: {  	_ = 	snop  }
0x90: {  	(tm) =	ssettm $0x1  }
0x91: {  	s17 =	sld [smem:$0x3FFB];
	_ =	sdelay $0x3  }
0x92: {  	_ =	strace s17  }
0x93: {  	s2 =	sld [smem:$0x3FFC];
	_ =	sdelay $0x3  }
0x94: {  	_ =	strace s2  }
0x95: {  	s2 =	sld [smem:$0x3FFD];
	_ =	sdelay $0x3  }
0x96: {  	_ =	strace s2  }
0x97: {  	_ =	strace $0x8FFFFFFF  }
0x98: {  	s18 =	sld [smem:$0x3FDB];
	_ =	sdelay $0x1  }
0x99: {  	s19 =	simm.s32 $_scs_section_size  }
0x9a: {  	s4 =	simm.s32 $_size__tile_overlayer_lowered;
	s5 =	simm.s32 $_tile_overlayer_lowered  }
0x9b: {  	s22 =	simm.s32 $0x1BFF;
	s21 =	sshll.u32 s5, $0x1;
	s2 =	sadd.s32 s19, s18  }
0x9c: {  	s6 =	simm.s32 $0x0;
	s20 =	sshll.u32 s4, $0x1;
	s4 =	sadd.s32 s21, s2  }
0x9d: {  	[timem:s6], [sflag:s22] =	dma.local [hbm:s4], s20  }
0x9e: {  	_ =	swait.ge [sflag:s22], s20  }
0x9f: {  	s3 =	ssub.s32 $0x0, s20;
	[sflag:s22] =	ssyncset.done $0x0  }
0xa0: {  	[sflag:s22] =	ssyncadd.s32 s3;
	_ =	sdelay $0x1  }
0xa1: {  	s23 =	simm.s32 $0x1B8B  }
0xa2: {  	_ =	swait.ge [sflag:s23], $0x1  }
0xa3: {  	[sflag:s23] =	ssyncset.done $0x0  }
0xa4: {  	s25 =	simm.s32 $0x1B8E;
	s24 =	sld [smem:$0x3FFE];
	[sflag:s23] =	ssyncadd.s32 $0xFFFFFFFF  }
0xa5: {  	s26 =	simm.s32 $execute0_lowered;
	[smem:$0x3FD2] =	sst s25  }
0xa6: {  	s4 =	sshll.u32 s26, $0x1;
	_ =	strace $0x80000046;
	[dreg:$0x1] =	wrdreg $0xFFFFFFFF  }
0xa7: {  	s28 =	simm.s32 $_size_execute0_lowered;
	s2 =	sadd.s32 s2, s4;
	[dreg:$0x0] =	wrdreg $0x0  }
0xa8: {  	s4 =	sshll.u32 s28, $0x1;
	[dreg:$0x2] =	wrdreg s2  }
0xa9: {  	[dreg:$0x3] =	wrdreg s4  }
0xaa: {  	[dreg:$0x4] =	wrdreg $0xC0  }
0xab: {  	_ =	task [dreg:s6], $0x5FFFF  }
0xac: {  	[dreg:$0x1] =	wrdreg $0xFFFFFFFF  }
0xad: {  	[dreg:$0x0] =	wrdreg $0x60  }
0xae: {  	[dreg:$0x2] =	wrdreg s24  }
0xaf: {  	[dreg:$0x3] =	wrdreg $0x58700  }
0xb0: {  	[dreg:$0x4] =	wrdreg $0x9  }
0xb1: {  	_ =	task.clear_ibuf [dreg:s6], $0x5FFFF;
	_ =	strace $0x90000046  }
0xb2: {  	s29 =	simm.s32 $0x9;
	_ =	strace $0x80000048  }
0xb3: {  	_ =	swait.ge [sflag:s29], $0x1  }
0xb4: {  	[sflag:s29] =	ssyncadd.s32 $0xFFFFFFFF  }
0xb5: {  	_ =	strace $0x90000048  }
0xb6: {  	_ =	sfence  }
0xb7: {  	s30 =	sld [smem:$0x0];
	_ =	sdelay $0x2  }
0xb8: {  	s31 =	sshll.u32 s1, $0xD;
	s1 =	sshrl.u32 s1, $0x2  }
0xb9: {  	s3 =	sand.u32 $0x4000, s31;
	s1 =	sadd.s32 s1, s30  }
0xba: {  	s0 =	sor.u32 s3, s0;
	s1 =	sshll.u32 s1, $0x11  }
0xbb: {  	s0 =	sor.u32 s1, s0  }
0xbc: {  	s0 =	sadd.s32 $0x8F2B, s0  }
0xbd: {  	[sflag:s0] =	ssyncadd.remote.s32 $0x1  }
0xbe: {  	_ =	sfence.sel $0xFFFF  }
0xbf: {  	[dreg:$0x0] =	wrdreg $0xFFFFFFFF;
	(pc) =	sbr.abs _section_cstart, $3  }
0xc0: {  	[dreg:$0x1] =	wrdreg $0xFFFFFFFF  }
0xc1: {  	_ =	task.clear_ibuf [dreg:s6], $0x2FFFF;
	_ =	strace $0x9FFFFFFF  }
0xc2: {  	(tm) =	ssettm $0x7FFFFFFF  }
0xc3: {  	_ =	shalt  }
tec
execute0_lowered:
.L_overlay_start_1:
0x0: {  	(tag) =	ssettag $0x1  }
0x1: {  	s0 =	srdreg.scid;
	s5 =	rddreg [dreg:$0x0]  }
0x2: {  	s2 =	rddreg [dreg:$0x1];
	s3 =	simm.s32 $0x0;
	s10 =	simm.s32 $0x4E20  }
0x3: {  	s11 =	simm.s32 $0xFA0;
	s12 =	simm.s32 $0x1770;
	s13 =	simm.s32 $0x1F40  }
0x4: {  	s14 =	simm.s32 $0x2710;
	s15 =	simm.s32 $0x2EE0;
	s16 =	simm.s32 $0x36B0  }
0x5: {  	s17 =	simm.s32 $0x3E80;
	s18 =	simm.s32 $0x4650;
	s4 =	sand.u32 $0x1, s0  }
0x6: {  	s0 =	stileid.u32;
	s1 =	sshll.u32 s4, $0x4;
	s7 =	smul.u32 $0x500, s4  }
0x7: {  	s4 =	ssub.s32 $0x2, s4;
	s8 =	smul.u32 $0x280, s0;
	s1 =	sor.u32 s0, s1  }
0x8: {  	[smem:$0x7FF] =	sst s3;
	s9 =	sshrl.u32 s4, $0x1;
	s6 =	smul.u32 $0x9C4, s1  }
0x9: {  	s1 =	rddreg [dreg:$0x2];
	_ =	strace $0x80000047;
	s7 =	sadd.s32 s7, s5  }
0xa: {  	s9 =	ssub.s32 s4, s9;
	s4 =	sadd.s32 s8, s2;
	s20 =	sshrl.u32 s8, $0x3  }
0xb: {  	s8 =	simm.s32 $0x1;
	s19 =	sadd.s32 $0x2A200, s7;
	s7 =	simm.s32 $0x55F0  }
0xc: {  	s6 =	sadd.s32 s6, s5;
	s19 =	sadd.s32 s20, s19;
	s20 =	simm.s32 $0x0  }
0xd: {  	v0 =	vimm.f32 $0.0e+00;
	v1 =	vimm.f32 $1.000000000e+00;
	s5 =	sadd.s32 $0x16800, s6;
	s6 =	smax.u32 s9, $0x1;
	s9 =	simm.s32 $0x7D0  }
.LBB2_1:
0xe: {  	[tilespmem:$0x55F0] =	vst v0  }
0xf: {  	[tilespmem:$0x5600] =	vst v0  }
0x10: {  	[tilespmem:$0x5610] =	vst v0  }
0x11: {  	[tilespmem:$0x5620] =	vst v0  }
0x12: {  	[tilespmem:$0x5630] =	vst v0  }
0x13: {  	[tilespmem:$0x5640] =	vst v0  }
0x14: {  	[tilespmem:$0x5650] =	vst v0  }
0x15: {  	[tilespmem:$0x5660] =	vst v0  }
0x16: {  	[tilespmem:$0x5670] =	vst v0  }
0x17: {  	[tilespmem:$0x5680] =	vst v0  }
0x18: {  	[tilespmem:$0x5690] =	vst v0  }
0x19: {  	[tilespmem:$0x56A0] =	vst v0  }
0x1a: {  	[tilespmem:$0x56B0] =	vst v0  }
0x1b: {  	[tilespmem:$0x56C0] =	vst v0  }
0x1c: {  	[tilespmem:$0x56D0] =	vst v0  }
0x1d: {  	[tilespmem:$0x56E0] =	vst v0  }
0x1e: {  	[tilespmem:$0x56F0] =	vst v0  }
0x1f: {  	[tilespmem:$0x5700] =	vst v0  }
0x20: {  	[tilespmem:$0x5710] =	vst v0  }
0x21: {  	[tilespmem:$0x5720] =	vst v0  }
0x22: {  	[tilespmem:$0x5730] =	vst v0  }
0x23: {  	[tilespmem:$0x5740] =	vst v0  }
0x24: {  	[tilespmem:$0x5750] =	vst v0  }
0x25: {  	[tilespmem:$0x5760] =	vst v0  }
0x26: {  	[tilespmem:$0x5770] =	vst v0  }
0x27: {  	[tilespmem:$0x5780] =	vst v0  }
0x28: {  	[tilespmem:$0x5790] =	vst v0  }
0x29: {  	[tilespmem:$0x57A0] =	vst v0  }
0x2a: {  	[tilespmem:$0x57B0] =	vst v0  }
0x2b: {  	[tilespmem:$0x57C0] =	vst v0  }
0x2c: {  	[tilespmem:$0x57D0] =	vst v0  }
0x2d: {  	[tilespmem:$0x57E0] =	vst v0  }
0x2e: {  	[tilespmem:$0x57F0] =	vst v0  }
0x2f: {  	[tilespmem:$0x5800] =	vst v0  }
0x30: {  	[tilespmem:$0x5810] =	vst v0  }
0x31: {  	[tilespmem:$0x5820] =	vst v0  }
0x32: {  	[tilespmem:$0x5830] =	vst v0  }
0x33: {  	[tilespmem:$0x5840] =	vst v0  }
0x34: {  	[tilespmem:$0x5850] =	vst v0  }
0x35: {  	[tilespmem:$0x5860] =	vst v0;
	s21 =	simm.s32 $0x40;
	s22 =	simm.s32 $0x0  }
.LBB2_2:
0x36: {  	p0 =	sne.s32 s21, $0x1F00;
	[tilespmem:s22+$0x4E20] =	vst v1;
	s22 =	smov.u32 s21;
	s21 =	sadd.s32 $0x40, s21  }
.Ltmp0:
0x37: {  	(pc) =	sbr.rel @p0 .LBB2_2-.Ltmp0, $2  }
0x38: {  	_ =	sdelay $0x2  }
0x39: {  	s22 =	sshra.s32 s22, $0x2  }
0x3a: {  	[tilespmem:s22+$0x4E20] =	vst v1  }
0x3b: {  	[spmem:s4] =	stream.linear.scatter [tilespmem:s7], [sflag:$0x1], $0x280, $0x38;
	[tilespmem:$0x5AF0] =	vst v63  }
0x3c: {  	_ =	swait.ge [sflag:s8], $0x280  }
0x3d: {  	[sflag:s8] =	ssyncset.done $0x0  }
0x3e: {  	[sflag:s8] =	ssyncadd.s32 $0xFFFFFD80  }
0x3f: {  	[tilespmem:s3], [sflag:$0x1] =	stream.linear.gather [hbm4b:s5+s3], $0x4E20, $0x38;
	[tilespmem:$0x5AF0] =	vst v63  }
0x40: {  	_ =	swait.ge [sflag:s8], $0x4E20  }
0x41: {  	[sflag:s8] =	ssyncset.done $0x0  }
0x42: {  	[sflag:s8] =	ssyncadd.s32 $0xFFFFB1E0  }
0x43: {  	[bflag:$0x0] =	sbarrier.arrive $0xFFFF  }
0x44: {  	[spmem:s2] =	stream.indirect.scatter.add.f32 [tilespmem:s10], [sflag:$0x1], $0x1, s3, s9, $0xb8;
	[tilespmem:$0x5AF0] =	vst v63  }
0x45: {  	_ =	swait.ge [sflag:s8], $0x7D0  }
0x46: {  	[sflag:s8] =	ssyncset.done $0x0  }
0x47: {  	[sflag:s8] =	ssyncadd.s32 $0xFFFFF830  }
0x48: {  	[spmem:s2] =	stream.indirect.scatter.add.f32 [tilespmem:s10], [sflag:$0x1], $0x1, s9, s9, $0xb8;
	[tilespmem:$0x5AF0] =	vst v63  }
0x49: {  	_ =	swait.ge [sflag:s8], $0x7D0  }
0x4a: {  	[sflag:s8] =	ssyncset.done $0x0  }
0x4b: {  	[sflag:s8] =	ssyncadd.s32 $0xFFFFF830  }
0x4c: {  	[spmem:s2] =	stream.indirect.scatter.add.f32 [tilespmem:s10], [sflag:$0x1], $0x1, s11, s9, $0xb8;
	[tilespmem:$0x5AF0] =	vst v63  }
0x4d: {  	_ =	swait.ge [sflag:s8], $0x7D0  }
0x4e: {  	[sflag:s8] =	ssyncset.done $0x0  }
0x4f: {  	[sflag:s8] =	ssyncadd.s32 $0xFFFFF830  }
0x50: {  	[spmem:s2] =	stream.indirect.scatter.add.f32 [tilespmem:s10], [sflag:$0x1], $0x1, s12, s9, $0xb8;
	[tilespmem:$0x5AF0] =	vst v63  }
0x51: {  	_ =	swait.ge [sflag:s8], $0x7D0  }
0x52: {  	[sflag:s8] =	ssyncset.done $0x0  }
0x53: {  	[sflag:s8] =	ssyncadd.s32 $0xFFFFF830  }
0x54: {  	[spmem:s2] =	stream.indirect.scatter.add.f32 [tilespmem:s10], [sflag:$0x1], $0x1, s13, s9, $0xb8;
	[tilespmem:$0x5AF0] =	vst v63  }
0x55: {  	_ =	swait.ge [sflag:s8], $0x7D0  }
0x56: {  	[sflag:s8] =	ssyncset.done $0x0  }
0x57: {  	[sflag:s8] =	ssyncadd.s32 $0xFFFFF830  }
0x58: {  	[spmem:s2] =	stream.indirect.scatter.add.f32 [tilespmem:s10], [sflag:$0x1], $0x1, s14, s9, $0xb8;
	[tilespmem:$0x5AF0] =	vst v63  }
0x59: {  	_ =	swait.ge [sflag:s8], $0x7D0  }
0x5a: {  	[sflag:s8] =	ssyncset.done $0x0  }
0x5b: {  	[sflag:s8] =	ssyncadd.s32 $0xFFFFF830  }
0x5c: {  	[spmem:s2] =	stream.indirect.scatter.add.f32 [tilespmem:s10], [sflag:$0x1], $0x1, s15, s9, $0xb8;
	[tilespmem:$0x5AF0] =	vst v63  }
0x5d: {  	_ =	swait.ge [sflag:s8], $0x7D0  }
0x5e: {  	[sflag:s8] =	ssyncset.done $0x0  }
0x5f: {  	[sflag:s8] =	ssyncadd.s32 $0xFFFFF830  }
0x60: {  	[spmem:s2] =	stream.indirect.scatter.add.f32 [tilespmem:s10], [sflag:$0x1], $0x1, s16, s9, $0xb8;
	[tilespmem:$0x5AF0] =	vst v63  }
0x61: {  	_ =	swait.ge [sflag:s8], $0x7D0  }
0x62: {  	[sflag:s8] =	ssyncset.done $0x0  }
0x63: {  	[sflag:s8] =	ssyncadd.s32 $0xFFFFF830  }
0x64: {  	[spmem:s2] =	stream.indirect.scatter.add.f32 [tilespmem:s10], [sflag:$0x1], $0x1, s17, s9, $0xb8;
	[tilespmem:$0x5AF0] =	vst v63  }
0x65: {  	_ =	swait.ge [sflag:s8], $0x7D0  }
0x66: {  	[sflag:s8] =	ssyncset.done $0x0  }
0x67: {  	[sflag:s8] =	ssyncadd.s32 $0xFFFFF830  }
0x68: {  	[spmem:s2] =	stream.indirect.scatter.add.f32 [tilespmem:s10], [sflag:$0x1], $0x1, s18, s9, $0xb8;
	[tilespmem:$0x5AF0] =	vst v63  }
0x69: {  	_ =	swait.ge [sflag:s8], $0x7D0  }
0x6a: {  	[sflag:s8] =	ssyncset.done $0x0  }
0x6b: {  	[sflag:s8] =	ssyncadd.s32 $0xFFFFF830  }
0x6c: {  	[bflag:$0x0] =	sbarrier.arrive $0xFFFF  }
0x6d: {  	[tilespmem:s7], [sflag:$0x1] =	stream.linear.gather [spmem:s4], $0x280, $0x38;
	[tilespmem:$0x5AF0] =	vst v63  }
0x6e: {  	s20 =	sadd.s32 $0x1, s20;
	_ =	swait.ge [sflag:s8], $0x280  }
0x6f: {  	p0 =	sne.s32 s20, s6;
	[sflag:s8] =	ssyncset.done $0x0  }
.Ltmp1:
0x70: {  	[sflag:s8] =	ssyncadd.s32 $0xFFFFFD80;
	(pc) =	sbr.rel @p0 .LBB2_1-.Ltmp1, $4  }
0x71: {  	[hbm4b:s19+s3] =	stream.linear.scatter [tilespmem:s7], [sflag:$0x1], $0x280, $0x38;
	[tilespmem:$0x5AF0] =	vst v63  }
0x72: {  	_ =	swait.ge [sflag:s8], $0x280  }
0x73: {  	[sflag:s8] =	ssyncset.done $0x0  }
0x74: {  	[sflag:s8] =	ssyncadd.s32 $0xFFFFFD80  }
0x75: {  	_ =	sfence.sel $0x180000  }
0x76: {  	[bflag:$0x0] =	sbarrier.arrive $0xFFFF  }
0x77: {  	p0 =	sne.s32 s0, $0x0;
	_ =	strace $0x90000047  }
0x78: {  	s0 =	sadd.s32 @!p0 $0x100000, s1;
	[bflag:$0x2] =	sbarrier.arrive $0xFFFF  }
0x79: {  	[sflag:s0] =	ssyncadd.tile.s32 @!p0 $0x1;
	_ =	shalt  }
.Lfunc_end2:
_tile_overlayer_lowered:
.L_overlay_start_2:
0x7a: {  	(tag) =	ssettag $0x2  }
0x7b: {  	s0 =	rddreg [dreg:$0x0];
	s2 =	stileid.u32  }
0x7c: {  	s1 =	rddreg [dreg:$0x1];
	p0 =	sne.s32 s2, $0x0  }
0x7d: {  	s3 =	rddreg [dreg:$0x2];
	[bflag:$0x3] =	sbarrier.arrive $0xFFFF;
	s2 =	simm.s32 @!p0 $0x1C01  }
0x7e: {  	[timem:s3], [sflag:s2] =	dma.local @!p0 [hbm:s0], s1  }
0x7f: {  	s0 =	simm.s32 @!p0 $0x1  }
0x80: {  	_ =	swait.ge @!p0 [sflag:s0], s1  }
0x81: {  	s1 =	ssub.s32 @!p0 $0x0, s1;
	[sflag:s0] =	ssyncset.done @!p0 $0x0  }
0x82: {  	[sflag:s0] =	ssyncadd.s32 @!p0 s1  }
0x83: {  	[bflag:$0x3] =	sbarrier.arrive $0xFFFF  }
0x84: {  	_ =	shalt  }

// kernel: kernel.15.cloned.1.call-start
scs
__scs_entry_jumppad:
0x0: {  	(pc) =	sbr.rel $0x88, $3  }
0x1: {  	(tag) =	ssettag $0x0;
	lr =	simm.s32 $0x1  }
0x2: {  	[smem:$0x3F95] =	sst lr;
	_ =	strace $0xD0000000  }
0x3: {  	_ = 	snop  }
0x4: {  	_ = 	snop  }
0x5: {  	_ = 	snop  }
0x6: {  	_ = 	snop  }
0x7: {  	_ = 	snop  }
__scs_overlays_trampoline_lowered:
0x8: {  	[smem:$0x3FA4] =	sst s0  }
0x9: {  	[smem:$0x3FA5] =	sst s1  }
0xa: {  	[smem:$0x3FA6] =	sst s2  }
0xb: {  	[smem:$0x3FA7] =	sst s3  }
0xc: {  	[smem:$0x3FA8] =	sst s4  }
0xd: {  	[smem:$0x3FA9] =	sst s5  }
0xe: {  	[smem:$0x3FAA] =	sst s6  }
0xf: {  	[smem:$0x3FAB] =	sst s7  }
0x10: {  	[smem:$0x3FAC] =	sst s8  }
0x11: {  	[smem:$0x3FAD] =	sst s9;
	s0 =	simm.s32 @!p0 $0x0  }
0x12: {  	s1 =	sld [smem:$0x3F93];
	s0 =	simm.s32 @p0 $0x1  }
0x13: {  	[smem:$0x3FAE] =	sst s0;
	s0 =	simm.s32 @!p1 $0x0  }
0x14: {  	s2 =	sld [smem:$0x3F92];
	s0 =	simm.s32 @p1 $0x1  }
0x15: {  	[smem:$0x3FAF] =	sst s0;
	s0 =	simm.s32 @!p2 $0x0  }
0x16: {  	s3 =	sld [smem:$0x3FDB];
	s0 =	simm.s32 @p2 $0x1  }
0x17: {  	s4 =	simm.s32 $0x1BF5;
	[smem:$0x3FB1] =	sst s0  }
0x18: {  	s0 =	sld [smem:$0x3F94];
	_ =	swait.ge [sflag:s4], $0x0  }
0x19: {  	s7 =	sld [smem:$0x3F95]  }
0x1a: {  	s8 =	sadd.s32 $0xFFFFE003, lr  }
0x1b: {  	s9 =	sadd.s32 $0xFFFFFEF7, lr;
	s5 =	simm.s32 $0xFFFFFFFF;
	p2 =	slt.u32 s8, $0xFFFFF086  }
0x1c: {  	p1 =	slt.u32 s9, $0xF7A;
	s5 =	simm.s32 @!p2 $0x0  }
0x1d: {  	s5 =	simm.s32 @p1 $0x1;
	p0 =	seq.s32 s7, s2  }
0x1e: {  	s7 =	smul.u32 @!p0 $0xF7A, s2;
	p2 =	seq.s32 @!p0 s5, $0x0  }
0x1f: {  	s9 =	smul.u32 $0xF7A, s1;
	s8 =	simm.s32 @!p0 $0x1BF5;
	p2 =	por !p2, p0  }
0x20: {  	[sflag:s8] =	ssyncset.s32 @!p0 $0xFFFFF086;
	s6 =	sadd.s32 @!p0 s3, s7;
	s7 =	simm.s32 @!p0 $0x108  }
0x21: {  	s3 =	sadd.s32 s3, s9;
	s6 =	sadd.s32 @!p0 $0x88, s6;
	s7 =	simm.s32 @p2 $0x1082  }
0x22: {  	[simem:s7], [sflag:s8] =	dma.local @!p0 [hbm:s6], $0xF7A  }
0x23: {  	s9 =	sor.u32 $0xD0000000, s2;
	s6 =	simm.s32 $0x108;
	_ =	swait.ge @!p0 [sflag:s8], $0x0  }
0x24: {  	s3 =	sadd.s32 $0x88, s3;
	s6 =	simm.s32 @!p1 $0x1082;
	[sflag:s4] =	ssyncset.s32 $0xFFFFF086  }
0x25: {  	[simem:s6], [sflag:s4] =	dma.local [hbm:s3], $0xF7A  }
0x26: {  	[smem:$0x3F95] =	sst s1;
	(tag) =	ssettag s2;
	_ =	strace s9  }
0x27: {  	s1 =	sld [smem:$0x3FA5]  }
0x28: {  	s2 =	sld [smem:$0x3FA6]  }
0x29: {  	s4 =	sld [smem:$0x3FA8]  }
0x2a: {  	p0 =	seq.s32 s5, $0x0;
	s5 =	sld [smem:$0x3FA9]  }
0x2b: {  	s6 =	sld [smem:$0x3FAA]  }
0x2c: {  	s7 =	sld [smem:$0x3FAB]  }
0x2d: {  	s3 =	simm.s32 $0x108;
	s8 =	sld [smem:$0x3FAC]  }
0x2e: {  	s3 =	simm.s32 @!p0 $0x1082;
	s9 =	sld [smem:$0x3FAD]  }
0x2f: {  	lr =	sadd.s32 s0, s3;
	s0 =	sld [smem:$0x3FA4]  }
0x30: {  	s3 =	sld [smem:$0x3FA7]  }
0x31: {  	[smem:$0x3FB0] =	sst s10  }
0x32: {  	s10 =	sld [smem:$0x3FAE];
	_ =	sdelay $0x3  }
0x33: {  	p0 =	seq.s32 s10, $0x1;
	s10 =	sld [smem:$0x3FB0];
	_ =	sdelay $0x3  }
0x34: {  	[smem:$0x3FB0] =	sst s10  }
0x35: {  	s10 =	sld [smem:$0x3FAF];
	_ =	sdelay $0x3  }
0x36: {  	p1 =	seq.s32 s10, $0x1;
	s10 =	sld [smem:$0x3FB0];
	_ =	sdelay $0x3  }
0x37: {  	[smem:$0x3FB0] =	sst s10  }
0x38: {  	s10 =	sld [smem:$0x3FB1]  }
0x39: {  	_ = 	snop;
	(pc) =	sbr.ind lr, $3  }
0x3a: {  	_ = 	snop  }
0x3b: {  	_ = 	snop  }
0x3c: {  	p2 =	seq.s32 s10, $0x1;
	s10 =	sld [smem:$0x3FB0]  }
0x3d: {  	_ =	shalt  }
0x3e: {  	_ =	shalt  }
0x3f: {  	_ =	shalt  }
0x40: {  	_ =	shalt  }
0x41: {  	_ =	shalt  }
0x42: {  	_ =	shalt  }
0x43: {  	_ =	shalt  }
0x44: {  	_ =	shalt  }
0x45: {  	_ =	shalt  }
0x46: {  	_ =	shalt  }
0x47: {  	_ =	shalt  }
0x48: {  	_ =	shalt  }
0x49: {  	_ =	shalt  }
0x4a: {  	_ =	shalt  }
0x4b: {  	_ =	shalt  }
0x4c: {  	_ =	shalt  }
0x4d: {  	_ =	shalt  }
0x4e: {  	_ =	shalt  }
0x4f: {  	_ =	shalt  }
0x50: {  	_ =	shalt  }
0x51: {  	_ =	shalt  }
0x52: {  	_ =	shalt  }
0x53: {  	_ =	shalt  }
0x54: {  	_ =	shalt  }
0x55: {  	_ =	shalt  }
0x56: {  	_ =	shalt  }
0x57: {  	_ =	shalt  }
0x58: {  	_ =	shalt  }
0x59: {  	_ =	shalt  }
0x5a: {  	_ =	shalt  }
0x5b: {  	_ =	shalt  }
0x5c: {  	_ =	shalt  }
0x5d: {  	_ =	shalt  }
0x5e: {  	_ =	shalt  }
0x5f: {  	_ =	shalt  }
0x60: {  	_ =	shalt  }
0x61: {  	_ =	shalt  }
0x62: {  	_ =	shalt  }
0x63: {  	_ =	shalt  }
0x64: {  	_ =	shalt  }
0x65: {  	_ =	shalt  }
0x66: {  	_ =	shalt  }
0x67: {  	_ =	shalt  }
0x68: {  	_ =	shalt  }
0x69: {  	_ =	shalt  }
0x6a: {  	_ =	shalt  }
0x6b: {  	_ =	shalt  }
0x6c: {  	_ =	shalt  }
0x6d: {  	_ =	shalt  }
0x6e: {  	_ =	shalt  }
0x6f: {  	_ =	shalt  }
0x70: {  	_ =	shalt  }
0x71: {  	_ =	shalt  }
0x72: {  	_ =	shalt  }
0x73: {  	_ =	shalt  }
0x74: {  	_ =	shalt  }
0x75: {  	_ =	shalt  }
0x76: {  	_ =	shalt  }
0x77: {  	_ =	shalt  }
0x78: {  	_ =	shalt  }
0x79: {  	_ =	shalt  }
0x7a: {  	_ =	shalt  }
0x7b: {  	_ =	shalt  }
0x7c: {  	_ =	shalt  }
0x7d: {  	_ =	shalt  }
0x7e: {  	_ =	shalt  }
0x7f: {  	_ =	shalt  }
0x80: {  	_ =	shalt  }
0x81: {  	_ =	shalt  }
0x82: {  	_ =	shalt  }
0x83: {  	_ =	shalt  }
0x84: {  	_ =	shalt  }
0x85: {  	_ =	shalt  }
0x86: {  	_ =	shalt  }
0x87: {  	_ =	shalt  }
.Lfunc_end0:
.L_simem_size_0:
called_computation.1_lowered:
.L_overlay_start_0:
0x88: {  	s2 =	sld [smem:$0x3FD9]  }
0x89: {  	s3 =	sld [smem:$0x3FFE];
	_ =	sdelay $0x1  }
0x8a: {  	s1 =	srdreg.scid  }
0x8b: {  	s0 =	sand.u32 $0x1, s1  }
0x8c: {  	s16 =	sshll.u32 s0, $0xA;
	s2 =	sadd.s32 s3, s2  }
0x8d: {  	s2 =	sadd.s32 s2, s16  }
0x8e: {  	[smem:$0x3FBC] =	sst s2  }
0x8f: {  	_ = 	snop  }
0x90: {  	(tm) =	ssettm $0x1  }
0x91: {  	s17 =	sld [smem:$0x3FFB];
	_ =	sdelay $0x3  }
0x92: {  	_ =	strace s17  }
0x93: {  	s2 =	sld [smem:$0x3FFC];
	_ =	sdelay $0x3  }
0x94: {  	_ =	strace s2  }
0x95: {  	s2 =	sld [smem:$0x3FFD];
	_ =	sdelay $0x3  }
0x96: {  	_ =	strace s2  }
0x97: {  	_ =	strace $0x8FFFFFFF  }
0x98: {  	s18 =	sld [smem:$0x3FDB];
	_ =	sdelay $0x1  }
0x99: {  	s19 =	simm.s32 $_scs_section_size  }
0x9a: {  	s4 =	simm.s32 $_size__tile_overlayer_lowered;
	s5 =	simm.s32 $_tile_overlayer_lowered  }
0x9b: {  	s22 =	simm.s32 $0x1BFF;
	s21 =	sshll.u32 s5, $0x1;
	s2 =	sadd.s32 s19, s18  }
0x9c: {  	s6 =	simm.s32 $0x0;
	s20 =	sshll.u32 s4, $0x1;
	s4 =	sadd.s32 s21, s2  }
0x9d: {  	[timem:s6], [sflag:s22] =	dma.local [hbm:s4], s20  }
0x9e: {  	_ =	swait.ge [sflag:s22], s20  }
0x9f: {  	s3 =	ssub.s32 $0x0, s20;
	[sflag:s22] =	ssyncset.done $0x0  }
0xa0: {  	[sflag:s22] =	ssyncadd.s32 s3;
	_ =	sdelay $0x1  }
0xa1: {  	s23 =	simm.s32 $0x1B8B  }
0xa2: {  	_ =	swait.ge [sflag:s23], $0x1  }
0xa3: {  	[sflag:s23] =	ssyncset.done $0x0  }
0xa4: {  	s25 =	simm.s32 $0x1B8E;
	s24 =	sld [smem:$0x3FFE];
	[sflag:s23] =	ssyncadd.s32 $0xFFFFFFFF  }
0xa5: {  	s26 =	simm.s32 $execute0_lowered;
	[smem:$0x3FD2] =	sst s25  }
0xa6: {  	s4 =	sshll.u32 s26, $0x1;
	_ =	strace $0x80000049;
	[dreg:$0x1] =	wrdreg $0xFFFFFFFF  }
0xa7: {  	s28 =	simm.s32 $_size_execute0_lowered;
	s2 =	sadd.s32 s2, s4;
	[dreg:$0x0] =	wrdreg $0x0  }
0xa8: {  	s4 =	sshll.u32 s28, $0x1;
	[dreg:$0x2] =	wrdreg s2  }
0xa9: {  	[dreg:$0x3] =	wrdreg s4  }
0xaa: {  	[dreg:$0x4] =	wrdreg $0xC0  }
0xab: {  	_ =	task [dreg:s6], $0x5FFFF  }
0xac: {  	[dreg:$0x1] =	wrdreg $0xFFFFFFFF  }
0xad: {  	[dreg:$0x0] =	wrdreg $0x60  }
0xae: {  	[dreg:$0x2] =	wrdreg s24  }
0xaf: {  	[dreg:$0x3] =	wrdreg $0x1BE400  }
0xb0: {  	[dreg:$0x4] =	wrdreg $0x9  }
0xb1: {  	_ =	task.clear_ibuf [dreg:s6], $0x5FFFF;
	_ =	strace $0x90000049  }
0xb2: {  	s29 =	simm.s32 $0x9;
	_ =	strace $0x8000004B  }
0xb3: {  	_ =	swait.ge [sflag:s29], $0x1  }
0xb4: {  	[sflag:s29] =	ssyncadd.s32 $0xFFFFFFFF  }
0xb5: {  	_ =	strace $0x9000004B  }
0xb6: {  	_ =	sfence  }
0xb7: {  	s30 =	sld [smem:$0x0];
	_ =	sdelay $0x2  }
0xb8: {  	s31 =	sshll.u32 s1, $0xD;
	s1 =	sshrl.u32 s1, $0x2  }
0xb9: {  	s3 =	sand.u32 $0x4000, s31;
	s1 =	sadd.s32 s1, s30  }
0xba: {  	s0 =	sor.u32 s3, s0;
	s1 =	sshll.u32 s1, $0x11  }
0xbb: {  	s0 =	sor.u32 s1, s0  }
0xbc: {  	s0 =	sadd.s32 $0x8F2B, s0  }
0xbd: {  	[sflag:s0] =	ssyncadd.remote.s32 $0x1  }
0xbe: {  	_ =	sfence.sel $0xFFFF  }
0xbf: {  	[dreg:$0x0] =	wrdreg $0xFFFFFFFF;
	(pc) =	sbr.abs _section_cstart, $3  }
0xc0: {  	[dreg:$0x1] =	wrdreg $0xFFFFFFFF  }
0xc1: {  	_ =	task.clear_ibuf [dreg:s6], $0x2FFFF;
	_ =	strace $0x9FFFFFFF  }
0xc2: {  	(tm) =	ssettm $0x7FFFFFFF  }
0xc3: {  	_ =	shalt  }
tec
execute0_lowered:
.L_overlay_start_1:
0x0: {  	(tag) =	ssettag $0x1  }
0x1: {  	s0 =	srdreg.scid;
	s1 =	rddreg [dreg:$0x0]  }
0x2: {  	s2 =	rddreg [dreg:$0x1];
	s8 =	stileid.u32;
	s3 =	simm.s32 $0x0  }
0x3: {  	s10 =	simm.s32 $0x19640;
	s11 =	simm.s32 $0x3;
	s12 =	simm.s32 $0x1  }
0x4: {  	s13 =	simm.s32 $0x7D0;
	s14 =	simm.s32 $0x9C40;
	s15 =	simm.s32 $0x11940  }
0x5: {  	s16 =	simm.s32 $0x2;
	s22 =	simm.s32 $0x6590;
	s23 =	simm.s32 $0x2710  }
0x6: {  	s25 =	simm.s32 $0x6D60;
	s26 =	simm.s32 $0x2EE0;
	s28 =	simm.s32 $0x7530  }
0x7: {  	s29 =	simm.s32 $0x36B0;
	s30 =	simm.s32 $0x7D00;
	s31 =	simm.s32 $0x3E80  }
0x8: {  	s18 =	simm.s32 $0x9470;
	s19 =	simm.s32 $0x0;
	s0 =	sand.u32 $0x1, s0  }
0x9: {  	[smem:$0x7FF] =	sst s3;
	s4 =	sshll.u32 s0, $0x4;
	s6 =	smul.u32 $0x5000, s0  }
0xa: {  	s0 =	ssub.s32 $0x2, s0;
	s4 =	sor.u32 s8, s4;
	s8 =	smul.u32 $0x2800, s8  }
0xb: {  	_ =	strace $0x8000004A;
	s7 =	sshrl.u32 s0, $0x1;
	s5 =	smul.u32 $0x9C4, s4  }
0xc: {  	s4 =	sadd.s32 $0x2A200, s1;
	s0 =	ssub.s32 s0, s7;
	s7 =	sadd.s32 s8, s2  }
0xd: {  	s17 =	sshrl.u32 s8, $0x3;
	s8 =	smax.u32 s0, $0x1;
	s9 =	sadd.s32 s5, s1  }
0xe: {  	s0 =	simm.s32 $0x84D0;
	s1 =	sadd.s32 s6, s1;
	s5 =	sadd.s32 $0x2E00, s9  }
0xf: {  	s6 =	sadd.s32 $0x16800, s9;
	s1 =	sadd.s32 $0x2F200, s1;
	s9 =	simm.s32 $0x4E20  }
0x10: {  	v0 =	vimm.f32 $0.0e+00;
	s24 =	sadd.s32 s17, s1;
	s1 =	simm.s32 $0x4650;
	s17 =	simm.s32 $0x8CA0  }
.LBB2_1:
0x11: {  	[tilespmem:s3], [sflag:$0x1] =	stream.linear.gather [hbm4b:s5+s3], $0x4E20, $0x38;
	[tilespmem:$0x1E640] =	vst v63  }
0x12: {  	s20 =	simm.s32 $0x40;
	s21 =	simm.s32 $0x0  }
0x13: {  	[tilespmem:s9], [sflag:$0x1] =	stream.linear.gather [hbm4b:s6+s3], $0x4E20, $0x38;
	[tilespmem:$0x1E640] =	vst v63  }
.LBB2_2:
0x14: {  	p0 =	sne.s32 s20, $0x9FC0;
	[tilespmem:s21+$0x19640] =	vst v0;
	s21 =	smov.u32 s20;
	s20 =	sadd.s32 $0x40, s20  }
.Ltmp0:
0x15: {  	(pc) =	sbr.rel @p0 .LBB2_2-.Ltmp0, $2  }
0x16: {  	_ =	sdelay $0x2  }
0x17: {  	s21 =	sshra.s32 s21, $0x2  }
0x18: {  	[tilespmem:s21+$0x19640] =	vst v0  }
0x19: {  	[spmem:s7] =	stream.linear.scatter [tilespmem:s10], [sflag:$0x3], $0x2800, $0x38;
	[tilespmem:$0x1E640] =	vst v63  }
0x1a: {  	_ =	swait.ge [sflag:s11], $0x2800  }
0x1b: {  	[sflag:s11] =	ssyncset.done $0x0  }
0x1c: {  	[sflag:s11] =	ssyncadd.s32 $0xFFFFD800  }
0x1d: {  	_ =	swait.ge [sflag:s12], $0x4E20  }
0x1e: {  	[sflag:s12] =	ssyncset.done $0x0  }
0x1f: {  	[sflag:s12] =	ssyncadd.s32 $0xFFFFB1E0  }
0x20: {  	_ =	swait.ge [sflag:s12], $0x4E20  }
0x21: {  	[sflag:s12] =	ssyncset.done $0x0  }
0x22: {  	[sflag:s12] =	ssyncadd.s32 $0xFFFFB1E0  }
0x23: {  	[bflag:$0x0] =	sbarrier.arrive $0xFFFF  }
0x24: {  	[tilespmem:s14], [sflag:$0x1] =	stream.indirect.gather [hbm4b:s4+s13], $0x10, s3, s13, $0xb8;
	[tilespmem:$0x1E640] =	vst v63  }
0x25: {  	_ = 	snop  }
0x26: {  	[tilespmem:s15], [sflag:$0x1] =	stream.indirect.gather [hbm4b:s4+s13], $0x10, s13, s13, $0xb8;
	[tilespmem:$0x1E640] =	vst v63  }
0x27: {  	_ =	swait.ge [sflag:s12], $0x7D00  }
0x28: {  	[sflag:s12] =	ssyncset.done $0x0  }
0x29: {  	[sflag:s12] =	ssyncadd.s32 $0xFFFF8300  }
0x2a: {  	[spmem:s2] =	stream.indirect.scatter.add.f32 [tilespmem:s14], [sflag:$0x2], $0x10, s9, s13, $0xb8;
	[tilespmem:$0x1E640] =	vst v63  }
0x2b: {  	_ =	swait.ge [sflag:s16], $0x7D00  }
0x2c: {  	[sflag:s16] =	ssyncset.done $0x0  }
0x2d: {  	s20 =	simm.s32 $0xFA0;
	[sflag:s16] =	ssyncadd.s32 $0xFFFF8300  }
0x2e: {  	[tilespmem:s14], [sflag:$0x1] =	stream.indirect.gather [hbm4b:s4+s13], $0x10, s20, s13, $0xb8;
	[tilespmem:$0x1E640] =	vst v63  }
0x2f: {  	_ =	swait.ge [sflag:s12], $0x7D00  }
0x30: {  	[sflag:s12] =	ssyncset.done $0x0  }
0x31: {  	s21 =	simm.s32 $0x55F0;
	[sflag:s12] =	ssyncadd.s32 $0xFFFF8300  }
0x32: {  	[spmem:s2] =	stream.indirect.scatter.add.f32 [tilespmem:s15], [sflag:$0x2], $0x10, s21, s13, $0xb8;
	[tilespmem:$0x1E640] =	vst v63  }
0x33: {  	_ =	swait.ge [sflag:s16], $0x7D00  }
0x34: {  	[sflag:s16] =	ssyncset.done $0x0  }
0x35: {  	s21 =	simm.s32 $0x1770;
	[sflag:s16] =	ssyncadd.s32 $0xFFFF8300  }
0x36: {  	[tilespmem:s15], [sflag:$0x1] =	stream.indirect.gather [hbm4b:s4+s13], $0x10, s21, s13, $0xb8;
	[tilespmem:$0x1E640] =	vst v63  }
0x37: {  	_ =	swait.ge [sflag:s12], $0x7D00  }
0x38: {  	[sflag:s12] =	ssyncset.done $0x0  }
0x39: {  	s21 =	simm.s32 $0x5DC0;
	[sflag:s12] =	ssyncadd.s32 $0xFFFF8300  }
0x3a: {  	[spmem:s2] =	stream.indirect.scatter.add.f32 [tilespmem:s14], [sflag:$0x2], $0x10, s21, s13, $0xb8;
	[tilespmem:$0x1E640] =	vst v63  }
0x3b: {  	_ =	swait.ge [sflag:s16], $0x7D00  }
0x3c: {  	[sflag:s16] =	ssyncset.done $0x0  }
0x3d: {  	s21 =	simm.s32 $0x1F40;
	[sflag:s16] =	ssyncadd.s32 $0xFFFF8300  }
0x3e: {  	[tilespmem:s14], [sflag:$0x1] =	stream.indirect.gather [hbm4b:s4+s13], $0x10, s21, s13, $0xb8;
	[tilespmem:$0x1E640] =	vst v63  }
0x3f: {  	_ =	swait.ge [sflag:s12], $0x7D00  }
0x40: {  	[sflag:s12] =	ssyncset.done $0x0  }
0x41: {  	[sflag:s12] =	ssyncadd.s32 $0xFFFF8300  }
0x42: {  	[spmem:s2] =	stream.indirect.scatter.add.f32 [tilespmem:s15], [sflag:$0x2], $0x10, s22, s13, $0xb8;
	[tilespmem:$0x1E640] =	vst v63  }
0x43: {  	_ =	swait.ge [sflag:s16], $0x7D00  }
0x44: {  	[sflag:s16] =	ssyncset.done $0x0  }
0x45: {  	[sflag:s16] =	ssyncadd.s32 $0xFFFF8300  }
0x46: {  	[tilespmem:s15], [sflag:$0x1] =	stream.indirect.gather [hbm4b:s4+s13], $0x10, s23, s13, $0xb8;
	[tilespmem:$0x1E640] =	vst v63  }
0x47: {  	_ =	swait.ge [sflag:s12], $0x7D00  }
0x48: {  	[sflag:s12] =	ssyncset.done $0x0  }
0x49: {  	[sflag:s12] =	ssyncadd.s32 $0xFFFF8300  }
0x4a: {  	[spmem:s2] =	stream.indirect.scatter.add.f32 [tilespmem:s14], [sflag:$0x2], $0x10, s25, s13, $0xb8;
	[tilespmem:$0x1E640] =	vst v63  }
0x4b: {  	_ =	swait.ge [sflag:s16], $0x7D00  }
0x4c: {  	[sflag:s16] =	ssyncset.done $0x0  }
0x4d: {  	[sflag:s16] =	ssyncadd.s32 $0xFFFF8300  }
0x4e: {  	[tilespmem:s14], [sflag:$0x1] =	stream.indirect.gather [hbm4b:s4+s13], $0x10, s26, s13, $0xb8;
	[tilespmem:$0x1E640] =	vst v63  }
0x4f: {  	_ =	swait.ge [sflag:s12], $0x7D00  }
0x50: {  	[sflag:s12] =	ssyncset.done $0x0  }
0x51: {  	[sflag:s12] =	ssyncadd.s32 $0xFFFF8300  }
0x52: {  	[spmem:s2] =	stream.indirect.scatter.add.f32 [tilespmem:s15], [sflag:$0x2], $0x10, s28, s13, $0xb8;
	[tilespmem:$0x1E640] =	vst v63  }
0x53: {  	_ =	swait.ge [sflag:s16], $0x7D00  }
0x54: {  	[sflag:s16] =	ssyncset.done $0x0  }
0x55: {  	[sflag:s16] =	ssyncadd.s32 $0xFFFF8300  }
0x56: {  	[tilespmem:s15], [sflag:$0x1] =	stream.indirect.gather [hbm4b:s4+s13], $0x10, s29, s13, $0xb8;
	[tilespmem:$0x1E640] =	vst v63  }
0x57: {  	_ =	swait.ge [sflag:s12], $0x7D00  }
0x58: {  	[sflag:s12] =	ssyncset.done $0x0  }
0x59: {  	[sflag:s12] =	ssyncadd.s32 $0xFFFF8300  }
0x5a: {  	[spmem:s2] =	stream.indirect.scatter.add.f32 [tilespmem:s14], [sflag:$0x2], $0x10, s30, s13, $0xb8;
	[tilespmem:$0x1E640] =	vst v63  }
0x5b: {  	_ =	swait.ge [sflag:s16], $0x7D00  }
0x5c: {  	[sflag:s16] =	ssyncset.done $0x0  }
0x5d: {  	[sflag:s16] =	ssyncadd.s32 $0xFFFF8300  }
0x5e: {  	[tilespmem:s14], [sflag:$0x1] =	stream.indirect.gather [hbm4b:s4+s13], $0x10, s31, s13, $0xb8;
	[tilespmem:$0x1E640] =	vst v63  }
0x5f: {  	_ =	swait.ge [sflag:s12], $0x7D00  }
0x60: {  	[sflag:s12] =	ssyncset.done $0x0  }
0x61: {  	[sflag:s12] =	ssyncadd.s32 $0xFFFF8300  }
0x62: {  	[spmem:s2] =	stream.indirect.scatter.add.f32 [tilespmem:s15], [sflag:$0x2], $0x10, s0, s13, $0xb8;
	[tilespmem:$0x1E640] =	vst v63  }
0x63: {  	_ =	swait.ge [sflag:s16], $0x7D00  }
0x64: {  	[sflag:s16] =	ssyncset.done $0x0  }
0x65: {  	[sflag:s16] =	ssyncadd.s32 $0xFFFF8300  }
0x66: {  	[tilespmem:s15], [sflag:$0x1] =	stream.indirect.gather [hbm4b:s4+s13], $0x10, s1, s13, $0xb8;
	[tilespmem:$0x1E640] =	vst v63  }
0x67: {  	_ =	swait.ge [sflag:s12], $0x7D00  }
0x68: {  	[sflag:s12] =	ssyncset.done $0x0  }
0x69: {  	[sflag:s12] =	ssyncadd.s32 $0xFFFF8300  }
0x6a: {  	[spmem:s2] =	stream.indirect.scatter.add.f32 [tilespmem:s14], [sflag:$0x2], $0x10, s17, s13, $0xb8;
	[tilespmem:$0x1E640] =	vst v63  }
0x6b: {  	_ =	swait.ge [sflag:s16], $0x7D00  }
0x6c: {  	[sflag:s16] =	ssyncset.done $0x0  }
0x6d: {  	[sflag:s16] =	ssyncadd.s32 $0xFFFF8300  }
0x6e: {  	_ =	swait.ge [sflag:s12], $0x7D00  }
0x6f: {  	[sflag:s12] =	ssyncset.done $0x0  }
0x70: {  	[sflag:s12] =	ssyncadd.s32 $0xFFFF8300  }
0x71: {  	[spmem:s2] =	stream.indirect.scatter.add.f32 [tilespmem:s15], [sflag:$0x2], $0x10, s18, s13, $0xb8;
	[tilespmem:$0x1E640] =	vst v63  }
0x72: {  	_ =	swait.ge [sflag:s16], $0x7D00  }
0x73: {  	[sflag:s16] =	ssyncset.done $0x0  }
0x74: {  	[sflag:s16] =	ssyncadd.s32 $0xFFFF8300  }
0x75: {  	[bflag:$0x0] =	sbarrier.arrive $0xFFFF  }
0x76: {  	[tilespmem:s10], [sflag:$0x3] =	stream.linear.gather [spmem:s7], $0x2800, $0x38;
	[tilespmem:$0x1E640] =	vst v63  }
0x77: {  	s19 =	sadd.s32 $0x1, s19;
	_ =	swait.ge [sflag:s11], $0x2800  }
0x78: {  	p0 =	sne.s32 s19, s8;
	[sflag:s11] =	ssyncset.done $0x0  }
.Ltmp1:
0x79: {  	[sflag:s11] =	ssyncadd.s32 $0xFFFFD800;
	(pc) =	sbr.rel @p0 .LBB2_1-.Ltmp1, $4  }
0x7a: {  	[hbm4b:s24+s3] =	stream.linear.scatter [tilespmem:s10], [sflag:$0x3], $0x2800, $0x38;
	[tilespmem:$0x1E640] =	vst v63  }
0x7b: {  	_ =	swait.ge [sflag:s11], $0x2800  }
0x7c: {  	[sflag:s11] =	ssyncset.done $0x0  }
0x7d: {  	[sflag:s11] =	ssyncadd.s32 $0xFFFFD800  }
0x7e: {  	_ =	sfence.sel $0x180000  }
0x7f: {  	[bflag:$0x0] =	sbarrier.arrive $0xFFFF  }
0x80: {  	_ =	strace $0x9000004A  }
0x81: {  	s0 =	stileid.u32;
	[bflag:$0x2] =	sbarrier.arrive $0xFFFF  }
0x82: {  	p0 =	sne.s32 s0, $0x0;
	s0 =	rddreg [dreg:$0x2]  }
0x83: {  	s0 =	sadd.s32 @!p0 $0x100000, s0  }
0x84: {  	[sflag:s0] =	ssyncadd.tile.s32 @!p0 $0x1;
	_ =	shalt  }
.Lfunc_end2:
_tile_overlayer_lowered:
.L_overlay_start_2:
0x85: {  	(tag) =	ssettag $0x2  }
0x86: {  	s0 =	rddreg [dreg:$0x0];
	s2 =	stileid.u32  }
0x87: {  	s1 =	rddreg [dreg:$0x1];
	p0 =	sne.s32 s2, $0x0  }
0x88: {  	s3 =	rddreg [dreg:$0x2];
	[bflag:$0x3] =	sbarrier.arrive $0xFFFF;
	s2 =	simm.s32 @!p0 $0x1C03  }
0x89: {  	[timem:s3], [sflag:s2] =	dma.local @!p0 [hbm:s0], s1  }
0x8a: {  	s0 =	simm.s32 @!p0 $0x3  }
0x8b: {  	_ =	swait.ge @!p0 [sflag:s0], s1  }
0x8c: {  	s1 =	ssub.s32 @!p0 $0x0, s1;
	[sflag:s0] =	ssyncset.done @!p0 $0x0  }
0x8d: {  	[sflag:s0] =	ssyncadd.s32 @!p0 s1  }
0x8e: {  	[bflag:$0x3] =	sbarrier.arrive $0xFFFF  }
0x8f: {  	_ =	shalt  }

// kernel: kernel.18.cloned.1.call-start
scs
__scs_entry_jumppad:
0x0: {  	(pc) =	sbr.rel $0x88, $3  }
0x1: {  	(tag) =	ssettag $0x0;
	lr =	simm.s32 $0x1  }
0x2: {  	[smem:$0x3F95] =	sst lr;
	_ =	strace $0xD0000000  }
0x3: {  	_ = 	snop  }
0x4: {  	_ = 	snop  }
0x5: {  	_ = 	snop  }
0x6: {  	_ = 	snop  }
0x7: {  	_ = 	snop  }
__scs_overlays_trampoline_lowered:
0x8: {  	[smem:$0x3FA4] =	sst s0  }
0x9: {  	[smem:$0x3FA5] =	sst s1  }
0xa: {  	[smem:$0x3FA6] =	sst s2  }
0xb: {  	[smem:$0x3FA7] =	sst s3  }
0xc: {  	[smem:$0x3FA8] =	sst s4  }
0xd: {  	[smem:$0x3FA9] =	sst s5  }
0xe: {  	[smem:$0x3FAA] =	sst s6  }
0xf: {  	[smem:$0x3FAB] =	sst s7  }
0x10: {  	[smem:$0x3FAC] =	sst s8  }
0x11: {  	[smem:$0x3FAD] =	sst s9;
	s0 =	simm.s32 @!p0 $0x0  }
0x12: {  	s1 =	sld [smem:$0x3F93];
	s0 =	simm.s32 @p0 $0x1  }
0x13: {  	[smem:$0x3FAE] =	sst s0;
	s0 =	simm.s32 @!p1 $0x0  }
0x14: {  	s2 =	sld [smem:$0x3F92];
	s0 =	simm.s32 @p1 $0x1  }
0x15: {  	[smem:$0x3FAF] =	sst s0;
	s0 =	simm.s32 @!p2 $0x0  }
0x16: {  	s3 =	sld [smem:$0x3FDB];
	s0 =	simm.s32 @p2 $0x1  }
0x17: {  	s4 =	simm.s32 $0x1BF5;
	[smem:$0x3FB1] =	sst s0  }
0x18: {  	s0 =	sld [smem:$0x3F94];
	_ =	swait.ge [sflag:s4], $0x0  }
0x19: {  	s7 =	sld [smem:$0x3F95]  }
0x1a: {  	s8 =	sadd.s32 $0xFFFFE003, lr  }
0x1b: {  	s9 =	sadd.s32 $0xFFFFFEF7, lr;
	s5 =	simm.s32 $0xFFFFFFFF;
	p2 =	slt.u32 s8, $0xFFFFF086  }
0x1c: {  	p1 =	slt.u32 s9, $0xF7A;
	s5 =	simm.s32 @!p2 $0x0  }
0x1d: {  	s5 =	simm.s32 @p1 $0x1;
	p0 =	seq.s32 s7, s2  }
0x1e: {  	s7 =	smul.u32 @!p0 $0xF7A, s2;
	p2 =	seq.s32 @!p0 s5, $0x0  }
0x1f: {  	s9 =	smul.u32 $0xF7A, s1;
	s8 =	simm.s32 @!p0 $0x1BF5;
	p2 =	por !p2, p0  }
0x20: {  	[sflag:s8] =	ssyncset.s32 @!p0 $0xFFFFF086;
	s6 =	sadd.s32 @!p0 s3, s7;
	s7 =	simm.s32 @!p0 $0x108  }
0x21: {  	s3 =	sadd.s32 s3, s9;
	s6 =	sadd.s32 @!p0 $0x88, s6;
	s7 =	simm.s32 @p2 $0x1082  }
0x22: {  	[simem:s7], [sflag:s8] =	dma.local @!p0 [hbm:s6], $0xF7A  }
0x23: {  	s9 =	sor.u32 $0xD0000000, s2;
	s6 =	simm.s32 $0x108;
	_ =	swait.ge @!p0 [sflag:s8], $0x0  }
0x24: {  	s3 =	sadd.s32 $0x88, s3;
	s6 =	simm.s32 @!p1 $0x1082;
	[sflag:s4] =	ssyncset.s32 $0xFFFFF086  }
0x25: {  	[simem:s6], [sflag:s4] =	dma.local [hbm:s3], $0xF7A  }
0x26: {  	[smem:$0x3F95] =	sst s1;
	(tag) =	ssettag s2;
	_ =	strace s9  }
0x27: {  	s1 =	sld [smem:$0x3FA5]  }
0x28: {  	s2 =	sld [smem:$0x3FA6]  }
0x29: {  	s4 =	sld [smem:$0x3FA8]  }
0x2a: {  	p0 =	seq.s32 s5, $0x0;
	s5 =	sld [smem:$0x3FA9]  }
0x2b: {  	s6 =	sld [smem:$0x3FAA]  }
0x2c: {  	s7 =	sld [smem:$0x3FAB]  }
0x2d: {  	s3 =	simm.s32 $0x108;
	s8 =	sld [smem:$0x3FAC]  }
0x2e: {  	s3 =	simm.s32 @!p0 $0x1082;
	s9 =	sld [smem:$0x3FAD]  }
0x2f: {  	lr =	sadd.s32 s0, s3;
	s0 =	sld [smem:$0x3FA4]  }
0x30: {  	s3 =	sld [smem:$0x3FA7]  }
0x31: {  	[smem:$0x3FB0] =	sst s10  }
0x32: {  	s10 =	sld [smem:$0x3FAE];
	_ =	sdelay $0x3  }
0x33: {  	p0 =	seq.s32 s10, $0x1;
	s10 =	sld [smem:$0x3FB0];
	_ =	sdelay $0x3  }
0x34: {  	[smem:$0x3FB0] =	sst s10  }
0x35: {  	s10 =	sld [smem:$0x3FAF];
	_ =	sdelay $0x3  }
0x36: {  	p1 =	seq.s32 s10, $0x1;
	s10 =	sld [smem:$0x3FB0];
	_ =	sdelay $0x3  }
0x37: {  	[smem:$0x3FB0] =	sst s10  }
0x38: {  	s10 =	sld [smem:$0x3FB1]  }
0x39: {  	_ = 	snop;
	(pc) =	sbr.ind lr, $3  }
0x3a: {  	_ = 	snop  }
0x3b: {  	_ = 	snop  }
0x3c: {  	p2 =	seq.s32 s10, $0x1;
	s10 =	sld [smem:$0x3FB0]  }
0x3d: {  	_ =	shalt  }
0x3e: {  	_ =	shalt  }
0x3f: {  	_ =	shalt  }
0x40: {  	_ =	shalt  }
0x41: {  	_ =	shalt  }
0x42: {  	_ =	shalt  }
0x43: {  	_ =	shalt  }
0x44: {  	_ =	shalt  }
0x45: {  	_ =	shalt  }
0x46: {  	_ =	shalt  }
0x47: {  	_ =	shalt  }
0x48: {  	_ =	shalt  }
0x49: {  	_ =	shalt  }
0x4a: {  	_ =	shalt  }
0x4b: {  	_ =	shalt  }
0x4c: {  	_ =	shalt  }
0x4d: {  	_ =	shalt  }
0x4e: {  	_ =	shalt  }
0x4f: {  	_ =	shalt  }
0x50: {  	_ =	shalt  }
0x51: {  	_ =	shalt  }
0x52: {  	_ =	shalt  }
0x53: {  	_ =	shalt  }
0x54: {  	_ =	shalt  }
0x55: {  	_ =	shalt  }
0x56: {  	_ =	shalt  }
0x57: {  	_ =	shalt  }
0x58: {  	_ =	shalt  }
0x59: {  	_ =	shalt  }
0x5a: {  	_ =	shalt  }
0x5b: {  	_ =	shalt  }
0x5c: {  	_ =	shalt  }
0x5d: {  	_ =	shalt  }
0x5e: {  	_ =	shalt  }
0x5f: {  	_ =	shalt  }
0x60: {  	_ =	shalt  }
0x61: {  	_ =	shalt  }
0x62: {  	_ =	shalt  }
0x63: {  	_ =	shalt  }
0x64: {  	_ =	shalt  }
0x65: {  	_ =	shalt  }
0x66: {  	_ =	shalt  }
0x67: {  	_ =	shalt  }
0x68: {  	_ =	shalt  }
0x69: {  	_ =	shalt  }
0x6a: {  	_ =	shalt  }
0x6b: {  	_ =	shalt  }
0x6c: {  	_ =	shalt  }
0x6d: {  	_ =	shalt  }
0x6e: {  	_ =	shalt  }
0x6f: {  	_ =	shalt  }
0x70: {  	_ =	shalt  }
0x71: {  	_ =	shalt  }
0x72: {  	_ =	shalt  }
0x73: {  	_ =	shalt  }
0x74: {  	_ =	shalt  }
0x75: {  	_ =	shalt  }
0x76: {  	_ =	shalt  }
0x77: {  	_ =	shalt  }
0x78: {  	_ =	shalt  }
0x79: {  	_ =	shalt  }
0x7a: {  	_ =	shalt  }
0x7b: {  	_ =	shalt  }
0x7c: {  	_ =	shalt  }
0x7d: {  	_ =	shalt  }
0x7e: {  	_ =	shalt  }
0x7f: {  	_ =	shalt  }
0x80: {  	_ =	shalt  }
0x81: {  	_ =	shalt  }
0x82: {  	_ =	shalt  }
0x83: {  	_ =	shalt  }
0x84: {  	_ =	shalt  }
0x85: {  	_ =	shalt  }
0x86: {  	_ =	shalt  }
0x87: {  	_ =	shalt  }
.Lfunc_end0:
.L_simem_size_0:
called_computation.2_lowered:
.L_overlay_start_0:
0x88: {  	s2 =	sld [smem:$0x3FD9]  }
0x89: {  	s3 =	sld [smem:$0x3FFE];
	_ =	sdelay $0x1  }
0x8a: {  	s1 =	srdreg.scid  }
0x8b: {  	s0 =	sand.u32 $0x1, s1  }
0x8c: {  	s16 =	sshll.u32 s0, $0xA;
	s2 =	sadd.s32 s3, s2  }
0x8d: {  	s2 =	sadd.s32 s2, s16  }
0x8e: {  	[smem:$0x3FBC] =	sst s2  }
0x8f: {  	_ = 	snop  }
0x90: {  	(tm) =	ssettm $0x1  }
0x91: {  	s17 =	sld [smem:$0x3FFB];
	_ =	sdelay $0x3  }
0x92: {  	_ =	strace s17  }
0x93: {  	s2 =	sld [smem:$0x3FFC];
	_ =	sdelay $0x3  }
0x94: {  	_ =	strace s2  }
0x95: {  	s2 =	sld [smem:$0x3FFD];
	_ =	sdelay $0x3  }
0x96: {  	_ =	strace s2  }
0x97: {  	_ =	strace $0x8FFFFFFF  }
0x98: {  	s18 =	sld [smem:$0x3FDB];
	_ =	sdelay $0x1  }
0x99: {  	s19 =	simm.s32 $_scs_section_size  }
0x9a: {  	s4 =	simm.s32 $_size__tile_overlayer_lowered;
	s5 =	simm.s32 $_tile_overlayer_lowered  }
0x9b: {  	s22 =	simm.s32 $0x1BFF;
	s21 =	sshll.u32 s5, $0x1;
	s2 =	sadd.s32 s19, s18  }
0x9c: {  	s6 =	simm.s32 $0x0;
	s20 =	sshll.u32 s4, $0x1;
	s4 =	sadd.s32 s21, s2  }
0x9d: {  	[timem:s6], [sflag:s22] =	dma.local [hbm:s4], s20  }
0x9e: {  	_ =	swait.ge [sflag:s22], s20  }
0x9f: {  	s3 =	ssub.s32 $0x0, s20;
	[sflag:s22] =	ssyncset.done $0x0  }
0xa0: {  	[sflag:s22] =	ssyncadd.s32 s3;
	_ =	sdelay $0x1  }
0xa1: {  	s23 =	simm.s32 $0x1B8B  }
0xa2: {  	_ =	swait.ge [sflag:s23], $0x1  }
0xa3: {  	[sflag:s23] =	ssyncset.done $0x0  }
0xa4: {  	s25 =	simm.s32 $0x1B8E;
	s24 =	sld [smem:$0x3FFE];
	[sflag:s23] =	ssyncadd.s32 $0xFFFFFFFF  }
0xa5: {  	s26 =	simm.s32 $execute0_lowered;
	[smem:$0x3FD2] =	sst s25  }
0xa6: {  	s4 =	sshll.u32 s26, $0x1;
	_ =	strace $0x8000004C;
	[dreg:$0x1] =	wrdreg $0xFFFFFFFF  }
0xa7: {  	s28 =	simm.s32 $_size_execute0_lowered;
	s2 =	sadd.s32 s2, s4;
	[dreg:$0x0] =	wrdreg $0x0  }
0xa8: {  	s4 =	sshll.u32 s28, $0x1;
	[dreg:$0x2] =	wrdreg s2  }
0xa9: {  	[dreg:$0x3] =	wrdreg s4  }
0xaa: {  	[dreg:$0x4] =	wrdreg $0xC0  }
0xab: {  	_ =	task [dreg:s6], $0x5FFFF  }
0xac: {  	[dreg:$0x1] =	wrdreg $0xFFFFFFFF  }
0xad: {  	[dreg:$0x0] =	wrdreg $0x60  }
0xae: {  	[dreg:$0x2] =	wrdreg s24  }
0xaf: {  	[dreg:$0x3] =	wrdreg $0x1BE400  }
0xb0: {  	[dreg:$0x4] =	wrdreg $0x9  }
0xb1: {  	_ =	task.clear_ibuf [dreg:s6], $0x5FFFF;
	_ =	strace $0x9000004C  }
0xb2: {  	s29 =	simm.s32 $0x9;
	_ =	strace $0x8000004E  }
0xb3: {  	_ =	swait.ge [sflag:s29], $0x1  }
0xb4: {  	[sflag:s29] =	ssyncadd.s32 $0xFFFFFFFF  }
0xb5: {  	_ =	strace $0x9000004E  }
0xb6: {  	_ =	sfence  }
0xb7: {  	s30 =	sld [smem:$0x0];
	_ =	sdelay $0x2  }
0xb8: {  	s31 =	sshll.u32 s1, $0xD;
	s1 =	sshrl.u32 s1, $0x2  }
0xb9: {  	s3 =	sand.u32 $0x4000, s31;
	s1 =	sadd.s32 s1, s30  }
0xba: {  	s0 =	sor.u32 s3, s0;
	s1 =	sshll.u32 s1, $0x11  }
0xbb: {  	s0 =	sor.u32 s1, s0  }
0xbc: {  	s0 =	sadd.s32 $0x8F2B, s0  }
0xbd: {  	[sflag:s0] =	ssyncadd.remote.s32 $0x1  }
0xbe: {  	_ =	sfence.sel $0xFFFF  }
0xbf: {  	[dreg:$0x0] =	wrdreg $0xFFFFFFFF;
	(pc) =	sbr.abs _section_cstart, $3  }
0xc0: {  	[dreg:$0x1] =	wrdreg $0xFFFFFFFF  }
0xc1: {  	_ =	task.clear_ibuf [dreg:s6], $0x2FFFF;
	_ =	strace $0x9FFFFFFF  }
0xc2: {  	(tm) =	ssettm $0x7FFFFFFF  }
0xc3: {  	_ =	shalt  }
tec
execute0_lowered:
.L_overlay_start_1:
0x0: {  	(tag) =	ssettag $0x1  }
0x1: {  	s0 =	srdreg.scid;
	s1 =	rddreg [dreg:$0x0]  }
0x2: {  	s2 =	rddreg [dreg:$0x1];
	s8 =	stileid.u32;
	s3 =	simm.s32 $0x0  }
0x3: {  	s10 =	simm.s32 $0x19640;
	s11 =	simm.s32 $0x3;
	s12 =	simm.s32 $0x1  }
0x4: {  	s13 =	simm.s32 $0x7D0;
	s14 =	simm.s32 $0x9C40;
	s15 =	simm.s32 $0x11940  }
0x5: {  	s16 =	simm.s32 $0x2;
	s22 =	simm.s32 $0x6590;
	s23 =	simm.s32 $0x2710  }
0x6: {  	s25 =	simm.s32 $0x6D60;
	s26 =	simm.s32 $0x2EE0;
	s28 =	simm.s32 $0x7530  }
0x7: {  	s29 =	simm.s32 $0x36B0;
	s30 =	simm.s32 $0x7D00;
	s31 =	simm.s32 $0x3E80  }
0x8: {  	s18 =	simm.s32 $0x9470;
	s19 =	simm.s32 $0x0;
	s0 =	sand.u32 $0x1, s0  }
0x9: {  	[smem:$0x7FF] =	sst s3;
	s4 =	sshll.u32 s0, $0x4;
	s6 =	smul.u32 $0x5000, s0  }
0xa: {  	s0 =	ssub.s32 $0x2, s0;
	s4 =	sor.u32 s8, s4;
	s8 =	smul.u32 $0x2800, s8  }
0xb: {  	_ =	strace $0x8000004D;
	s7 =	sshrl.u32 s0, $0x1;
	s5 =	smul.u32 $0x9C4, s4  }
0xc: {  	s4 =	sadd.s32 $0x2A200, s1;
	s0 =	ssub.s32 s0, s7;
	s7 =	sadd.s32 s8, s2  }
0xd: {  	s17 =	sshrl.u32 s8, $0x3;
	s8 =	smax.u32 s0, $0x1;
	s9 =	sadd.s32 s5, s1  }
0xe: {  	s0 =	simm.s32 $0x84D0;
	s1 =	sadd.s32 s6, s1;
	s5 =	sadd.s32 $0x2E00, s9  }
0xf: {  	s6 =	sadd.s32 $0x16800, s9;
	s1 =	sadd.s32 $0x2F200, s1;
	s9 =	simm.s32 $0x4E20  }
0x10: {  	v0 =	vimm.f32 $0.0e+00;
	s24 =	sadd.s32 s17, s1;
	s1 =	simm.s32 $0x4650;
	s17 =	simm.s32 $0x8CA0  }
.LBB2_1:
0x11: {  	[tilespmem:s3], [sflag:$0x1] =	stream.linear.gather [hbm4b:s5+s3], $0x4E20, $0x38;
	[tilespmem:$0x1E640] =	vst v63  }
0x12: {  	s20 =	simm.s32 $0x40;
	s21 =	simm.s32 $0x0  }
0x13: {  	[tilespmem:s9], [sflag:$0x1] =	stream.linear.gather [hbm4b:s6+s3], $0x4E20, $0x38;
	[tilespmem:$0x1E640] =	vst v63  }
.LBB2_2:
0x14: {  	p0 =	sne.s32 s20, $0x9FC0;
	[tilespmem:s21+$0x19640] =	vst v0;
	s21 =	smov.u32 s20;
	s20 =	sadd.s32 $0x40, s20  }
.Ltmp0:
0x15: {  	(pc) =	sbr.rel @p0 .LBB2_2-.Ltmp0, $2  }
0x16: {  	_ =	sdelay $0x2  }
0x17: {  	s21 =	sshra.s32 s21, $0x2  }
0x18: {  	[tilespmem:s21+$0x19640] =	vst v0  }
0x19: {  	[spmem:s7] =	stream.linear.scatter [tilespmem:s10], [sflag:$0x3], $0x2800, $0x38;
	[tilespmem:$0x1E640] =	vst v63  }
0x1a: {  	_ =	swait.ge [sflag:s11], $0x2800  }
0x1b: {  	[sflag:s11] =	ssyncset.done $0x0  }
0x1c: {  	[sflag:s11] =	ssyncadd.s32 $0xFFFFD800  }
0x1d: {  	_ =	swait.ge [sflag:s12], $0x4E20  }
0x1e: {  	[sflag:s12] =	ssyncset.done $0x0  }
0x1f: {  	[sflag:s12] =	ssyncadd.s32 $0xFFFFB1E0  }
0x20: {  	_ =	swait.ge [sflag:s12], $0x4E20  }
0x21: {  	[sflag:s12] =	ssyncset.done $0x0  }
0x22: {  	[sflag:s12] =	ssyncadd.s32 $0xFFFFB1E0  }
0x23: {  	[bflag:$0x0] =	sbarrier.arrive $0xFFFF  }
0x24: {  	[tilespmem:s14], [sflag:$0x1] =	stream.indirect.gather [hbm4b:s4+s13], $0x10, s3, s13, $0xb8;
	[tilespmem:$0x1E640] =	vst v63  }
0x25: {  	_ = 	snop  }
0x26: {  	[tilespmem:s15], [sflag:$0x1] =	stream.indirect.gather [hbm4b:s4+s13], $0x10, s13, s13, $0xb8;
	[tilespmem:$0x1E640] =	vst v63  }
0x27: {  	_ =	swait.ge [sflag:s12], $0x7D00  }
0x28: {  	[sflag:s12] =	ssyncset.done $0x0  }
0x29: {  	[sflag:s12] =	ssyncadd.s32 $0xFFFF8300  }
0x2a: {  	[spmem:s2] =	stream.indirect.scatter.add.f32 [tilespmem:s14], [sflag:$0x2], $0x10, s9, s13, $0xb8;
	[tilespmem:$0x1E640] =	vst v63  }
0x2b: {  	_ =	swait.ge [sflag:s16], $0x7D00  }
0x2c: {  	[sflag:s16] =	ssyncset.done $0x0  }
0x2d: {  	s20 =	simm.s32 $0xFA0;
	[sflag:s16] =	ssyncadd.s32 $0xFFFF8300  }
0x2e: {  	[tilespmem:s14], [sflag:$0x1] =	stream.indirect.gather [hbm4b:s4+s13], $0x10, s20, s13, $0xb8;
	[tilespmem:$0x1E640] =	vst v63  }
0x2f: {  	_ =	swait.ge [sflag:s12], $0x7D00  }
0x30: {  	[sflag:s12] =	ssyncset.done $0x0  }
0x31: {  	s21 =	simm.s32 $0x55F0;
	[sflag:s12] =	ssyncadd.s32 $0xFFFF8300  }
0x32: {  	[spmem:s2] =	stream.indirect.scatter.add.f32 [tilespmem:s15], [sflag:$0x2], $0x10, s21, s13, $0xb8;
	[tilespmem:$0x1E640] =	vst v63  }
0x33: {  	_ =	swait.ge [sflag:s16], $0x7D00  }
0x34: {  	[sflag:s16] =	ssyncset.done $0x0  }
0x35: {  	s21 =	simm.s32 $0x1770;
	[sflag:s16] =	ssyncadd.s32 $0xFFFF8300  }
0x36: {  	[tilespmem:s15], [sflag:$0x1] =	stream.indirect.gather [hbm4b:s4+s13], $0x10, s21, s13, $0xb8;
	[tilespmem:$0x1E640] =	vst v63  }
0x37: {  	_ =	swait.ge [sflag:s12], $0x7D00  }
0x38: {  	[sflag:s12] =	ssyncset.done $0x0  }
0x39: {  	s21 =	simm.s32 $0x5DC0;
	[sflag:s12] =	ssyncadd.s32 $0xFFFF8300  }
0x3a: {  	[spmem:s2] =	stream.indirect.scatter.add.f32 [tilespmem:s14], [sflag:$0x2], $0x10, s21, s13, $0xb8;
	[tilespmem:$0x1E640] =	vst v63  }
0x3b: {  	_ =	swait.ge [sflag:s16], $0x7D00  }
0x3c: {  	[sflag:s16] =	ssyncset.done $0x0  }
0x3d: {  	s21 =	simm.s32 $0x1F40;
	[sflag:s16] =	ssyncadd.s32 $0xFFFF8300  }
0x3e: {  	[tilespmem:s14], [sflag:$0x1] =	stream.indirect.gather [hbm4b:s4+s13], $0x10, s21, s13, $0xb8;
	[tilespmem:$0x1E640] =	vst v63  }
0x3f: {  	_ =	swait.ge [sflag:s12], $0x7D00  }
0x40: {  	[sflag:s12] =	ssyncset.done $0x0  }
0x41: {  	[sflag:s12] =	ssyncadd.s32 $0xFFFF8300  }
0x42: {  	[spmem:s2] =	stream.indirect.scatter.add.f32 [tilespmem:s15], [sflag:$0x2], $0x10, s22, s13, $0xb8;
	[tilespmem:$0x1E640] =	vst v63  }
0x43: {  	_ =	swait.ge [sflag:s16], $0x7D00  }
0x44: {  	[sflag:s16] =	ssyncset.done $0x0  }
0x45: {  	[sflag:s16] =	ssyncadd.s32 $0xFFFF8300  }
0x46: {  	[tilespmem:s15], [sflag:$0x1] =	stream.indirect.gather [hbm4b:s4+s13], $0x10, s23, s13, $0xb8;
	[tilespmem:$0x1E640] =	vst v63  }
0x47: {  	_ =	swait.ge [sflag:s12], $0x7D00  }
0x48: {  	[sflag:s12] =	ssyncset.done $0x0  }
0x49: {  	[sflag:s12] =	ssyncadd.s32 $0xFFFF8300  }
0x4a: {  	[spmem:s2] =	stream.indirect.scatter.add.f32 [tilespmem:s14], [sflag:$0x2], $0x10, s25, s13, $0xb8;
	[tilespmem:$0x1E640] =	vst v63  }
0x4b: {  	_ =	swait.ge [sflag:s16], $0x7D00  }
0x4c: {  	[sflag:s16] =	ssyncset.done $0x0  }
0x4d: {  	[sflag:s16] =	ssyncadd.s32 $0xFFFF8300  }
0x4e: {  	[tilespmem:s14], [sflag:$0x1] =	stream.indirect.gather [hbm4b:s4+s13], $0x10, s26, s13, $0xb8;
	[tilespmem:$0x1E640] =	vst v63  }
0x4f: {  	_ =	swait.ge [sflag:s12], $0x7D00  }
0x50: {  	[sflag:s12] =	ssyncset.done $0x0  }
0x51: {  	[sflag:s12] =	ssyncadd.s32 $0xFFFF8300  }
0x52: {  	[spmem:s2] =	stream.indirect.scatter.add.f32 [tilespmem:s15], [sflag:$0x2], $0x10, s28, s13, $0xb8;
	[tilespmem:$0x1E640] =	vst v63  }
0x53: {  	_ =	swait.ge [sflag:s16], $0x7D00  }
0x54: {  	[sflag:s16] =	ssyncset.done $0x0  }
0x55: {  	[sflag:s16] =	ssyncadd.s32 $0xFFFF8300  }
0x56: {  	[tilespmem:s15], [sflag:$0x1] =	stream.indirect.gather [hbm4b:s4+s13], $0x10, s29, s13, $0xb8;
	[tilespmem:$0x1E640] =	vst v63  }
0x57: {  	_ =	swait.ge [sflag:s12], $0x7D00  }
0x58: {  	[sflag:s12] =	ssyncset.done $0x0  }
0x59: {  	[sflag:s12] =	ssyncadd.s32 $0xFFFF8300  }
0x5a: {  	[spmem:s2] =	stream.indirect.scatter.add.f32 [tilespmem:s14], [sflag:$0x2], $0x10, s30, s13, $0xb8;
	[tilespmem:$0x1E640] =	vst v63  }
0x5b: {  	_ =	swait.ge [sflag:s16], $0x7D00  }
0x5c: {  	[sflag:s16] =	ssyncset.done $0x0  }
0x5d: {  	[sflag:s16] =	ssyncadd.s32 $0xFFFF8300  }
0x5e: {  	[tilespmem:s14], [sflag:$0x1] =	stream.indirect.gather [hbm4b:s4+s13], $0x10, s31, s13, $0xb8;
	[tilespmem:$0x1E640] =	vst v63  }
0x5f: {  	_ =	swait.ge [sflag:s12], $0x7D00  }
0x60: {  	[sflag:s12] =	ssyncset.done $0x0  }
0x61: {  	[sflag:s12] =	ssyncadd.s32 $0xFFFF8300  }
0x62: {  	[spmem:s2] =	stream.indirect.scatter.add.f32 [tilespmem:s15], [sflag:$0x2], $0x10, s0, s13, $0xb8;
	[tilespmem:$0x1E640] =	vst v63  }
0x63: {  	_ =	swait.ge [sflag:s16], $0x7D00  }
0x64: {  	[sflag:s16] =	ssyncset.done $0x0  }
0x65: {  	[sflag:s16] =	ssyncadd.s32 $0xFFFF8300  }
0x66: {  	[tilespmem:s15], [sflag:$0x1] =	stream.indirect.gather [hbm4b:s4+s13], $0x10, s1, s13, $0xb8;
	[tilespmem:$0x1E640] =	vst v63  }
0x67: {  	_ =	swait.ge [sflag:s12], $0x7D00  }
0x68: {  	[sflag:s12] =	ssyncset.done $0x0  }
0x69: {  	[sflag:s12] =	ssyncadd.s32 $0xFFFF8300  }
0x6a: {  	[spmem:s2] =	stream.indirect.scatter.add.f32 [tilespmem:s14], [sflag:$0x2], $0x10, s17, s13, $0xb8;
	[tilespmem:$0x1E640] =	vst v63  }
0x6b: {  	_ =	swait.ge [sflag:s16], $0x7D00  }
0x6c: {  	[sflag:s16] =	ssyncset.done $0x0  }
0x6d: {  	[sflag:s16] =	ssyncadd.s32 $0xFFFF8300  }
0x6e: {  	_ =	swait.ge [sflag:s12], $0x7D00  }
0x6f: {  	[sflag:s12] =	ssyncset.done $0x0  }
0x70: {  	[sflag:s12] =	ssyncadd.s32 $0xFFFF8300  }
0x71: {  	[spmem:s2] =	stream.indirect.scatter.add.f32 [tilespmem:s15], [sflag:$0x2], $0x10, s18, s13, $0xb8;
	[tilespmem:$0x1E640] =	vst v63  }
0x72: {  	_ =	swait.ge [sflag:s16], $0x7D00  }
0x73: {  	[sflag:s16] =	ssyncset.done $0x0  }
0x74: {  	[sflag:s16] =	ssyncadd.s32 $0xFFFF8300  }
0x75: {  	[bflag:$0x0] =	sbarrier.arrive $0xFFFF  }
0x76: {  	[tilespmem:s10], [sflag:$0x3] =	stream.linear.gather [spmem:s7], $0x2800, $0x38;
	[tilespmem:$0x1E640] =	vst v63  }
0x77: {  	s19 =	sadd.s32 $0x1, s19;
	_ =	swait.ge [sflag:s11], $0x2800  }
0x78: {  	p0 =	sne.s32 s19, s8;
	[sflag:s11] =	ssyncset.done $0x0  }
.Ltmp1:
0x79: {  	[sflag:s11] =	ssyncadd.s32 $0xFFFFD800;
	(pc) =	sbr.rel @p0 .LBB2_1-.Ltmp1, $4  }
0x7a: {  	[hbm4b:s24+s3] =	stream.linear.scatter [tilespmem:s10], [sflag:$0x3], $0x2800, $0x38;
	[tilespmem:$0x1E640] =	vst v63  }
0x7b: {  	_ =	swait.ge [sflag:s11], $0x2800  }
0x7c: {  	[sflag:s11] =	ssyncset.done $0x0  }
0x7d: {  	[sflag:s11] =	ssyncadd.s32 $0xFFFFD800  }
0x7e: {  	_ =	sfence.sel $0x180000  }
0x7f: {  	[bflag:$0x0] =	sbarrier.arrive $0xFFFF  }
0x80: {  	_ =	strace $0x9000004D  }
0x81: {  	s0 =	stileid.u32;
	[bflag:$0x2] =	sbarrier.arrive $0xFFFF  }
0x82: {  	p0 =	sne.s32 s0, $0x0;
	s0 =	rddreg [dreg:$0x2]  }
0x83: {  	s0 =	sadd.s32 @!p0 $0x100000, s0  }
0x84: {  	[sflag:s0] =	ssyncadd.tile.s32 @!p0 $0x1;
	_ =	shalt  }
.Lfunc_end2:
_tile_overlayer_lowered:
.L_overlay_start_2:
0x85: {  	(tag) =	ssettag $0x2  }
0x86: {  	s0 =	rddreg [dreg:$0x0];
	s2 =	stileid.u32  }
0x87: {  	s1 =	rddreg [dreg:$0x1];
	p0 =	sne.s32 s2, $0x0  }
0x88: {  	s3 =	rddreg [dreg:$0x2];
	[bflag:$0x3] =	sbarrier.arrive $0xFFFF;
	s2 =	simm.s32 @!p0 $0x1C03  }
0x89: {  	[timem:s3], [sflag:s2] =	dma.local @!p0 [hbm:s0], s1  }
0x8a: {  	s0 =	simm.s32 @!p0 $0x3  }
0x8b: {  	_ =	swait.ge @!p0 [sflag:s0], s1  }
0x8c: {  	s1 =	ssub.s32 @!p0 $0x0, s1;
	[sflag:s0] =	ssyncset.done @!p0 $0x0  }
0x8d: {  	[sflag:s0] =	ssyncadd.s32 @!p0 s1  }
0x8e: {  	[bflag:$0x3] =	sbarrier.arrive $0xFFFF  }
0x8f: {  	_ =	shalt  }

// kernel: kernel.21.cloned.1.call-start
scs
__scs_entry_jumppad:
0x0: {  	(pc) =	sbr.rel $0x88, $3  }
0x1: {  	(tag) =	ssettag $0x0;
	lr =	simm.s32 $0x1  }
0x2: {  	[smem:$0x3F95] =	sst lr;
	_ =	strace $0xD0000000  }
0x3: {  	_ = 	snop  }
0x4: {  	_ = 	snop  }
0x5: {  	_ = 	snop  }
0x6: {  	_ = 	snop  }
0x7: {  	_ = 	snop  }
__scs_overlays_trampoline_lowered:
0x8: {  	[smem:$0x3FA4] =	sst s0  }
0x9: {  	[smem:$0x3FA5] =	sst s1  }
0xa: {  	[smem:$0x3FA6] =	sst s2  }
0xb: {  	[smem:$0x3FA7] =	sst s3  }
0xc: {  	[smem:$0x3FA8] =	sst s4  }
0xd: {  	[smem:$0x3FA9] =	sst s5  }
0xe: {  	[smem:$0x3FAA] =	sst s6  }
0xf: {  	[smem:$0x3FAB] =	sst s7  }
0x10: {  	[smem:$0x3FAC] =	sst s8  }
0x11: {  	[smem:$0x3FAD] =	sst s9;
	s0 =	simm.s32 @!p0 $0x0  }
0x12: {  	s1 =	sld [smem:$0x3F93];
	s0 =	simm.s32 @p0 $0x1  }
0x13: {  	[smem:$0x3FAE] =	sst s0;
	s0 =	simm.s32 @!p1 $0x0  }
0x14: {  	s2 =	sld [smem:$0x3F92];
	s0 =	simm.s32 @p1 $0x1  }
0x15: {  	[smem:$0x3FAF] =	sst s0;
	s0 =	simm.s32 @!p2 $0x0  }
0x16: {  	s3 =	sld [smem:$0x3FDB];
	s0 =	simm.s32 @p2 $0x1  }
0x17: {  	s4 =	simm.s32 $0x1BF5;
	[smem:$0x3FB1] =	sst s0  }
0x18: {  	s0 =	sld [smem:$0x3F94];
	_ =	swait.ge [sflag:s4], $0x0  }
0x19: {  	s7 =	sld [smem:$0x3F95]  }
0x1a: {  	s8 =	sadd.s32 $0xFFFFE003, lr  }
0x1b: {  	s9 =	sadd.s32 $0xFFFFFEF7, lr;
	s5 =	simm.s32 $0xFFFFFFFF;
	p2 =	slt.u32 s8, $0xFFFFF086  }
0x1c: {  	p1 =	slt.u32 s9, $0xF7A;
	s5 =	simm.s32 @!p2 $0x0  }
0x1d: {  	s5 =	simm.s32 @p1 $0x1;
	p0 =	seq.s32 s7, s2  }
0x1e: {  	s7 =	smul.u32 @!p0 $0xF7A, s2;
	p2 =	seq.s32 @!p0 s5, $0x0  }
0x1f: {  	s9 =	smul.u32 $0xF7A, s1;
	s8 =	simm.s32 @!p0 $0x1BF5;
	p2 =	por !p2, p0  }
0x20: {  	[sflag:s8] =	ssyncset.s32 @!p0 $0xFFFFF086;
	s6 =	sadd.s32 @!p0 s3, s7;
	s7 =	simm.s32 @!p0 $0x108  }
0x21: {  	s3 =	sadd.s32 s3, s9;
	s6 =	sadd.s32 @!p0 $0x88, s6;
	s7 =	simm.s32 @p2 $0x1082  }
0x22: {  	[simem:s7], [sflag:s8] =	dma.local @!p0 [hbm:s6], $0xF7A  }
0x23: {  	s9 =	sor.u32 $0xD0000000, s2;
	s6 =	simm.s32 $0x108;
	_ =	swait.ge @!p0 [sflag:s8], $0x0  }
0x24: {  	s3 =	sadd.s32 $0x88, s3;
	s6 =	simm.s32 @!p1 $0x1082;
	[sflag:s4] =	ssyncset.s32 $0xFFFFF086  }
0x25: {  	[simem:s6], [sflag:s4] =	dma.local [hbm:s3], $0xF7A  }
0x26: {  	[smem:$0x3F95] =	sst s1;
	(tag) =	ssettag s2;
	_ =	strace s9  }
0x27: {  	s1 =	sld [smem:$0x3FA5]  }
0x28: {  	s2 =	sld [smem:$0x3FA6]  }
0x29: {  	s4 =	sld [smem:$0x3FA8]  }
0x2a: {  	p0 =	seq.s32 s5, $0x0;
	s5 =	sld [smem:$0x3FA9]  }
0x2b: {  	s6 =	sld [smem:$0x3FAA]  }
0x2c: {  	s7 =	sld [smem:$0x3FAB]  }
0x2d: {  	s3 =	simm.s32 $0x108;
	s8 =	sld [smem:$0x3FAC]  }
0x2e: {  	s3 =	simm.s32 @!p0 $0x1082;
	s9 =	sld [smem:$0x3FAD]  }
0x2f: {  	lr =	sadd.s32 s0, s3;
	s0 =	sld [smem:$0x3FA4]  }
0x30: {  	s3 =	sld [smem:$0x3FA7]  }
0x31: {  	[smem:$0x3FB0] =	sst s10  }
0x32: {  	s10 =	sld [smem:$0x3FAE];
	_ =	sdelay $0x3  }
0x33: {  	p0 =	seq.s32 s10, $0x1;
	s10 =	sld [smem:$0x3FB0];
	_ =	sdelay $0x3  }
0x34: {  	[smem:$0x3FB0] =	sst s10  }
0x35: {  	s10 =	sld [smem:$0x3FAF];
	_ =	sdelay $0x3  }
0x36: {  	p1 =	seq.s32 s10, $0x1;
	s10 =	sld [smem:$0x3FB0];
	_ =	sdelay $0x3  }
0x37: {  	[smem:$0x3FB0] =	sst s10  }
0x38: {  	s10 =	sld [smem:$0x3FB1]  }
0x39: {  	_ = 	snop;
	(pc) =	sbr.ind lr, $3  }
0x3a: {  	_ = 	snop  }
0x3b: {  	_ = 	snop  }
0x3c: {  	p2 =	seq.s32 s10, $0x1;
	s10 =	sld [smem:$0x3FB0]  }
0x3d: {  	_ =	shalt  }
0x3e: {  	_ =	shalt  }
0x3f: {  	_ =	shalt  }
0x40: {  	_ =	shalt  }
0x41: {  	_ =	shalt  }
0x42: {  	_ =	shalt  }
0x43: {  	_ =	shalt  }
0x44: {  	_ =	shalt  }
0x45: {  	_ =	shalt  }
0x46: {  	_ =	shalt  }
0x47: {  	_ =	shalt  }
0x48: {  	_ =	shalt  }
0x49: {  	_ =	shalt  }
0x4a: {  	_ =	shalt  }
0x4b: {  	_ =	shalt  }
0x4c: {  	_ =	shalt  }
0x4d: {  	_ =	shalt  }
0x4e: {  	_ =	shalt  }
0x4f: {  	_ =	shalt  }
0x50: {  	_ =	shalt  }
0x51: {  	_ =	shalt  }
0x52: {  	_ =	shalt  }
0x53: {  	_ =	shalt  }
0x54: {  	_ =	shalt  }
0x55: {  	_ =	shalt  }
0x56: {  	_ =	shalt  }
0x57: {  	_ =	shalt  }
0x58: {  	_ =	shalt  }
0x59: {  	_ =	shalt  }
0x5a: {  	_ =	shalt  }
0x5b: {  	_ =	shalt  }
0x5c: {  	_ =	shalt  }
0x5d: {  	_ =	shalt  }
0x5e: {  	_ =	shalt  }
0x5f: {  	_ =	shalt  }
0x60: {  	_ =	shalt  }
0x61: {  	_ =	shalt  }
0x62: {  	_ =	shalt  }
0x63: {  	_ =	shalt  }
0x64: {  	_ =	shalt  }
0x65: {  	_ =	shalt  }
0x66: {  	_ =	shalt  }
0x67: {  	_ =	shalt  }
0x68: {  	_ =	shalt  }
0x69: {  	_ =	shalt  }
0x6a: {  	_ =	shalt  }
0x6b: {  	_ =	shalt  }
0x6c: {  	_ =	shalt  }
0x6d: {  	_ =	shalt  }
0x6e: {  	_ =	shalt  }
0x6f: {  	_ =	shalt  }
0x70: {  	_ =	shalt  }
0x71: {  	_ =	shalt  }
0x72: {  	_ =	shalt  }
0x73: {  	_ =	shalt  }
0x74: {  	_ =	shalt  }
0x75: {  	_ =	shalt  }
0x76: {  	_ =	shalt  }
0x77: {  	_ =	shalt  }
0x78: {  	_ =	shalt  }
0x79: {  	_ =	shalt  }
0x7a: {  	_ =	shalt  }
0x7b: {  	_ =	shalt  }
0x7c: {  	_ =	shalt  }
0x7d: {  	_ =	shalt  }
0x7e: {  	_ =	shalt  }
0x7f: {  	_ =	shalt  }
0x80: {  	_ =	shalt  }
0x81: {  	_ =	shalt  }
0x82: {  	_ =	shalt  }
0x83: {  	_ =	shalt  }
0x84: {  	_ =	shalt  }
0x85: {  	_ =	shalt  }
0x86: {  	_ =	shalt  }
0x87: {  	_ =	shalt  }
.Lfunc_end0:
.L_simem_size_0:
called_computation.3_lowered:
.L_overlay_start_0:
0x88: {  	s2 =	sld [smem:$0x3FD9]  }
0x89: {  	s3 =	sld [smem:$0x3FFE];
	_ =	sdelay $0x1  }
0x8a: {  	s1 =	srdreg.scid  }
0x8b: {  	s0 =	sand.u32 $0x1, s1  }
0x8c: {  	s16 =	sshll.u32 s0, $0xA;
	s2 =	sadd.s32 s3, s2  }
0x8d: {  	s2 =	sadd.s32 s2, s16  }
0x8e: {  	[smem:$0x3FBC] =	sst s2  }
0x8f: {  	_ = 	snop  }
0x90: {  	(tm) =	ssettm $0x1  }
0x91: {  	s17 =	sld [smem:$0x3FFB];
	_ =	sdelay $0x3  }
0x92: {  	_ =	strace s17  }
0x93: {  	s2 =	sld [smem:$0x3FFC];
	_ =	sdelay $0x3  }
0x94: {  	_ =	strace s2  }
0x95: {  	s2 =	sld [smem:$0x3FFD];
	_ =	sdelay $0x3  }
0x96: {  	_ =	strace s2  }
0x97: {  	_ =	strace $0x8FFFFFFF  }
0x98: {  	s18 =	sld [smem:$0x3FDB];
	_ =	sdelay $0x1  }
0x99: {  	s19 =	simm.s32 $_scs_section_size  }
0x9a: {  	s4 =	simm.s32 $_size__tile_overlayer_lowered;
	s5 =	simm.s32 $_tile_overlayer_lowered  }
0x9b: {  	s22 =	simm.s32 $0x1BFF;
	s21 =	sshll.u32 s5, $0x1;
	s2 =	sadd.s32 s19, s18  }
0x9c: {  	s6 =	simm.s32 $0x0;
	s20 =	sshll.u32 s4, $0x1;
	s4 =	sadd.s32 s21, s2  }
0x9d: {  	[timem:s6], [sflag:s22] =	dma.local [hbm:s4], s20  }
0x9e: {  	_ =	swait.ge [sflag:s22], s20  }
0x9f: {  	s3 =	ssub.s32 $0x0, s20;
	[sflag:s22] =	ssyncset.done $0x0  }
0xa0: {  	[sflag:s22] =	ssyncadd.s32 s3;
	_ =	sdelay $0x1  }
0xa1: {  	s23 =	simm.s32 $0x1B8B  }
0xa2: {  	_ =	swait.ge [sflag:s23], $0x1  }
0xa3: {  	[sflag:s23] =	ssyncset.done $0x0  }
0xa4: {  	s25 =	simm.s32 $0x1B8E;
	s24 =	sld [smem:$0x3FFE];
	[sflag:s23] =	ssyncadd.s32 $0xFFFFFFFF  }
0xa5: {  	s26 =	simm.s32 $execute0_lowered;
	[smem:$0x3FD2] =	sst s25  }
0xa6: {  	s4 =	sshll.u32 s26, $0x1;
	_ =	strace $0x8000004F;
	[dreg:$0x1] =	wrdreg $0xFFFFFFFF  }
0xa7: {  	s28 =	simm.s32 $_size_execute0_lowered;
	s2 =	sadd.s32 s2, s4;
	[dreg:$0x0] =	wrdreg $0x0  }
0xa8: {  	s4 =	sshll.u32 s28, $0x1;
	[dreg:$0x2] =	wrdreg s2  }
0xa9: {  	[dreg:$0x3] =	wrdreg s4  }
0xaa: {  	[dreg:$0x4] =	wrdreg $0xC0  }
0xab: {  	_ =	task [dreg:s6], $0x5FFFF  }
0xac: {  	[dreg:$0x1] =	wrdreg $0xFFFFFFFF  }
0xad: {  	[dreg:$0x0] =	wrdreg $0x60  }
0xae: {  	[dreg:$0x2] =	wrdreg s24  }
0xaf: {  	[dreg:$0x3] =	wrdreg $0x1BE400  }
0xb0: {  	[dreg:$0x4] =	wrdreg $0x9  }
0xb1: {  	_ =	task.clear_ibuf [dreg:s6], $0x5FFFF;
	_ =	strace $0x9000004F  }
0xb2: {  	s29 =	simm.s32 $0x9;
	_ =	strace $0x80000051  }
0xb3: {  	_ =	swait.ge [sflag:s29], $0x1  }
0xb4: {  	[sflag:s29] =	ssyncadd.s32 $0xFFFFFFFF  }
0xb5: {  	_ =	strace $0x90000051  }
0xb6: {  	_ =	sfence  }
0xb7: {  	s30 =	sld [smem:$0x0];
	_ =	sdelay $0x2  }
0xb8: {  	s31 =	sshll.u32 s1, $0xD;
	s1 =	sshrl.u32 s1, $0x2  }
0xb9: {  	s3 =	sand.u32 $0x4000, s31;
	s1 =	sadd.s32 s1, s30  }
0xba: {  	s0 =	sor.u32 s3, s0;
	s1 =	sshll.u32 s1, $0x11  }
0xbb: {  	s0 =	sor.u32 s1, s0  }
0xbc: {  	s0 =	sadd.s32 $0x8F2B, s0  }
0xbd: {  	[sflag:s0] =	ssyncadd.remote.s32 $0x1  }
0xbe: {  	_ =	sfence.sel $0xFFFF  }
0xbf: {  	[dreg:$0x0] =	wrdreg $0xFFFFFFFF;
	(pc) =	sbr.abs _section_cstart, $3  }
0xc0: {  	[dreg:$0x1] =	wrdreg $0xFFFFFFFF  }
0xc1: {  	_ =	task.clear_ibuf [dreg:s6], $0x2FFFF;
	_ =	strace $0x9FFFFFFF  }
0xc2: {  	(tm) =	ssettm $0x7FFFFFFF  }
0xc3: {  	_ =	shalt  }
tec
execute0_lowered:
.L_overlay_start_1:
0x0: {  	(tag) =	ssettag $0x1  }
0x1: {  	s0 =	srdreg.scid;
	s1 =	rddreg [dreg:$0x0]  }
0x2: {  	s2 =	rddreg [dreg:$0x1];
	s8 =	stileid.u32;
	s3 =	simm.s32 $0x0  }
0x3: {  	s10 =	simm.s32 $0x19640;
	s11 =	simm.s32 $0x3;
	s12 =	simm.s32 $0x1  }
0x4: {  	s13 =	simm.s32 $0x7D0;
	s14 =	simm.s32 $0x9C40;
	s15 =	simm.s32 $0x11940  }
0x5: {  	s16 =	simm.s32 $0x2;
	s22 =	simm.s32 $0x6590;
	s23 =	simm.s32 $0x2710  }
0x6: {  	s25 =	simm.s32 $0x6D60;
	s26 =	simm.s32 $0x2EE0;
	s28 =	simm.s32 $0x7530  }
0x7: {  	s29 =	simm.s32 $0x36B0;
	s30 =	simm.s32 $0x7D00;
	s31 =	simm.s32 $0x3E80  }
0x8: {  	s18 =	simm.s32 $0x9470;
	s19 =	simm.s32 $0x0;
	s0 =	sand.u32 $0x1, s0  }
0x9: {  	[smem:$0x7FF] =	sst s3;
	s4 =	sshll.u32 s0, $0x4;
	s6 =	smul.u32 $0x5000, s0  }
0xa: {  	s0 =	ssub.s32 $0x2, s0;
	s4 =	sor.u32 s8, s4;
	s8 =	smul.u32 $0x2800, s8  }
0xb: {  	_ =	strace $0x80000050;
	s7 =	sshrl.u32 s0, $0x1;
	s5 =	smul.u32 $0x9C4, s4  }
0xc: {  	s4 =	sadd.s32 $0x2A200, s1;
	s0 =	ssub.s32 s0, s7;
	s7 =	sadd.s32 s8, s2  }
0xd: {  	s17 =	sshrl.u32 s8, $0x3;
	s8 =	smax.u32 s0, $0x1;
	s9 =	sadd.s32 s5, s1  }
0xe: {  	s0 =	simm.s32 $0x84D0;
	s1 =	sadd.s32 s6, s1;
	s5 =	sadd.s32 $0x2E00, s9  }
0xf: {  	s6 =	sadd.s32 $0x16800, s9;
	s1 =	sadd.s32 $0x2F200, s1;
	s9 =	simm.s32 $0x4E20  }
0x10: {  	v0 =	vimm.f32 $0.0e+00;
	s24 =	sadd.s32 s17, s1;
	s1 =	simm.s32 $0x4650;
	s17 =	simm.s32 $0x8CA0  }
.LBB2_1:
0x11: {  	[tilespmem:s3], [sflag:$0x1] =	stream.linear.gather [hbm4b:s5+s3], $0x4E20, $0x38;
	[tilespmem:$0x1E640] =	vst v63  }
0x12: {  	s20 =	simm.s32 $0x40;
	s21 =	simm.s32 $0x0  }
0x13: {  	[tilespmem:s9], [sflag:$0x1] =	stream.linear.gather [hbm4b:s6+s3], $0x4E20, $0x38;
	[tilespmem:$0x1E640] =	vst v63  }
.LBB2_2:
0x14: {  	p0 =	sne.s32 s20, $0x9FC0;
	[tilespmem:s21+$0x19640] =	vst v0;
	s21 =	smov.u32 s20;
	s20 =	sadd.s32 $0x40, s20  }
.Ltmp0:
0x15: {  	(pc) =	sbr.rel @p0 .LBB2_2-.Ltmp0, $2  }
0x16: {  	_ =	sdelay $0x2  }
0x17: {  	s21 =	sshra.s32 s21, $0x2  }
0x18: {  	[tilespmem:s21+$0x19640] =	vst v0  }
0x19: {  	[spmem:s7] =	stream.linear.scatter [tilespmem:s10], [sflag:$0x3], $0x2800, $0x38;
	[tilespmem:$0x1E640] =	vst v63  }
0x1a: {  	_ =	swait.ge [sflag:s11], $0x2800  }
0x1b: {  	[sflag:s11] =	ssyncset.done $0x0  }
0x1c: {  	[sflag:s11] =	ssyncadd.s32 $0xFFFFD800  }
0x1d: {  	_ =	swait.ge [sflag:s12], $0x4E20  }
0x1e: {  	[sflag:s12] =	ssyncset.done $0x0  }
0x1f: {  	[sflag:s12] =	ssyncadd.s32 $0xFFFFB1E0  }
0x20: {  	_ =	swait.ge [sflag:s12], $0x4E20  }
0x21: {  	[sflag:s12] =	ssyncset.done $0x0  }
0x22: {  	[sflag:s12] =	ssyncadd.s32 $0xFFFFB1E0  }
0x23: {  	[bflag:$0x0] =	sbarrier.arrive $0xFFFF  }
0x24: {  	[tilespmem:s14], [sflag:$0x1] =	stream.indirect.gather [hbm4b:s4+s13], $0x10, s3, s13, $0xb8;
	[tilespmem:$0x1E640] =	vst v63  }
0x25: {  	_ = 	snop  }
0x26: {  	[tilespmem:s15], [sflag:$0x1] =	stream.indirect.gather [hbm4b:s4+s13], $0x10, s13, s13, $0xb8;
	[tilespmem:$0x1E640] =	vst v63  }
0x27: {  	_ =	swait.ge [sflag:s12], $0x7D00  }
0x28: {  	[sflag:s12] =	ssyncset.done $0x0  }
0x29: {  	[sflag:s12] =	ssyncadd.s32 $0xFFFF8300  }
0x2a: {  	[spmem:s2] =	stream.indirect.scatter.add.f32 [tilespmem:s14], [sflag:$0x2], $0x10, s9, s13, $0xb8;
	[tilespmem:$0x1E640] =	vst v63  }
0x2b: {  	_ =	swait.ge [sflag:s16], $0x7D00  }
0x2c: {  	[sflag:s16] =	ssyncset.done $0x0  }
0x2d: {  	s20 =	simm.s32 $0xFA0;
	[sflag:s16] =	ssyncadd.s32 $0xFFFF8300  }
0x2e: {  	[tilespmem:s14], [sflag:$0x1] =	stream.indirect.gather [hbm4b:s4+s13], $0x10, s20, s13, $0xb8;
	[tilespmem:$0x1E640] =	vst v63  }
0x2f: {  	_ =	swait.ge [sflag:s12], $0x7D00  }
0x30: {  	[sflag:s12] =	ssyncset.done $0x0  }
0x31: {  	s21 =	simm.s32 $0x55F0;
	[sflag:s12] =	ssyncadd.s32 $0xFFFF8300  }
0x32: {  	[spmem:s2] =	stream.indirect.scatter.add.f32 [tilespmem:s15], [sflag:$0x2], $0x10, s21, s13, $0xb8;
	[tilespmem:$0x1E640] =	vst v63  }
0x33: {  	_ =	swait.ge [sflag:s16], $0x7D00  }
0x34: {  	[sflag:s16] =	ssyncset.done $0x0  }
0x35: {  	s21 =	simm.s32 $0x1770;
	[sflag:s16] =	ssyncadd.s32 $0xFFFF8300  }
0x36: {  	[tilespmem:s15], [sflag:$0x1] =	stream.indirect.gather [hbm4b:s4+s13], $0x10, s21, s13, $0xb8;
	[tilespmem:$0x1E640] =	vst v63  }
0x37: {  	_ =	swait.ge [sflag:s12], $0x7D00  }
0x38: {  	[sflag:s12] =	ssyncset.done $0x0  }
0x39: {  	s21 =	simm.s32 $0x5DC0;
	[sflag:s12] =	ssyncadd.s32 $0xFFFF8300  }
0x3a: {  	[spmem:s2] =	stream.indirect.scatter.add.f32 [tilespmem:s14], [sflag:$0x2], $0x10, s21, s13, $0xb8;
	[tilespmem:$0x1E640] =	vst v63  }
0x3b: {  	_ =	swait.ge [sflag:s16], $0x7D00  }
0x3c: {  	[sflag:s16] =	ssyncset.done $0x0  }
0x3d: {  	s21 =	simm.s32 $0x1F40;
	[sflag:s16] =	ssyncadd.s32 $0xFFFF8300  }
0x3e: {  	[tilespmem:s14], [sflag:$0x1] =	stream.indirect.gather [hbm4b:s4+s13], $0x10, s21, s13, $0xb8;
	[tilespmem:$0x1E640] =	vst v63  }
0x3f: {  	_ =	swait.ge [sflag:s12], $0x7D00  }
0x40: {  	[sflag:s12] =	ssyncset.done $0x0  }
0x41: {  	[sflag:s12] =	ssyncadd.s32 $0xFFFF8300  }
0x42: {  	[spmem:s2] =	stream.indirect.scatter.add.f32 [tilespmem:s15], [sflag:$0x2], $0x10, s22, s13, $0xb8;
	[tilespmem:$0x1E640] =	vst v63  }
0x43: {  	_ =	swait.ge [sflag:s16], $0x7D00  }
0x44: {  	[sflag:s16] =	ssyncset.done $0x0  }
0x45: {  	[sflag:s16] =	ssyncadd.s32 $0xFFFF8300  }
0x46: {  	[tilespmem:s15], [sflag:$0x1] =	stream.indirect.gather [hbm4b:s4+s13], $0x10, s23, s13, $0xb8;
	[tilespmem:$0x1E640] =	vst v63  }
0x47: {  	_ =	swait.ge [sflag:s12], $0x7D00  }
0x48: {  	[sflag:s12] =	ssyncset.done $0x0  }
0x49: {  	[sflag:s12] =	ssyncadd.s32 $0xFFFF8300  }
0x4a: {  	[spmem:s2] =	stream.indirect.scatter.add.f32 [tilespmem:s14], [sflag:$0x2], $0x10, s25, s13, $0xb8;
	[tilespmem:$0x1E640] =	vst v63  }
0x4b: {  	_ =	swait.ge [sflag:s16], $0x7D00  }
0x4c: {  	[sflag:s16] =	ssyncset.done $0x0  }
0x4d: {  	[sflag:s16] =	ssyncadd.s32 $0xFFFF8300  }
0x4e: {  	[tilespmem:s14], [sflag:$0x1] =	stream.indirect.gather [hbm4b:s4+s13], $0x10, s26, s13, $0xb8;
	[tilespmem:$0x1E640] =	vst v63  }
0x4f: {  	_ =	swait.ge [sflag:s12], $0x7D00  }
0x50: {  	[sflag:s12] =	ssyncset.done $0x0  }
0x51: {  	[sflag:s12] =	ssyncadd.s32 $0xFFFF8300  }
0x52: {  	[spmem:s2] =	stream.indirect.scatter.add.f32 [tilespmem:s15], [sflag:$0x2], $0x10, s28, s13, $0xb8;
	[tilespmem:$0x1E640] =	vst v63  }
0x53: {  	_ =	swait.ge [sflag:s16], $0x7D00  }
0x54: {  	[sflag:s16] =	ssyncset.done $0x0  }
0x55: {  	[sflag:s16] =	ssyncadd.s32 $0xFFFF8300  }
0x56: {  	[tilespmem:s15], [sflag:$0x1] =	stream.indirect.gather [hbm4b:s4+s13], $0x10, s29, s13, $0xb8;
	[tilespmem:$0x1E640] =	vst v63  }
0x57: {  	_ =	swait.ge [sflag:s12], $0x7D00  }
0x58: {  	[sflag:s12] =	ssyncset.done $0x0  }
0x59: {  	[sflag:s12] =	ssyncadd.s32 $0xFFFF8300  }
0x5a: {  	[spmem:s2] =	stream.indirect.scatter.add.f32 [tilespmem:s14], [sflag:$0x2], $0x10, s30, s13, $0xb8;
	[tilespmem:$0x1E640] =	vst v63  }
0x5b: {  	_ =	swait.ge [sflag:s16], $0x7D00  }
0x5c: {  	[sflag:s16] =	ssyncset.done $0x0  }
0x5d: {  	[sflag:s16] =	ssyncadd.s32 $0xFFFF8300  }
0x5e: {  	[tilespmem:s14], [sflag:$0x1] =	stream.indirect.gather [hbm4b:s4+s13], $0x10, s31, s13, $0xb8;
	[tilespmem:$0x1E640] =	vst v63  }
0x5f: {  	_ =	swait.ge [sflag:s12], $0x7D00  }
0x60: {  	[sflag:s12] =	ssyncset.done $0x0  }
0x61: {  	[sflag:s12] =	ssyncadd.s32 $0xFFFF8300  }
0x62: {  	[spmem:s2] =	stream.indirect.scatter.add.f32 [tilespmem:s15], [sflag:$0x2], $0x10, s0, s13, $0xb8;
	[tilespmem:$0x1E640] =	vst v63  }
0x63: {  	_ =	swait.ge [sflag:s16], $0x7D00  }
0x64: {  	[sflag:s16] =	ssyncset.done $0x0  }
0x65: {  	[sflag:s16] =	ssyncadd.s32 $0xFFFF8300  }
0x66: {  	[tilespmem:s15], [sflag:$0x1] =	stream.indirect.gather [hbm4b:s4+s13], $0x10, s1, s13, $0xb8;
	[tilespmem:$0x1E640] =	vst v63  }
0x67: {  	_ =	swait.ge [sflag:s12], $0x7D00  }
0x68: {  	[sflag:s12] =	ssyncset.done $0x0  }
0x69: {  	[sflag:s12] =	ssyncadd.s32 $0xFFFF8300  }
0x6a: {  	[spmem:s2] =	stream.indirect.scatter.add.f32 [tilespmem:s14], [sflag:$0x2], $0x10, s17, s13, $0xb8;
	[tilespmem:$0x1E640] =	vst v63  }
0x6b: {  	_ =	swait.ge [sflag:s16], $0x7D00  }
0x6c: {  	[sflag:s16] =	ssyncset.done $0x0  }
0x6d: {  	[sflag:s16] =	ssyncadd.s32 $0xFFFF8300  }
0x6e: {  	_ =	swait.ge [sflag:s12], $0x7D00  }
0x6f: {  	[sflag:s12] =	ssyncset.done $0x0  }
0x70: {  	[sflag:s12] =	ssyncadd.s32 $0xFFFF8300  }
0x71: {  	[spmem:s2] =	stream.indirect.scatter.add.f32 [tilespmem:s15], [sflag:$0x2], $0x10, s18, s13, $0xb8;
	[tilespmem:$0x1E640] =	vst v63  }
0x72: {  	_ =	swait.ge [sflag:s16], $0x7D00  }
0x73: {  	[sflag:s16] =	ssyncset.done $0x0  }
0x74: {  	[sflag:s16] =	ssyncadd.s32 $0xFFFF8300  }
0x75: {  	[bflag:$0x0] =	sbarrier.arrive $0xFFFF  }
0x76: {  	[tilespmem:s10], [sflag:$0x3] =	stream.linear.gather [spmem:s7], $0x2800, $0x38;
	[tilespmem:$0x1E640] =	vst v63  }
0x77: {  	s19 =	sadd.s32 $0x1, s19;
	_ =	swait.ge [sflag:s11], $0x2800  }
0x78: {  	p0 =	sne.s32 s19, s8;
	[sflag:s11] =	ssyncset.done $0x0  }
.Ltmp1:
0x79: {  	[sflag:s11] =	ssyncadd.s32 $0xFFFFD800;
	(pc) =	sbr.rel @p0 .LBB2_1-.Ltmp1, $4  }
0x7a: {  	[hbm4b:s24+s3] =	stream.linear.scatter [tilespmem:s10], [sflag:$0x3], $0x2800, $0x38;
	[tilespmem:$0x1E640] =	vst v63  }
0x7b: {  	_ =	swait.ge [sflag:s11], $0x2800  }
0x7c: {  	[sflag:s11] =	ssyncset.done $0x0  }
0x7d: {  	[sflag:s11] =	ssyncadd.s32 $0xFFFFD800  }
0x7e: {  	_ =	sfence.sel $0x180000  }
0x7f: {  	[bflag:$0x0] =	sbarrier.arrive $0xFFFF  }
0x80: {  	_ =	strace $0x90000050  }
0x81: {  	s0 =	stileid.u32;
	[bflag:$0x2] =	sbarrier.arrive $0xFFFF  }
0x82: {  	p0 =	sne.s32 s0, $0x0;
	s0 =	rddreg [dreg:$0x2]  }
0x83: {  	s0 =	sadd.s32 @!p0 $0x100000, s0  }
0x84: {  	[sflag:s0] =	ssyncadd.tile.s32 @!p0 $0x1;
	_ =	shalt  }
.Lfunc_end2:
_tile_overlayer_lowered:
.L_overlay_start_2:
0x85: {  	(tag) =	ssettag $0x2  }
0x86: {  	s0 =	rddreg [dreg:$0x0];
	s2 =	stileid.u32  }
0x87: {  	s1 =	rddreg [dreg:$0x1];
	p0 =	sne.s32 s2, $0x0  }
0x88: {  	s3 =	rddreg [dreg:$0x2];
	[bflag:$0x3] =	sbarrier.arrive $0xFFFF;
	s2 =	simm.s32 @!p0 $0x1C03  }
0x89: {  	[timem:s3], [sflag:s2] =	dma.local @!p0 [hbm:s0], s1  }
0x8a: {  	s0 =	simm.s32 @!p0 $0x3  }
0x8b: {  	_ =	swait.ge @!p0 [sflag:s0], s1  }
0x8c: {  	s1 =	ssub.s32 @!p0 $0x0, s1;
	[sflag:s0] =	ssyncset.done @!p0 $0x0  }
0x8d: {  	[sflag:s0] =	ssyncadd.s32 @!p0 s1  }
0x8e: {  	[bflag:$0x3] =	sbarrier.arrive $0xFFFF  }
0x8f: {  	_ =	shalt  }

// kernel: kernel.24.cloned.1.call-start
scs
__scs_entry_jumppad:
0x0: {  	(pc) =	sbr.rel $0x88, $3  }
0x1: {  	(tag) =	ssettag $0x0;
	lr =	simm.s32 $0x1  }
0x2: {  	[smem:$0x3F95] =	sst lr;
	_ =	strace $0xD0000000  }
0x3: {  	_ = 	snop  }
0x4: {  	_ = 	snop  }
0x5: {  	_ = 	snop  }
0x6: {  	_ = 	snop  }
0x7: {  	_ = 	snop  }
__scs_overlays_trampoline_lowered:
0x8: {  	[smem:$0x3FA4] =	sst s0  }
0x9: {  	[smem:$0x3FA5] =	sst s1  }
0xa: {  	[smem:$0x3FA6] =	sst s2  }
0xb: {  	[smem:$0x3FA7] =	sst s3  }
0xc: {  	[smem:$0x3FA8] =	sst s4  }
0xd: {  	[smem:$0x3FA9] =	sst s5  }
0xe: {  	[smem:$0x3FAA] =	sst s6  }
0xf: {  	[smem:$0x3FAB] =	sst s7  }
0x10: {  	[smem:$0x3FAC] =	sst s8  }
0x11: {  	[smem:$0x3FAD] =	sst s9;
	s0 =	simm.s32 @!p0 $0x0  }
0x12: {  	s1 =	sld [smem:$0x3F93];
	s0 =	simm.s32 @p0 $0x1  }
0x13: {  	[smem:$0x3FAE] =	sst s0;
	s0 =	simm.s32 @!p1 $0x0  }
0x14: {  	s2 =	sld [smem:$0x3F92];
	s0 =	simm.s32 @p1 $0x1  }
0x15: {  	[smem:$0x3FAF] =	sst s0;
	s0 =	simm.s32 @!p2 $0x0  }
0x16: {  	s3 =	sld [smem:$0x3FDB];
	s0 =	simm.s32 @p2 $0x1  }
0x17: {  	s4 =	simm.s32 $0x1BF5;
	[smem:$0x3FB1] =	sst s0  }
0x18: {  	s0 =	sld [smem:$0x3F94];
	_ =	swait.ge [sflag:s4], $0x0  }
0x19: {  	s7 =	sld [smem:$0x3F95]  }
0x1a: {  	s8 =	sadd.s32 $0xFFFFE003, lr  }
0x1b: {  	s9 =	sadd.s32 $0xFFFFFEF7, lr;
	s5 =	simm.s32 $0xFFFFFFFF;
	p2 =	slt.u32 s8, $0xFFFFF086  }
0x1c: {  	p1 =	slt.u32 s9, $0xF7A;
	s5 =	simm.s32 @!p2 $0x0  }
0x1d: {  	s5 =	simm.s32 @p1 $0x1;
	p0 =	seq.s32 s7, s2  }
0x1e: {  	s7 =	smul.u32 @!p0 $0xF7A, s2;
	p2 =	seq.s32 @!p0 s5, $0x0  }
0x1f: {  	s9 =	smul.u32 $0xF7A, s1;
	s8 =	simm.s32 @!p0 $0x1BF5;
	p2 =	por !p2, p0  }
0x20: {  	[sflag:s8] =	ssyncset.s32 @!p0 $0xFFFFF086;
	s6 =	sadd.s32 @!p0 s3, s7;
	s7 =	simm.s32 @!p0 $0x108  }
0x21: {  	s3 =	sadd.s32 s3, s9;
	s6 =	sadd.s32 @!p0 $0x88, s6;
	s7 =	simm.s32 @p2 $0x1082  }
0x22: {  	[simem:s7], [sflag:s8] =	dma.local @!p0 [hbm:s6], $0xF7A  }
0x23: {  	s9 =	sor.u32 $0xD0000000, s2;
	s6 =	simm.s32 $0x108;
	_ =	swait.ge @!p0 [sflag:s8], $0x0  }
0x24: {  	s3 =	sadd.s32 $0x88, s3;
	s6 =	simm.s32 @!p1 $0x1082;
	[sflag:s4] =	ssyncset.s32 $0xFFFFF086  }
0x25: {  	[simem:s6], [sflag:s4] =	dma.local [hbm:s3], $0xF7A  }
0x26: {  	[smem:$0x3F95] =	sst s1;
	(tag) =	ssettag s2;
	_ =	strace s9  }
0x27: {  	s1 =	sld [smem:$0x3FA5]  }
0x28: {  	s2 =	sld [smem:$0x3FA6]  }
0x29: {  	s4 =	sld [smem:$0x3FA8]  }
0x2a: {  	p0 =	seq.s32 s5, $0x0;
	s5 =	sld [smem:$0x3FA9]  }
0x2b: {  	s6 =	sld [smem:$0x3FAA]  }
0x2c: {  	s7 =	sld [smem:$0x3FAB]  }
0x2d: {  	s3 =	simm.s32 $0x108;
	s8 =	sld [smem:$0x3FAC]  }
0x2e: {  	s3 =	simm.s32 @!p0 $0x1082;
	s9 =	sld [smem:$0x3FAD]  }
0x2f: {  	lr =	sadd.s32 s0, s3;
	s0 =	sld [smem:$0x3FA4]  }
0x30: {  	s3 =	sld [smem:$0x3FA7]  }
0x31: {  	[smem:$0x3FB0] =	sst s10  }
0x32: {  	s10 =	sld [smem:$0x3FAE];
	_ =	sdelay $0x3  }
0x33: {  	p0 =	seq.s32 s10, $0x1;
	s10 =	sld [smem:$0x3FB0];
	_ =	sdelay $0x3  }
0x34: {  	[smem:$0x3FB0] =	sst s10  }
0x35: {  	s10 =	sld [smem:$0x3FAF];
	_ =	sdelay $0x3  }
0x36: {  	p1 =	seq.s32 s10, $0x1;
	s10 =	sld [smem:$0x3FB0];
	_ =	sdelay $0x3  }
0x37: {  	[smem:$0x3FB0] =	sst s10  }
0x38: {  	s10 =	sld [smem:$0x3FB1]  }
0x39: {  	_ = 	snop;
	(pc) =	sbr.ind lr, $3  }
0x3a: {  	_ = 	snop  }
0x3b: {  	_ = 	snop  }
0x3c: {  	p2 =	seq.s32 s10, $0x1;
	s10 =	sld [smem:$0x3FB0]  }
0x3d: {  	_ =	shalt  }
0x3e: {  	_ =	shalt  }
0x3f: {  	_ =	shalt  }
0x40: {  	_ =	shalt  }
0x41: {  	_ =	shalt  }
0x42: {  	_ =	shalt  }
0x43: {  	_ =	shalt  }
0x44: {  	_ =	shalt  }
0x45: {  	_ =	shalt  }
0x46: {  	_ =	shalt  }
0x47: {  	_ =	shalt  }
0x48: {  	_ =	shalt  }
0x49: {  	_ =	shalt  }
0x4a: {  	_ =	shalt  }
0x4b: {  	_ =	shalt  }
0x4c: {  	_ =	shalt  }
0x4d: {  	_ =	shalt  }
0x4e: {  	_ =	shalt  }
0x4f: {  	_ =	shalt  }
0x50: {  	_ =	shalt  }
0x51: {  	_ =	shalt  }
0x52: {  	_ =	shalt  }
0x53: {  	_ =	shalt  }
0x54: {  	_ =	shalt  }
0x55: {  	_ =	shalt  }
0x56: {  	_ =	shalt  }
0x57: {  	_ =	shalt  }
0x58: {  	_ =	shalt  }
0x59: {  	_ =	shalt  }
0x5a: {  	_ =	shalt  }
0x5b: {  	_ =	shalt  }
0x5c: {  	_ =	shalt  }
0x5d: {  	_ =	shalt  }
0x5e: {  	_ =	shalt  }
0x5f: {  	_ =	shalt  }
0x60: {  	_ =	shalt  }
0x61: {  	_ =	shalt  }
0x62: {  	_ =	shalt  }
0x63: {  	_ =	shalt  }
0x64: {  	_ =	shalt  }
0x65: {  	_ =	shalt  }
0x66: {  	_ =	shalt  }
0x67: {  	_ =	shalt  }
0x68: {  	_ =	shalt  }
0x69: {  	_ =	shalt  }
0x6a: {  	_ =	shalt  }
0x6b: {  	_ =	shalt  }
0x6c: {  	_ =	shalt  }
0x6d: {  	_ =	shalt  }
0x6e: {  	_ =	shalt  }
0x6f: {  	_ =	shalt  }
0x70: {  	_ =	shalt  }
0x71: {  	_ =	shalt  }
0x72: {  	_ =	shalt  }
0x73: {  	_ =	shalt  }
0x74: {  	_ =	shalt  }
0x75: {  	_ =	shalt  }
0x76: {  	_ =	shalt  }
0x77: {  	_ =	shalt  }
0x78: {  	_ =	shalt  }
0x79: {  	_ =	shalt  }
0x7a: {  	_ =	shalt  }
0x7b: {  	_ =	shalt  }
0x7c: {  	_ =	shalt  }
0x7d: {  	_ =	shalt  }
0x7e: {  	_ =	shalt  }
0x7f: {  	_ =	shalt  }
0x80: {  	_ =	shalt  }
0x81: {  	_ =	shalt  }
0x82: {  	_ =	shalt  }
0x83: {  	_ =	shalt  }
0x84: {  	_ =	shalt  }
0x85: {  	_ =	shalt  }
0x86: {  	_ =	shalt  }
0x87: {  	_ =	shalt  }
.Lfunc_end0:
.L_simem_size_0:
called_computation.4_lowered:
.L_overlay_start_0:
0x88: {  	s2 =	sld [smem:$0x3FD9]  }
0x89: {  	s3 =	sld [smem:$0x3FFE];
	_ =	sdelay $0x1  }
0x8a: {  	s1 =	srdreg.scid  }
0x8b: {  	s0 =	sand.u32 $0x1, s1  }
0x8c: {  	s16 =	sshll.u32 s0, $0xA;
	s2 =	sadd.s32 s3, s2  }
0x8d: {  	s2 =	sadd.s32 s2, s16  }
0x8e: {  	[smem:$0x3FBC] =	sst s2  }
0x8f: {  	_ = 	snop  }
0x90: {  	(tm) =	ssettm $0x1  }
0x91: {  	s17 =	sld [smem:$0x3FFB];
	_ =	sdelay $0x3  }
0x92: {  	_ =	strace s17  }
0x93: {  	s2 =	sld [smem:$0x3FFC];
	_ =	sdelay $0x3  }
0x94: {  	_ =	strace s2  }
0x95: {  	s2 =	sld [smem:$0x3FFD];
	_ =	sdelay $0x3  }
0x96: {  	_ =	strace s2  }
0x97: {  	_ =	strace $0x8FFFFFFF  }
0x98: {  	s18 =	sld [smem:$0x3FDB];
	_ =	sdelay $0x1  }
0x99: {  	s19 =	simm.s32 $_scs_section_size  }
0x9a: {  	s4 =	simm.s32 $_size__tile_overlayer_lowered;
	s5 =	simm.s32 $_tile_overlayer_lowered  }
0x9b: {  	s22 =	simm.s32 $0x1BFF;
	s21 =	sshll.u32 s5, $0x1;
	s2 =	sadd.s32 s19, s18  }
0x9c: {  	s6 =	simm.s32 $0x0;
	s20 =	sshll.u32 s4, $0x1;
	s4 =	sadd.s32 s21, s2  }
0x9d: {  	[timem:s6], [sflag:s22] =	dma.local [hbm:s4], s20  }
0x9e: {  	_ =	swait.ge [sflag:s22], s20  }
0x9f: {  	s3 =	ssub.s32 $0x0, s20;
	[sflag:s22] =	ssyncset.done $0x0  }
0xa0: {  	[sflag:s22] =	ssyncadd.s32 s3;
	_ =	sdelay $0x1  }
0xa1: {  	s23 =	simm.s32 $0x1B8B  }
0xa2: {  	_ =	swait.ge [sflag:s23], $0x1  }
0xa3: {  	[sflag:s23] =	ssyncset.done $0x0  }
0xa4: {  	s25 =	simm.s32 $0x1B8E;
	s24 =	sld [smem:$0x3FFE];
	[sflag:s23] =	ssyncadd.s32 $0xFFFFFFFF  }
0xa5: {  	s26 =	simm.s32 $execute0_lowered;
	[smem:$0x3FD2] =	sst s25  }
0xa6: {  	s4 =	sshll.u32 s26, $0x1;
	_ =	strace $0x80000052;
	[dreg:$0x1] =	wrdreg $0xFFFFFFFF  }
0xa7: {  	s28 =	simm.s32 $_size_execute0_lowered;
	s2 =	sadd.s32 s2, s4;
	[dreg:$0x0] =	wrdreg $0x0  }
0xa8: {  	s4 =	sshll.u32 s28, $0x1;
	[dreg:$0x2] =	wrdreg s2  }
0xa9: {  	[dreg:$0x3] =	wrdreg s4  }
0xaa: {  	[dreg:$0x4] =	wrdreg $0xC0  }
0xab: {  	_ =	task [dreg:s6], $0x5FFFF  }
0xac: {  	[dreg:$0x1] =	wrdreg $0xFFFFFFFF  }
0xad: {  	[dreg:$0x0] =	wrdreg $0x60  }
0xae: {  	[dreg:$0x2] =	wrdreg s24  }
0xaf: {  	[dreg:$0x3] =	wrdreg $0x1BE400  }
0xb0: {  	[dreg:$0x4] =	wrdreg $0x9  }
0xb1: {  	_ =	task.clear_ibuf [dreg:s6], $0x5FFFF;
	_ =	strace $0x90000052  }
0xb2: {  	s29 =	simm.s32 $0x9;
	_ =	strace $0x80000054  }
0xb3: {  	_ =	swait.ge [sflag:s29], $0x1  }
0xb4: {  	[sflag:s29] =	ssyncadd.s32 $0xFFFFFFFF  }
0xb5: {  	_ =	strace $0x90000054  }
0xb6: {  	_ =	sfence  }
0xb7: {  	s30 =	sld [smem:$0x0];
	_ =	sdelay $0x2  }
0xb8: {  	s31 =	sshll.u32 s1, $0xD;
	s1 =	sshrl.u32 s1, $0x2  }
0xb9: {  	s3 =	sand.u32 $0x4000, s31;
	s1 =	sadd.s32 s1, s30  }
0xba: {  	s0 =	sor.u32 s3, s0;
	s1 =	sshll.u32 s1, $0x11  }
0xbb: {  	s0 =	sor.u32 s1, s0  }
0xbc: {  	s0 =	sadd.s32 $0x8F2B, s0  }
0xbd: {  	[sflag:s0] =	ssyncadd.remote.s32 $0x1  }
0xbe: {  	_ =	sfence.sel $0xFFFF  }
0xbf: {  	[dreg:$0x0] =	wrdreg $0xFFFFFFFF;
	(pc) =	sbr.abs _section_cstart, $3  }
0xc0: {  	[dreg:$0x1] =	wrdreg $0xFFFFFFFF  }
0xc1: {  	_ =	task.clear_ibuf [dreg:s6], $0x2FFFF;
	_ =	strace $0x9FFFFFFF  }
0xc2: {  	(tm) =	ssettm $0x7FFFFFFF  }
0xc3: {  	_ =	shalt  }
tec
execute0_lowered:
.L_overlay_start_1:
0x0: {  	(tag) =	ssettag $0x1  }
0x1: {  	s0 =	srdreg.scid;
	s1 =	rddreg [dreg:$0x0]  }
0x2: {  	s2 =	rddreg [dreg:$0x1];
	s8 =	stileid.u32;
	s3 =	simm.s32 $0x0  }
0x3: {  	s10 =	simm.s32 $0x19640;
	s11 =	simm.s32 $0x3;
	s12 =	simm.s32 $0x1  }
0x4: {  	s13 =	simm.s32 $0x7D0;
	s14 =	simm.s32 $0x9C40;
	s15 =	simm.s32 $0x11940  }
0x5: {  	s16 =	simm.s32 $0x2;
	s22 =	simm.s32 $0x6590;
	s23 =	simm.s32 $0x2710  }
0x6: {  	s25 =	simm.s32 $0x6D60;
	s26 =	simm.s32 $0x2EE0;
	s28 =	simm.s32 $0x7530  }
0x7: {  	s29 =	simm.s32 $0x36B0;
	s30 =	simm.s32 $0x7D00;
	s31 =	simm.s32 $0x3E80  }
0x8: {  	s18 =	simm.s32 $0x9470;
	s19 =	simm.s32 $0x0;
	s0 =	sand.u32 $0x1, s0  }
0x9: {  	[smem:$0x7FF] =	sst s3;
	s4 =	sshll.u32 s0, $0x4;
	s6 =	smul.u32 $0x5000, s0  }
0xa: {  	s0 =	ssub.s32 $0x2, s0;
	s4 =	sor.u32 s8, s4;
	s8 =	smul.u32 $0x2800, s8  }
0xb: {  	_ =	strace $0x80000053;
	s7 =	sshrl.u32 s0, $0x1;
	s5 =	smul.u32 $0x9C4, s4  }
0xc: {  	s4 =	sadd.s32 $0x2A200, s1;
	s0 =	ssub.s32 s0, s7;
	s7 =	sadd.s32 s8, s2  }
0xd: {  	s17 =	sshrl.u32 s8, $0x3;
	s8 =	smax.u32 s0, $0x1;
	s9 =	sadd.s32 s5, s1  }
0xe: {  	s0 =	simm.s32 $0x84D0;
	s1 =	sadd.s32 s6, s1;
	s5 =	sadd.s32 $0x2E00, s9  }
0xf: {  	s6 =	sadd.s32 $0x16800, s9;
	s1 =	sadd.s32 $0x2F200, s1;
	s9 =	simm.s32 $0x4E20  }
0x10: {  	v0 =	vimm.f32 $0.0e+00;
	s24 =	sadd.s32 s17, s1;
	s1 =	simm.s32 $0x4650;
	s17 =	simm.s32 $0x8CA0  }
.LBB2_1:
0x11: {  	[tilespmem:s3], [sflag:$0x1] =	stream.linear.gather [hbm4b:s5+s3], $0x4E20, $0x38;
	[tilespmem:$0x1E640] =	vst v63  }
0x12: {  	s20 =	simm.s32 $0x40;
	s21 =	simm.s32 $0x0  }
0x13: {  	[tilespmem:s9], [sflag:$0x1] =	stream.linear.gather [hbm4b:s6+s3], $0x4E20, $0x38;
	[tilespmem:$0x1E640] =	vst v63  }
.LBB2_2:
0x14: {  	p0 =	sne.s32 s20, $0x9FC0;
	[tilespmem:s21+$0x19640] =	vst v0;
	s21 =	smov.u32 s20;
	s20 =	sadd.s32 $0x40, s20  }
.Ltmp0:
0x15: {  	(pc) =	sbr.rel @p0 .LBB2_2-.Ltmp0, $2  }
0x16: {  	_ =	sdelay $0x2  }
0x17: {  	s21 =	sshra.s32 s21, $0x2  }
0x18: {  	[tilespmem:s21+$0x19640] =	vst v0  }
0x19: {  	[spmem:s7] =	stream.linear.scatter [tilespmem:s10], [sflag:$0x3], $0x2800, $0x38;
	[tilespmem:$0x1E640] =	vst v63  }
0x1a: {  	_ =	swait.ge [sflag:s11], $0x2800  }
0x1b: {  	[sflag:s11] =	ssyncset.done $0x0  }
0x1c: {  	[sflag:s11] =	ssyncadd.s32 $0xFFFFD800  }
0x1d: {  	_ =	swait.ge [sflag:s12], $0x4E20  }
0x1e: {  	[sflag:s12] =	ssyncset.done $0x0  }
0x1f: {  	[sflag:s12] =	ssyncadd.s32 $0xFFFFB1E0  }
0x20: {  	_ =	swait.ge [sflag:s12], $0x4E20  }
0x21: {  	[sflag:s12] =	ssyncset.done $0x0  }
0x22: {  	[sflag:s12] =	ssyncadd.s32 $0xFFFFB1E0  }
0x23: {  	[bflag:$0x0] =	sbarrier.arrive $0xFFFF  }
0x24: {  	[tilespmem:s14], [sflag:$0x1] =	stream.indirect.gather [hbm4b:s4+s13], $0x10, s3, s13, $0xb8;
	[tilespmem:$0x1E640] =	vst v63  }
0x25: {  	_ = 	snop  }
0x26: {  	[tilespmem:s15], [sflag:$0x1] =	stream.indirect.gather [hbm4b:s4+s13], $0x10, s13, s13, $0xb8;
	[tilespmem:$0x1E640] =	vst v63  }
0x27: {  	_ =	swait.ge [sflag:s12], $0x7D00  }
0x28: {  	[sflag:s12] =	ssyncset.done $0x0  }
0x29: {  	[sflag:s12] =	ssyncadd.s32 $0xFFFF8300  }
0x2a: {  	[spmem:s2] =	stream.indirect.scatter.add.f32 [tilespmem:s14], [sflag:$0x2], $0x10, s9, s13, $0xb8;
	[tilespmem:$0x1E640] =	vst v63  }
0x2b: {  	_ =	swait.ge [sflag:s16], $0x7D00  }
0x2c: {  	[sflag:s16] =	ssyncset.done $0x0  }
0x2d: {  	s20 =	simm.s32 $0xFA0;
	[sflag:s16] =	ssyncadd.s32 $0xFFFF8300  }
0x2e: {  	[tilespmem:s14], [sflag:$0x1] =	stream.indirect.gather [hbm4b:s4+s13], $0x10, s20, s13, $0xb8;
	[tilespmem:$0x1E640] =	vst v63  }
0x2f: {  	_ =	swait.ge [sflag:s12], $0x7D00  }
0x30: {  	[sflag:s12] =	ssyncset.done $0x0  }
0x31: {  	s21 =	simm.s32 $0x55F0;
	[sflag:s12] =	ssyncadd.s32 $0xFFFF8300  }
0x32: {  	[spmem:s2] =	stream.indirect.scatter.add.f32 [tilespmem:s15], [sflag:$0x2], $0x10, s21, s13, $0xb8;
	[tilespmem:$0x1E640] =	vst v63  }
0x33: {  	_ =	swait.ge [sflag:s16], $0x7D00  }
0x34: {  	[sflag:s16] =	ssyncset.done $0x0  }
0x35: {  	s21 =	simm.s32 $0x1770;
	[sflag:s16] =	ssyncadd.s32 $0xFFFF8300  }
0x36: {  	[tilespmem:s15], [sflag:$0x1] =	stream.indirect.gather [hbm4b:s4+s13], $0x10, s21, s13, $0xb8;
	[tilespmem:$0x1E640] =	vst v63  }
0x37: {  	_ =	swait.ge [sflag:s12], $0x7D00  }
0x38: {  	[sflag:s12] =	ssyncset.done $0x0  }
0x39: {  	s21 =	simm.s32 $0x5DC0;
	[sflag:s12] =	ssyncadd.s32 $0xFFFF8300  }
0x3a: {  	[spmem:s2] =	stream.indirect.scatter.add.f32 [tilespmem:s14], [sflag:$0x2], $0x10, s21, s13, $0xb8;
	[tilespmem:$0x1E640] =	vst v63  }
0x3b: {  	_ =	swait.ge [sflag:s16], $0x7D00  }
0x3c: {  	[sflag:s16] =	ssyncset.done $0x0  }
0x3d: {  	s21 =	simm.s32 $0x1F40;
	[sflag:s16] =	ssyncadd.s32 $0xFFFF8300  }
0x3e: {  	[tilespmem:s14], [sflag:$0x1] =	stream.indirect.gather [hbm4b:s4+s13], $0x10, s21, s13, $0xb8;
	[tilespmem:$0x1E640] =	vst v63  }
0x3f: {  	_ =	swait.ge [sflag:s12], $0x7D00  }
0x40: {  	[sflag:s12] =	ssyncset.done $0x0  }
0x41: {  	[sflag:s12] =	ssyncadd.s32 $0xFFFF8300  }
0x42: {  	[spmem:s2] =	stream.indirect.scatter.add.f32 [tilespmem:s15], [sflag:$0x2], $0x10, s22, s13, $0xb8;
	[tilespmem:$0x1E640] =	vst v63  }
0x43: {  	_ =	swait.ge [sflag:s16], $0x7D00  }
0x44: {  	[sflag:s16] =	ssyncset.done $0x0  }
0x45: {  	[sflag:s16] =	ssyncadd.s32 $0xFFFF8300  }
0x46: {  	[tilespmem:s15], [sflag:$0x1] =	stream.indirect.gather [hbm4b:s4+s13], $0x10, s23, s13, $0xb8;
	[tilespmem:$0x1E640] =	vst v63  }
0x47: {  	_ =	swait.ge [sflag:s12], $0x7D00  }
0x48: {  	[sflag:s12] =	ssyncset.done $0x0  }
0x49: {  	[sflag:s12] =	ssyncadd.s32 $0xFFFF8300  }
0x4a: {  	[spmem:s2] =	stream.indirect.scatter.add.f32 [tilespmem:s14], [sflag:$0x2], $0x10, s25, s13, $0xb8;
	[tilespmem:$0x1E640] =	vst v63  }
0x4b: {  	_ =	swait.ge [sflag:s16], $0x7D00  }
0x4c: {  	[sflag:s16] =	ssyncset.done $0x0  }
0x4d: {  	[sflag:s16] =	ssyncadd.s32 $0xFFFF8300  }
0x4e: {  	[tilespmem:s14], [sflag:$0x1] =	stream.indirect.gather [hbm4b:s4+s13], $0x10, s26, s13, $0xb8;
	[tilespmem:$0x1E640] =	vst v63  }
0x4f: {  	_ =	swait.ge [sflag:s12], $0x7D00  }
0x50: {  	[sflag:s12] =	ssyncset.done $0x0  }
0x51: {  	[sflag:s12] =	ssyncadd.s32 $0xFFFF8300  }
0x52: {  	[spmem:s2] =	stream.indirect.scatter.add.f32 [tilespmem:s15], [sflag:$0x2], $0x10, s28, s13, $0xb8;
	[tilespmem:$0x1E640] =	vst v63  }
0x53: {  	_ =	swait.ge [sflag:s16], $0x7D00  }
0x54: {  	[sflag:s16] =	ssyncset.done $0x0  }
0x55: {  	[sflag:s16] =	ssyncadd.s32 $0xFFFF8300  }
0x56: {  	[tilespmem:s15], [sflag:$0x1] =	stream.indirect.gather [hbm4b:s4+s13], $0x10, s29, s13, $0xb8;
	[tilespmem:$0x1E640] =	vst v63  }
0x57: {  	_ =	swait.ge [sflag:s12], $0x7D00  }
0x58: {  	[sflag:s12] =	ssyncset.done $0x0  }
0x59: {  	[sflag:s12] =	ssyncadd.s32 $0xFFFF8300  }
0x5a: {  	[spmem:s2] =	stream.indirect.scatter.add.f32 [tilespmem:s14], [sflag:$0x2], $0x10, s30, s13, $0xb8;
	[tilespmem:$0x1E640] =	vst v63  }
0x5b: {  	_ =	swait.ge [sflag:s16], $0x7D00  }
0x5c: {  	[sflag:s16] =	ssyncset.done $0x0  }
0x5d: {  	[sflag:s16] =	ssyncadd.s32 $0xFFFF8300  }
0x5e: {  	[tilespmem:s14], [sflag:$0x1] =	stream.indirect.gather [hbm4b:s4+s13], $0x10, s31, s13, $0xb8;
	[tilespmem:$0x1E640] =	vst v63  }
0x5f: {  	_ =	swait.ge [sflag:s12], $0x7D00  }
0x60: {  	[sflag:s12] =	ssyncset.done $0x0  }
0x61: {  	[sflag:s12] =	ssyncadd.s32 $0xFFFF8300  }
0x62: {  	[spmem:s2] =	stream.indirect.scatter.add.f32 [tilespmem:s15], [sflag:$0x2], $0x10, s0, s13, $0xb8;
	[tilespmem:$0x1E640] =	vst v63  }
0x63: {  	_ =	swait.ge [sflag:s16], $0x7D00  }
0x64: {  	[sflag:s16] =	ssyncset.done $0x0  }
0x65: {  	[sflag:s16] =	ssyncadd.s32 $0xFFFF8300  }
0x66: {  	[tilespmem:s15], [sflag:$0x1] =	stream.indirect.gather [hbm4b:s4+s13], $0x10, s1, s13, $0xb8;
	[tilespmem:$0x1E640] =	vst v63  }
0x67: {  	_ =	swait.ge [sflag:s12], $0x7D00  }
0x68: {  	[sflag:s12] =	ssyncset.done $0x0  }
0x69: {  	[sflag:s12] =	ssyncadd.s32 $0xFFFF8300  }
0x6a: {  	[spmem:s2] =	stream.indirect.scatter.add.f32 [tilespmem:s14], [sflag:$0x2], $0x10, s17, s13, $0xb8;
	[tilespmem:$0x1E640] =	vst v63  }
0x6b: {  	_ =	swait.ge [sflag:s16], $0x7D00  }
0x6c: {  	[sflag:s16] =	ssyncset.done $0x0  }
0x6d: {  	[sflag:s16] =	ssyncadd.s32 $0xFFFF8300  }
0x6e: {  	_ =	swait.ge [sflag:s12], $0x7D00  }
0x6f: {  	[sflag:s12] =	ssyncset.done $0x0  }
0x70: {  	[sflag:s12] =	ssyncadd.s32 $0xFFFF8300  }
0x71: {  	[spmem:s2] =	stream.indirect.scatter.add.f32 [tilespmem:s15], [sflag:$0x2], $0x10, s18, s13, $0xb8;
	[tilespmem:$0x1E640] =	vst v63  }
0x72: {  	_ =	swait.ge [sflag:s16], $0x7D00  }
0x73: {  	[sflag:s16] =	ssyncset.done $0x0  }
0x74: {  	[sflag:s16] =	ssyncadd.s32 $0xFFFF8300  }
0x75: {  	[bflag:$0x0] =	sbarrier.arrive $0xFFFF  }
0x76: {  	[tilespmem:s10], [sflag:$0x3] =	stream.linear.gather [spmem:s7], $0x2800, $0x38;
	[tilespmem:$0x1E640] =	vst v63  }
0x77: {  	s19 =	sadd.s32 $0x1, s19;
	_ =	swait.ge [sflag:s11], $0x2800  }
0x78: {  	p0 =	sne.s32 s19, s8;
	[sflag:s11] =	ssyncset.done $0x0  }
.Ltmp1:
0x79: {  	[sflag:s11] =	ssyncadd.s32 $0xFFFFD800;
	(pc) =	sbr.rel @p0 .LBB2_1-.Ltmp1, $4  }
0x7a: {  	[hbm4b:s24+s3] =	stream.linear.scatter [tilespmem:s10], [sflag:$0x3], $0x2800, $0x38;
	[tilespmem:$0x1E640] =	vst v63  }
0x7b: {  	_ =	swait.ge [sflag:s11], $0x2800  }
0x7c: {  	[sflag:s11] =	ssyncset.done $0x0  }
0x7d: {  	[sflag:s11] =	ssyncadd.s32 $0xFFFFD800  }
0x7e: {  	_ =	sfence.sel $0x180000  }
0x7f: {  	[bflag:$0x0] =	sbarrier.arrive $0xFFFF  }
0x80: {  	_ =	strace $0x90000053  }
0x81: {  	s0 =	stileid.u32;
	[bflag:$0x2] =	sbarrier.arrive $0xFFFF  }
0x82: {  	p0 =	sne.s32 s0, $0x0;
	s0 =	rddreg [dreg:$0x2]  }
0x83: {  	s0 =	sadd.s32 @!p0 $0x100000, s0  }
0x84: {  	[sflag:s0] =	ssyncadd.tile.s32 @!p0 $0x1;
	_ =	shalt  }
.Lfunc_end2:
_tile_overlayer_lowered:
.L_overlay_start_2:
0x85: {  	(tag) =	ssettag $0x2  }
0x86: {  	s0 =	rddreg [dreg:$0x0];
	s2 =	stileid.u32  }
0x87: {  	s1 =	rddreg [dreg:$0x1];
	p0 =	sne.s32 s2, $0x0  }
0x88: {  	s3 =	rddreg [dreg:$0x2];
	[bflag:$0x3] =	sbarrier.arrive $0xFFFF;
	s2 =	simm.s32 @!p0 $0x1C03  }
0x89: {  	[timem:s3], [sflag:s2] =	dma.local @!p0 [hbm:s0], s1  }
0x8a: {  	s0 =	simm.s32 @!p0 $0x3  }
0x8b: {  	_ =	swait.ge @!p0 [sflag:s0], s1  }
0x8c: {  	s1 =	ssub.s32 @!p0 $0x0, s1;
	[sflag:s0] =	ssyncset.done @!p0 $0x0  }
0x8d: {  	[sflag:s0] =	ssyncadd.s32 @!p0 s1  }
0x8e: {  	[bflag:$0x3] =	sbarrier.arrive $0xFFFF  }
0x8f: {  	_ =	shalt  }

</sc_bundles>
